<compile_context>
chip_gen: v7x
topology: tpu7x:2x2x1
jax: 0.10.2.dev20260603
libtpu: 0.0.44.dev20260713+nightly
codegen_flags: <defaults>
</compile_context>

<pallas_src>
import functools

import numpy as np
import jax
import jax.numpy as jnp
from jax import lax
from jax.experimental import pallas as pl
from jax.experimental.pallas import tpu as pltpu
from jax.experimental.pallas import tpu_sc as plsc

N = 10000
NP = 10240
WR = NP // 8
E = 320000
NC = 2
NS = 16
NW = NC * NS
CHUNK = 128
NBUF = 4
ROWS_PER_TILE = 80
SCHUNK = 256
SROWS = ROWS_PER_TILE * CHUNK // SCHUNK
EP = NW * ROWS_PER_TILE * CHUNK
STRIPE = NP // NS
F = 16

_mesh = plsc.VectorSubcoreMesh(core_axis_name="c", subcore_axis_name="s")
_sc_params = pltpu.CompilerParams(use_tc_tiling_on_sc=False)

_S_np = np.zeros((128, 128), np.float32)
for _j in range(8):
    _S_np[16 * _j, 16 * _j:16 * _j + 16] = 1.0


EPT = E // NW
NPAD = SROWS * SCHUNK - EPT


@functools.partial(
    pl.kernel,
    mesh=_mesh,
    compiler_params=_sc_params,
    out_type=jax.ShapeDtypeStruct((NC * NP * F,), jnp.float32),
    scratch_types=[
        pltpu.VMEM((SROWS * SCHUNK,), jnp.int32),
        pltpu.VMEM((SROWS * SCHUNK,), jnp.int32),
        pltpu.VMEM((SCHUNK,), jnp.float32),
        pltpu.VMEM((NP,), jnp.float32),
        pltpu.VMEM_SHARED((NP * F,), jnp.float32),
    ],
)
def _deg_kernel(ei_hbm, deg_out, dst_v, didx_v, ones_v, rb_v, deg_sh):
    c = lax.axis_index("c")
    s = lax.axis_index("s")
    slab = c * NS + s
    for i in range(SCHUNK // 16):
        ones_v[pl.ds(i * 16, 16)] = jnp.full((16,), 1.0, jnp.float32)

    def zf(i, carry):
        rb_v[pl.ds(i * 16, 16)] = jnp.zeros((16,), jnp.float32)
        return carry

    lax.fori_loop(0, NP // 16, zf, 0)
    pltpu.sync_copy(rb_v, deg_sh.at[pl.ds(s * NP, NP)])
    pltpu.sync_copy(ei_hbm.at[1, slab], dst_v.at[pl.ds(0, EPT)])

    def shl(j, carry):
        for k in range(SCHUNK // 16):
            v = dst_v[pl.ds(j * SCHUNK + 16 * k, 16)]
            didx_v[pl.ds(j * SCHUNK + 16 * k, 16)] = v * F
        return carry

    lax.fori_loop(0, EPT // SCHUNK, shl, 0)
    for k in range(SCHUNK // 16):
        base = (EPT // SCHUNK) * SCHUNK + 16 * k
        if base < EPT:
            v = dst_v[pl.ds(base, 16)]
            didx_v[pl.ds(base, 16)] = v * F
        else:
            didx_v[pl.ds(base, 16)] = jnp.full((16,), N * F, jnp.int32)
    plsc.subcore_barrier()

    def body(j, carry):
        pltpu.sync_copy(ones_v, deg_sh.at[didx_v.at[pl.ds(j * SCHUNK,
                                                          SCHUNK)]],
                        add=True)
        return carry

    lax.fori_loop(0, SROWS, body, 0)
    plsc.subcore_barrier()
    pltpu.sync_copy(deg_sh.at[pl.ds(s * NP, NP)], rb_v)
    pltpu.sync_copy(rb_v, deg_out.at[pl.ds(c * NP * F + s * NP, NP)])


@functools.partial(
    pl.kernel,
    mesh=_mesh,
    compiler_params=_sc_params,
    out_type=jax.ShapeDtypeStruct((NC, NP, F), jnp.float32),
    scratch_types=[
        pltpu.VMEM((SROWS * SCHUNK,), jnp.int32),
        pltpu.VMEM((SROWS * SCHUNK,), jnp.int32),
    ] + [pltpu.VMEM((SCHUNK, F), jnp.float32) for _ in range(NBUF)] + [
        pltpu.VMEM((STRIPE, F), jnp.float32),
    ] + [pltpu.SemaphoreType.DMA for _ in range(2 * NBUF)] + [
        pltpu.VMEM_SHARED((NP, F), jnp.float32),
        pltpu.VMEM_SHARED((NP, F), jnp.float32),
    ],
)
def _edge_kernel(ei_hbm, h_hbm, out_hbm,
                 src_v, dst_v, r0, r1, r2, r3, zb_v,
                 g0, g1, g2, g3, s0, s1, s2, s3, acc_sh, h_sh):
    c = lax.axis_index("c")
    s = lax.axis_index("s")
    slab = c * NS + s
    rows = [r0, r1, r2, r3]
    gsem = [g0, g1, g2, g3]
    ssem = [s0, s1, s2, s3]
    pltpu.sync_copy(h_hbm.at[pl.ds(s * STRIPE, STRIPE)], zb_v)
    pltpu.sync_copy(zb_v, h_sh.at[pl.ds(s * STRIPE, STRIPE)])

    @pl.when(c == 0)
    def _():
        pltpu.sync_copy(zb_v, acc_sh.at[pl.ds(s * STRIPE, STRIPE)])

    @pl.when(c != 0)
    def _():
        for i in range(CHUNK):
            r0[i] = jnp.zeros((F,), jnp.float32)
        for k in range(STRIPE // CHUNK):
            pltpu.sync_copy(r0.at[pl.ds(0, CHUNK)],
                            acc_sh.at[pl.ds(s * STRIPE + k * CHUNK, CHUNK)])

    plsc.subcore_barrier()
    pltpu.sync_copy(ei_hbm.at[0, slab], src_v.at[pl.ds(0, EPT)])
    pltpu.sync_copy(ei_hbm.at[1, slab], dst_v.at[pl.ds(0, EPT)])
    for k in range(NPAD // 16):
        src_v[pl.ds(EPT + 16 * k, 16)] = jnp.full((16,), N, jnp.int32)
        dst_v[pl.ds(EPT + 16 * k, 16)] = jnp.full((16,), N, jnp.int32)
    nstream = SROWS

    def gref(j):
        return h_sh.at[src_v.at[pl.ds(j * SCHUNK, SCHUNK)]]

    def sref(j):
        return acc_sh.at[dst_v.at[pl.ds(j * SCHUNK, SCHUNK)]]

    for b in range(NBUF):
        pltpu.async_copy(gref(b), rows[b], gsem[b])

    def body(g, carry):
        for b in range(NBUF):
            j = g * NBUF + b
            pltpu.make_async_copy(gref(j), rows[b], gsem[b]).wait()
            pltpu.async_copy(rows[b], sref(j), ssem[b], add=True)
        for b in range(NBUF):
            jn = (g + 1) * NBUF + b
            pltpu.make_async_copy(rows[b], sref(jn), ssem[b]).wait()
            pltpu.async_copy(gref(jn), rows[b], gsem[b])
        return carry

    lax.fori_loop(0, nstream // NBUF - 1, body, 0)
    for b in range(NBUF):
        j = nstream - NBUF + b
        pltpu.make_async_copy(gref(j), rows[b], gsem[b]).wait()
        pltpu.async_copy(rows[b], sref(j), ssem[b], add=True)
    for b in range(NBUF):
        j = nstream - NBUF + b
        pltpu.make_async_copy(rows[b], sref(j), ssem[b]).wait()
    plsc.subcore_barrier()
    pltpu.sync_copy(acc_sh.at[pl.ds(s * STRIPE, STRIPE)], zb_v)
    pltpu.sync_copy(zb_v, out_hbm.at[c, pl.ds(s * STRIPE, STRIPE)])


def _tc1_body(x_ref, w_ref, dg_ref, s_ref, dinv_ref, h_ref):
    dgv = dg_ref[...].reshape(2 * WR, 128)
    deg = jnp.dot(dgv[:WR] + dgv[WR:], s_ref[...],
                  preferred_element_type=jnp.float32) + 1.0
    dinv = lax.rsqrt(deg)
    dinv_ref[...] = dinv
    h = jnp.dot(x_ref[...], w_ref[...], preferred_element_type=jnp.float32)
    h_ref[...] = (h * dinv).reshape(NP * F)


def _tc2_body(a_ref, dinv_ref, b_ref, w_ref, out_ref):
    dinv = dinv_ref[...]
    av = a_ref[...].reshape(2 * WR, 128)
    s1 = dinv * (av[:WR] + av[WR:]) + b_ref[...]
    z1 = jnp.maximum(s1, 0.0)
    h2 = jnp.dot(z1, w_ref[...], preferred_element_type=jnp.float32) * dinv
    out_ref[...] = h2.reshape(NP * F)


def _tc3_body(a_ref, dinv_ref, b_ref, out_ref):
    dinv = dinv_ref[...]
    av = a_ref[...].reshape(2 * WR, 128)
    s2 = dinv * (av[:WR] + av[WR:]) + b_ref[...]
    lane = lax.broadcasted_iota(jnp.int32, (WR, 128), 1)
    is0 = (lane % F) == 0
    m = jnp.maximum(jnp.maximum(s2, pltpu.roll(s2, 127, 1)),
                    pltpu.roll(s2, 126, 1))
    m0 = jnp.where(is0, m, 0.0)
    msp = m0 + pltpu.roll(m0, 1, 1) + pltpu.roll(m0, 2, 1)
    e = jnp.exp(s2 - msp)
    se = e + pltpu.roll(e, 127, 1) + pltpu.roll(e, 126, 1)
    se0 = jnp.where(is0, jnp.log(se), 0.0)
    lsp = se0 + pltpu.roll(se0, 1, 1) + pltpu.roll(se0, 2, 1)
    out_ref[...] = ((s2 - msp) - lsp).reshape(NP * F)


def kernel(x, edge_index, W1, b1, W2, b2):
    ei = edge_index.astype(jnp.int32).reshape(2, NW, EPT)
    xw = jnp.pad(x, ((0, NP - N), (0, 0))).reshape(WR, 8 * 128)
    eye8 = jnp.eye(8, dtype=jnp.float32)
    w1blk = jnp.kron(eye8, W1)
    w2p = jnp.pad(W2, ((0, 0), (0, F - W2.shape[1])))
    w2blk = jnp.kron(eye8, w2p)
    b1w = jnp.tile(b1, 8).reshape(1, 128)
    b2w = jnp.tile(jnp.pad(b2, (0, F - b2.shape[0])), 8).reshape(1, 128)
    smat = jnp.asarray(_S_np)

    degw = _deg_kernel(ei)

    dinv, h1p = pl.pallas_call(
        _tc1_body,
        out_shape=(jax.ShapeDtypeStruct((WR, 128), jnp.float32),
                   jax.ShapeDtypeStruct((NP * F,), jnp.float32)),
    )(xw, w1blk, degw, smat)

    acc1 = _edge_kernel(ei, h1p.reshape(NP, F))

    h2p = pl.pallas_call(
        _tc2_body,
        out_shape=jax.ShapeDtypeStruct((NP * F,), jnp.float32),
    )(acc1.reshape(NC * NP * F), dinv, b1w, w2blk)

    acc2 = _edge_kernel(ei, h2p.reshape(NP, F))

    outw = pl.pallas_call(
        _tc3_body,
        out_shape=jax.ShapeDtypeStruct((NP * F,), jnp.float32),
    )(acc2.reshape(NC * NP * F), dinv, b2w)
    return outw.reshape(NP, F)[:N, :3]

# --- scband reference (transcript-rebuilt; emitter-appended) ---
"""Pipeline reference for scband-gcn-59854664237647 (READ-ONLY COPY).

The authoritative reference and input builder live on the scoring server;
editing this copy changes nothing except your own understanding.
"""

import jax, jax.numpy as jnp
import numpy as np

N_NODES = 10000

def gcn_conv(x, edge_index, W, b):
    # PyG GCNConv: x' = D^{-1/2} (A+I) D^{-1/2} (x W) + b
    n = x.shape[0]
    h = x @ W
    loop = jnp.arange(n, dtype=edge_index.dtype)
    src = jnp.concatenate([edge_index[0], loop])
    dst = jnp.concatenate([edge_index[1], loop])
    deg = jnp.zeros((n,), dtype=h.dtype).at[dst].add(1.0)
    dinv = jnp.where(deg > 0, 1.0 / jnp.sqrt(deg), 0.0)
    norm = dinv[src] * dinv[dst]
    msg = h[src] * norm[:, None]
    out = jnp.zeros((n, h.shape[1]), dtype=h.dtype).at[dst].add(msg)
    return out + b


def setup_inputs(seed: int = 0) -> dict:
    key = jax.random.key(seed)
    k_x, k_e, k_w1, k_b1, k_w2, k_b2 = jax.random.split(key, 6)
    x = jax.random.normal(k_x, (N_NODES, 128), dtype=jnp.float32)
    edge_index = jax.random.randint(k_e, (2, 320000), 0, N_NODES, dtype=jnp.int64)
    # Glorot-style init for GCN weights, zeros for bias (PyG default)
    W1 = jax.random.normal(k_w1, (128, 16), dtype=jnp.float32) * (1.0 / np.sqrt(128))
    b1 = jnp.zeros((16,), dtype=jnp.float32)
    W2 = jax.random.normal(k_w2, (16, 3), dtype=jnp.float32) * (1.0 / np.sqrt(16))
    b2 = jnp.zeros((3,), dtype=jnp.float32)
    return {"x": x, "edge_index": edge_index, "W1": W1, "b1": b1, "W2": W2, "b2": b2}


def reference(x, edge_index, W1, b1, W2, b2):
    h = gcn_conv(x, edge_index, W1, b1)
    h = jax.nn.relu(h)
    # F.dropout(training=self.training): evaluated in eval mode -> identity
    out = gcn_conv(h, edge_index, W2, b2)
    return jax.nn.log_softmax(out, axis=1)

if __name__ == "__main__":
    import jax
    _d = setup_inputs()
    print(jax.jit(kernel)(*tuple(_d.values())))

</pallas_src>

<mosaic_0001>
#map = affine_map<(d0, d1) -> (0, 0, 0)>
#map1 = affine_map<(d0, d1) -> (0, 0)>
module attributes {stable_mosaic.version = 14 : i64} {
  func.func @_edge_kernel(%arg0: i32, %arg1: i32, %arg2: memref<2x32x10000xi32, #tpu.memory_space<hbm>>, %arg3: memref<10240x16xf32, #tpu.memory_space<hbm>>, %arg4: memref<2x10240x16xf32, #tpu.memory_space<hbm>>, %arg5: memref<10240xi32, #tpu.memory_space<vmem>>, %arg6: memref<10240xi32, #tpu.memory_space<vmem>>, %arg7: memref<256x16xf32, #tpu.memory_space<vmem>>, %arg8: memref<256x16xf32, #tpu.memory_space<vmem>>, %arg9: memref<256x16xf32, #tpu.memory_space<vmem>>, %arg10: memref<256x16xf32, #tpu.memory_space<vmem>>, %arg11: memref<640x16xf32, #tpu.memory_space<vmem>>, %arg12: memref<!tpu.dma_semaphore, #tpu.memory_space<semaphore_mem>>, %arg13: memref<!tpu.dma_semaphore, #tpu.memory_space<semaphore_mem>>, %arg14: memref<!tpu.dma_semaphore, #tpu.memory_space<semaphore_mem>>, %arg15: memref<!tpu.dma_semaphore, #tpu.memory_space<semaphore_mem>>, %arg16: memref<!tpu.dma_semaphore, #tpu.memory_space<semaphore_mem>>, %arg17: memref<!tpu.dma_semaphore, #tpu.memory_space<semaphore_mem>>, %arg18: memref<!tpu.dma_semaphore, #tpu.memory_space<semaphore_mem>>, %arg19: memref<!tpu.dma_semaphore, #tpu.memory_space<semaphore_mem>>, %arg20: memref<10240x16xf32, #tpu.memory_space<vmem_shared>>, %arg21: memref<10240x16xf32, #tpu.memory_space<vmem_shared>>) attributes {dimension_semantics = [#tpu.dimension_semantics<core_parallel>, #tpu.dimension_semantics<subcore_parallel>], iteration_bounds = array<i64: 2, 16>, scalar_prefetch = 0 : i64, scratch_operands = 17 : i64, tpu.core_type = #tpu.core_type<sc_vector_subcore>, window_params = [{transform_indices = #map}, {transform_indices = #map1}, {transform_indices = #map}]} {
    %mul3A = arith.constant 16 : i32
    %mul3A_0 = arith.muli %arg0, %mul3A : i32
    %add3A = arith.addi %mul3A_0, %arg1 : i32
    %mul3A_1 = arith.constant 640 : i32
    %mul3A_2 = arith.muli %arg1, %mul3A_1 : i32
    "tpu.region"() ({
      %run_scoped3A_278 = tpu.sem_alloc : memref<!tpu.dma_semaphore, #tpu.memory_space<semaphore_mem>>
      %dma_start3A_279 = arith.constant 0 : i32
      %dma_start3A_280 = tpu.memref_slice %arg3[%mul3A_2, %dma_start3A_279] : memref<10240x16xf32, #tpu.memory_space<hbm>> -> memref<640x16xf32, #tpu.memory_space<hbm>>
      %dma_start3A_281 = arith.constant 0 : i32
      %dma_start3A_282 = tpu.memref_slice %arg3[%mul3A_2, %dma_start3A_281] : memref<10240x16xf32, #tpu.memory_space<hbm>> -> memref<640x16xf32, #tpu.memory_space<hbm>>
      tpu.enqueue_dma source(%dma_start3A_282 : memref<640x16xf32, #tpu.memory_space<hbm>>) target(%arg11 : memref<640x16xf32, #tpu.memory_space<vmem>>) target_semaphore(%run_scoped3A_278 : memref<!tpu.dma_semaphore, #tpu.memory_space<semaphore_mem>>)
      %dma_wait3A_283 = arith.constant 0 : i32
      %dma_wait3A_284 = tpu.memref_slice %arg3[%mul3A_2, %dma_wait3A_283] : memref<10240x16xf32, #tpu.memory_space<hbm>> -> memref<640x16xf32, #tpu.memory_space<hbm>>
      %dma_wait3A_285 = arith.constant 0 : i32
      %dma_wait3A_286 = tpu.memref_slice %arg3[%mul3A_2, %dma_wait3A_285] : memref<10240x16xf32, #tpu.memory_space<hbm>> -> memref<640x16xf32, #tpu.memory_space<hbm>>
      tpu.wait_dma2 semaphore(%run_scoped3A_278 : memref<!tpu.dma_semaphore, #tpu.memory_space<semaphore_mem>>) src(%dma_wait3A_286 : memref<640x16xf32, #tpu.memory_space<hbm>>) dst(%arg11 : memref<640x16xf32, #tpu.memory_space<vmem>>)
      tpu.yield
    }) : () -> ()
    %mul3A_3 = arith.constant 640 : i32
    %mul3A_4 = arith.muli %arg1, %mul3A_3 : i32
    "tpu.region"() ({
      %run_scoped3A_278 = tpu.sem_alloc : memref<!tpu.dma_semaphore, #tpu.memory_space<semaphore_mem>>
      %dma_start3A_279 = arith.constant 0 : i32
      %dma_start3A_280 = tpu.memref_slice %arg21[%mul3A_4, %dma_start3A_279] : memref<10240x16xf32, #tpu.memory_space<vmem_shared>> -> memref<640x16xf32, #tpu.memory_space<vmem_shared>>
      %dma_start3A_281 = arith.constant 0 : i32
      %dma_start3A_282 = tpu.memref_slice %arg21[%mul3A_4, %dma_start3A_281] : memref<10240x16xf32, #tpu.memory_space<vmem_shared>> -> memref<640x16xf32, #tpu.memory_space<vmem_shared>>
      tpu.enqueue_dma source(%arg11 : memref<640x16xf32, #tpu.memory_space<vmem>>) target(%dma_start3A_282 : memref<640x16xf32, #tpu.memory_space<vmem_shared>>) target_semaphore(%run_scoped3A_278 : memref<!tpu.dma_semaphore, #tpu.memory_space<semaphore_mem>>)
      %dma_wait3A_283 = arith.constant 0 : i32
      %dma_wait3A_284 = tpu.memref_slice %arg21[%mul3A_4, %dma_wait3A_283] : memref<10240x16xf32, #tpu.memory_space<vmem_shared>> -> memref<640x16xf32, #tpu.memory_space<vmem_shared>>
      %dma_wait3A_285 = arith.constant 0 : i32
      %dma_wait3A_286 = tpu.memref_slice %arg21[%mul3A_4, %dma_wait3A_285] : memref<10240x16xf32, #tpu.memory_space<vmem_shared>> -> memref<640x16xf32, #tpu.memory_space<vmem_shared>>
      tpu.wait_dma2 semaphore(%run_scoped3A_278 : memref<!tpu.dma_semaphore, #tpu.memory_space<semaphore_mem>>) src(%arg11 : memref<640x16xf32, #tpu.memory_space<vmem>>) dst(%dma_wait3A_286 : memref<640x16xf32, #tpu.memory_space<vmem_shared>>)
      tpu.yield
    }) : () -> ()
    %eq3A = arith.constant 0 : i32
    %eq3A_5 = arith.cmpi eq, %arg0, %eq3A : i32
    %convert_element_type3A = arith.extui %eq3A_5 : i1 to i32
    %cond3A = arith.constant 0 : i32
    %cond3A_6 = arith.cmpi ne, %convert_element_type3A, %cond3A : i32
    scf.if %cond3A_6 {
      %mul3A_278 = arith.constant 640 : i32
      %mul3A_279 = arith.muli %arg1, %mul3A_278 : i32
      "tpu.region"() ({
        %run_scoped3A_280 = tpu.sem_alloc : memref<!tpu.dma_semaphore, #tpu.memory_space<semaphore_mem>>
        %dma_start3A_281 = arith.constant 0 : i32
        %dma_start3A_282 = tpu.memref_slice %arg20[%mul3A_279, %dma_start3A_281] : memref<10240x16xf32, #tpu.memory_space<vmem_shared>> -> memref<640x16xf32, #tpu.memory_space<vmem_shared>>
        %dma_start3A_283 = arith.constant 0 : i32
        %dma_start3A_284 = tpu.memref_slice %arg20[%mul3A_279, %dma_start3A_283] : memref<10240x16xf32, #tpu.memory_space<vmem_shared>> -> memref<640x16xf32, #tpu.memory_space<vmem_shared>>
        tpu.enqueue_dma source(%arg11 : memref<640x16xf32, #tpu.memory_space<vmem>>) target(%dma_start3A_284 : memref<640x16xf32, #tpu.memory_space<vmem_shared>>) target_semaphore(%run_scoped3A_280 : memref<!tpu.dma_semaphore, #tpu.memory_space<semaphore_mem>>)
        %dma_wait3A_285 = arith.constant 0 : i32
        %dma_wait3A_286 = tpu.memref_slice %arg20[%mul3A_279, %dma_wait3A_285] : memref<10240x16xf32, #tpu.memory_space<vmem_shared>> -> memref<640x16xf32, #tpu.memory_space<vmem_shared>>
        %dma_wait3A_287 = arith.constant 0 : i32
        %dma_wait3A_288 = tpu.memref_slice %arg20[%mul3A_279, %dma_wait3A_287] : memref<10240x16xf32, #tpu.memory_space<vmem_shared>> -> memref<640x16xf32, #tpu.memory_space<vmem_shared>>
        tpu.wait_dma2 semaphore(%run_scoped3A_280 : memref<!tpu.dma_semaphore, #tpu.memory_space<semaphore_mem>>) src(%arg11 : memref<640x16xf32, #tpu.memory_space<vmem>>) dst(%dma_wait3A_288 : memref<640x16xf32, #tpu.memory_space<vmem_shared>>)
        tpu.yield
      }) : () -> ()
    } else {
    }
    %ne3A = arith.constant 0 : i32
    %ne3A_7 = arith.cmpi ne, %arg0, %ne3A : i32
    %convert_element_type3A_8 = arith.extui %ne3A_7 : i1 to i32
    %cond3A_9 = arith.constant 0 : i32
    %cond3A_10 = arith.cmpi ne, %convert_element_type3A_8, %cond3A_9 : i32
    scf.if %cond3A_10 {
      %broadcast_in_dim3A_278 = arith.constant 0.000000e+00 : f32
      %broadcast_in_dim3A_279 = vector.broadcast %broadcast_in_dim3A_278 : f32 to vector<16xf32>
      %swap3A_280 = arith.constant 0 : i32
      %swap3A_281 = arith.index_cast %swap3A_280 : i32 to index
      %swap3A_282 = arith.constant 0 : index
      %swap3A_283 = tpu.vector_load %arg7[%swap3A_281, %swap3A_282] {strides = array<i32>} : memref<256x16xf32, #tpu.memory_space<vmem>>, vector<1x16xf32>,
      %swap3A_284 = vector.shape_cast %swap3A_283 : vector<1x16xf32> to vector<16xf32>
      %swap3A_285 = vector.shape_cast %broadcast_in_dim3A_279 : vector<16xf32> to vector<1x16xf32>
      tpu.vector_store %arg7[%swap3A_281, %swap3A_282], %swap3A_285 {strides = array<i32>} : memref<256x16xf32, #tpu.memory_space<vmem>>, vector<1x16xf32>,
      %broadcast_in_dim3A_286 = arith.constant 0.000000e+00 : f32
      %broadcast_in_dim3A_287 = vector.broadcast %broadcast_in_dim3A_286 : f32 to vector<16xf32>
      %swap3A_288 = arith.constant 1 : i32
      %swap3A_289 = arith.index_cast %swap3A_288 : i32 to index
      %swap3A_290 = arith.constant 0 : index
      %swap3A_291 = tpu.vector_load %arg7[%swap3A_289, %swap3A_290] {strides = array<i32>} : memref<256x16xf32, #tpu.memory_space<vmem>>, vector<1x16xf32>,
      %swap3A_292 = vector.shape_cast %swap3A_291 : vector<1x16xf32> to vector<16xf32>
      %swap3A_293 = vector.shape_cast %broadcast_in_dim3A_287 : vector<16xf32> to vector<1x16xf32>
      tpu.vector_store %arg7[%swap3A_289, %swap3A_290], %swap3A_293 {strides = array<i32>} : memref<256x16xf32, #tpu.memory_space<vmem>>, vector<1x16xf32>,
      %broadcast_in_dim3A_294 = arith.constant 0.000000e+00 : f32
      %broadcast_in_dim3A_295 = vector.broadcast %broadcast_in_dim3A_294 : f32 to vector<16xf32>
      %swap3A_296 = arith.constant 2 : i32
      %swap3A_297 = arith.index_cast %swap3A_296 : i32 to index
      %swap3A_298 = arith.constant 0 : index
      %swap3A_299 = tpu.vector_load %arg7[%swap3A_297, %swap3A_298] {strides = array<i32>} : memref<256x16xf32, #tpu.memory_space<vmem>>, vector<1x16xf32>,
      %swap3A_300 = vector.shape_cast %swap3A_299 : vector<1x16xf32> to vector<16xf32>
      %swap3A_301 = vector.shape_cast %broadcast_in_dim3A_295 : vector<16xf32> to vector<1x16xf32>
      tpu.vector_store %arg7[%swap3A_297, %swap3A_298], %swap3A_301 {strides = array<i32>} : memref<256x16xf32, #tpu.memory_space<vmem>>, vector<1x16xf32>,
      %broadcast_in_dim3A_302 = arith.constant 0.000000e+00 : f32
      %broadcast_in_dim3A_303 = vector.broadcast %broadcast_in_dim3A_302 : f32 to vector<16xf32>
      %swap3A_304 = arith.constant 3 : i32
      %swap3A_305 = arith.index_cast %swap3A_304 : i32 to index
      %swap3A_306 = arith.constant 0 : index
      %swap3A_307 = tpu.vector_load %arg7[%swap3A_305, %swap3A_306] {strides = array<i32>} : memref<256x16xf32, #tpu.memory_space<vmem>>, vector<1x16xf32>,
      %swap3A_308 = vector.shape_cast %swap3A_307 : vector<1x16xf32> to vector<16xf32>
      %swap3A_309 = vector.shape_cast %broadcast_in_dim3A_303 : vector<16xf32> to vector<1x16xf32>
      tpu.vector_store %arg7[%swap3A_305, %swap3A_306], %swap3A_309 {strides = array<i32>} : memref<256x16xf32, #tpu.memory_space<vmem>>, vector<1x16xf32>,
      %broadcast_in_dim3A_310 = arith.constant 0.000000e+00 : f32
      %broadcast_in_dim3A_311 = vector.broadcast %broadcast_in_dim3A_310 : f32 to vector<16xf32>
      %swap3A_312 = arith.constant 4 : i32
      %swap3A_313 = arith.index_cast %swap3A_312 : i32 to index
      %swap3A_314 = arith.constant 0 : index
      %swap3A_315 = tpu.vector_load %arg7[%swap3A_313, %swap3A_314] {strides = array<i32>} : memref<256x16xf32, #tpu.memory_space<vmem>>, vector<1x16xf32>,
      %swap3A_316 = vector.shape_cast %swap3A_315 : vector<1x16xf32> to vector<16xf32>
      %swap3A_317 = vector.shape_cast %broadcast_in_dim3A_311 : vector<16xf32> to vector<1x16xf32>
      tpu.vector_store %arg7[%swap3A_313, %swap3A_314], %swap3A_317 {strides = array<i32>} : memref<256x16xf32, #tpu.memory_space<vmem>>, vector<1x16xf32>,
      %broadcast_in_dim3A_318 = arith.constant 0.000000e+00 : f32
      %broadcast_in_dim3A_319 = vector.broadcast %broadcast_in_dim3A_318 : f32 to vector<16xf32>
      %swap3A_320 = arith.constant 5 : i32
      %swap3A_321 = arith.index_cast %swap3A_320 : i32 to index
      %swap3A_322 = arith.constant 0 : index
      %swap3A_323 = tpu.vector_load %arg7[%swap3A_321, %swap3A_322] {strides = array<i32>} : memref<256x16xf32, #tpu.memory_space<vmem>>, vector<1x16xf32>,
      %swap3A_324 = vector.shape_cast %swap3A_323 : vector<1x16xf32> to vector<16xf32>
      %swap3A_325 = vector.shape_cast %broadcast_in_dim3A_319 : vector<16xf32> to vector<1x16xf32>
      tpu.vector_store %arg7[%swap3A_321, %swap3A_322], %swap3A_325 {strides = array<i32>} : memref<256x16xf32, #tpu.memory_space<vmem>>, vector<1x16xf32>,
      %broadcast_in_dim3A_326 = arith.constant 0.000000e+00 : f32
      %broadcast_in_dim3A_327 = vector.broadcast %broadcast_in_dim3A_326 : f32 to vector<16xf32>
      %swap3A_328 = arith.constant 6 : i32
      %swap3A_329 = arith.index_cast %swap3A_328 : i32 to index
      %swap3A_330 = arith.constant 0 : index
      %swap3A_331 = tpu.vector_load %arg7[%swap3A_329, %swap3A_330] {strides = array<i32>} : memref<256x16xf32, #tpu.memory_space<vmem>>, vector<1x16xf32>,
      %swap3A_332 = vector.shape_cast %swap3A_331 : vector<1x16xf32> to vector<16xf32>
      %swap3A_333 = vector.shape_cast %broadcast_in_dim3A_327 : vector<16xf32> to vector<1x16xf32>
      tpu.vector_store %arg7[%swap3A_329, %swap3A_330], %swap3A_333 {strides = array<i32>} : memref<256x16xf32, #tpu.memory_space<vmem>>, vector<1x16xf32>,
      %broadcast_in_dim3A_334 = arith.constant 0.000000e+00 : f32
      %broadcast_in_dim3A_335 = vector.broadcast %broadcast_in_dim3A_334 : f32 to vector<16xf32>
      %swap3A_336 = arith.constant 7 : i32
      %swap3A_337 = arith.index_cast %swap3A_336 : i32 to index
      %swap3A_338 = arith.constant 0 : index
      %swap3A_339 = tpu.vector_load %arg7[%swap3A_337, %swap3A_338] {strides = array<i32>} : memref<256x16xf32, #tpu.memory_space<vmem>>, vector<1x16xf32>,
      %swap3A_340 = vector.shape_cast %swap3A_339 : vector<1x16xf32> to vector<16xf32>
      %swap3A_341 = vector.shape_cast %broadcast_in_dim3A_335 : vector<16xf32> to vector<1x16xf32>
      tpu.vector_store %arg7[%swap3A_337, %swap3A_338], %swap3A_341 {strides = array<i32>} : memref<256x16xf32, #tpu.memory_space<vmem>>, vector<1x16xf32>,
      %broadcast_in_dim3A_342 = arith.constant 0.000000e+00 : f32
      %broadcast_in_dim3A_343 = vector.broadcast %broadcast_in_dim3A_342 : f32 to vector<16xf32>
      %swap3A_344 = arith.constant 8 : i32
      %swap3A_345 = arith.index_cast %swap3A_344 : i32 to index
      %swap3A_346 = arith.constant 0 : index
      %swap3A_347 = tpu.vector_load %arg7[%swap3A_345, %swap3A_346] {strides = array<i32>} : memref<256x16xf32, #tpu.memory_space<vmem>>, vector<1x16xf32>,
      %swap3A_348 = vector.shape_cast %swap3A_347 : vector<1x16xf32> to vector<16xf32>
      %swap3A_349 = vector.shape_cast %broadcast_in_dim3A_343 : vector<16xf32> to vector<1x16xf32>
      tpu.vector_store %arg7[%swap3A_345, %swap3A_346], %swap3A_349 {strides = array<i32>} : memref<256x16xf32, #tpu.memory_space<vmem>>, vector<1x16xf32>,
      %broadcast_in_dim3A_350 = arith.constant 0.000000e+00 : f32
      %broadcast_in_dim3A_351 = vector.broadcast %broadcast_in_dim3A_350 : f32 to vector<16xf32>
      %swap3A_352 = arith.constant 9 : i32
      %swap3A_353 = arith.index_cast %swap3A_352 : i32 to index
      %swap3A_354 = arith.constant 0 : index
      %swap3A_355 = tpu.vector_load %arg7[%swap3A_353, %swap3A_354] {strides = array<i32>} : memref<256x16xf32, #tpu.memory_space<vmem>>, vector<1x16xf32>,
      %swap3A_356 = vector.shape_cast %swap3A_355 : vector<1x16xf32> to vector<16xf32>
      %swap3A_357 = vector.shape_cast %broadcast_in_dim3A_351 : vector<16xf32> to vector<1x16xf32>
      tpu.vector_store %arg7[%swap3A_353, %swap3A_354], %swap3A_357 {strides = array<i32>} : memref<256x16xf32, #tpu.memory_space<vmem>>, vector<1x16xf32>,
      %broadcast_in_dim3A_358 = arith.constant 0.000000e+00 : f32
      %broadcast_in_dim3A_359 = vector.broadcast %broadcast_in_dim3A_358 : f32 to vector<16xf32>
      %swap3A_360 = arith.constant 10 : i32
      %swap3A_361 = arith.index_cast %swap3A_360 : i32 to index
      %swap3A_362 = arith.constant 0 : index
      %swap3A_363 = tpu.vector_load %arg7[%swap3A_361, %swap3A_362] {strides = array<i32>} : memref<256x16xf32, #tpu.memory_space<vmem>>, vector<1x16xf32>,
      %swap3A_364 = vector.shape_cast %swap3A_363 : vector<1x16xf32> to vector<16xf32>
      %swap3A_365 = vector.shape_cast %broadcast_in_dim3A_359 : vector<16xf32> to vector<1x16xf32>
      tpu.vector_store %arg7[%swap3A_361, %swap3A_362], %swap3A_365 {strides = array<i32>} : memref<256x16xf32, #tpu.memory_space<vmem>>, vector<1x16xf32>,
      %broadcast_in_dim3A_366 = arith.constant 0.000000e+00 : f32
      %broadcast_in_dim3A_367 = vector.broadcast %broadcast_in_dim3A_366 : f32 to vector<16xf32>
      %swap3A_368 = arith.constant 11 : i32
      %swap3A_369 = arith.index_cast %swap3A_368 : i32 to index
      %swap3A_370 = arith.constant 0 : index
      %swap3A_371 = tpu.vector_load %arg7[%swap3A_369, %swap3A_370] {strides = array<i32>} : memref<256x16xf32, #tpu.memory_space<vmem>>, vector<1x16xf32>,
      %swap3A_372 = vector.shape_cast %swap3A_371 : vector<1x16xf32> to vector<16xf32>
      %swap3A_373 = vector.shape_cast %broadcast_in_dim3A_367 : vector<16xf32> to vector<1x16xf32>
      tpu.vector_store %arg7[%swap3A_369, %swap3A_370], %swap3A_373 {strides = array<i32>} : memref<256x16xf32, #tpu.memory_space<vmem>>, vector<1x16xf32>,
      %broadcast_in_dim3A_374 = arith.constant 0.000000e+00 : f32
      %broadcast_in_dim3A_375 = vector.broadcast %broadcast_in_dim3A_374 : f32 to vector<16xf32>
      %swap3A_376 = arith.constant 12 : i32
      %swap3A_377 = arith.index_cast %swap3A_376 : i32 to index
      %swap3A_378 = arith.constant 0 : index
      %swap3A_379 = tpu.vector_load %arg7[%swap3A_377, %swap3A_378] {strides = array<i32>} : memref<256x16xf32, #tpu.memory_space<vmem>>, vector<1x16xf32>,
      %swap3A_380 = vector.shape_cast %swap3A_379 : vector<1x16xf32> to vector<16xf32>
      %swap3A_381 = vector.shape_cast %broadcast_in_dim3A_375 : vector<16xf32> to vector<1x16xf32>
      tpu.vector_store %arg7[%swap3A_377, %swap3A_378], %swap3A_381 {strides = array<i32>} : memref<256x16xf32, #tpu.memory_space<vmem>>, vector<1x16xf32>,
      %broadcast_in_dim3A_382 = arith.constant 0.000000e+00 : f32
      %broadcast_in_dim3A_383 = vector.broadcast %broadcast_in_dim3A_382 : f32 to vector<16xf32>
      %swap3A_384 = arith.constant 13 : i32
      %swap3A_385 = arith.index_cast %swap3A_384 : i32 to index
      %swap3A_386 = arith.constant 0 : index
      %swap3A_387 = tpu.vector_load %arg7[%swap3A_385, %swap3A_386] {strides = array<i32>} : memref<256x16xf32, #tpu.memory_space<vmem>>, vector<1x16xf32>,
      %swap3A_388 = vector.shape_cast %swap3A_387 : vector<1x16xf32> to vector<16xf32>
      %swap3A_389 = vector.shape_cast %broadcast_in_dim3A_383 : vector<16xf32> to vector<1x16xf32>
      tpu.vector_store %arg7[%swap3A_385, %swap3A_386], %swap3A_389 {strides = array<i32>} : memref<256x16xf32, #tpu.memory_space<vmem>>, vector<1x16xf32>,
      %broadcast_in_dim3A_390 = arith.constant 0.000000e+00 : f32
      %broadcast_in_dim3A_391 = vector.broadcast %broadcast_in_dim3A_390 : f32 to vector<16xf32>
      %swap3A_392 = arith.constant 14 : i32
      %swap3A_393 = arith.index_cast %swap3A_392 : i32 to index
      %swap3A_394 = arith.constant 0 : index
      %swap3A_395 = tpu.vector_load %arg7[%swap3A_393, %swap3A_394] {strides = array<i32>} : memref<256x16xf32, #tpu.memory_space<vmem>>, vector<1x16xf32>,
      %swap3A_396 = vector.shape_cast %swap3A_395 : vector<1x16xf32> to vector<16xf32>
      %swap3A_397 = vector.shape_cast %broadcast_in_dim3A_391 : vector<16xf32> to vector<1x16xf32>
      tpu.vector_store %arg7[%swap3A_393, %swap3A_394], %swap3A_397 {strides = array<i32>} : memref<256x16xf32, #tpu.memory_space<vmem>>, vector<1x16xf32>,
      %broadcast_in_dim3A_398 = arith.constant 0.000000e+00 : f32
      %broadcast_in_dim3A_399 = vector.broadcast %broadcast_in_dim3A_398 : f32 to vector<16xf32>
      %swap3A_400 = arith.constant 15 : i32
      %swap3A_401 = arith.index_cast %swap3A_400 : i32 to index
      %swap3A_402 = arith.constant 0 : index
      %swap3A_403 = tpu.vector_load %arg7[%swap3A_401, %swap3A_402] {strides = array<i32>} : memref<256x16xf32, #tpu.memory_space<vmem>>, vector<1x16xf32>,
      %swap3A_404 = vector.shape_cast %swap3A_403 : vector<1x16xf32> to vector<16xf32>
      %swap3A_405 = vector.shape_cast %broadcast_in_dim3A_399 : vector<16xf32> to vector<1x16xf32>
      tpu.vector_store %arg7[%swap3A_401, %swap3A_402], %swap3A_405 {strides = array<i32>} : memref<256x16xf32, #tpu.memory_space<vmem>>, vector<1x16xf32>,
      %broadcast_in_dim3A_406 = arith.constant 0.000000e+00 : f32
      %broadcast_in_dim3A_407 = vector.broadcast %broadcast_in_dim3A_406 : f32 to vector<16xf32>
      %swap3A_408 = arith.constant 16 : i32
      %swap3A_409 = arith.index_cast %swap3A_408 : i32 to index
      %swap3A_410 = arith.constant 0 : index
      %swap3A_411 = tpu.vector_load %arg7[%swap3A_409, %swap3A_410] {strides = array<i32>} : memref<256x16xf32, #tpu.memory_space<vmem>>, vector<1x16xf32>,
      %swap3A_412 = vector.shape_cast %swap3A_411 : vector<1x16xf32> to vector<16xf32>
      %swap3A_413 = vector.shape_cast %broadcast_in_dim3A_407 : vector<16xf32> to vector<1x16xf32>
      tpu.vector_store %arg7[%swap3A_409, %swap3A_410], %swap3A_413 {strides = array<i32>} : memref<256x16xf32, #tpu.memory_space<vmem>>, vector<1x16xf32>,
      %broadcast_in_dim3A_414 = arith.constant 0.000000e+00 : f32
      %broadcast_in_dim3A_415 = vector.broadcast %broadcast_in_dim3A_414 : f32 to vector<16xf32>
      %swap3A_416 = arith.constant 17 : i32
      %swap3A_417 = arith.index_cast %swap3A_416 : i32 to index
      %swap3A_418 = arith.constant 0 : index
      %swap3A_419 = tpu.vector_load %arg7[%swap3A_417, %swap3A_418] {strides = array<i32>} : memref<256x16xf32, #tpu.memory_space<vmem>>, vector<1x16xf32>,
      %swap3A_420 = vector.shape_cast %swap3A_419 : vector<1x16xf32> to vector<16xf32>
      %swap3A_421 = vector.shape_cast %broadcast_in_dim3A_415 : vector<16xf32> to vector<1x16xf32>
      tpu.vector_store %arg7[%swap3A_417, %swap3A_418], %swap3A_421 {strides = array<i32>} : memref<256x16xf32, #tpu.memory_space<vmem>>, vector<1x16xf32>,
      %broadcast_in_dim3A_422 = arith.constant 0.000000e+00 : f32
      %broadcast_in_dim3A_423 = vector.broadcast %broadcast_in_dim3A_422 : f32 to vector<16xf32>
      %swap3A_424 = arith.constant 18 : i32
      %swap3A_425 = arith.index_cast %swap3A_424 : i32 to index
      %swap3A_426 = arith.constant 0 : index
      %swap3A_427 = tpu.vector_load %arg7[%swap3A_425, %swap3A_426] {strides = array<i32>} : memref<256x16xf32, #tpu.memory_space<vmem>>, vector<1x16xf32>,
      %swap3A_428 = vector.shape_cast %swap3A_427 : vector<1x16xf32> to vector<16xf32>
      %swap3A_429 = vector.shape_cast %broadcast_in_dim3A_423 : vector<16xf32> to vector<1x16xf32>
      tpu.vector_store %arg7[%swap3A_425, %swap3A_426], %swap3A_429 {strides = array<i32>} : memref<256x16xf32, #tpu.memory_space<vmem>>, vector<1x16xf32>,
      %broadcast_in_dim3A_430 = arith.constant 0.000000e+00 : f32
      %broadcast_in_dim3A_431 = vector.broadcast %broadcast_in_dim3A_430 : f32 to vector<16xf32>
      %swap3A_432 = arith.constant 19 : i32
      %swap3A_433 = arith.index_cast %swap3A_432 : i32 to index
      %swap3A_434 = arith.constant 0 : index
      %swap3A_435 = tpu.vector_load %arg7[%swap3A_433, %swap3A_434] {strides = array<i32>} : memref<256x16xf32, #tpu.memory_space<vmem>>, vector<1x16xf32>,
      %swap3A_436 = vector.shape_cast %swap3A_435 : vector<1x16xf32> to vector<16xf32>
      %swap3A_437 = vector.shape_cast %broadcast_in_dim3A_431 : vector<16xf32> to vector<1x16xf32>
      tpu.vector_store %arg7[%swap3A_433, %swap3A_434], %swap3A_437 {strides = array<i32>} : memref<256x16xf32, #tpu.memory_space<vmem>>, vector<1x16xf32>,
      %broadcast_in_dim3A_438 = arith.constant 0.000000e+00 : f32
      %broadcast_in_dim3A_439 = vector.broadcast %broadcast_in_dim3A_438 : f32 to vector<16xf32>
      %swap3A_440 = arith.constant 20 : i32
      %swap3A_441 = arith.index_cast %swap3A_440 : i32 to index
      %swap3A_442 = arith.constant 0 : index
      %swap3A_443 = tpu.vector_load %arg7[%swap3A_441, %swap3A_442] {strides = array<i32>} : memref<256x16xf32, #tpu.memory_space<vmem>>, vector<1x16xf32>,
      %swap3A_444 = vector.shape_cast %swap3A_443 : vector<1x16xf32> to vector<16xf32>
      %swap3A_445 = vector.shape_cast %broadcast_in_dim3A_439 : vector<16xf32> to vector<1x16xf32>
      tpu.vector_store %arg7[%swap3A_441, %swap3A_442], %swap3A_445 {strides = array<i32>} : memref<256x16xf32, #tpu.memory_space<vmem>>, vector<1x16xf32>,
      %broadcast_in_dim3A_446 = arith.constant 0.000000e+00 : f32
      %broadcast_in_dim3A_447 = vector.broadcast %broadcast_in_dim3A_446 : f32 to vector<16xf32>
      %swap3A_448 = arith.constant 21 : i32
      %swap3A_449 = arith.index_cast %swap3A_448 : i32 to index
      %swap3A_450 = arith.constant 0 : index
      %swap3A_451 = tpu.vector_load %arg7[%swap3A_449, %swap3A_450] {strides = array<i32>} : memref<256x16xf32, #tpu.memory_space<vmem>>, vector<1x16xf32>,
      %swap3A_452 = vector.shape_cast %swap3A_451 : vector<1x16xf32> to vector<16xf32>
      %swap3A_453 = vector.shape_cast %broadcast_in_dim3A_447 : vector<16xf32> to vector<1x16xf32>
      tpu.vector_store %arg7[%swap3A_449, %swap3A_450], %swap3A_453 {strides = array<i32>} : memref<256x16xf32, #tpu.memory_space<vmem>>, vector<1x16xf32>,
      %broadcast_in_dim3A_454 = arith.constant 0.000000e+00 : f32
      %broadcast_in_dim3A_455 = vector.broadcast %broadcast_in_dim3A_454 : f32 to vector<16xf32>
      %swap3A_456 = arith.constant 22 : i32
      %swap3A_457 = arith.index_cast %swap3A_456 : i32 to index
      %swap3A_458 = arith.constant 0 : index
      %swap3A_459 = tpu.vector_load %arg7[%swap3A_457, %swap3A_458] {strides = array<i32>} : memref<256x16xf32, #tpu.memory_space<vmem>>, vector<1x16xf32>,
      %swap3A_460 = vector.shape_cast %swap3A_459 : vector<1x16xf32> to vector<16xf32>
      %swap3A_461 = vector.shape_cast %broadcast_in_dim3A_455 : vector<16xf32> to vector<1x16xf32>
      tpu.vector_store %arg7[%swap3A_457, %swap3A_458], %swap3A_461 {strides = array<i32>} : memref<256x16xf32, #tpu.memory_space<vmem>>, vector<1x16xf32>,
      %broadcast_in_dim3A_462 = arith.constant 0.000000e+00 : f32
      %broadcast_in_dim3A_463 = vector.broadcast %broadcast_in_dim3A_462 : f32 to vector<16xf32>
      %swap3A_464 = arith.constant 23 : i32
      %swap3A_465 = arith.index_cast %swap3A_464 : i32 to index
      %swap3A_466 = arith.constant 0 : index
      %swap3A_467 = tpu.vector_load %arg7[%swap3A_465, %swap3A_466] {strides = array<i32>} : memref<256x16xf32, #tpu.memory_space<vmem>>, vector<1x16xf32>,
      %swap3A_468 = vector.shape_cast %swap3A_467 : vector<1x16xf32> to vector<16xf32>
      %swap3A_469 = vector.shape_cast %broadcast_in_dim3A_463 : vector<16xf32> to vector<1x16xf32>
      tpu.vector_store %arg7[%swap3A_465, %swap3A_466], %swap3A_469 {strides = array<i32>} : memref<256x16xf32, #tpu.memory_space<vmem>>, vector<1x16xf32>,
      %broadcast_in_dim3A_470 = arith.constant 0.000000e+00 : f32
      %broadcast_in_dim3A_471 = vector.broadcast %broadcast_in_dim3A_470 : f32 to vector<16xf32>
      %swap3A_472 = arith.constant 24 : i32
      %swap3A_473 = arith.index_cast %swap3A_472 : i32 to index
      %swap3A_474 = arith.constant 0 : index
      %swap3A_475 = tpu.vector_load %arg7[%swap3A_473, %swap3A_474] {strides = array<i32>} : memref<256x16xf32, #tpu.memory_space<vmem>>, vector<1x16xf32>,
      %swap3A_476 = vector.shape_cast %swap3A_475 : vector<1x16xf32> to vector<16xf32>
      %swap3A_477 = vector.shape_cast %broadcast_in_dim3A_471 : vector<16xf32> to vector<1x16xf32>
      tpu.vector_store %arg7[%swap3A_473, %swap3A_474], %swap3A_477 {strides = array<i32>} : memref<256x16xf32, #tpu.memory_space<vmem>>, vector<1x16xf32>,
      %broadcast_in_dim3A_478 = arith.constant 0.000000e+00 : f32
      %broadcast_in_dim3A_479 = vector.broadcast %broadcast_in_dim3A_478 : f32 to vector<16xf32>
      %swap3A_480 = arith.constant 25 : i32
      %swap3A_481 = arith.index_cast %swap3A_480 : i32 to index
      %swap3A_482 = arith.constant 0 : index
      %swap3A_483 = tpu.vector_load %arg7[%swap3A_481, %swap3A_482] {strides = array<i32>} : memref<256x16xf32, #tpu.memory_space<vmem>>, vector<1x16xf32>,
      %swap3A_484 = vector.shape_cast %swap3A_483 : vector<1x16xf32> to vector<16xf32>
      %swap3A_485 = vector.shape_cast %broadcast_in_dim3A_479 : vector<16xf32> to vector<1x16xf32>
      tpu.vector_store %arg7[%swap3A_481, %swap3A_482], %swap3A_485 {strides = array<i32>} : memref<256x16xf32, #tpu.memory_space<vmem>>, vector<1x16xf32>,
      %broadcast_in_dim3A_486 = arith.constant 0.000000e+00 : f32
      %broadcast_in_dim3A_487 = vector.broadcast %broadcast_in_dim3A_486 : f32 to vector<16xf32>
      %swap3A_488 = arith.constant 26 : i32
      %swap3A_489 = arith.index_cast %swap3A_488 : i32 to index
      %swap3A_490 = arith.constant 0 : index
      %swap3A_491 = tpu.vector_load %arg7[%swap3A_489, %swap3A_490] {strides = array<i32>} : memref<256x16xf32, #tpu.memory_space<vmem>>, vector<1x16xf32>,
      %swap3A_492 = vector.shape_cast %swap3A_491 : vector<1x16xf32> to vector<16xf32>
      %swap3A_493 = vector.shape_cast %broadcast_in_dim3A_487 : vector<16xf32> to vector<1x16xf32>
      tpu.vector_store %arg7[%swap3A_489, %swap3A_490], %swap3A_493 {strides = array<i32>} : memref<256x16xf32, #tpu.memory_space<vmem>>, vector<1x16xf32>,
      %broadcast_in_dim3A_494 = arith.constant 0.000000e+00 : f32
      %broadcast_in_dim3A_495 = vector.broadcast %broadcast_in_dim3A_494 : f32 to vector<16xf32>
      %swap3A_496 = arith.constant 27 : i32
      %swap3A_497 = arith.index_cast %swap3A_496 : i32 to index
      %swap3A_498 = arith.constant 0 : index
      %swap3A_499 = tpu.vector_load %arg7[%swap3A_497, %swap3A_498] {strides = array<i32>} : memref<256x16xf32, #tpu.memory_space<vmem>>, vector<1x16xf32>,
      %swap3A_500 = vector.shape_cast %swap3A_499 : vector<1x16xf32> to vector<16xf32>
      %swap3A_501 = vector.shape_cast %broadcast_in_dim3A_495 : vector<16xf32> to vector<1x16xf32>
      tpu.vector_store %arg7[%swap3A_497, %swap3A_498], %swap3A_501 {strides = array<i32>} : memref<256x16xf32, #tpu.memory_space<vmem>>, vector<1x16xf32>,
      %broadcast_in_dim3A_502 = arith.constant 0.000000e+00 : f32
      %broadcast_in_dim3A_503 = vector.broadcast %broadcast_in_dim3A_502 : f32 to vector<16xf32>
      %swap3A_504 = arith.constant 28 : i32
      %swap3A_505 = arith.index_cast %swap3A_504 : i32 to index
      %swap3A_506 = arith.constant 0 : index
      %swap3A_507 = tpu.vector_load %arg7[%swap3A_505, %swap3A_506] {strides = array<i32>} : memref<256x16xf32, #tpu.memory_space<vmem>>, vector<1x16xf32>,
      %swap3A_508 = vector.shape_cast %swap3A_507 : vector<1x16xf32> to vector<16xf32>
      %swap3A_509 = vector.shape_cast %broadcast_in_dim3A_503 : vector<16xf32> to vector<1x16xf32>
      tpu.vector_store %arg7[%swap3A_505, %swap3A_506], %swap3A_509 {strides = array<i32>} : memref<256x16xf32, #tpu.memory_space<vmem>>, vector<1x16xf32>,
      %broadcast_in_dim3A_510 = arith.constant 0.000000e+00 : f32
      %broadcast_in_dim3A_511 = vector.broadcast %broadcast_in_dim3A_510 : f32 to vector<16xf32>
      %swap3A_512 = arith.constant 29 : i32
      %swap3A_513 = arith.index_cast %swap3A_512 : i32 to index
      %swap3A_514 = arith.constant 0 : index
      %swap3A_515 = tpu.vector_load %arg7[%swap3A_513, %swap3A_514] {strides = array<i32>} : memref<256x16xf32, #tpu.memory_space<vmem>>, vector<1x16xf32>,
      %swap3A_516 = vector.shape_cast %swap3A_515 : vector<1x16xf32> to vector<16xf32>
      %swap3A_517 = vector.shape_cast %broadcast_in_dim3A_511 : vector<16xf32> to vector<1x16xf32>
      tpu.vector_store %arg7[%swap3A_513, %swap3A_514], %swap3A_517 {strides = array<i32>} : memref<256x16xf32, #tpu.memory_space<vmem>>, vector<1x16xf32>,
      %broadcast_in_dim3A_518 = arith.constant 0.000000e+00 : f32
      %broadcast_in_dim3A_519 = vector.broadcast %broadcast_in_dim3A_518 : f32 to vector<16xf32>
      %swap3A_520 = arith.constant 30 : i32
      %swap3A_521 = arith.index_cast %swap3A_520 : i32 to index
      %swap3A_522 = arith.constant 0 : index
      %swap3A_523 = tpu.vector_load %arg7[%swap3A_521, %swap3A_522] {strides = array<i32>} : memref<256x16xf32, #tpu.memory_space<vmem>>, vector<1x16xf32>,
      %swap3A_524 = vector.shape_cast %swap3A_523 : vector<1x16xf32> to vector<16xf32>
      %swap3A_525 = vector.shape_cast %broadcast_in_dim3A_519 : vector<16xf32> to vector<1x16xf32>
      tpu.vector_store %arg7[%swap3A_521, %swap3A_522], %swap3A_525 {strides = array<i32>} : memref<256x16xf32, #tpu.memory_space<vmem>>, vector<1x16xf32>,
      %broadcast_in_dim3A_526 = arith.constant 0.000000e+00 : f32
      %broadcast_in_dim3A_527 = vector.broadcast %broadcast_in_dim3A_526 : f32 to vector<16xf32>
      %swap3A_528 = arith.constant 31 : i32
      %swap3A_529 = arith.index_cast %swap3A_528 : i32 to index
      %swap3A_530 = arith.constant 0 : index
      %swap3A_531 = tpu.vector_load %arg7[%swap3A_529, %swap3A_530] {strides = array<i32>} : memref<256x16xf32, #tpu.memory_space<vmem>>, vector<1x16xf32>,
      %swap3A_532 = vector.shape_cast %swap3A_531 : vector<1x16xf32> to vector<16xf32>
      %swap3A_533 = vector.shape_cast %broadcast_in_dim3A_527 : vector<16xf32> to vector<1x16xf32>
      tpu.vector_store %arg7[%swap3A_529, %swap3A_530], %swap3A_533 {strides = array<i32>} : memref<256x16xf32, #tpu.memory_space<vmem>>, vector<1x16xf32>,
      %broadcast_in_dim3A_534 = arith.constant 0.000000e+00 : f32
      %broadcast_in_dim3A_535 = vector.broadcast %broadcast_in_dim3A_534 : f32 to vector<16xf32>
      %swap3A_536 = arith.constant 32 : i32
      %swap3A_537 = arith.index_cast %swap3A_536 : i32 to index
      %swap3A_538 = arith.constant 0 : index
      %swap3A_539 = tpu.vector_load %arg7[%swap3A_537, %swap3A_538] {strides = array<i32>} : memref<256x16xf32, #tpu.memory_space<vmem>>, vector<1x16xf32>,
      %swap3A_540 = vector.shape_cast %swap3A_539 : vector<1x16xf32> to vector<16xf32>
      %swap3A_541 = vector.shape_cast %broadcast_in_dim3A_535 : vector<16xf32> to vector<1x16xf32>
      tpu.vector_store %arg7[%swap3A_537, %swap3A_538], %swap3A_541 {strides = array<i32>} : memref<256x16xf32, #tpu.memory_space<vmem>>, vector<1x16xf32>,
      %broadcast_in_dim3A_542 = arith.constant 0.000000e+00 : f32
      %broadcast_in_dim3A_543 = vector.broadcast %broadcast_in_dim3A_542 : f32 to vector<16xf32>
      %swap3A_544 = arith.constant 33 : i32
      %swap3A_545 = arith.index_cast %swap3A_544 : i32 to index
      %swap3A_546 = arith.constant 0 : index
      %swap3A_547 = tpu.vector_load %arg7[%swap3A_545, %swap3A_546] {strides = array<i32>} : memref<256x16xf32, #tpu.memory_space<vmem>>, vector<1x16xf32>,
      %swap3A_548 = vector.shape_cast %swap3A_547 : vector<1x16xf32> to vector<16xf32>
      %swap3A_549 = vector.shape_cast %broadcast_in_dim3A_543 : vector<16xf32> to vector<1x16xf32>
      tpu.vector_store %arg7[%swap3A_545, %swap3A_546], %swap3A_549 {strides = array<i32>} : memref<256x16xf32, #tpu.memory_space<vmem>>, vector<1x16xf32>,
      %broadcast_in_dim3A_550 = arith.constant 0.000000e+00 : f32
      %broadcast_in_dim3A_551 = vector.broadcast %broadcast_in_dim3A_550 : f32 to vector<16xf32>
      %swap3A_552 = arith.constant 34 : i32
      %swap3A_553 = arith.index_cast %swap3A_552 : i32 to index
      %swap3A_554 = arith.constant 0 : index
      %swap3A_555 = tpu.vector_load %arg7[%swap3A_553, %swap3A_554] {strides = array<i32>} : memref<256x16xf32, #tpu.memory_space<vmem>>, vector<1x16xf32>,
      %swap3A_556 = vector.shape_cast %swap3A_555 : vector<1x16xf32> to vector<16xf32>
      %swap3A_557 = vector.shape_cast %broadcast_in_dim3A_551 : vector<16xf32> to vector<1x16xf32>
      tpu.vector_store %arg7[%swap3A_553, %swap3A_554], %swap3A_557 {strides = array<i32>} : memref<256x16xf32, #tpu.memory_space<vmem>>, vector<1x16xf32>,
      %broadcast_in_dim3A_558 = arith.constant 0.000000e+00 : f32
      %broadcast_in_dim3A_559 = vector.broadcast %broadcast_in_dim3A_558 : f32 to vector<16xf32>
      %swap3A_560 = arith.constant 35 : i32
      %swap3A_561 = arith.index_cast %swap3A_560 : i32 to index
      %swap3A_562 = arith.constant 0 : index
      %swap3A_563 = tpu.vector_load %arg7[%swap3A_561, %swap3A_562] {strides = array<i32>} : memref<256x16xf32, #tpu.memory_space<vmem>>, vector<1x16xf32>,
      %swap3A_564 = vector.shape_cast %swap3A_563 : vector<1x16xf32> to vector<16xf32>
      %swap3A_565 = vector.shape_cast %broadcast_in_dim3A_559 : vector<16xf32> to vector<1x16xf32>
      tpu.vector_store %arg7[%swap3A_561, %swap3A_562], %swap3A_565 {strides = array<i32>} : memref<256x16xf32, #tpu.memory_space<vmem>>, vector<1x16xf32>,
      %broadcast_in_dim3A_566 = arith.constant 0.000000e+00 : f32
      %broadcast_in_dim3A_567 = vector.broadcast %broadcast_in_dim3A_566 : f32 to vector<16xf32>
      %swap3A_568 = arith.constant 36 : i32
      %swap3A_569 = arith.index_cast %swap3A_568 : i32 to index
      %swap3A_570 = arith.constant 0 : index
      %swap3A_571 = tpu.vector_load %arg7[%swap3A_569, %swap3A_570] {strides = array<i32>} : memref<256x16xf32, #tpu.memory_space<vmem>>, vector<1x16xf32>,
      %swap3A_572 = vector.shape_cast %swap3A_571 : vector<1x16xf32> to vector<16xf32>
      %swap3A_573 = vector.shape_cast %broadcast_in_dim3A_567 : vector<16xf32> to vector<1x16xf32>
      tpu.vector_store %arg7[%swap3A_569, %swap3A_570], %swap3A_573 {strides = array<i32>} : memref<256x16xf32, #tpu.memory_space<vmem>>, vector<1x16xf32>,
      %broadcast_in_dim3A_574 = arith.constant 0.000000e+00 : f32
      %broadcast_in_dim3A_575 = vector.broadcast %broadcast_in_dim3A_574 : f32 to vector<16xf32>
      %swap3A_576 = arith.constant 37 : i32
      %swap3A_577 = arith.index_cast %swap3A_576 : i32 to index
      %swap3A_578 = arith.constant 0 : index
      %swap3A_579 = tpu.vector_load %arg7[%swap3A_577, %swap3A_578] {strides = array<i32>} : memref<256x16xf32, #tpu.memory_space<vmem>>, vector<1x16xf32>,
      %swap3A_580 = vector.shape_cast %swap3A_579 : vector<1x16xf32> to vector<16xf32>
      %swap3A_581 = vector.shape_cast %broadcast_in_dim3A_575 : vector<16xf32> to vector<1x16xf32>
      tpu.vector_store %arg7[%swap3A_577, %swap3A_578], %swap3A_581 {strides = array<i32>} : memref<256x16xf32, #tpu.memory_space<vmem>>, vector<1x16xf32>,
      %broadcast_in_dim3A_582 = arith.constant 0.000000e+00 : f32
      %broadcast_in_dim3A_583 = vector.broadcast %broadcast_in_dim3A_582 : f32 to vector<16xf32>
      %swap3A_584 = arith.constant 38 : i32
      %swap3A_585 = arith.index_cast %swap3A_584 : i32 to index
      %swap3A_586 = arith.constant 0 : index
      %swap3A_587 = tpu.vector_load %arg7[%swap3A_585, %swap3A_586] {strides = array<i32>} : memref<256x16xf32, #tpu.memory_space<vmem>>, vector<1x16xf32>,
      %swap3A_588 = vector.shape_cast %swap3A_587 : vector<1x16xf32> to vector<16xf32>
      %swap3A_589 = vector.shape_cast %broadcast_in_dim3A_583 : vector<16xf32> to vector<1x16xf32>
      tpu.vector_store %arg7[%swap3A_585, %swap3A_586], %swap3A_589 {strides = array<i32>} : memref<256x16xf32, #tpu.memory_space<vmem>>, vector<1x16xf32>,
      %broadcast_in_dim3A_590 = arith.constant 0.000000e+00 : f32
      %broadcast_in_dim3A_591 = vector.broadcast %broadcast_in_dim3A_590 : f32 to vector<16xf32>
      %swap3A_592 = arith.constant 39 : i32
      %swap3A_593 = arith.index_cast %swap3A_592 : i32 to index
      %swap3A_594 = arith.constant 0 : index
      %swap3A_595 = tpu.vector_load %arg7[%swap3A_593, %swap3A_594] {strides = array<i32>} : memref<256x16xf32, #tpu.memory_space<vmem>>, vector<1x16xf32>,
      %swap3A_596 = vector.shape_cast %swap3A_595 : vector<1x16xf32> to vector<16xf32>
      %swap3A_597 = vector.shape_cast %broadcast_in_dim3A_591 : vector<16xf32> to vector<1x16xf32>
      tpu.vector_store %arg7[%swap3A_593, %swap3A_594], %swap3A_597 {strides = array<i32>} : memref<256x16xf32, #tpu.memory_space<vmem>>, vector<1x16xf32>,
      %broadcast_in_dim3A_598 = arith.constant 0.000000e+00 : f32
      %broadcast_in_dim3A_599 = vector.broadcast %broadcast_in_dim3A_598 : f32 to vector<16xf32>
      %swap3A_600 = arith.constant 40 : i32
      %swap3A_601 = arith.index_cast %swap3A_600 : i32 to index
      %swap3A_602 = arith.constant 0 : index
      %swap3A_603 = tpu.vector_load %arg7[%swap3A_601, %swap3A_602] {strides = array<i32>} : memref<256x16xf32, #tpu.memory_space<vmem>>, vector<1x16xf32>,
      %swap3A_604 = vector.shape_cast %swap3A_603 : vector<1x16xf32> to vector<16xf32>
      %swap3A_605 = vector.shape_cast %broadcast_in_dim3A_599 : vector<16xf32> to vector<1x16xf32>
      tpu.vector_store %arg7[%swap3A_601, %swap3A_602], %swap3A_605 {strides = array<i32>} : memref<256x16xf32, #tpu.memory_space<vmem>>, vector<1x16xf32>,
      %broadcast_in_dim3A_606 = arith.constant 0.000000e+00 : f32
      %broadcast_in_dim3A_607 = vector.broadcast %broadcast_in_dim3A_606 : f32 to vector<16xf32>
      %swap3A_608 = arith.constant 41 : i32
      %swap3A_609 = arith.index_cast %swap3A_608 : i32 to index
      %swap3A_610 = arith.constant 0 : index
      %swap3A_611 = tpu.vector_load %arg7[%swap3A_609, %swap3A_610] {strides = array<i32>} : memref<256x16xf32, #tpu.memory_space<vmem>>, vector<1x16xf32>,
      %swap3A_612 = vector.shape_cast %swap3A_611 : vector<1x16xf32> to vector<16xf32>
      %swap3A_613 = vector.shape_cast %broadcast_in_dim3A_607 : vector<16xf32> to vector<1x16xf32>
      tpu.vector_store %arg7[%swap3A_609, %swap3A_610], %swap3A_613 {strides = array<i32>} : memref<256x16xf32, #tpu.memory_space<vmem>>, vector<1x16xf32>,
      %broadcast_in_dim3A_614 = arith.constant 0.000000e+00 : f32
      %broadcast_in_dim3A_615 = vector.broadcast %broadcast_in_dim3A_614 : f32 to vector<16xf32>
      %swap3A_616 = arith.constant 42 : i32
      %swap3A_617 = arith.index_cast %swap3A_616 : i32 to index
      %swap3A_618 = arith.constant 0 : index
      %swap3A_619 = tpu.vector_load %arg7[%swap3A_617, %swap3A_618] {strides = array<i32>} : memref<256x16xf32, #tpu.memory_space<vmem>>, vector<1x16xf32>,
      %swap3A_620 = vector.shape_cast %swap3A_619 : vector<1x16xf32> to vector<16xf32>
      %swap3A_621 = vector.shape_cast %broadcast_in_dim3A_615 : vector<16xf32> to vector<1x16xf32>
      tpu.vector_store %arg7[%swap3A_617, %swap3A_618], %swap3A_621 {strides = array<i32>} : memref<256x16xf32, #tpu.memory_space<vmem>>, vector<1x16xf32>,
      %broadcast_in_dim3A_622 = arith.constant 0.000000e+00 : f32
      %broadcast_in_dim3A_623 = vector.broadcast %broadcast_in_dim3A_622 : f32 to vector<16xf32>
      %swap3A_624 = arith.constant 43 : i32
      %swap3A_625 = arith.index_cast %swap3A_624 : i32 to index
      %swap3A_626 = arith.constant 0 : index
      %swap3A_627 = tpu.vector_load %arg7[%swap3A_625, %swap3A_626] {strides = array<i32>} : memref<256x16xf32, #tpu.memory_space<vmem>>, vector<1x16xf32>,
      %swap3A_628 = vector.shape_cast %swap3A_627 : vector<1x16xf32> to vector<16xf32>
      %swap3A_629 = vector.shape_cast %broadcast_in_dim3A_623 : vector<16xf32> to vector<1x16xf32>
      tpu.vector_store %arg7[%swap3A_625, %swap3A_626], %swap3A_629 {strides = array<i32>} : memref<256x16xf32, #tpu.memory_space<vmem>>, vector<1x16xf32>,
      %broadcast_in_dim3A_630 = arith.constant 0.000000e+00 : f32
      %broadcast_in_dim3A_631 = vector.broadcast %broadcast_in_dim3A_630 : f32 to vector<16xf32>
      %swap3A_632 = arith.constant 44 : i32
      %swap3A_633 = arith.index_cast %swap3A_632 : i32 to index
      %swap3A_634 = arith.constant 0 : index
      %swap3A_635 = tpu.vector_load %arg7[%swap3A_633, %swap3A_634] {strides = array<i32>} : memref<256x16xf32, #tpu.memory_space<vmem>>, vector<1x16xf32>,
      %swap3A_636 = vector.shape_cast %swap3A_635 : vector<1x16xf32> to vector<16xf32>
      %swap3A_637 = vector.shape_cast %broadcast_in_dim3A_631 : vector<16xf32> to vector<1x16xf32>
      tpu.vector_store %arg7[%swap3A_633, %swap3A_634], %swap3A_637 {strides = array<i32>} : memref<256x16xf32, #tpu.memory_space<vmem>>, vector<1x16xf32>,
      %broadcast_in_dim3A_638 = arith.constant 0.000000e+00 : f32
      %broadcast_in_dim3A_639 = vector.broadcast %broadcast_in_dim3A_638 : f32 to vector<16xf32>
      %swap3A_640 = arith.constant 45 : i32
      %swap3A_641 = arith.index_cast %swap3A_640 : i32 to index
      %swap3A_642 = arith.constant 0 : index
      %swap3A_643 = tpu.vector_load %arg7[%swap3A_641, %swap3A_642] {strides = array<i32>} : memref<256x16xf32, #tpu.memory_space<vmem>>, vector<1x16xf32>,
      %swap3A_644 = vector.shape_cast %swap3A_643 : vector<1x16xf32> to vector<16xf32>
      %swap3A_645 = vector.shape_cast %broadcast_in_dim3A_639 : vector<16xf32> to vector<1x16xf32>
      tpu.vector_store %arg7[%swap3A_641, %swap3A_642], %swap3A_645 {strides = array<i32>} : memref<256x16xf32, #tpu.memory_space<vmem>>, vector<1x16xf32>,
      %broadcast_in_dim3A_646 = arith.constant 0.000000e+00 : f32
      %broadcast_in_dim3A_647 = vector.broadcast %broadcast_in_dim3A_646 : f32 to vector<16xf32>
      %swap3A_648 = arith.constant 46 : i32
      %swap3A_649 = arith.index_cast %swap3A_648 : i32 to index
      %swap3A_650 = arith.constant 0 : index
      %swap3A_651 = tpu.vector_load %arg7[%swap3A_649, %swap3A_650] {strides = array<i32>} : memref<256x16xf32, #tpu.memory_space<vmem>>, vector<1x16xf32>,
      %swap3A_652 = vector.shape_cast %swap3A_651 : vector<1x16xf32> to vector<16xf32>
      %swap3A_653 = vector.shape_cast %broadcast_in_dim3A_647 : vector<16xf32> to vector<1x16xf32>
      tpu.vector_store %arg7[%swap3A_649, %swap3A_650], %swap3A_653 {strides = array<i32>} : memref<256x16xf32, #tpu.memory_space<vmem>>, vector<1x16xf32>,
      %broadcast_in_dim3A_654 = arith.constant 0.000000e+00 : f32
      %broadcast_in_dim3A_655 = vector.broadcast %broadcast_in_dim3A_654 : f32 to vector<16xf32>
      %swap3A_656 = arith.constant 47 : i32
      %swap3A_657 = arith.index_cast %swap3A_656 : i32 to index
      %swap3A_658 = arith.constant 0 : index
      %swap3A_659 = tpu.vector_load %arg7[%swap3A_657, %swap3A_658] {strides = array<i32>} : memref<256x16xf32, #tpu.memory_space<vmem>>, vector<1x16xf32>,
      %swap3A_660 = vector.shape_cast %swap3A_659 : vector<1x16xf32> to vector<16xf32>
      %swap3A_661 = vector.shape_cast %broadcast_in_dim3A_655 : vector<16xf32> to vector<1x16xf32>
      tpu.vector_store %arg7[%swap3A_657, %swap3A_658], %swap3A_661 {strides = array<i32>} : memref<256x16xf32, #tpu.memory_space<vmem>>, vector<1x16xf32>,
      %broadcast_in_dim3A_662 = arith.constant 0.000000e+00 : f32
      %broadcast_in_dim3A_663 = vector.broadcast %broadcast_in_dim3A_662 : f32 to vector<16xf32>
      %swap3A_664 = arith.constant 48 : i32
      %swap3A_665 = arith.index_cast %swap3A_664 : i32 to index
      %swap3A_666 = arith.constant 0 : index
      %swap3A_667 = tpu.vector_load %arg7[%swap3A_665, %swap3A_666] {strides = array<i32>} : memref<256x16xf32, #tpu.memory_space<vmem>>, vector<1x16xf32>,
      %swap3A_668 = vector.shape_cast %swap3A_667 : vector<1x16xf32> to vector<16xf32>
      %swap3A_669 = vector.shape_cast %broadcast_in_dim3A_663 : vector<16xf32> to vector<1x16xf32>
      tpu.vector_store %arg7[%swap3A_665, %swap3A_666], %swap3A_669 {strides = array<i32>} : memref<256x16xf32, #tpu.memory_space<vmem>>, vector<1x16xf32>,
      %broadcast_in_dim3A_670 = arith.constant 0.000000e+00 : f32
      %broadcast_in_dim3A_671 = vector.broadcast %broadcast_in_dim3A_670 : f32 to vector<16xf32>
      %swap3A_672 = arith.constant 49 : i32
      %swap3A_673 = arith.index_cast %swap3A_672 : i32 to index
      %swap3A_674 = arith.constant 0 : index
      %swap3A_675 = tpu.vector_load %arg7[%swap3A_673, %swap3A_674] {strides = array<i32>} : memref<256x16xf32, #tpu.memory_space<vmem>>, vector<1x16xf32>,
      %swap3A_676 = vector.shape_cast %swap3A_675 : vector<1x16xf32> to vector<16xf32>
      %swap3A_677 = vector.shape_cast %broadcast_in_dim3A_671 : vector<16xf32> to vector<1x16xf32>
      tpu.vector_store %arg7[%swap3A_673, %swap3A_674], %swap3A_677 {strides = array<i32>} : memref<256x16xf32, #tpu.memory_space<vmem>>, vector<1x16xf32>,
      %broadcast_in_dim3A_678 = arith.constant 0.000000e+00 : f32
      %broadcast_in_dim3A_679 = vector.broadcast %broadcast_in_dim3A_678 : f32 to vector<16xf32>
      %swap3A_680 = arith.constant 50 : i32
      %swap3A_681 = arith.index_cast %swap3A_680 : i32 to index
      %swap3A_682 = arith.constant 0 : index
      %swap3A_683 = tpu.vector_load %arg7[%swap3A_681, %swap3A_682] {strides = array<i32>} : memref<256x16xf32, #tpu.memory_space<vmem>>, vector<1x16xf32>,
      %swap3A_684 = vector.shape_cast %swap3A_683 : vector<1x16xf32> to vector<16xf32>
      %swap3A_685 = vector.shape_cast %broadcast_in_dim3A_679 : vector<16xf32> to vector<1x16xf32>
      tpu.vector_store %arg7[%swap3A_681, %swap3A_682], %swap3A_685 {strides = array<i32>} : memref<256x16xf32, #tpu.memory_space<vmem>>, vector<1x16xf32>,
      %broadcast_in_dim3A_686 = arith.constant 0.000000e+00 : f32
      %broadcast_in_dim3A_687 = vector.broadcast %broadcast_in_dim3A_686 : f32 to vector<16xf32>
      %swap3A_688 = arith.constant 51 : i32
      %swap3A_689 = arith.index_cast %swap3A_688 : i32 to index
      %swap3A_690 = arith.constant 0 : index
      %swap3A_691 = tpu.vector_load %arg7[%swap3A_689, %swap3A_690] {strides = array<i32>} : memref<256x16xf32, #tpu.memory_space<vmem>>, vector<1x16xf32>,
      %swap3A_692 = vector.shape_cast %swap3A_691 : vector<1x16xf32> to vector<16xf32>
      %swap3A_693 = vector.shape_cast %broadcast_in_dim3A_687 : vector<16xf32> to vector<1x16xf32>
      tpu.vector_store %arg7[%swap3A_689, %swap3A_690], %swap3A_693 {strides = array<i32>} : memref<256x16xf32, #tpu.memory_space<vmem>>, vector<1x16xf32>,
      %broadcast_in_dim3A_694 = arith.constant 0.000000e+00 : f32
      %broadcast_in_dim3A_695 = vector.broadcast %broadcast_in_dim3A_694 : f32 to vector<16xf32>
      %swap3A_696 = arith.constant 52 : i32
      %swap3A_697 = arith.index_cast %swap3A_696 : i32 to index
      %swap3A_698 = arith.constant 0 : index
      %swap3A_699 = tpu.vector_load %arg7[%swap3A_697, %swap3A_698] {strides = array<i32>} : memref<256x16xf32, #tpu.memory_space<vmem>>, vector<1x16xf32>,
      %swap3A_700 = vector.shape_cast %swap3A_699 : vector<1x16xf32> to vector<16xf32>
      %swap3A_701 = vector.shape_cast %broadcast_in_dim3A_695 : vector<16xf32> to vector<1x16xf32>
      tpu.vector_store %arg7[%swap3A_697, %swap3A_698], %swap3A_701 {strides = array<i32>} : memref<256x16xf32, #tpu.memory_space<vmem>>, vector<1x16xf32>,
      %broadcast_in_dim3A_702 = arith.constant 0.000000e+00 : f32
      %broadcast_in_dim3A_703 = vector.broadcast %broadcast_in_dim3A_702 : f32 to vector<16xf32>
      %swap3A_704 = arith.constant 53 : i32
      %swap3A_705 = arith.index_cast %swap3A_704 : i32 to index
      %swap3A_706 = arith.constant 0 : index
      %swap3A_707 = tpu.vector_load %arg7[%swap3A_705, %swap3A_706] {strides = array<i32>} : memref<256x16xf32, #tpu.memory_space<vmem>>, vector<1x16xf32>,
      %swap3A_708 = vector.shape_cast %swap3A_707 : vector<1x16xf32> to vector<16xf32>
      %swap3A_709 = vector.shape_cast %broadcast_in_dim3A_703 : vector<16xf32> to vector<1x16xf32>
      tpu.vector_store %arg7[%swap3A_705, %swap3A_706], %swap3A_709 {strides = array<i32>} : memref<256x16xf32, #tpu.memory_space<vmem>>, vector<1x16xf32>,
      %broadcast_in_dim3A_710 = arith.constant 0.000000e+00 : f32
      %broadcast_in_dim3A_711 = vector.broadcast %broadcast_in_dim3A_710 : f32 to vector<16xf32>
      %swap3A_712 = arith.constant 54 : i32
      %swap3A_713 = arith.index_cast %swap3A_712 : i32 to index
      %swap3A_714 = arith.constant 0 : index
      %swap3A_715 = tpu.vector_load %arg7[%swap3A_713, %swap3A_714] {strides = array<i32>} : memref<256x16xf32, #tpu.memory_space<vmem>>, vector<1x16xf32>,
      %swap3A_716 = vector.shape_cast %swap3A_715 : vector<1x16xf32> to vector<16xf32>
      %swap3A_717 = vector.shape_cast %broadcast_in_dim3A_711 : vector<16xf32> to vector<1x16xf32>
      tpu.vector_store %arg7[%swap3A_713, %swap3A_714], %swap3A_717 {strides = array<i32>} : memref<256x16xf32, #tpu.memory_space<vmem>>, vector<1x16xf32>,
      %broadcast_in_dim3A_718 = arith.constant 0.000000e+00 : f32
      %broadcast_in_dim3A_719 = vector.broadcast %broadcast_in_dim3A_718 : f32 to vector<16xf32>
      %swap3A_720 = arith.constant 55 : i32
      %swap3A_721 = arith.index_cast %swap3A_720 : i32 to index
      %swap3A_722 = arith.constant 0 : index
      %swap3A_723 = tpu.vector_load %arg7[%swap3A_721, %swap3A_722] {strides = array<i32>} : memref<256x16xf32, #tpu.memory_space<vmem>>, vector<1x16xf32>,
      %swap3A_724 = vector.shape_cast %swap3A_723 : vector<1x16xf32> to vector<16xf32>
      %swap3A_725 = vector.shape_cast %broadcast_in_dim3A_719 : vector<16xf32> to vector<1x16xf32>
      tpu.vector_store %arg7[%swap3A_721, %swap3A_722], %swap3A_725 {strides = array<i32>} : memref<256x16xf32, #tpu.memory_space<vmem>>, vector<1x16xf32>,
      %broadcast_in_dim3A_726 = arith.constant 0.000000e+00 : f32
      %broadcast_in_dim3A_727 = vector.broadcast %broadcast_in_dim3A_726 : f32 to vector<16xf32>
      %swap3A_728 = arith.constant 56 : i32
      %swap3A_729 = arith.index_cast %swap3A_728 : i32 to index
      %swap3A_730 = arith.constant 0 : index
      %swap3A_731 = tpu.vector_load %arg7[%swap3A_729, %swap3A_730] {strides = array<i32>} : memref<256x16xf32, #tpu.memory_space<vmem>>, vector<1x16xf32>,
      %swap3A_732 = vector.shape_cast %swap3A_731 : vector<1x16xf32> to vector<16xf32>
      %swap3A_733 = vector.shape_cast %broadcast_in_dim3A_727 : vector<16xf32> to vector<1x16xf32>
      tpu.vector_store %arg7[%swap3A_729, %swap3A_730], %swap3A_733 {strides = array<i32>} : memref<256x16xf32, #tpu.memory_space<vmem>>, vector<1x16xf32>,
      %broadcast_in_dim3A_734 = arith.constant 0.000000e+00 : f32
      %broadcast_in_dim3A_735 = vector.broadcast %broadcast_in_dim3A_734 : f32 to vector<16xf32>
      %swap3A_736 = arith.constant 57 : i32
      %swap3A_737 = arith.index_cast %swap3A_736 : i32 to index
      %swap3A_738 = arith.constant 0 : index
      %swap3A_739 = tpu.vector_load %arg7[%swap3A_737, %swap3A_738] {strides = array<i32>} : memref<256x16xf32, #tpu.memory_space<vmem>>, vector<1x16xf32>,
      %swap3A_740 = vector.shape_cast %swap3A_739 : vector<1x16xf32> to vector<16xf32>
      %swap3A_741 = vector.shape_cast %broadcast_in_dim3A_735 : vector<16xf32> to vector<1x16xf32>
      tpu.vector_store %arg7[%swap3A_737, %swap3A_738], %swap3A_741 {strides = array<i32>} : memref<256x16xf32, #tpu.memory_space<vmem>>, vector<1x16xf32>,
      %broadcast_in_dim3A_742 = arith.constant 0.000000e+00 : f32
      %broadcast_in_dim3A_743 = vector.broadcast %broadcast_in_dim3A_742 : f32 to vector<16xf32>
      %swap3A_744 = arith.constant 58 : i32
      %swap3A_745 = arith.index_cast %swap3A_744 : i32 to index
      %swap3A_746 = arith.constant 0 : index
      %swap3A_747 = tpu.vector_load %arg7[%swap3A_745, %swap3A_746] {strides = array<i32>} : memref<256x16xf32, #tpu.memory_space<vmem>>, vector<1x16xf32>,
      %swap3A_748 = vector.shape_cast %swap3A_747 : vector<1x16xf32> to vector<16xf32>
      %swap3A_749 = vector.shape_cast %broadcast_in_dim3A_743 : vector<16xf32> to vector<1x16xf32>
      tpu.vector_store %arg7[%swap3A_745, %swap3A_746], %swap3A_749 {strides = array<i32>} : memref<256x16xf32, #tpu.memory_space<vmem>>, vector<1x16xf32>,
      %broadcast_in_dim3A_750 = arith.constant 0.000000e+00 : f32
      %broadcast_in_dim3A_751 = vector.broadcast %broadcast_in_dim3A_750 : f32 to vector<16xf32>
      %swap3A_752 = arith.constant 59 : i32
      %swap3A_753 = arith.index_cast %swap3A_752 : i32 to index
      %swap3A_754 = arith.constant 0 : index
      %swap3A_755 = tpu.vector_load %arg7[%swap3A_753, %swap3A_754] {strides = array<i32>} : memref<256x16xf32, #tpu.memory_space<vmem>>, vector<1x16xf32>,
      %swap3A_756 = vector.shape_cast %swap3A_755 : vector<1x16xf32> to vector<16xf32>
      %swap3A_757 = vector.shape_cast %broadcast_in_dim3A_751 : vector<16xf32> to vector<1x16xf32>
      tpu.vector_store %arg7[%swap3A_753, %swap3A_754], %swap3A_757 {strides = array<i32>} : memref<256x16xf32, #tpu.memory_space<vmem>>, vector<1x16xf32>,
      %broadcast_in_dim3A_758 = arith.constant 0.000000e+00 : f32
      %broadcast_in_dim3A_759 = vector.broadcast %broadcast_in_dim3A_758 : f32 to vector<16xf32>
      %swap3A_760 = arith.constant 60 : i32
      %swap3A_761 = arith.index_cast %swap3A_760 : i32 to index
      %swap3A_762 = arith.constant 0 : index
      %swap3A_763 = tpu.vector_load %arg7[%swap3A_761, %swap3A_762] {strides = array<i32>} : memref<256x16xf32, #tpu.memory_space<vmem>>, vector<1x16xf32>,
      %swap3A_764 = vector.shape_cast %swap3A_763 : vector<1x16xf32> to vector<16xf32>
      %swap3A_765 = vector.shape_cast %broadcast_in_dim3A_759 : vector<16xf32> to vector<1x16xf32>
      tpu.vector_store %arg7[%swap3A_761, %swap3A_762], %swap3A_765 {strides = array<i32>} : memref<256x16xf32, #tpu.memory_space<vmem>>, vector<1x16xf32>,
      %broadcast_in_dim3A_766 = arith.constant 0.000000e+00 : f32
      %broadcast_in_dim3A_767 = vector.broadcast %broadcast_in_dim3A_766 : f32 to vector<16xf32>
      %swap3A_768 = arith.constant 61 : i32
      %swap3A_769 = arith.index_cast %swap3A_768 : i32 to index
      %swap3A_770 = arith.constant 0 : index
      %swap3A_771 = tpu.vector_load %arg7[%swap3A_769, %swap3A_770] {strides = array<i32>} : memref<256x16xf32, #tpu.memory_space<vmem>>, vector<1x16xf32>,
      %swap3A_772 = vector.shape_cast %swap3A_771 : vector<1x16xf32> to vector<16xf32>
      %swap3A_773 = vector.shape_cast %broadcast_in_dim3A_767 : vector<16xf32> to vector<1x16xf32>
      tpu.vector_store %arg7[%swap3A_769, %swap3A_770], %swap3A_773 {strides = array<i32>} : memref<256x16xf32, #tpu.memory_space<vmem>>, vector<1x16xf32>,
      %broadcast_in_dim3A_774 = arith.constant 0.000000e+00 : f32
      %broadcast_in_dim3A_775 = vector.broadcast %broadcast_in_dim3A_774 : f32 to vector<16xf32>
      %swap3A_776 = arith.constant 62 : i32
      %swap3A_777 = arith.index_cast %swap3A_776 : i32 to index
      %swap3A_778 = arith.constant 0 : index
      %swap3A_779 = tpu.vector_load %arg7[%swap3A_777, %swap3A_778] {strides = array<i32>} : memref<256x16xf32, #tpu.memory_space<vmem>>, vector<1x16xf32>,
      %swap3A_780 = vector.shape_cast %swap3A_779 : vector<1x16xf32> to vector<16xf32>
      %swap3A_781 = vector.shape_cast %broadcast_in_dim3A_775 : vector<16xf32> to vector<1x16xf32>
      tpu.vector_store %arg7[%swap3A_777, %swap3A_778], %swap3A_781 {strides = array<i32>} : memref<256x16xf32, #tpu.memory_space<vmem>>, vector<1x16xf32>,
      %broadcast_in_dim3A_782 = arith.constant 0.000000e+00 : f32
      %broadcast_in_dim3A_783 = vector.broadcast %broadcast_in_dim3A_782 : f32 to vector<16xf32>
      %swap3A_784 = arith.constant 63 : i32
      %swap3A_785 = arith.index_cast %swap3A_784 : i32 to index
      %swap3A_786 = arith.constant 0 : index
      %swap3A_787 = tpu.vector_load %arg7[%swap3A_785, %swap3A_786] {strides = array<i32>} : memref<256x16xf32, #tpu.memory_space<vmem>>, vector<1x16xf32>,
      %swap3A_788 = vector.shape_cast %swap3A_787 : vector<1x16xf32> to vector<16xf32>
      %swap3A_789 = vector.shape_cast %broadcast_in_dim3A_783 : vector<16xf32> to vector<1x16xf32>
      tpu.vector_store %arg7[%swap3A_785, %swap3A_786], %swap3A_789 {strides = array<i32>} : memref<256x16xf32, #tpu.memory_space<vmem>>, vector<1x16xf32>,
      %broadcast_in_dim3A_790 = arith.constant 0.000000e+00 : f32
      %broadcast_in_dim3A_791 = vector.broadcast %broadcast_in_dim3A_790 : f32 to vector<16xf32>
      %swap3A_792 = arith.constant 64 : i32
      %swap3A_793 = arith.index_cast %swap3A_792 : i32 to index
      %swap3A_794 = arith.constant 0 : index
      %swap3A_795 = tpu.vector_load %arg7[%swap3A_793, %swap3A_794] {strides = array<i32>} : memref<256x16xf32, #tpu.memory_space<vmem>>, vector<1x16xf32>,
      %swap3A_796 = vector.shape_cast %swap3A_795 : vector<1x16xf32> to vector<16xf32>
      %swap3A_797 = vector.shape_cast %broadcast_in_dim3A_791 : vector<16xf32> to vector<1x16xf32>
      tpu.vector_store %arg7[%swap3A_793, %swap3A_794], %swap3A_797 {strides = array<i32>} : memref<256x16xf32, #tpu.memory_space<vmem>>, vector<1x16xf32>,
      %broadcast_in_dim3A_798 = arith.constant 0.000000e+00 : f32
      %broadcast_in_dim3A_799 = vector.broadcast %broadcast_in_dim3A_798 : f32 to vector<16xf32>
      %swap3A_800 = arith.constant 65 : i32
      %swap3A_801 = arith.index_cast %swap3A_800 : i32 to index
      %swap3A_802 = arith.constant 0 : index
      %swap3A_803 = tpu.vector_load %arg7[%swap3A_801, %swap3A_802] {strides = array<i32>} : memref<256x16xf32, #tpu.memory_space<vmem>>, vector<1x16xf32>,
      %swap3A_804 = vector.shape_cast %swap3A_803 : vector<1x16xf32> to vector<16xf32>
      %swap3A_805 = vector.shape_cast %broadcast_in_dim3A_799 : vector<16xf32> to vector<1x16xf32>
      tpu.vector_store %arg7[%swap3A_801, %swap3A_802], %swap3A_805 {strides = array<i32>} : memref<256x16xf32, #tpu.memory_space<vmem>>, vector<1x16xf32>,
      %broadcast_in_dim3A_806 = arith.constant 0.000000e+00 : f32
      %broadcast_in_dim3A_807 = vector.broadcast %broadcast_in_dim3A_806 : f32 to vector<16xf32>
      %swap3A_808 = arith.constant 66 : i32
      %swap3A_809 = arith.index_cast %swap3A_808 : i32 to index
      %swap3A_810 = arith.constant 0 : index
      %swap3A_811 = tpu.vector_load %arg7[%swap3A_809, %swap3A_810] {strides = array<i32>} : memref<256x16xf32, #tpu.memory_space<vmem>>, vector<1x16xf32>,
      %swap3A_812 = vector.shape_cast %swap3A_811 : vector<1x16xf32> to vector<16xf32>
      %swap3A_813 = vector.shape_cast %broadcast_in_dim3A_807 : vector<16xf32> to vector<1x16xf32>
      tpu.vector_store %arg7[%swap3A_809, %swap3A_810], %swap3A_813 {strides = array<i32>} : memref<256x16xf32, #tpu.memory_space<vmem>>, vector<1x16xf32>,
      %broadcast_in_dim3A_814 = arith.constant 0.000000e+00 : f32
      %broadcast_in_dim3A_815 = vector.broadcast %broadcast_in_dim3A_814 : f32 to vector<16xf32>
      %swap3A_816 = arith.constant 67 : i32
      %swap3A_817 = arith.index_cast %swap3A_816 : i32 to index
      %swap3A_818 = arith.constant 0 : index
      %swap3A_819 = tpu.vector_load %arg7[%swap3A_817, %swap3A_818] {strides = array<i32>} : memref<256x16xf32, #tpu.memory_space<vmem>>, vector<1x16xf32>,
      %swap3A_820 = vector.shape_cast %swap3A_819 : vector<1x16xf32> to vector<16xf32>
      %swap3A_821 = vector.shape_cast %broadcast_in_dim3A_815 : vector<16xf32> to vector<1x16xf32>
      tpu.vector_store %arg7[%swap3A_817, %swap3A_818], %swap3A_821 {strides = array<i32>} : memref<256x16xf32, #tpu.memory_space<vmem>>, vector<1x16xf32>,
      %broadcast_in_dim3A_822 = arith.constant 0.000000e+00 : f32
      %broadcast_in_dim3A_823 = vector.broadcast %broadcast_in_dim3A_822 : f32 to vector<16xf32>
      %swap3A_824 = arith.constant 68 : i32
      %swap3A_825 = arith.index_cast %swap3A_824 : i32 to index
      %swap3A_826 = arith.constant 0 : index
      %swap3A_827 = tpu.vector_load %arg7[%swap3A_825, %swap3A_826] {strides = array<i32>} : memref<256x16xf32, #tpu.memory_space<vmem>>, vector<1x16xf32>,
      %swap3A_828 = vector.shape_cast %swap3A_827 : vector<1x16xf32> to vector<16xf32>
      %swap3A_829 = vector.shape_cast %broadcast_in_dim3A_823 : vector<16xf32> to vector<1x16xf32>
      tpu.vector_store %arg7[%swap3A_825, %swap3A_826], %swap3A_829 {strides = array<i32>} : memref<256x16xf32, #tpu.memory_space<vmem>>, vector<1x16xf32>,
      %broadcast_in_dim3A_830 = arith.constant 0.000000e+00 : f32
      %broadcast_in_dim3A_831 = vector.broadcast %broadcast_in_dim3A_830 : f32 to vector<16xf32>
      %swap3A_832 = arith.constant 69 : i32
      %swap3A_833 = arith.index_cast %swap3A_832 : i32 to index
      %swap3A_834 = arith.constant 0 : index
      %swap3A_835 = tpu.vector_load %arg7[%swap3A_833, %swap3A_834] {strides = array<i32>} : memref<256x16xf32, #tpu.memory_space<vmem>>, vector<1x16xf32>,
      %swap3A_836 = vector.shape_cast %swap3A_835 : vector<1x16xf32> to vector<16xf32>
      %swap3A_837 = vector.shape_cast %broadcast_in_dim3A_831 : vector<16xf32> to vector<1x16xf32>
      tpu.vector_store %arg7[%swap3A_833, %swap3A_834], %swap3A_837 {strides = array<i32>} : memref<256x16xf32, #tpu.memory_space<vmem>>, vector<1x16xf32>,
      %broadcast_in_dim3A_838 = arith.constant 0.000000e+00 : f32
      %broadcast_in_dim3A_839 = vector.broadcast %broadcast_in_dim3A_838 : f32 to vector<16xf32>
      %swap3A_840 = arith.constant 70 : i32
      %swap3A_841 = arith.index_cast %swap3A_840 : i32 to index
      %swap3A_842 = arith.constant 0 : index
      %swap3A_843 = tpu.vector_load %arg7[%swap3A_841, %swap3A_842] {strides = array<i32>} : memref<256x16xf32, #tpu.memory_space<vmem>>, vector<1x16xf32>,
      %swap3A_844 = vector.shape_cast %swap3A_843 : vector<1x16xf32> to vector<16xf32>
      %swap3A_845 = vector.shape_cast %broadcast_in_dim3A_839 : vector<16xf32> to vector<1x16xf32>
      tpu.vector_store %arg7[%swap3A_841, %swap3A_842], %swap3A_845 {strides = array<i32>} : memref<256x16xf32, #tpu.memory_space<vmem>>, vector<1x16xf32>,
      %broadcast_in_dim3A_846 = arith.constant 0.000000e+00 : f32
      %broadcast_in_dim3A_847 = vector.broadcast %broadcast_in_dim3A_846 : f32 to vector<16xf32>
      %swap3A_848 = arith.constant 71 : i32
      %swap3A_849 = arith.index_cast %swap3A_848 : i32 to index
      %swap3A_850 = arith.constant 0 : index
      %swap3A_851 = tpu.vector_load %arg7[%swap3A_849, %swap3A_850] {strides = array<i32>} : memref<256x16xf32, #tpu.memory_space<vmem>>, vector<1x16xf32>,
      %swap3A_852 = vector.shape_cast %swap3A_851 : vector<1x16xf32> to vector<16xf32>
      %swap3A_853 = vector.shape_cast %broadcast_in_dim3A_847 : vector<16xf32> to vector<1x16xf32>
      tpu.vector_store %arg7[%swap3A_849, %swap3A_850], %swap3A_853 {strides = array<i32>} : memref<256x16xf32, #tpu.memory_space<vmem>>, vector<1x16xf32>,
      %broadcast_in_dim3A_854 = arith.constant 0.000000e+00 : f32
      %broadcast_in_dim3A_855 = vector.broadcast %broadcast_in_dim3A_854 : f32 to vector<16xf32>
      %swap3A_856 = arith.constant 72 : i32
      %swap3A_857 = arith.index_cast %swap3A_856 : i32 to index
      %swap3A_858 = arith.constant 0 : index
      %swap3A_859 = tpu.vector_load %arg7[%swap3A_857, %swap3A_858] {strides = array<i32>} : memref<256x16xf32, #tpu.memory_space<vmem>>, vector<1x16xf32>,
      %swap3A_860 = vector.shape_cast %swap3A_859 : vector<1x16xf32> to vector<16xf32>
      %swap3A_861 = vector.shape_cast %broadcast_in_dim3A_855 : vector<16xf32> to vector<1x16xf32>
      tpu.vector_store %arg7[%swap3A_857, %swap3A_858], %swap3A_861 {strides = array<i32>} : memref<256x16xf32, #tpu.memory_space<vmem>>, vector<1x16xf32>,
      %broadcast_in_dim3A_862 = arith.constant 0.000000e+00 : f32
      %broadcast_in_dim3A_863 = vector.broadcast %broadcast_in_dim3A_862 : f32 to vector<16xf32>
      %swap3A_864 = arith.constant 73 : i32
      %swap3A_865 = arith.index_cast %swap3A_864 : i32 to index
      %swap3A_866 = arith.constant 0 : index
      %swap3A_867 = tpu.vector_load %arg7[%swap3A_865, %swap3A_866] {strides = array<i32>} : memref<256x16xf32, #tpu.memory_space<vmem>>, vector<1x16xf32>,
      %swap3A_868 = vector.shape_cast %swap3A_867 : vector<1x16xf32> to vector<16xf32>
      %swap3A_869 = vector.shape_cast %broadcast_in_dim3A_863 : vector<16xf32> to vector<1x16xf32>
      tpu.vector_store %arg7[%swap3A_865, %swap3A_866], %swap3A_869 {strides = array<i32>} : memref<256x16xf32, #tpu.memory_space<vmem>>, vector<1x16xf32>,
      %broadcast_in_dim3A_870 = arith.constant 0.000000e+00 : f32
      %broadcast_in_dim3A_871 = vector.broadcast %broadcast_in_dim3A_870 : f32 to vector<16xf32>
      %swap3A_872 = arith.constant 74 : i32
      %swap3A_873 = arith.index_cast %swap3A_872 : i32 to index
      %swap3A_874 = arith.constant 0 : index
      %swap3A_875 = tpu.vector_load %arg7[%swap3A_873, %swap3A_874] {strides = array<i32>} : memref<256x16xf32, #tpu.memory_space<vmem>>, vector<1x16xf32>,
      %swap3A_876 = vector.shape_cast %swap3A_875 : vector<1x16xf32> to vector<16xf32>
      %swap3A_877 = vector.shape_cast %broadcast_in_dim3A_871 : vector<16xf32> to vector<1x16xf32>
      tpu.vector_store %arg7[%swap3A_873, %swap3A_874], %swap3A_877 {strides = array<i32>} : memref<256x16xf32, #tpu.memory_space<vmem>>, vector<1x16xf32>,
      %broadcast_in_dim3A_878 = arith.constant 0.000000e+00 : f32
      %broadcast_in_dim3A_879 = vector.broadcast %broadcast_in_dim3A_878 : f32 to vector<16xf32>
      %swap3A_880 = arith.constant 75 : i32
      %swap3A_881 = arith.index_cast %swap3A_880 : i32 to index
      %swap3A_882 = arith.constant 0 : index
      %swap3A_883 = tpu.vector_load %arg7[%swap3A_881, %swap3A_882] {strides = array<i32>} : memref<256x16xf32, #tpu.memory_space<vmem>>, vector<1x16xf32>,
      %swap3A_884 = vector.shape_cast %swap3A_883 : vector<1x16xf32> to vector<16xf32>
      %swap3A_885 = vector.shape_cast %broadcast_in_dim3A_879 : vector<16xf32> to vector<1x16xf32>
      tpu.vector_store %arg7[%swap3A_881, %swap3A_882], %swap3A_885 {strides = array<i32>} : memref<256x16xf32, #tpu.memory_space<vmem>>, vector<1x16xf32>,
      %broadcast_in_dim3A_886 = arith.constant 0.000000e+00 : f32
      %broadcast_in_dim3A_887 = vector.broadcast %broadcast_in_dim3A_886 : f32 to vector<16xf32>
      %swap3A_888 = arith.constant 76 : i32
      %swap3A_889 = arith.index_cast %swap3A_888 : i32 to index
      %swap3A_890 = arith.constant 0 : index
      %swap3A_891 = tpu.vector_load %arg7[%swap3A_889, %swap3A_890] {strides = array<i32>} : memref<256x16xf32, #tpu.memory_space<vmem>>, vector<1x16xf32>,
      %swap3A_892 = vector.shape_cast %swap3A_891 : vector<1x16xf32> to vector<16xf32>
      %swap3A_893 = vector.shape_cast %broadcast_in_dim3A_887 : vector<16xf32> to vector<1x16xf32>
      tpu.vector_store %arg7[%swap3A_889, %swap3A_890], %swap3A_893 {strides = array<i32>} : memref<256x16xf32, #tpu.memory_space<vmem>>, vector<1x16xf32>,
      %broadcast_in_dim3A_894 = arith.constant 0.000000e+00 : f32
      %broadcast_in_dim3A_895 = vector.broadcast %broadcast_in_dim3A_894 : f32 to vector<16xf32>
      %swap3A_896 = arith.constant 77 : i32
      %swap3A_897 = arith.index_cast %swap3A_896 : i32 to index
      %swap3A_898 = arith.constant 0 : index
      %swap3A_899 = tpu.vector_load %arg7[%swap3A_897, %swap3A_898] {strides = array<i32>} : memref<256x16xf32, #tpu.memory_space<vmem>>, vector<1x16xf32>,
      %swap3A_900 = vector.shape_cast %swap3A_899 : vector<1x16xf32> to vector<16xf32>
      %swap3A_901 = vector.shape_cast %broadcast_in_dim3A_895 : vector<16xf32> to vector<1x16xf32>
      tpu.vector_store %arg7[%swap3A_897, %swap3A_898], %swap3A_901 {strides = array<i32>} : memref<256x16xf32, #tpu.memory_space<vmem>>, vector<1x16xf32>,
      %broadcast_in_dim3A_902 = arith.constant 0.000000e+00 : f32
      %broadcast_in_dim3A_903 = vector.broadcast %broadcast_in_dim3A_902 : f32 to vector<16xf32>
      %swap3A_904 = arith.constant 78 : i32
      %swap3A_905 = arith.index_cast %swap3A_904 : i32 to index
      %swap3A_906 = arith.constant 0 : index
      %swap3A_907 = tpu.vector_load %arg7[%swap3A_905, %swap3A_906] {strides = array<i32>} : memref<256x16xf32, #tpu.memory_space<vmem>>, vector<1x16xf32>,
      %swap3A_908 = vector.shape_cast %swap3A_907 : vector<1x16xf32> to vector<16xf32>
      %swap3A_909 = vector.shape_cast %broadcast_in_dim3A_903 : vector<16xf32> to vector<1x16xf32>
      tpu.vector_store %arg7[%swap3A_905, %swap3A_906], %swap3A_909 {strides = array<i32>} : memref<256x16xf32, #tpu.memory_space<vmem>>, vector<1x16xf32>,
      %broadcast_in_dim3A_910 = arith.constant 0.000000e+00 : f32
      %broadcast_in_dim3A_911 = vector.broadcast %broadcast_in_dim3A_910 : f32 to vector<16xf32>
      %swap3A_912 = arith.constant 79 : i32
      %swap3A_913 = arith.index_cast %swap3A_912 : i32 to index
      %swap3A_914 = arith.constant 0 : index
      %swap3A_915 = tpu.vector_load %arg7[%swap3A_913, %swap3A_914] {strides = array<i32>} : memref<256x16xf32, #tpu.memory_space<vmem>>, vector<1x16xf32>,
      %swap3A_916 = vector.shape_cast %swap3A_915 : vector<1x16xf32> to vector<16xf32>
      %swap3A_917 = vector.shape_cast %broadcast_in_dim3A_911 : vector<16xf32> to vector<1x16xf32>
      tpu.vector_store %arg7[%swap3A_913, %swap3A_914], %swap3A_917 {strides = array<i32>} : memref<256x16xf32, #tpu.memory_space<vmem>>, vector<1x16xf32>,
      %broadcast_in_dim3A_918 = arith.constant 0.000000e+00 : f32
      %broadcast_in_dim3A_919 = vector.broadcast %broadcast_in_dim3A_918 : f32 to vector<16xf32>
      %swap3A_920 = arith.constant 80 : i32
      %swap3A_921 = arith.index_cast %swap3A_920 : i32 to index
      %swap3A_922 = arith.constant 0 : index
      %swap3A_923 = tpu.vector_load %arg7[%swap3A_921, %swap3A_922] {strides = array<i32>} : memref<256x16xf32, #tpu.memory_space<vmem>>, vector<1x16xf32>,
      %swap3A_924 = vector.shape_cast %swap3A_923 : vector<1x16xf32> to vector<16xf32>
      %swap3A_925 = vector.shape_cast %broadcast_in_dim3A_919 : vector<16xf32> to vector<1x16xf32>
      tpu.vector_store %arg7[%swap3A_921, %swap3A_922], %swap3A_925 {strides = array<i32>} : memref<256x16xf32, #tpu.memory_space<vmem>>, vector<1x16xf32>,
      %broadcast_in_dim3A_926 = arith.constant 0.000000e+00 : f32
      %broadcast_in_dim3A_927 = vector.broadcast %broadcast_in_dim3A_926 : f32 to vector<16xf32>
      %swap3A_928 = arith.constant 81 : i32
      %swap3A_929 = arith.index_cast %swap3A_928 : i32 to index
      %swap3A_930 = arith.constant 0 : index
      %swap3A_931 = tpu.vector_load %arg7[%swap3A_929, %swap3A_930] {strides = array<i32>} : memref<256x16xf32, #tpu.memory_space<vmem>>, vector<1x16xf32>,
      %swap3A_932 = vector.shape_cast %swap3A_931 : vector<1x16xf32> to vector<16xf32>
      %swap3A_933 = vector.shape_cast %broadcast_in_dim3A_927 : vector<16xf32> to vector<1x16xf32>
      tpu.vector_store %arg7[%swap3A_929, %swap3A_930], %swap3A_933 {strides = array<i32>} : memref<256x16xf32, #tpu.memory_space<vmem>>, vector<1x16xf32>,
      %broadcast_in_dim3A_934 = arith.constant 0.000000e+00 : f32
      %broadcast_in_dim3A_935 = vector.broadcast %broadcast_in_dim3A_934 : f32 to vector<16xf32>
      %swap3A_936 = arith.constant 82 : i32
      %swap3A_937 = arith.index_cast %swap3A_936 : i32 to index
      %swap3A_938 = arith.constant 0 : index
      %swap3A_939 = tpu.vector_load %arg7[%swap3A_937, %swap3A_938] {strides = array<i32>} : memref<256x16xf32, #tpu.memory_space<vmem>>, vector<1x16xf32>,
      %swap3A_940 = vector.shape_cast %swap3A_939 : vector<1x16xf32> to vector<16xf32>
      %swap3A_941 = vector.shape_cast %broadcast_in_dim3A_935 : vector<16xf32> to vector<1x16xf32>
      tpu.vector_store %arg7[%swap3A_937, %swap3A_938], %swap3A_941 {strides = array<i32>} : memref<256x16xf32, #tpu.memory_space<vmem>>, vector<1x16xf32>,
      %broadcast_in_dim3A_942 = arith.constant 0.000000e+00 : f32
      %broadcast_in_dim3A_943 = vector.broadcast %broadcast_in_dim3A_942 : f32 to vector<16xf32>
      %swap3A_944 = arith.constant 83 : i32
      %swap3A_945 = arith.index_cast %swap3A_944 : i32 to index
      %swap3A_946 = arith.constant 0 : index
      %swap3A_947 = tpu.vector_load %arg7[%swap3A_945, %swap3A_946] {strides = array<i32>} : memref<256x16xf32, #tpu.memory_space<vmem>>, vector<1x16xf32>,
      %swap3A_948 = vector.shape_cast %swap3A_947 : vector<1x16xf32> to vector<16xf32>
      %swap3A_949 = vector.shape_cast %broadcast_in_dim3A_943 : vector<16xf32> to vector<1x16xf32>
      tpu.vector_store %arg7[%swap3A_945, %swap3A_946], %swap3A_949 {strides = array<i32>} : memref<256x16xf32, #tpu.memory_space<vmem>>, vector<1x16xf32>,
      %broadcast_in_dim3A_950 = arith.constant 0.000000e+00 : f32
      %broadcast_in_dim3A_951 = vector.broadcast %broadcast_in_dim3A_950 : f32 to vector<16xf32>
      %swap3A_952 = arith.constant 84 : i32
      %swap3A_953 = arith.index_cast %swap3A_952 : i32 to index
      %swap3A_954 = arith.constant 0 : index
      %swap3A_955 = tpu.vector_load %arg7[%swap3A_953, %swap3A_954] {strides = array<i32>} : memref<256x16xf32, #tpu.memory_space<vmem>>, vector<1x16xf32>,
      %swap3A_956 = vector.shape_cast %swap3A_955 : vector<1x16xf32> to vector<16xf32>
      %swap3A_957 = vector.shape_cast %broadcast_in_dim3A_951 : vector<16xf32> to vector<1x16xf32>
      tpu.vector_store %arg7[%swap3A_953, %swap3A_954], %swap3A_957 {strides = array<i32>} : memref<256x16xf32, #tpu.memory_space<vmem>>, vector<1x16xf32>,
      %broadcast_in_dim3A_958 = arith.constant 0.000000e+00 : f32
      %broadcast_in_dim3A_959 = vector.broadcast %broadcast_in_dim3A_958 : f32 to vector<16xf32>
      %swap3A_960 = arith.constant 85 : i32
      %swap3A_961 = arith.index_cast %swap3A_960 : i32 to index
      %swap3A_962 = arith.constant 0 : index
      %swap3A_963 = tpu.vector_load %arg7[%swap3A_961, %swap3A_962] {strides = array<i32>} : memref<256x16xf32, #tpu.memory_space<vmem>>, vector<1x16xf32>,
      %swap3A_964 = vector.shape_cast %swap3A_963 : vector<1x16xf32> to vector<16xf32>
      %swap3A_965 = vector.shape_cast %broadcast_in_dim3A_959 : vector<16xf32> to vector<1x16xf32>
      tpu.vector_store %arg7[%swap3A_961, %swap3A_962], %swap3A_965 {strides = array<i32>} : memref<256x16xf32, #tpu.memory_space<vmem>>, vector<1x16xf32>,
      %broadcast_in_dim3A_966 = arith.constant 0.000000e+00 : f32
      %broadcast_in_dim3A_967 = vector.broadcast %broadcast_in_dim3A_966 : f32 to vector<16xf32>
      %swap3A_968 = arith.constant 86 : i32
      %swap3A_969 = arith.index_cast %swap3A_968 : i32 to index
      %swap3A_970 = arith.constant 0 : index
      %swap3A_971 = tpu.vector_load %arg7[%swap3A_969, %swap3A_970] {strides = array<i32>} : memref<256x16xf32, #tpu.memory_space<vmem>>, vector<1x16xf32>,
      %swap3A_972 = vector.shape_cast %swap3A_971 : vector<1x16xf32> to vector<16xf32>
      %swap3A_973 = vector.shape_cast %broadcast_in_dim3A_967 : vector<16xf32> to vector<1x16xf32>
      tpu.vector_store %arg7[%swap3A_969, %swap3A_970], %swap3A_973 {strides = array<i32>} : memref<256x16xf32, #tpu.memory_space<vmem>>, vector<1x16xf32>,
      %broadcast_in_dim3A_974 = arith.constant 0.000000e+00 : f32
      %broadcast_in_dim3A_975 = vector.broadcast %broadcast_in_dim3A_974 : f32 to vector<16xf32>
      %swap3A_976 = arith.constant 87 : i32
      %swap3A_977 = arith.index_cast %swap3A_976 : i32 to index
      %swap3A_978 = arith.constant 0 : index
      %swap3A_979 = tpu.vector_load %arg7[%swap3A_977, %swap3A_978] {strides = array<i32>} : memref<256x16xf32, #tpu.memory_space<vmem>>, vector<1x16xf32>,
      %swap3A_980 = vector.shape_cast %swap3A_979 : vector<1x16xf32> to vector<16xf32>
      %swap3A_981 = vector.shape_cast %broadcast_in_dim3A_975 : vector<16xf32> to vector<1x16xf32>
      tpu.vector_store %arg7[%swap3A_977, %swap3A_978], %swap3A_981 {strides = array<i32>} : memref<256x16xf32, #tpu.memory_space<vmem>>, vector<1x16xf32>,
      %broadcast_in_dim3A_982 = arith.constant 0.000000e+00 : f32
      %broadcast_in_dim3A_983 = vector.broadcast %broadcast_in_dim3A_982 : f32 to vector<16xf32>
      %swap3A_984 = arith.constant 88 : i32
      %swap3A_985 = arith.index_cast %swap3A_984 : i32 to index
      %swap3A_986 = arith.constant 0 : index
      %swap3A_987 = tpu.vector_load %arg7[%swap3A_985, %swap3A_986] {strides = array<i32>} : memref<256x16xf32, #tpu.memory_space<vmem>>, vector<1x16xf32>,
      %swap3A_988 = vector.shape_cast %swap3A_987 : vector<1x16xf32> to vector<16xf32>
      %swap3A_989 = vector.shape_cast %broadcast_in_dim3A_983 : vector<16xf32> to vector<1x16xf32>
      tpu.vector_store %arg7[%swap3A_985, %swap3A_986], %swap3A_989 {strides = array<i32>} : memref<256x16xf32, #tpu.memory_space<vmem>>, vector<1x16xf32>,
      %broadcast_in_dim3A_990 = arith.constant 0.000000e+00 : f32
      %broadcast_in_dim3A_991 = vector.broadcast %broadcast_in_dim3A_990 : f32 to vector<16xf32>
      %swap3A_992 = arith.constant 89 : i32
      %swap3A_993 = arith.index_cast %swap3A_992 : i32 to index
      %swap3A_994 = arith.constant 0 : index
      %swap3A_995 = tpu.vector_load %arg7[%swap3A_993, %swap3A_994] {strides = array<i32>} : memref<256x16xf32, #tpu.memory_space<vmem>>, vector<1x16xf32>,
      %swap3A_996 = vector.shape_cast %swap3A_995 : vector<1x16xf32> to vector<16xf32>
      %swap3A_997 = vector.shape_cast %broadcast_in_dim3A_991 : vector<16xf32> to vector<1x16xf32>
      tpu.vector_store %arg7[%swap3A_993, %swap3A_994], %swap3A_997 {strides = array<i32>} : memref<256x16xf32, #tpu.memory_space<vmem>>, vector<1x16xf32>,
      %broadcast_in_dim3A_998 = arith.constant 0.000000e+00 : f32
      %broadcast_in_dim3A_999 = vector.broadcast %broadcast_in_dim3A_998 : f32 to vector<16xf32>
      %swap3A_1000 = arith.constant 90 : i32
      %swap3A_1001 = arith.index_cast %swap3A_1000 : i32 to index
      %swap3A_1002 = arith.constant 0 : index
      %swap3A_1003 = tpu.vector_load %arg7[%swap3A_1001, %swap3A_1002] {strides = array<i32>} : memref<256x16xf32, #tpu.memory_space<vmem>>, vector<1x16xf32>,
      %swap3A_1004 = vector.shape_cast %swap3A_1003 : vector<1x16xf32> to vector<16xf32>
      %swap3A_1005 = vector.shape_cast %broadcast_in_dim3A_999 : vector<16xf32> to vector<1x16xf32>
      tpu.vector_store %arg7[%swap3A_1001, %swap3A_1002], %swap3A_1005 {strides = array<i32>} : memref<256x16xf32, #tpu.memory_space<vmem>>, vector<1x16xf32>,
      %broadcast_in_dim3A_1006 = arith.constant 0.000000e+00 : f32
      %broadcast_in_dim3A_1007 = vector.broadcast %broadcast_in_dim3A_1006 : f32 to vector<16xf32>
      %swap3A_1008 = arith.constant 91 : i32
      %swap3A_1009 = arith.index_cast %swap3A_1008 : i32 to index
      %swap3A_1010 = arith.constant 0 : index
      %swap3A_1011 = tpu.vector_load %arg7[%swap3A_1009, %swap3A_1010] {strides = array<i32>} : memref<256x16xf32, #tpu.memory_space<vmem>>, vector<1x16xf32>,
      %swap3A_1012 = vector.shape_cast %swap3A_1011 : vector<1x16xf32> to vector<16xf32>
      %swap3A_1013 = vector.shape_cast %broadcast_in_dim3A_1007 : vector<16xf32> to vector<1x16xf32>
      tpu.vector_store %arg7[%swap3A_1009, %swap3A_1010], %swap3A_1013 {strides = array<i32>} : memref<256x16xf32, #tpu.memory_space<vmem>>, vector<1x16xf32>,
      %broadcast_in_dim3A_1014 = arith.constant 0.000000e+00 : f32
      %broadcast_in_dim3A_1015 = vector.broadcast %broadcast_in_dim3A_1014 : f32 to vector<16xf32>
      %swap3A_1016 = arith.constant 92 : i32
      %swap3A_1017 = arith.index_cast %swap3A_1016 : i32 to index
      %swap3A_1018 = arith.constant 0 : index
      %swap3A_1019 = tpu.vector_load %arg7[%swap3A_1017, %swap3A_1018] {strides = array<i32>} : memref<256x16xf32, #tpu.memory_space<vmem>>, vector<1x16xf32>,
      %swap3A_1020 = vector.shape_cast %swap3A_1019 : vector<1x16xf32> to vector<16xf32>
      %swap3A_1021 = vector.shape_cast %broadcast_in_dim3A_1015 : vector<16xf32> to vector<1x16xf32>
      tpu.vector_store %arg7[%swap3A_1017, %swap3A_1018], %swap3A_1021 {strides = array<i32>} : memref<256x16xf32, #tpu.memory_space<vmem>>, vector<1x16xf32>,
      %broadcast_in_dim3A_1022 = arith.constant 0.000000e+00 : f32
      %broadcast_in_dim3A_1023 = vector.broadcast %broadcast_in_dim3A_1022 : f32 to vector<16xf32>
      %swap3A_1024 = arith.constant 93 : i32
      %swap3A_1025 = arith.index_cast %swap3A_1024 : i32 to index
      %swap3A_1026 = arith.constant 0 : index
      %swap3A_1027 = tpu.vector_load %arg7[%swap3A_1025, %swap3A_1026] {strides = array<i32>} : memref<256x16xf32, #tpu.memory_space<vmem>>, vector<1x16xf32>,
      %swap3A_1028 = vector.shape_cast %swap3A_1027 : vector<1x16xf32> to vector<16xf32>
      %swap3A_1029 = vector.shape_cast %broadcast_in_dim3A_1023 : vector<16xf32> to vector<1x16xf32>
      tpu.vector_store %arg7[%swap3A_1025, %swap3A_1026], %swap3A_1029 {strides = array<i32>} : memref<256x16xf32, #tpu.memory_space<vmem>>, vector<1x16xf32>,
      %broadcast_in_dim3A_1030 = arith.constant 0.000000e+00 : f32
      %broadcast_in_dim3A_1031 = vector.broadcast %broadcast_in_dim3A_1030 : f32 to vector<16xf32>
      %swap3A_1032 = arith.constant 94 : i32
      %swap3A_1033 = arith.index_cast %swap3A_1032 : i32 to index
      %swap3A_1034 = arith.constant 0 : index
      %swap3A_1035 = tpu.vector_load %arg7[%swap3A_1033, %swap3A_1034] {strides = array<i32>} : memref<256x16xf32, #tpu.memory_space<vmem>>, vector<1x16xf32>,
      %swap3A_1036 = vector.shape_cast %swap3A_1035 : vector<1x16xf32> to vector<16xf32>
      %swap3A_1037 = vector.shape_cast %broadcast_in_dim3A_1031 : vector<16xf32> to vector<1x16xf32>
      tpu.vector_store %arg7[%swap3A_1033, %swap3A_1034], %swap3A_1037 {strides = array<i32>} : memref<256x16xf32, #tpu.memory_space<vmem>>, vector<1x16xf32>,
      %broadcast_in_dim3A_1038 = arith.constant 0.000000e+00 : f32
      %broadcast_in_dim3A_1039 = vector.broadcast %broadcast_in_dim3A_1038 : f32 to vector<16xf32>
      %swap3A_1040 = arith.constant 95 : i32
      %swap3A_1041 = arith.index_cast %swap3A_1040 : i32 to index
      %swap3A_1042 = arith.constant 0 : index
      %swap3A_1043 = tpu.vector_load %arg7[%swap3A_1041, %swap3A_1042] {strides = array<i32>} : memref<256x16xf32, #tpu.memory_space<vmem>>, vector<1x16xf32>,
      %swap3A_1044 = vector.shape_cast %swap3A_1043 : vector<1x16xf32> to vector<16xf32>
      %swap3A_1045 = vector.shape_cast %broadcast_in_dim3A_1039 : vector<16xf32> to vector<1x16xf32>
      tpu.vector_store %arg7[%swap3A_1041, %swap3A_1042], %swap3A_1045 {strides = array<i32>} : memref<256x16xf32, #tpu.memory_space<vmem>>, vector<1x16xf32>,
      %broadcast_in_dim3A_1046 = arith.constant 0.000000e+00 : f32
      %broadcast_in_dim3A_1047 = vector.broadcast %broadcast_in_dim3A_1046 : f32 to vector<16xf32>
      %swap3A_1048 = arith.constant 96 : i32
      %swap3A_1049 = arith.index_cast %swap3A_1048 : i32 to index
      %swap3A_1050 = arith.constant 0 : index
      %swap3A_1051 = tpu.vector_load %arg7[%swap3A_1049, %swap3A_1050] {strides = array<i32>} : memref<256x16xf32, #tpu.memory_space<vmem>>, vector<1x16xf32>,
      %swap3A_1052 = vector.shape_cast %swap3A_1051 : vector<1x16xf32> to vector<16xf32>
      %swap3A_1053 = vector.shape_cast %broadcast_in_dim3A_1047 : vector<16xf32> to vector<1x16xf32>
      tpu.vector_store %arg7[%swap3A_1049, %swap3A_1050], %swap3A_1053 {strides = array<i32>} : memref<256x16xf32, #tpu.memory_space<vmem>>, vector<1x16xf32>,
      %broadcast_in_dim3A_1054 = arith.constant 0.000000e+00 : f32
      %broadcast_in_dim3A_1055 = vector.broadcast %broadcast_in_dim3A_1054 : f32 to vector<16xf32>
      %swap3A_1056 = arith.constant 97 : i32
      %swap3A_1057 = arith.index_cast %swap3A_1056 : i32 to index
      %swap3A_1058 = arith.constant 0 : index
      %swap3A_1059 = tpu.vector_load %arg7[%swap3A_1057, %swap3A_1058] {strides = array<i32>} : memref<256x16xf32, #tpu.memory_space<vmem>>, vector<1x16xf32>,
      %swap3A_1060 = vector.shape_cast %swap3A_1059 : vector<1x16xf32> to vector<16xf32>
      %swap3A_1061 = vector.shape_cast %broadcast_in_dim3A_1055 : vector<16xf32> to vector<1x16xf32>
      tpu.vector_store %arg7[%swap3A_1057, %swap3A_1058], %swap3A_1061 {strides = array<i32>} : memref<256x16xf32, #tpu.memory_space<vmem>>, vector<1x16xf32>,
      %broadcast_in_dim3A_1062 = arith.constant 0.000000e+00 : f32
      %broadcast_in_dim3A_1063 = vector.broadcast %broadcast_in_dim3A_1062 : f32 to vector<16xf32>
      %swap3A_1064 = arith.constant 98 : i32
      %swap3A_1065 = arith.index_cast %swap3A_1064 : i32 to index
      %swap3A_1066 = arith.constant 0 : index
      %swap3A_1067 = tpu.vector_load %arg7[%swap3A_1065, %swap3A_1066] {strides = array<i32>} : memref<256x16xf32, #tpu.memory_space<vmem>>, vector<1x16xf32>,
      %swap3A_1068 = vector.shape_cast %swap3A_1067 : vector<1x16xf32> to vector<16xf32>
      %swap3A_1069 = vector.shape_cast %broadcast_in_dim3A_1063 : vector<16xf32> to vector<1x16xf32>
      tpu.vector_store %arg7[%swap3A_1065, %swap3A_1066], %swap3A_1069 {strides = array<i32>} : memref<256x16xf32, #tpu.memory_space<vmem>>, vector<1x16xf32>,
      %broadcast_in_dim3A_1070 = arith.constant 0.000000e+00 : f32
      %broadcast_in_dim3A_1071 = vector.broadcast %broadcast_in_dim3A_1070 : f32 to vector<16xf32>
      %swap3A_1072 = arith.constant 99 : i32
      %swap3A_1073 = arith.index_cast %swap3A_1072 : i32 to index
      %swap3A_1074 = arith.constant 0 : index
      %swap3A_1075 = tpu.vector_load %arg7[%swap3A_1073, %swap3A_1074] {strides = array<i32>} : memref<256x16xf32, #tpu.memory_space<vmem>>, vector<1x16xf32>,
      %swap3A_1076 = vector.shape_cast %swap3A_1075 : vector<1x16xf32> to vector<16xf32>
      %swap3A_1077 = vector.shape_cast %broadcast_in_dim3A_1071 : vector<16xf32> to vector<1x16xf32>
      tpu.vector_store %arg7[%swap3A_1073, %swap3A_1074], %swap3A_1077 {strides = array<i32>} : memref<256x16xf32, #tpu.memory_space<vmem>>, vector<1x16xf32>,
      %broadcast_in_dim3A_1078 = arith.constant 0.000000e+00 : f32
      %broadcast_in_dim3A_1079 = vector.broadcast %broadcast_in_dim3A_1078 : f32 to vector<16xf32>
      %swap3A_1080 = arith.constant 100 : i32
      %swap3A_1081 = arith.index_cast %swap3A_1080 : i32 to index
      %swap3A_1082 = arith.constant 0 : index
      %swap3A_1083 = tpu.vector_load %arg7[%swap3A_1081, %swap3A_1082] {strides = array<i32>} : memref<256x16xf32, #tpu.memory_space<vmem>>, vector<1x16xf32>,
      %swap3A_1084 = vector.shape_cast %swap3A_1083 : vector<1x16xf32> to vector<16xf32>
      %swap3A_1085 = vector.shape_cast %broadcast_in_dim3A_1079 : vector<16xf32> to vector<1x16xf32>
      tpu.vector_store %arg7[%swap3A_1081, %swap3A_1082], %swap3A_1085 {strides = array<i32>} : memref<256x16xf32, #tpu.memory_space<vmem>>, vector<1x16xf32>,
      %broadcast_in_dim3A_1086 = arith.constant 0.000000e+00 : f32
      %broadcast_in_dim3A_1087 = vector.broadcast %broadcast_in_dim3A_1086 : f32 to vector<16xf32>
      %swap3A_1088 = arith.constant 101 : i32
      %swap3A_1089 = arith.index_cast %swap3A_1088 : i32 to index
      %swap3A_1090 = arith.constant 0 : index
      %swap3A_1091 = tpu.vector_load %arg7[%swap3A_1089, %swap3A_1090] {strides = array<i32>} : memref<256x16xf32, #tpu.memory_space<vmem>>, vector<1x16xf32>,
      %swap3A_1092 = vector.shape_cast %swap3A_1091 : vector<1x16xf32> to vector<16xf32>
      %swap3A_1093 = vector.shape_cast %broadcast_in_dim3A_1087 : vector<16xf32> to vector<1x16xf32>
      tpu.vector_store %arg7[%swap3A_1089, %swap3A_1090], %swap3A_1093 {strides = array<i32>} : memref<256x16xf32, #tpu.memory_space<vmem>>, vector<1x16xf32>,
      %broadcast_in_dim3A_1094 = arith.constant 0.000000e+00 : f32
      %broadcast_in_dim3A_1095 = vector.broadcast %broadcast_in_dim3A_1094 : f32 to vector<16xf32>
      %swap3A_1096 = arith.constant 102 : i32
      %swap3A_1097 = arith.index_cast %swap3A_1096 : i32 to index
      %swap3A_1098 = arith.constant 0 : index
      %swap3A_1099 = tpu.vector_load %arg7[%swap3A_1097, %swap3A_1098] {strides = array<i32>} : memref<256x16xf32, #tpu.memory_space<vmem>>, vector<1x16xf32>,
      %swap3A_1100 = vector.shape_cast %swap3A_1099 : vector<1x16xf32> to vector<16xf32>
      %swap3A_1101 = vector.shape_cast %broadcast_in_dim3A_1095 : vector<16xf32> to vector<1x16xf32>
      tpu.vector_store %arg7[%swap3A_1097, %swap3A_1098], %swap3A_1101 {strides = array<i32>} : memref<256x16xf32, #tpu.memory_space<vmem>>, vector<1x16xf32>,
      %broadcast_in_dim3A_1102 = arith.constant 0.000000e+00 : f32
      %broadcast_in_dim3A_1103 = vector.broadcast %broadcast_in_dim3A_1102 : f32 to vector<16xf32>
      %swap3A_1104 = arith.constant 103 : i32
      %swap3A_1105 = arith.index_cast %swap3A_1104 : i32 to index
      %swap3A_1106 = arith.constant 0 : index
      %swap3A_1107 = tpu.vector_load %arg7[%swap3A_1105, %swap3A_1106] {strides = array<i32>} : memref<256x16xf32, #tpu.memory_space<vmem>>, vector<1x16xf32>,
      %swap3A_1108 = vector.shape_cast %swap3A_1107 : vector<1x16xf32> to vector<16xf32>
      %swap3A_1109 = vector.shape_cast %broadcast_in_dim3A_1103 : vector<16xf32> to vector<1x16xf32>
      tpu.vector_store %arg7[%swap3A_1105, %swap3A_1106], %swap3A_1109 {strides = array<i32>} : memref<256x16xf32, #tpu.memory_space<vmem>>, vector<1x16xf32>,
      %broadcast_in_dim3A_1110 = arith.constant 0.000000e+00 : f32
      %broadcast_in_dim3A_1111 = vector.broadcast %broadcast_in_dim3A_1110 : f32 to vector<16xf32>
      %swap3A_1112 = arith.constant 104 : i32
      %swap3A_1113 = arith.index_cast %swap3A_1112 : i32 to index
      %swap3A_1114 = arith.constant 0 : index
      %swap3A_1115 = tpu.vector_load %arg7[%swap3A_1113, %swap3A_1114] {strides = array<i32>} : memref<256x16xf32, #tpu.memory_space<vmem>>, vector<1x16xf32>,
      %swap3A_1116 = vector.shape_cast %swap3A_1115 : vector<1x16xf32> to vector<16xf32>
      %swap3A_1117 = vector.shape_cast %broadcast_in_dim3A_1111 : vector<16xf32> to vector<1x16xf32>
      tpu.vector_store %arg7[%swap3A_1113, %swap3A_1114], %swap3A_1117 {strides = array<i32>} : memref<256x16xf32, #tpu.memory_space<vmem>>, vector<1x16xf32>,
      %broadcast_in_dim3A_1118 = arith.constant 0.000000e+00 : f32
      %broadcast_in_dim3A_1119 = vector.broadcast %broadcast_in_dim3A_1118 : f32 to vector<16xf32>
      %swap3A_1120 = arith.constant 105 : i32
      %swap3A_1121 = arith.index_cast %swap3A_1120 : i32 to index
      %swap3A_1122 = arith.constant 0 : index
      %swap3A_1123 = tpu.vector_load %arg7[%swap3A_1121, %swap3A_1122] {strides = array<i32>} : memref<256x16xf32, #tpu.memory_space<vmem>>, vector<1x16xf32>,
      %swap3A_1124 = vector.shape_cast %swap3A_1123 : vector<1x16xf32> to vector<16xf32>
      %swap3A_1125 = vector.shape_cast %broadcast_in_dim3A_1119 : vector<16xf32> to vector<1x16xf32>
      tpu.vector_store %arg7[%swap3A_1121, %swap3A_1122], %swap3A_1125 {strides = array<i32>} : memref<256x16xf32, #tpu.memory_space<vmem>>, vector<1x16xf32>,
      %broadcast_in_dim3A_1126 = arith.constant 0.000000e+00 : f32
      %broadcast_in_dim3A_1127 = vector.broadcast %broadcast_in_dim3A_1126 : f32 to vector<16xf32>
      %swap3A_1128 = arith.constant 106 : i32
      %swap3A_1129 = arith.index_cast %swap3A_1128 : i32 to index
      %swap3A_1130 = arith.constant 0 : index
      %swap3A_1131 = tpu.vector_load %arg7[%swap3A_1129, %swap3A_1130] {strides = array<i32>} : memref<256x16xf32, #tpu.memory_space<vmem>>, vector<1x16xf32>,
      %swap3A_1132 = vector.shape_cast %swap3A_1131 : vector<1x16xf32> to vector<16xf32>
      %swap3A_1133 = vector.shape_cast %broadcast_in_dim3A_1127 : vector<16xf32> to vector<1x16xf32>
      tpu.vector_store %arg7[%swap3A_1129, %swap3A_1130], %swap3A_1133 {strides = array<i32>} : memref<256x16xf32, #tpu.memory_space<vmem>>, vector<1x16xf32>,
      %broadcast_in_dim3A_1134 = arith.constant 0.000000e+00 : f32
      %broadcast_in_dim3A_1135 = vector.broadcast %broadcast_in_dim3A_1134 : f32 to vector<16xf32>
      %swap3A_1136 = arith.constant 107 : i32
      %swap3A_1137 = arith.index_cast %swap3A_1136 : i32 to index
      %swap3A_1138 = arith.constant 0 : index
      %swap3A_1139 = tpu.vector_load %arg7[%swap3A_1137, %swap3A_1138] {strides = array<i32>} : memref<256x16xf32, #tpu.memory_space<vmem>>, vector<1x16xf32>,
      %swap3A_1140 = vector.shape_cast %swap3A_1139 : vector<1x16xf32> to vector<16xf32>
      %swap3A_1141 = vector.shape_cast %broadcast_in_dim3A_1135 : vector<16xf32> to vector<1x16xf32>
      tpu.vector_store %arg7[%swap3A_1137, %swap3A_1138], %swap3A_1141 {strides = array<i32>} : memref<256x16xf32, #tpu.memory_space<vmem>>, vector<1x16xf32>,
      %broadcast_in_dim3A_1142 = arith.constant 0.000000e+00 : f32
      %broadcast_in_dim3A_1143 = vector.broadcast %broadcast_in_dim3A_1142 : f32 to vector<16xf32>
      %swap3A_1144 = arith.constant 108 : i32
      %swap3A_1145 = arith.index_cast %swap3A_1144 : i32 to index
      %swap3A_1146 = arith.constant 0 : index
      %swap3A_1147 = tpu.vector_load %arg7[%swap3A_1145, %swap3A_1146] {strides = array<i32>} : memref<256x16xf32, #tpu.memory_space<vmem>>, vector<1x16xf32>,
      %swap3A_1148 = vector.shape_cast %swap3A_1147 : vector<1x16xf32> to vector<16xf32>
      %swap3A_1149 = vector.shape_cast %broadcast_in_dim3A_1143 : vector<16xf32> to vector<1x16xf32>
      tpu.vector_store %arg7[%swap3A_1145, %swap3A_1146], %swap3A_1149 {strides = array<i32>} : memref<256x16xf32, #tpu.memory_space<vmem>>, vector<1x16xf32>,
      %broadcast_in_dim3A_1150 = arith.constant 0.000000e+00 : f32
      %broadcast_in_dim3A_1151 = vector.broadcast %broadcast_in_dim3A_1150 : f32 to vector<16xf32>
      %swap3A_1152 = arith.constant 109 : i32
      %swap3A_1153 = arith.index_cast %swap3A_1152 : i32 to index
      %swap3A_1154 = arith.constant 0 : index
      %swap3A_1155 = tpu.vector_load %arg7[%swap3A_1153, %swap3A_1154] {strides = array<i32>} : memref<256x16xf32, #tpu.memory_space<vmem>>, vector<1x16xf32>,
      %swap3A_1156 = vector.shape_cast %swap3A_1155 : vector<1x16xf32> to vector<16xf32>
      %swap3A_1157 = vector.shape_cast %broadcast_in_dim3A_1151 : vector<16xf32> to vector<1x16xf32>
      tpu.vector_store %arg7[%swap3A_1153, %swap3A_1154], %swap3A_1157 {strides = array<i32>} : memref<256x16xf32, #tpu.memory_space<vmem>>, vector<1x16xf32>,
      %broadcast_in_dim3A_1158 = arith.constant 0.000000e+00 : f32
      %broadcast_in_dim3A_1159 = vector.broadcast %broadcast_in_dim3A_1158 : f32 to vector<16xf32>
      %swap3A_1160 = arith.constant 110 : i32
      %swap3A_1161 = arith.index_cast %swap3A_1160 : i32 to index
      %swap3A_1162 = arith.constant 0 : index
      %swap3A_1163 = tpu.vector_load %arg7[%swap3A_1161, %swap3A_1162] {strides = array<i32>} : memref<256x16xf32, #tpu.memory_space<vmem>>, vector<1x16xf32>,
      %swap3A_1164 = vector.shape_cast %swap3A_1163 : vector<1x16xf32> to vector<16xf32>
      %swap3A_1165 = vector.shape_cast %broadcast_in_dim3A_1159 : vector<16xf32> to vector<1x16xf32>
      tpu.vector_store %arg7[%swap3A_1161, %swap3A_1162], %swap3A_1165 {strides = array<i32>} : memref<256x16xf32, #tpu.memory_space<vmem>>, vector<1x16xf32>,
      %broadcast_in_dim3A_1166 = arith.constant 0.000000e+00 : f32
      %broadcast_in_dim3A_1167 = vector.broadcast %broadcast_in_dim3A_1166 : f32 to vector<16xf32>
      %swap3A_1168 = arith.constant 111 : i32
      %swap3A_1169 = arith.index_cast %swap3A_1168 : i32 to index
      %swap3A_1170 = arith.constant 0 : index
      %swap3A_1171 = tpu.vector_load %arg7[%swap3A_1169, %swap3A_1170] {strides = array<i32>} : memref<256x16xf32, #tpu.memory_space<vmem>>, vector<1x16xf32>,
      %swap3A_1172 = vector.shape_cast %swap3A_1171 : vector<1x16xf32> to vector<16xf32>
      %swap3A_1173 = vector.shape_cast %broadcast_in_dim3A_1167 : vector<16xf32> to vector<1x16xf32>
      tpu.vector_store %arg7[%swap3A_1169, %swap3A_1170], %swap3A_1173 {strides = array<i32>} : memref<256x16xf32, #tpu.memory_space<vmem>>, vector<1x16xf32>,
      %broadcast_in_dim3A_1174 = arith.constant 0.000000e+00 : f32
      %broadcast_in_dim3A_1175 = vector.broadcast %broadcast_in_dim3A_1174 : f32 to vector<16xf32>
      %swap3A_1176 = arith.constant 112 : i32
      %swap3A_1177 = arith.index_cast %swap3A_1176 : i32 to index
      %swap3A_1178 = arith.constant 0 : index
      %swap3A_1179 = tpu.vector_load %arg7[%swap3A_1177, %swap3A_1178] {strides = array<i32>} : memref<256x16xf32, #tpu.memory_space<vmem>>, vector<1x16xf32>,
      %swap3A_1180 = vector.shape_cast %swap3A_1179 : vector<1x16xf32> to vector<16xf32>
      %swap3A_1181 = vector.shape_cast %broadcast_in_dim3A_1175 : vector<16xf32> to vector<1x16xf32>
      tpu.vector_store %arg7[%swap3A_1177, %swap3A_1178], %swap3A_1181 {strides = array<i32>} : memref<256x16xf32, #tpu.memory_space<vmem>>, vector<1x16xf32>,
      %broadcast_in_dim3A_1182 = arith.constant 0.000000e+00 : f32
      %broadcast_in_dim3A_1183 = vector.broadcast %broadcast_in_dim3A_1182 : f32 to vector<16xf32>
      %swap3A_1184 = arith.constant 113 : i32
      %swap3A_1185 = arith.index_cast %swap3A_1184 : i32 to index
      %swap3A_1186 = arith.constant 0 : index
      %swap3A_1187 = tpu.vector_load %arg7[%swap3A_1185, %swap3A_1186] {strides = array<i32>} : memref<256x16xf32, #tpu.memory_space<vmem>>, vector<1x16xf32>,
      %swap3A_1188 = vector.shape_cast %swap3A_1187 : vector<1x16xf32> to vector<16xf32>
      %swap3A_1189 = vector.shape_cast %broadcast_in_dim3A_1183 : vector<16xf32> to vector<1x16xf32>
      tpu.vector_store %arg7[%swap3A_1185, %swap3A_1186], %swap3A_1189 {strides = array<i32>} : memref<256x16xf32, #tpu.memory_space<vmem>>, vector<1x16xf32>,
      %broadcast_in_dim3A_1190 = arith.constant 0.000000e+00 : f32
      %broadcast_in_dim3A_1191 = vector.broadcast %broadcast_in_dim3A_1190 : f32 to vector<16xf32>
      %swap3A_1192 = arith.constant 114 : i32
      %swap3A_1193 = arith.index_cast %swap3A_1192 : i32 to index
      %swap3A_1194 = arith.constant 0 : index
      %swap3A_1195 = tpu.vector_load %arg7[%swap3A_1193, %swap3A_1194] {strides = array<i32>} : memref<256x16xf32, #tpu.memory_space<vmem>>, vector<1x16xf32>,
      %swap3A_1196 = vector.shape_cast %swap3A_1195 : vector<1x16xf32> to vector<16xf32>
      %swap3A_1197 = vector.shape_cast %broadcast_in_dim3A_1191 : vector<16xf32> to vector<1x16xf32>
      tpu.vector_store %arg7[%swap3A_1193, %swap3A_1194], %swap3A_1197 {strides = array<i32>} : memref<256x16xf32, #tpu.memory_space<vmem>>, vector<1x16xf32>,
      %broadcast_in_dim3A_1198 = arith.constant 0.000000e+00 : f32
      %broadcast_in_dim3A_1199 = vector.broadcast %broadcast_in_dim3A_1198 : f32 to vector<16xf32>
      %swap3A_1200 = arith.constant 115 : i32
      %swap3A_1201 = arith.index_cast %swap3A_1200 : i32 to index
      %swap3A_1202 = arith.constant 0 : index
      %swap3A_1203 = tpu.vector_load %arg7[%swap3A_1201, %swap3A_1202] {strides = array<i32>} : memref<256x16xf32, #tpu.memory_space<vmem>>, vector<1x16xf32>,
      %swap3A_1204 = vector.shape_cast %swap3A_1203 : vector<1x16xf32> to vector<16xf32>
      %swap3A_1205 = vector.shape_cast %broadcast_in_dim3A_1199 : vector<16xf32> to vector<1x16xf32>
      tpu.vector_store %arg7[%swap3A_1201, %swap3A_1202], %swap3A_1205 {strides = array<i32>} : memref<256x16xf32, #tpu.memory_space<vmem>>, vector<1x16xf32>,
      %broadcast_in_dim3A_1206 = arith.constant 0.000000e+00 : f32
      %broadcast_in_dim3A_1207 = vector.broadcast %broadcast_in_dim3A_1206 : f32 to vector<16xf32>
      %swap3A_1208 = arith.constant 116 : i32
      %swap3A_1209 = arith.index_cast %swap3A_1208 : i32 to index
      %swap3A_1210 = arith.constant 0 : index
      %swap3A_1211 = tpu.vector_load %arg7[%swap3A_1209, %swap3A_1210] {strides = array<i32>} : memref<256x16xf32, #tpu.memory_space<vmem>>, vector<1x16xf32>,
      %swap3A_1212 = vector.shape_cast %swap3A_1211 : vector<1x16xf32> to vector<16xf32>
      %swap3A_1213 = vector.shape_cast %broadcast_in_dim3A_1207 : vector<16xf32> to vector<1x16xf32>
      tpu.vector_store %arg7[%swap3A_1209, %swap3A_1210], %swap3A_1213 {strides = array<i32>} : memref<256x16xf32, #tpu.memory_space<vmem>>, vector<1x16xf32>,
      %broadcast_in_dim3A_1214 = arith.constant 0.000000e+00 : f32
      %broadcast_in_dim3A_1215 = vector.broadcast %broadcast_in_dim3A_1214 : f32 to vector<16xf32>
      %swap3A_1216 = arith.constant 117 : i32
      %swap3A_1217 = arith.index_cast %swap3A_1216 : i32 to index
      %swap3A_1218 = arith.constant 0 : index
      %swap3A_1219 = tpu.vector_load %arg7[%swap3A_1217, %swap3A_1218] {strides = array<i32>} : memref<256x16xf32, #tpu.memory_space<vmem>>, vector<1x16xf32>,
      %swap3A_1220 = vector.shape_cast %swap3A_1219 : vector<1x16xf32> to vector<16xf32>
      %swap3A_1221 = vector.shape_cast %broadcast_in_dim3A_1215 : vector<16xf32> to vector<1x16xf32>
      tpu.vector_store %arg7[%swap3A_1217, %swap3A_1218], %swap3A_1221 {strides = array<i32>} : memref<256x16xf32, #tpu.memory_space<vmem>>, vector<1x16xf32>,
      %broadcast_in_dim3A_1222 = arith.constant 0.000000e+00 : f32
      %broadcast_in_dim3A_1223 = vector.broadcast %broadcast_in_dim3A_1222 : f32 to vector<16xf32>
      %swap3A_1224 = arith.constant 118 : i32
      %swap3A_1225 = arith.index_cast %swap3A_1224 : i32 to index
      %swap3A_1226 = arith.constant 0 : index
      %swap3A_1227 = tpu.vector_load %arg7[%swap3A_1225, %swap3A_1226] {strides = array<i32>} : memref<256x16xf32, #tpu.memory_space<vmem>>, vector<1x16xf32>,
      %swap3A_1228 = vector.shape_cast %swap3A_1227 : vector<1x16xf32> to vector<16xf32>
      %swap3A_1229 = vector.shape_cast %broadcast_in_dim3A_1223 : vector<16xf32> to vector<1x16xf32>
      tpu.vector_store %arg7[%swap3A_1225, %swap3A_1226], %swap3A_1229 {strides = array<i32>} : memref<256x16xf32, #tpu.memory_space<vmem>>, vector<1x16xf32>,
      %broadcast_in_dim3A_1230 = arith.constant 0.000000e+00 : f32
      %broadcast_in_dim3A_1231 = vector.broadcast %broadcast_in_dim3A_1230 : f32 to vector<16xf32>
      %swap3A_1232 = arith.constant 119 : i32
      %swap3A_1233 = arith.index_cast %swap3A_1232 : i32 to index
      %swap3A_1234 = arith.constant 0 : index
      %swap3A_1235 = tpu.vector_load %arg7[%swap3A_1233, %swap3A_1234] {strides = array<i32>} : memref<256x16xf32, #tpu.memory_space<vmem>>, vector<1x16xf32>,
      %swap3A_1236 = vector.shape_cast %swap3A_1235 : vector<1x16xf32> to vector<16xf32>
      %swap3A_1237 = vector.shape_cast %broadcast_in_dim3A_1231 : vector<16xf32> to vector<1x16xf32>
      tpu.vector_store %arg7[%swap3A_1233, %swap3A_1234], %swap3A_1237 {strides = array<i32>} : memref<256x16xf32, #tpu.memory_space<vmem>>, vector<1x16xf32>,
      %broadcast_in_dim3A_1238 = arith.constant 0.000000e+00 : f32
      %broadcast_in_dim3A_1239 = vector.broadcast %broadcast_in_dim3A_1238 : f32 to vector<16xf32>
      %swap3A_1240 = arith.constant 120 : i32
      %swap3A_1241 = arith.index_cast %swap3A_1240 : i32 to index
      %swap3A_1242 = arith.constant 0 : index
      %swap3A_1243 = tpu.vector_load %arg7[%swap3A_1241, %swap3A_1242] {strides = array<i32>} : memref<256x16xf32, #tpu.memory_space<vmem>>, vector<1x16xf32>,
      %swap3A_1244 = vector.shape_cast %swap3A_1243 : vector<1x16xf32> to vector<16xf32>
      %swap3A_1245 = vector.shape_cast %broadcast_in_dim3A_1239 : vector<16xf32> to vector<1x16xf32>
      tpu.vector_store %arg7[%swap3A_1241, %swap3A_1242], %swap3A_1245 {strides = array<i32>} : memref<256x16xf32, #tpu.memory_space<vmem>>, vector<1x16xf32>,
      %broadcast_in_dim3A_1246 = arith.constant 0.000000e+00 : f32
      %broadcast_in_dim3A_1247 = vector.broadcast %broadcast_in_dim3A_1246 : f32 to vector<16xf32>
      %swap3A_1248 = arith.constant 121 : i32
      %swap3A_1249 = arith.index_cast %swap3A_1248 : i32 to index
      %swap3A_1250 = arith.constant 0 : index
      %swap3A_1251 = tpu.vector_load %arg7[%swap3A_1249, %swap3A_1250] {strides = array<i32>} : memref<256x16xf32, #tpu.memory_space<vmem>>, vector<1x16xf32>,
      %swap3A_1252 = vector.shape_cast %swap3A_1251 : vector<1x16xf32> to vector<16xf32>
      %swap3A_1253 = vector.shape_cast %broadcast_in_dim3A_1247 : vector<16xf32> to vector<1x16xf32>
      tpu.vector_store %arg7[%swap3A_1249, %swap3A_1250], %swap3A_1253 {strides = array<i32>} : memref<256x16xf32, #tpu.memory_space<vmem>>, vector<1x16xf32>,
      %broadcast_in_dim3A_1254 = arith.constant 0.000000e+00 : f32
      %broadcast_in_dim3A_1255 = vector.broadcast %broadcast_in_dim3A_1254 : f32 to vector<16xf32>
      %swap3A_1256 = arith.constant 122 : i32
      %swap3A_1257 = arith.index_cast %swap3A_1256 : i32 to index
      %swap3A_1258 = arith.constant 0 : index
      %swap3A_1259 = tpu.vector_load %arg7[%swap3A_1257, %swap3A_1258] {strides = array<i32>} : memref<256x16xf32, #tpu.memory_space<vmem>>, vector<1x16xf32>,
      %swap3A_1260 = vector.shape_cast %swap3A_1259 : vector<1x16xf32> to vector<16xf32>
      %swap3A_1261 = vector.shape_cast %broadcast_in_dim3A_1255 : vector<16xf32> to vector<1x16xf32>
      tpu.vector_store %arg7[%swap3A_1257, %swap3A_1258], %swap3A_1261 {strides = array<i32>} : memref<256x16xf32, #tpu.memory_space<vmem>>, vector<1x16xf32>,
      %broadcast_in_dim3A_1262 = arith.constant 0.000000e+00 : f32
      %broadcast_in_dim3A_1263 = vector.broadcast %broadcast_in_dim3A_1262 : f32 to vector<16xf32>
      %swap3A_1264 = arith.constant 123 : i32
      %swap3A_1265 = arith.index_cast %swap3A_1264 : i32 to index
      %swap3A_1266 = arith.constant 0 : index
      %swap3A_1267 = tpu.vector_load %arg7[%swap3A_1265, %swap3A_1266] {strides = array<i32>} : memref<256x16xf32, #tpu.memory_space<vmem>>, vector<1x16xf32>,
      %swap3A_1268 = vector.shape_cast %swap3A_1267 : vector<1x16xf32> to vector<16xf32>
      %swap3A_1269 = vector.shape_cast %broadcast_in_dim3A_1263 : vector<16xf32> to vector<1x16xf32>
      tpu.vector_store %arg7[%swap3A_1265, %swap3A_1266], %swap3A_1269 {strides = array<i32>} : memref<256x16xf32, #tpu.memory_space<vmem>>, vector<1x16xf32>,
      %broadcast_in_dim3A_1270 = arith.constant 0.000000e+00 : f32
      %broadcast_in_dim3A_1271 = vector.broadcast %broadcast_in_dim3A_1270 : f32 to vector<16xf32>
      %swap3A_1272 = arith.constant 124 : i32
      %swap3A_1273 = arith.index_cast %swap3A_1272 : i32 to index
      %swap3A_1274 = arith.constant 0 : index
      %swap3A_1275 = tpu.vector_load %arg7[%swap3A_1273, %swap3A_1274] {strides = array<i32>} : memref<256x16xf32, #tpu.memory_space<vmem>>, vector<1x16xf32>,
      %swap3A_1276 = vector.shape_cast %swap3A_1275 : vector<1x16xf32> to vector<16xf32>
      %swap3A_1277 = vector.shape_cast %broadcast_in_dim3A_1271 : vector<16xf32> to vector<1x16xf32>
      tpu.vector_store %arg7[%swap3A_1273, %swap3A_1274], %swap3A_1277 {strides = array<i32>} : memref<256x16xf32, #tpu.memory_space<vmem>>, vector<1x16xf32>,
      %broadcast_in_dim3A_1278 = arith.constant 0.000000e+00 : f32
      %broadcast_in_dim3A_1279 = vector.broadcast %broadcast_in_dim3A_1278 : f32 to vector<16xf32>
      %swap3A_1280 = arith.constant 125 : i32
      %swap3A_1281 = arith.index_cast %swap3A_1280 : i32 to index
      %swap3A_1282 = arith.constant 0 : index
      %swap3A_1283 = tpu.vector_load %arg7[%swap3A_1281, %swap3A_1282] {strides = array<i32>} : memref<256x16xf32, #tpu.memory_space<vmem>>, vector<1x16xf32>,
      %swap3A_1284 = vector.shape_cast %swap3A_1283 : vector<1x16xf32> to vector<16xf32>
      %swap3A_1285 = vector.shape_cast %broadcast_in_dim3A_1279 : vector<16xf32> to vector<1x16xf32>
      tpu.vector_store %arg7[%swap3A_1281, %swap3A_1282], %swap3A_1285 {strides = array<i32>} : memref<256x16xf32, #tpu.memory_space<vmem>>, vector<1x16xf32>,
      %broadcast_in_dim3A_1286 = arith.constant 0.000000e+00 : f32
      %broadcast_in_dim3A_1287 = vector.broadcast %broadcast_in_dim3A_1286 : f32 to vector<16xf32>
      %swap3A_1288 = arith.constant 126 : i32
      %swap3A_1289 = arith.index_cast %swap3A_1288 : i32 to index
      %swap3A_1290 = arith.constant 0 : index
      %swap3A_1291 = tpu.vector_load %arg7[%swap3A_1289, %swap3A_1290] {strides = array<i32>} : memref<256x16xf32, #tpu.memory_space<vmem>>, vector<1x16xf32>,
      %swap3A_1292 = vector.shape_cast %swap3A_1291 : vector<1x16xf32> to vector<16xf32>
      %swap3A_1293 = vector.shape_cast %broadcast_in_dim3A_1287 : vector<16xf32> to vector<1x16xf32>
      tpu.vector_store %arg7[%swap3A_1289, %swap3A_1290], %swap3A_1293 {strides = array<i32>} : memref<256x16xf32, #tpu.memory_space<vmem>>, vector<1x16xf32>,
      %broadcast_in_dim3A_1294 = arith.constant 0.000000e+00 : f32
      %broadcast_in_dim3A_1295 = vector.broadcast %broadcast_in_dim3A_1294 : f32 to vector<16xf32>
      %swap3A_1296 = arith.constant 127 : i32
      %swap3A_1297 = arith.index_cast %swap3A_1296 : i32 to index
      %swap3A_1298 = arith.constant 0 : index
      %swap3A_1299 = tpu.vector_load %arg7[%swap3A_1297, %swap3A_1298] {strides = array<i32>} : memref<256x16xf32, #tpu.memory_space<vmem>>, vector<1x16xf32>,
      %swap3A_1300 = vector.shape_cast %swap3A_1299 : vector<1x16xf32> to vector<16xf32>
      %swap3A_1301 = vector.shape_cast %broadcast_in_dim3A_1295 : vector<16xf32> to vector<1x16xf32>
      tpu.vector_store %arg7[%swap3A_1297, %swap3A_1298], %swap3A_1301 {strides = array<i32>} : memref<256x16xf32, #tpu.memory_space<vmem>>, vector<1x16xf32>,
      %mul3A_1302 = arith.constant 640 : i32
      %mul3A_1303 = arith.muli %arg1, %mul3A_1302 : i32
      %add3A_1304 = arith.constant 0 : i32
      %add3A_1305 = arith.addi %mul3A_1303, %add3A_1304 : i32
      "tpu.region"() ({
        %run_scoped3A_1322 = tpu.sem_alloc : memref<!tpu.dma_semaphore, #tpu.memory_space<semaphore_mem>>
        %dma_start3A_1323 = arith.constant 0 : i32
        %dma_start3A_1324 = arith.constant 0 : i32
        %dma_start3A_1325 = tpu.memref_slice %arg7[%dma_start3A_1323, %dma_start3A_1324] : memref<256x16xf32, #tpu.memory_space<vmem>> -> memref<128x16xf32, #tpu.memory_space<vmem>>
        %dma_start3A_1326 = arith.constant 0 : i32
        %dma_start3A_1327 = tpu.memref_slice %arg20[%add3A_1305, %dma_start3A_1326] : memref<10240x16xf32, #tpu.memory_space<vmem_shared>> -> memref<128x16xf32, #tpu.memory_space<vmem_shared>>
        %dma_start3A_1328 = arith.constant 0 : i32
        %dma_start3A_1329 = tpu.memref_slice %arg20[%add3A_1305, %dma_start3A_1328] : memref<10240x16xf32, #tpu.memory_space<vmem_shared>> -> memref<128x16xf32, #tpu.memory_space<vmem_shared>>
        %dma_start3A_1330 = arith.constant 0 : i32
        %dma_start3A_1331 = arith.constant 0 : i32
        %dma_start3A_1332 = tpu.memref_slice %arg7[%dma_start3A_1330, %dma_start3A_1331] : memref<256x16xf32, #tpu.memory_space<vmem>> -> memref<128x16xf32, #tpu.memory_space<vmem>>
        tpu.enqueue_dma source(%dma_start3A_1332 : memref<128x16xf32, #tpu.memory_space<vmem>>) target(%dma_start3A_1329 : memref<128x16xf32, #tpu.memory_space<vmem_shared>>) target_semaphore(%run_scoped3A_1322 : memref<!tpu.dma_semaphore, #tpu.memory_space<semaphore_mem>>)
        %dma_wait3A_1333 = arith.constant 0 : i32
        %dma_wait3A_1334 = arith.constant 0 : i32
        %dma_wait3A_1335 = tpu.memref_slice %arg7[%dma_wait3A_1333, %dma_wait3A_1334] : memref<256x16xf32, #tpu.memory_space<vmem>> -> memref<128x16xf32, #tpu.memory_space<vmem>>
        %dma_wait3A_1336 = arith.constant 0 : i32
        %dma_wait3A_1337 = tpu.memref_slice %arg20[%add3A_1305, %dma_wait3A_1336] : memref<10240x16xf32, #tpu.memory_space<vmem_shared>> -> memref<128x16xf32, #tpu.memory_space<vmem_shared>>
        %dma_wait3A_1338 = arith.constant 0 : i32
        %dma_wait3A_1339 = tpu.memref_slice %arg20[%add3A_1305, %dma_wait3A_1338] : memref<10240x16xf32, #tpu.memory_space<vmem_shared>> -> memref<128x16xf32, #tpu.memory_space<vmem_shared>>
        %dma_wait3A_1340 = arith.constant 0 : i32
        %dma_wait3A_1341 = arith.constant 0 : i32
        %dma_wait3A_1342 = tpu.memref_slice %arg7[%dma_wait3A_1340, %dma_wait3A_1341] : memref<256x16xf32, #tpu.memory_space<vmem>> -> memref<128x16xf32, #tpu.memory_space<vmem>>
        tpu.wait_dma2 semaphore(%run_scoped3A_1322 : memref<!tpu.dma_semaphore, #tpu.memory_space<semaphore_mem>>) src(%dma_wait3A_1342 : memref<128x16xf32, #tpu.memory_space<vmem>>) dst(%dma_wait3A_1339 : memref<128x16xf32, #tpu.memory_space<vmem_shared>>)
        tpu.yield
      }) : () -> ()
      %mul3A_1306 = arith.constant 640 : i32
      %mul3A_1307 = arith.muli %arg1, %mul3A_1306 : i32
      %add3A_1308 = arith.constant 128 : i32
      %add3A_1309 = arith.addi %mul3A_1307, %add3A_1308 : i32
      "tpu.region"() ({
        %run_scoped3A_1322 = tpu.sem_alloc : memref<!tpu.dma_semaphore, #tpu.memory_space<semaphore_mem>>
        %dma_start3A_1323 = arith.constant 0 : i32
        %dma_start3A_1324 = arith.constant 0 : i32
        %dma_start3A_1325 = tpu.memref_slice %arg7[%dma_start3A_1323, %dma_start3A_1324] : memref<256x16xf32, #tpu.memory_space<vmem>> -> memref<128x16xf32, #tpu.memory_space<vmem>>
        %dma_start3A_1326 = arith.constant 0 : i32
        %dma_start3A_1327 = tpu.memref_slice %arg20[%add3A_1309, %dma_start3A_1326] : memref<10240x16xf32, #tpu.memory_space<vmem_shared>> -> memref<128x16xf32, #tpu.memory_space<vmem_shared>>
        %dma_start3A_1328 = arith.constant 0 : i32
        %dma_start3A_1329 = tpu.memref_slice %arg20[%add3A_1309, %dma_start3A_1328] : memref<10240x16xf32, #tpu.memory_space<vmem_shared>> -> memref<128x16xf32, #tpu.memory_space<vmem_shared>>
        %dma_start3A_1330 = arith.constant 0 : i32
        %dma_start3A_1331 = arith.constant 0 : i32
        %dma_start3A_1332 = tpu.memref_slice %arg7[%dma_start3A_1330, %dma_start3A_1331] : memref<256x16xf32, #tpu.memory_space<vmem>> -> memref<128x16xf32, #tpu.memory_space<vmem>>
        tpu.enqueue_dma source(%dma_start3A_1332 : memref<128x16xf32, #tpu.memory_space<vmem>>) target(%dma_start3A_1329 : memref<128x16xf32, #tpu.memory_space<vmem_shared>>) target_semaphore(%run_scoped3A_1322 : memref<!tpu.dma_semaphore, #tpu.memory_space<semaphore_mem>>)
        %dma_wait3A_1333 = arith.constant 0 : i32
        %dma_wait3A_1334 = arith.constant 0 : i32
        %dma_wait3A_1335 = tpu.memref_slice %arg7[%dma_wait3A_1333, %dma_wait3A_1334] : memref<256x16xf32, #tpu.memory_space<vmem>> -> memref<128x16xf32, #tpu.memory_space<vmem>>
        %dma_wait3A_1336 = arith.constant 0 : i32
        %dma_wait3A_1337 = tpu.memref_slice %arg20[%add3A_1309, %dma_wait3A_1336] : memref<10240x16xf32, #tpu.memory_space<vmem_shared>> -> memref<128x16xf32, #tpu.memory_space<vmem_shared>>
        %dma_wait3A_1338 = arith.constant 0 : i32
        %dma_wait3A_1339 = tpu.memref_slice %arg20[%add3A_1309, %dma_wait3A_1338] : memref<10240x16xf32, #tpu.memory_space<vmem_shared>> -> memref<128x16xf32, #tpu.memory_space<vmem_shared>>
        %dma_wait3A_1340 = arith.constant 0 : i32
        %dma_wait3A_1341 = arith.constant 0 : i32
        %dma_wait3A_1342 = tpu.memref_slice %arg7[%dma_wait3A_1340, %dma_wait3A_1341] : memref<256x16xf32, #tpu.memory_space<vmem>> -> memref<128x16xf32, #tpu.memory_space<vmem>>
        tpu.wait_dma2 semaphore(%run_scoped3A_1322 : memref<!tpu.dma_semaphore, #tpu.memory_space<semaphore_mem>>) src(%dma_wait3A_1342 : memref<128x16xf32, #tpu.memory_space<vmem>>) dst(%dma_wait3A_1339 : memref<128x16xf32, #tpu.memory_space<vmem_shared>>)
        tpu.yield
      }) : () -> ()
      %mul3A_1310 = arith.constant 640 : i32
      %mul3A_1311 = arith.muli %arg1, %mul3A_1310 : i32
      %add3A_1312 = arith.constant 256 : i32
      %add3A_1313 = arith.addi %mul3A_1311, %add3A_1312 : i32
      "tpu.region"() ({
        %run_scoped3A_1322 = tpu.sem_alloc : memref<!tpu.dma_semaphore, #tpu.memory_space<semaphore_mem>>
        %dma_start3A_1323 = arith.constant 0 : i32
        %dma_start3A_1324 = arith.constant 0 : i32
        %dma_start3A_1325 = tpu.memref_slice %arg7[%dma_start3A_1323, %dma_start3A_1324] : memref<256x16xf32, #tpu.memory_space<vmem>> -> memref<128x16xf32, #tpu.memory_space<vmem>>
        %dma_start3A_1326 = arith.constant 0 : i32
        %dma_start3A_1327 = tpu.memref_slice %arg20[%add3A_1313, %dma_start3A_1326] : memref<10240x16xf32, #tpu.memory_space<vmem_shared>> -> memref<128x16xf32, #tpu.memory_space<vmem_shared>>
        %dma_start3A_1328 = arith.constant 0 : i32
        %dma_start3A_1329 = tpu.memref_slice %arg20[%add3A_1313, %dma_start3A_1328] : memref<10240x16xf32, #tpu.memory_space<vmem_shared>> -> memref<128x16xf32, #tpu.memory_space<vmem_shared>>
        %dma_start3A_1330 = arith.constant 0 : i32
        %dma_start3A_1331 = arith.constant 0 : i32
        %dma_start3A_1332 = tpu.memref_slice %arg7[%dma_start3A_1330, %dma_start3A_1331] : memref<256x16xf32, #tpu.memory_space<vmem>> -> memref<128x16xf32, #tpu.memory_space<vmem>>
        tpu.enqueue_dma source(%dma_start3A_1332 : memref<128x16xf32, #tpu.memory_space<vmem>>) target(%dma_start3A_1329 : memref<128x16xf32, #tpu.memory_space<vmem_shared>>) target_semaphore(%run_scoped3A_1322 : memref<!tpu.dma_semaphore, #tpu.memory_space<semaphore_mem>>)
        %dma_wait3A_1333 = arith.constant 0 : i32
        %dma_wait3A_1334 = arith.constant 0 : i32
        %dma_wait3A_1335 = tpu.memref_slice %arg7[%dma_wait3A_1333, %dma_wait3A_1334] : memref<256x16xf32, #tpu.memory_space<vmem>> -> memref<128x16xf32, #tpu.memory_space<vmem>>
        %dma_wait3A_1336 = arith.constant 0 : i32
        %dma_wait3A_1337 = tpu.memref_slice %arg20[%add3A_1313, %dma_wait3A_1336] : memref<10240x16xf32, #tpu.memory_space<vmem_shared>> -> memref<128x16xf32, #tpu.memory_space<vmem_shared>>
        %dma_wait3A_1338 = arith.constant 0 : i32
        %dma_wait3A_1339 = tpu.memref_slice %arg20[%add3A_1313, %dma_wait3A_1338] : memref<10240x16xf32, #tpu.memory_space<vmem_shared>> -> memref<128x16xf32, #tpu.memory_space<vmem_shared>>
        %dma_wait3A_1340 = arith.constant 0 : i32
        %dma_wait3A_1341 = arith.constant 0 : i32
        %dma_wait3A_1342 = tpu.memref_slice %arg7[%dma_wait3A_1340, %dma_wait3A_1341] : memref<256x16xf32, #tpu.memory_space<vmem>> -> memref<128x16xf32, #tpu.memory_space<vmem>>
        tpu.wait_dma2 semaphore(%run_scoped3A_1322 : memref<!tpu.dma_semaphore, #tpu.memory_space<semaphore_mem>>) src(%dma_wait3A_1342 : memref<128x16xf32, #tpu.memory_space<vmem>>) dst(%dma_wait3A_1339 : memref<128x16xf32, #tpu.memory_space<vmem_shared>>)
        tpu.yield
      }) : () -> ()
      %mul3A_1314 = arith.constant 640 : i32
      %mul3A_1315 = arith.muli %arg1, %mul3A_1314 : i32
      %add3A_1316 = arith.constant 384 : i32
      %add3A_1317 = arith.addi %mul3A_1315, %add3A_1316 : i32
      "tpu.region"() ({
        %run_scoped3A_1322 = tpu.sem_alloc : memref<!tpu.dma_semaphore, #tpu.memory_space<semaphore_mem>>
        %dma_start3A_1323 = arith.constant 0 : i32
        %dma_start3A_1324 = arith.constant 0 : i32
        %dma_start3A_1325 = tpu.memref_slice %arg7[%dma_start3A_1323, %dma_start3A_1324] : memref<256x16xf32, #tpu.memory_space<vmem>> -> memref<128x16xf32, #tpu.memory_space<vmem>>
        %dma_start3A_1326 = arith.constant 0 : i32
        %dma_start3A_1327 = tpu.memref_slice %arg20[%add3A_1317, %dma_start3A_1326] : memref<10240x16xf32, #tpu.memory_space<vmem_shared>> -> memref<128x16xf32, #tpu.memory_space<vmem_shared>>
        %dma_start3A_1328 = arith.constant 0 : i32
        %dma_start3A_1329 = tpu.memref_slice %arg20[%add3A_1317, %dma_start3A_1328] : memref<10240x16xf32, #tpu.memory_space<vmem_shared>> -> memref<128x16xf32, #tpu.memory_space<vmem_shared>>
        %dma_start3A_1330 = arith.constant 0 : i32
        %dma_start3A_1331 = arith.constant 0 : i32
        %dma_start3A_1332 = tpu.memref_slice %arg7[%dma_start3A_1330, %dma_start3A_1331] : memref<256x16xf32, #tpu.memory_space<vmem>> -> memref<128x16xf32, #tpu.memory_space<vmem>>
        tpu.enqueue_dma source(%dma_start3A_1332 : memref<128x16xf32, #tpu.memory_space<vmem>>) target(%dma_start3A_1329 : memref<128x16xf32, #tpu.memory_space<vmem_shared>>) target_semaphore(%run_scoped3A_1322 : memref<!tpu.dma_semaphore, #tpu.memory_space<semaphore_mem>>)
        %dma_wait3A_1333 = arith.constant 0 : i32
        %dma_wait3A_1334 = arith.constant 0 : i32
        %dma_wait3A_1335 = tpu.memref_slice %arg7[%dma_wait3A_1333, %dma_wait3A_1334] : memref<256x16xf32, #tpu.memory_space<vmem>> -> memref<128x16xf32, #tpu.memory_space<vmem>>
        %dma_wait3A_1336 = arith.constant 0 : i32
        %dma_wait3A_1337 = tpu.memref_slice %arg20[%add3A_1317, %dma_wait3A_1336] : memref<10240x16xf32, #tpu.memory_space<vmem_shared>> -> memref<128x16xf32, #tpu.memory_space<vmem_shared>>
        %dma_wait3A_1338 = arith.constant 0 : i32
        %dma_wait3A_1339 = tpu.memref_slice %arg20[%add3A_1317, %dma_wait3A_1338] : memref<10240x16xf32, #tpu.memory_space<vmem_shared>> -> memref<128x16xf32, #tpu.memory_space<vmem_shared>>
        %dma_wait3A_1340 = arith.constant 0 : i32
        %dma_wait3A_1341 = arith.constant 0 : i32
        %dma_wait3A_1342 = tpu.memref_slice %arg7[%dma_wait3A_1340, %dma_wait3A_1341] : memref<256x16xf32, #tpu.memory_space<vmem>> -> memref<128x16xf32, #tpu.memory_space<vmem>>
        tpu.wait_dma2 semaphore(%run_scoped3A_1322 : memref<!tpu.dma_semaphore, #tpu.memory_space<semaphore_mem>>) src(%dma_wait3A_1342 : memref<128x16xf32, #tpu.memory_space<vmem>>) dst(%dma_wait3A_1339 : memref<128x16xf32, #tpu.memory_space<vmem_shared>>)
        tpu.yield
      }) : () -> ()
      %mul3A_1318 = arith.constant 640 : i32
      %mul3A_1319 = arith.muli %arg1, %mul3A_1318 : i32
      %add3A_1320 = arith.constant 512 : i32
      %add3A_1321 = arith.addi %mul3A_1319, %add3A_1320 : i32
      "tpu.region"() ({
        %run_scoped3A_1322 = tpu.sem_alloc : memref<!tpu.dma_semaphore, #tpu.memory_space<semaphore_mem>>
        %dma_start3A_1323 = arith.constant 0 : i32
        %dma_start3A_1324 = arith.constant 0 : i32
        %dma_start3A_1325 = tpu.memref_slice %arg7[%dma_start3A_1323, %dma_start3A_1324] : memref<256x16xf32, #tpu.memory_space<vmem>> -> memref<128x16xf32, #tpu.memory_space<vmem>>
        %dma_start3A_1326 = arith.constant 0 : i32
        %dma_start3A_1327 = tpu.memref_slice %arg20[%add3A_1321, %dma_start3A_1326] : memref<10240x16xf32, #tpu.memory_space<vmem_shared>> -> memref<128x16xf32, #tpu.memory_space<vmem_shared>>
        %dma_start3A_1328 = arith.constant 0 : i32
        %dma_start3A_1329 = tpu.memref_slice %arg20[%add3A_1321, %dma_start3A_1328] : memref<10240x16xf32, #tpu.memory_space<vmem_shared>> -> memref<128x16xf32, #tpu.memory_space<vmem_shared>>
        %dma_start3A_1330 = arith.constant 0 : i32
        %dma_start3A_1331 = arith.constant 0 : i32
        %dma_start3A_1332 = tpu.memref_slice %arg7[%dma_start3A_1330, %dma_start3A_1331] : memref<256x16xf32, #tpu.memory_space<vmem>> -> memref<128x16xf32, #tpu.memory_space<vmem>>
        tpu.enqueue_dma source(%dma_start3A_1332 : memref<128x16xf32, #tpu.memory_space<vmem>>) target(%dma_start3A_1329 : memref<128x16xf32, #tpu.memory_space<vmem_shared>>) target_semaphore(%run_scoped3A_1322 : memref<!tpu.dma_semaphore, #tpu.memory_space<semaphore_mem>>)
        %dma_wait3A_1333 = arith.constant 0 : i32
        %dma_wait3A_1334 = arith.constant 0 : i32
        %dma_wait3A_1335 = tpu.memref_slice %arg7[%dma_wait3A_1333, %dma_wait3A_1334] : memref<256x16xf32, #tpu.memory_space<vmem>> -> memref<128x16xf32, #tpu.memory_space<vmem>>
        %dma_wait3A_1336 = arith.constant 0 : i32
        %dma_wait3A_1337 = tpu.memref_slice %arg20[%add3A_1321, %dma_wait3A_1336] : memref<10240x16xf32, #tpu.memory_space<vmem_shared>> -> memref<128x16xf32, #tpu.memory_space<vmem_shared>>
        %dma_wait3A_1338 = arith.constant 0 : i32
        %dma_wait3A_1339 = tpu.memref_slice %arg20[%add3A_1321, %dma_wait3A_1338] : memref<10240x16xf32, #tpu.memory_space<vmem_shared>> -> memref<128x16xf32, #tpu.memory_space<vmem_shared>>
        %dma_wait3A_1340 = arith.constant 0 : i32
        %dma_wait3A_1341 = arith.constant 0 : i32
        %dma_wait3A_1342 = tpu.memref_slice %arg7[%dma_wait3A_1340, %dma_wait3A_1341] : memref<256x16xf32, #tpu.memory_space<vmem>> -> memref<128x16xf32, #tpu.memory_space<vmem>>
        tpu.wait_dma2 semaphore(%run_scoped3A_1322 : memref<!tpu.dma_semaphore, #tpu.memory_space<semaphore_mem>>) src(%dma_wait3A_1342 : memref<128x16xf32, #tpu.memory_space<vmem>>) dst(%dma_wait3A_1339 : memref<128x16xf32, #tpu.memory_space<vmem_shared>>)
        tpu.yield
      }) : () -> ()
    } else {
    }
    %barrier3A = arith.constant 0 : index
    tpu.barrier barrier_id(%barrier3A)
    %run_scoped3A = arith.constant 0 : i32
    "tpu.region"() ({
      %run_scoped3A_278 = tpu.sem_alloc : memref<!tpu.dma_semaphore, #tpu.memory_space<semaphore_mem>>
      %dma_start3A_279 = arith.constant 0 : i32
      %dma_start3A_280 = tpu.memref_slice %arg5[%dma_start3A_279] : memref<10240xi32, #tpu.memory_space<vmem>> -> memref<10000xi32, #tpu.memory_space<vmem>>
      %dma_start3A_281 = arith.constant 0 : i32
      %dma_start3A_282 = tpu.memref_slice %arg2[%run_scoped3A, %add3A, %dma_start3A_281] : memref<2x32x10000xi32, #tpu.memory_space<hbm>> -> memref<1x1x10000xi32, #tpu.memory_space<hbm>>
      %dma_start3A_283 = tpu.memref_squeeze %dma_start3A_282 : memref<1x1x10000xi32, #tpu.memory_space<hbm>> -> memref<10000xi32, #tpu.memory_space<hbm>>
      %dma_start3A_284 = arith.constant 0 : i32
      %dma_start3A_285 = tpu.memref_slice %arg5[%dma_start3A_284] : memref<10240xi32, #tpu.memory_space<vmem>> -> memref<10000xi32, #tpu.memory_space<vmem>>
      %dma_start3A_286 = arith.constant 0 : i32
      %dma_start3A_287 = tpu.memref_slice %arg2[%run_scoped3A, %add3A, %dma_start3A_286] : memref<2x32x10000xi32, #tpu.memory_space<hbm>> -> memref<1x1x10000xi32, #tpu.memory_space<hbm>>
      %dma_start3A_288 = tpu.memref_squeeze %dma_start3A_287 : memref<1x1x10000xi32, #tpu.memory_space<hbm>> -> memref<10000xi32, #tpu.memory_space<hbm>>
      tpu.enqueue_dma source(%dma_start3A_288 : memref<10000xi32, #tpu.memory_space<hbm>>) target(%dma_start3A_285 : memref<10000xi32, #tpu.memory_space<vmem>>) target_semaphore(%run_scoped3A_278 : memref<!tpu.dma_semaphore, #tpu.memory_space<semaphore_mem>>)
      %dma_wait3A_289 = arith.constant 0 : i32
      %dma_wait3A_290 = tpu.memref_slice %arg5[%dma_wait3A_289] : memref<10240xi32, #tpu.memory_space<vmem>> -> memref<10000xi32, #tpu.memory_space<vmem>>
      %dma_wait3A_291 = arith.constant 0 : i32
      %dma_wait3A_292 = tpu.memref_slice %arg2[%run_scoped3A, %add3A, %dma_wait3A_291] : memref<2x32x10000xi32, #tpu.memory_space<hbm>> -> memref<1x1x10000xi32, #tpu.memory_space<hbm>>
      %dma_wait3A_293 = tpu.memref_squeeze %dma_wait3A_292 : memref<1x1x10000xi32, #tpu.memory_space<hbm>> -> memref<10000xi32, #tpu.memory_space<hbm>>
      %dma_wait3A_294 = arith.constant 0 : i32
      %dma_wait3A_295 = tpu.memref_slice %arg5[%dma_wait3A_294] : memref<10240xi32, #tpu.memory_space<vmem>> -> memref<10000xi32, #tpu.memory_space<vmem>>
      %dma_wait3A_296 = arith.constant 0 : i32
      %dma_wait3A_297 = tpu.memref_slice %arg2[%run_scoped3A, %add3A, %dma_wait3A_296] : memref<2x32x10000xi32, #tpu.memory_space<hbm>> -> memref<1x1x10000xi32, #tpu.memory_space<hbm>>
      %dma_wait3A_298 = tpu.memref_squeeze %dma_wait3A_297 : memref<1x1x10000xi32, #tpu.memory_space<hbm>> -> memref<10000xi32, #tpu.memory_space<hbm>>
      tpu.wait_dma2 semaphore(%run_scoped3A_278 : memref<!tpu.dma_semaphore, #tpu.memory_space<semaphore_mem>>) src(%dma_wait3A_298 : memref<10000xi32, #tpu.memory_space<hbm>>) dst(%dma_wait3A_295 : memref<10000xi32, #tpu.memory_space<vmem>>)
      tpu.yield
    }) : () -> ()
    %run_scoped3A_11 = arith.constant 1 : i32
    "tpu.region"() ({
      %run_scoped3A_278 = tpu.sem_alloc : memref<!tpu.dma_semaphore, #tpu.memory_space<semaphore_mem>>
      %dma_start3A_279 = arith.constant 0 : i32
      %dma_start3A_280 = tpu.memref_slice %arg6[%dma_start3A_279] : memref<10240xi32, #tpu.memory_space<vmem>> -> memref<10000xi32, #tpu.memory_space<vmem>>
      %dma_start3A_281 = arith.constant 0 : i32
      %dma_start3A_282 = tpu.memref_slice %arg2[%run_scoped3A_11, %add3A, %dma_start3A_281] : memref<2x32x10000xi32, #tpu.memory_space<hbm>> -> memref<1x1x10000xi32, #tpu.memory_space<hbm>>
      %dma_start3A_283 = tpu.memref_squeeze %dma_start3A_282 : memref<1x1x10000xi32, #tpu.memory_space<hbm>> -> memref<10000xi32, #tpu.memory_space<hbm>>
      %dma_start3A_284 = arith.constant 0 : i32
      %dma_start3A_285 = tpu.memref_slice %arg6[%dma_start3A_284] : memref<10240xi32, #tpu.memory_space<vmem>> -> memref<10000xi32, #tpu.memory_space<vmem>>
      %dma_start3A_286 = arith.constant 0 : i32
      %dma_start3A_287 = tpu.memref_slice %arg2[%run_scoped3A_11, %add3A, %dma_start3A_286] : memref<2x32x10000xi32, #tpu.memory_space<hbm>> -> memref<1x1x10000xi32, #tpu.memory_space<hbm>>
      %dma_start3A_288 = tpu.memref_squeeze %dma_start3A_287 : memref<1x1x10000xi32, #tpu.memory_space<hbm>> -> memref<10000xi32, #tpu.memory_space<hbm>>
      tpu.enqueue_dma source(%dma_start3A_288 : memref<10000xi32, #tpu.memory_space<hbm>>) target(%dma_start3A_285 : memref<10000xi32, #tpu.memory_space<vmem>>) target_semaphore(%run_scoped3A_278 : memref<!tpu.dma_semaphore, #tpu.memory_space<semaphore_mem>>)
      %dma_wait3A_289 = arith.constant 0 : i32
      %dma_wait3A_290 = tpu.memref_slice %arg6[%dma_wait3A_289] : memref<10240xi32, #tpu.memory_space<vmem>> -> memref<10000xi32, #tpu.memory_space<vmem>>
      %dma_wait3A_291 = arith.constant 0 : i32
      %dma_wait3A_292 = tpu.memref_slice %arg2[%run_scoped3A_11, %add3A, %dma_wait3A_291] : memref<2x32x10000xi32, #tpu.memory_space<hbm>> -> memref<1x1x10000xi32, #tpu.memory_space<hbm>>
      %dma_wait3A_293 = tpu.memref_squeeze %dma_wait3A_292 : memref<1x1x10000xi32, #tpu.memory_space<hbm>> -> memref<10000xi32, #tpu.memory_space<hbm>>
      %dma_wait3A_294 = arith.constant 0 : i32
      %dma_wait3A_295 = tpu.memref_slice %arg6[%dma_wait3A_294] : memref<10240xi32, #tpu.memory_space<vmem>> -> memref<10000xi32, #tpu.memory_space<vmem>>
      %dma_wait3A_296 = arith.constant 0 : i32
      %dma_wait3A_297 = tpu.memref_slice %arg2[%run_scoped3A_11, %add3A, %dma_wait3A_296] : memref<2x32x10000xi32, #tpu.memory_space<hbm>> -> memref<1x1x10000xi32, #tpu.memory_space<hbm>>
      %dma_wait3A_298 = tpu.memref_squeeze %dma_wait3A_297 : memref<1x1x10000xi32, #tpu.memory_space<hbm>> -> memref<10000xi32, #tpu.memory_space<hbm>>
      tpu.wait_dma2 semaphore(%run_scoped3A_278 : memref<!tpu.dma_semaphore, #tpu.memory_space<semaphore_mem>>) src(%dma_wait3A_298 : memref<10000xi32, #tpu.memory_space<hbm>>) dst(%dma_wait3A_295 : memref<10000xi32, #tpu.memory_space<vmem>>)
      tpu.yield
    }) : () -> ()
    %broadcast_in_dim3A = arith.constant 10000 : i32
    %broadcast_in_dim3A_12 = vector.broadcast %broadcast_in_dim3A : i32 to vector<16xi32>
    %swap3A = arith.constant 10000 : index
    %swap3A_13 = tpu.vector_load %arg5[%swap3A] {strides = array<i32>} : memref<10240xi32, #tpu.memory_space<vmem>>, vector<16xi32>,
    %swap3A_14 = vector.shape_cast %swap3A_13 : vector<16xi32> to vector<16xi32>
    %swap3A_15 = vector.shape_cast %broadcast_in_dim3A_12 : vector<16xi32> to vector<16xi32>
    tpu.vector_store %arg5[%swap3A], %swap3A_15 {strides = array<i32>} : memref<10240xi32, #tpu.memory_space<vmem>>, vector<16xi32>,
    %broadcast_in_dim3A_16 = arith.constant 10000 : i32
    %broadcast_in_dim3A_17 = vector.broadcast %broadcast_in_dim3A_16 : i32 to vector<16xi32>
    %swap3A_18 = arith.constant 10000 : index
    %swap3A_19 = tpu.vector_load %arg6[%swap3A_18] {strides = array<i32>} : memref<10240xi32, #tpu.memory_space<vmem>>, vector<16xi32>,
    %swap3A_20 = vector.shape_cast %swap3A_19 : vector<16xi32> to vector<16xi32>
    %swap3A_21 = vector.shape_cast %broadcast_in_dim3A_17 : vector<16xi32> to vector<16xi32>
    tpu.vector_store %arg6[%swap3A_18], %swap3A_21 {strides = array<i32>} : memref<10240xi32, #tpu.memory_space<vmem>>, vector<16xi32>,
    %broadcast_in_dim3A_22 = arith.constant 10000 : i32
    %broadcast_in_dim3A_23 = vector.broadcast %broadcast_in_dim3A_22 : i32 to vector<16xi32>
    %swap3A_24 = arith.constant 10016 : index
    %swap3A_25 = tpu.vector_load %arg5[%swap3A_24] {strides = array<i32>} : memref<10240xi32, #tpu.memory_space<vmem>>, vector<16xi32>,
    %swap3A_26 = vector.shape_cast %swap3A_25 : vector<16xi32> to vector<16xi32>
    %swap3A_27 = vector.shape_cast %broadcast_in_dim3A_23 : vector<16xi32> to vector<16xi32>
    tpu.vector_store %arg5[%swap3A_24], %swap3A_27 {strides = array<i32>} : memref<10240xi32, #tpu.memory_space<vmem>>, vector<16xi32>,
    %broadcast_in_dim3A_28 = arith.constant 10000 : i32
    %broadcast_in_dim3A_29 = vector.broadcast %broadcast_in_dim3A_28 : i32 to vector<16xi32>
    %swap3A_30 = arith.constant 10016 : index
    %swap3A_31 = tpu.vector_load %arg6[%swap3A_30] {strides = array<i32>} : memref<10240xi32, #tpu.memory_space<vmem>>, vector<16xi32>,
    %swap3A_32 = vector.shape_cast %swap3A_31 : vector<16xi32> to vector<16xi32>
    %swap3A_33 = vector.shape_cast %broadcast_in_dim3A_29 : vector<16xi32> to vector<16xi32>
    tpu.vector_store %arg6[%swap3A_30], %swap3A_33 {strides = array<i32>} : memref<10240xi32, #tpu.memory_space<vmem>>, vector<16xi32>,
    %broadcast_in_dim3A_34 = arith.constant 10000 : i32
    %broadcast_in_dim3A_35 = vector.broadcast %broadcast_in_dim3A_34 : i32 to vector<16xi32>
    %swap3A_36 = arith.constant 10032 : index
    %swap3A_37 = tpu.vector_load %arg5[%swap3A_36] {strides = array<i32>} : memref<10240xi32, #tpu.memory_space<vmem>>, vector<16xi32>,
    %swap3A_38 = vector.shape_cast %swap3A_37 : vector<16xi32> to vector<16xi32>
    %swap3A_39 = vector.shape_cast %broadcast_in_dim3A_35 : vector<16xi32> to vector<16xi32>
    tpu.vector_store %arg5[%swap3A_36], %swap3A_39 {strides = array<i32>} : memref<10240xi32, #tpu.memory_space<vmem>>, vector<16xi32>,
    %broadcast_in_dim3A_40 = arith.constant 10000 : i32
    %broadcast_in_dim3A_41 = vector.broadcast %broadcast_in_dim3A_40 : i32 to vector<16xi32>
    %swap3A_42 = arith.constant 10032 : index
    %swap3A_43 = tpu.vector_load %arg6[%swap3A_42] {strides = array<i32>} : memref<10240xi32, #tpu.memory_space<vmem>>, vector<16xi32>,
    %swap3A_44 = vector.shape_cast %swap3A_43 : vector<16xi32> to vector<16xi32>
    %swap3A_45 = vector.shape_cast %broadcast_in_dim3A_41 : vector<16xi32> to vector<16xi32>
    tpu.vector_store %arg6[%swap3A_42], %swap3A_45 {strides = array<i32>} : memref<10240xi32, #tpu.memory_space<vmem>>, vector<16xi32>,
    %broadcast_in_dim3A_46 = arith.constant 10000 : i32
    %broadcast_in_dim3A_47 = vector.broadcast %broadcast_in_dim3A_46 : i32 to vector<16xi32>
    %swap3A_48 = arith.constant 10048 : index
    %swap3A_49 = tpu.vector_load %arg5[%swap3A_48] {strides = array<i32>} : memref<10240xi32, #tpu.memory_space<vmem>>, vector<16xi32>,
    %swap3A_50 = vector.shape_cast %swap3A_49 : vector<16xi32> to vector<16xi32>
    %swap3A_51 = vector.shape_cast %broadcast_in_dim3A_47 : vector<16xi32> to vector<16xi32>
    tpu.vector_store %arg5[%swap3A_48], %swap3A_51 {strides = array<i32>} : memref<10240xi32, #tpu.memory_space<vmem>>, vector<16xi32>,
    %broadcast_in_dim3A_52 = arith.constant 10000 : i32
    %broadcast_in_dim3A_53 = vector.broadcast %broadcast_in_dim3A_52 : i32 to vector<16xi32>
    %swap3A_54 = arith.constant 10048 : index
    %swap3A_55 = tpu.vector_load %arg6[%swap3A_54] {strides = array<i32>} : memref<10240xi32, #tpu.memory_space<vmem>>, vector<16xi32>,
    %swap3A_56 = vector.shape_cast %swap3A_55 : vector<16xi32> to vector<16xi32>
    %swap3A_57 = vector.shape_cast %broadcast_in_dim3A_53 : vector<16xi32> to vector<16xi32>
    tpu.vector_store %arg6[%swap3A_54], %swap3A_57 {strides = array<i32>} : memref<10240xi32, #tpu.memory_space<vmem>>, vector<16xi32>,
    %broadcast_in_dim3A_58 = arith.constant 10000 : i32
    %broadcast_in_dim3A_59 = vector.broadcast %broadcast_in_dim3A_58 : i32 to vector<16xi32>
    %swap3A_60 = arith.constant 10064 : index
    %swap3A_61 = tpu.vector_load %arg5[%swap3A_60] {strides = array<i32>} : memref<10240xi32, #tpu.memory_space<vmem>>, vector<16xi32>,
    %swap3A_62 = vector.shape_cast %swap3A_61 : vector<16xi32> to vector<16xi32>
    %swap3A_63 = vector.shape_cast %broadcast_in_dim3A_59 : vector<16xi32> to vector<16xi32>
    tpu.vector_store %arg5[%swap3A_60], %swap3A_63 {strides = array<i32>} : memref<10240xi32, #tpu.memory_space<vmem>>, vector<16xi32>,
    %broadcast_in_dim3A_64 = arith.constant 10000 : i32
    %broadcast_in_dim3A_65 = vector.broadcast %broadcast_in_dim3A_64 : i32 to vector<16xi32>
    %swap3A_66 = arith.constant 10064 : index
    %swap3A_67 = tpu.vector_load %arg6[%swap3A_66] {strides = array<i32>} : memref<10240xi32, #tpu.memory_space<vmem>>, vector<16xi32>,
    %swap3A_68 = vector.shape_cast %swap3A_67 : vector<16xi32> to vector<16xi32>
    %swap3A_69 = vector.shape_cast %broadcast_in_dim3A_65 : vector<16xi32> to vector<16xi32>
    tpu.vector_store %arg6[%swap3A_66], %swap3A_69 {strides = array<i32>} : memref<10240xi32, #tpu.memory_space<vmem>>, vector<16xi32>,
    %broadcast_in_dim3A_70 = arith.constant 10000 : i32
    %broadcast_in_dim3A_71 = vector.broadcast %broadcast_in_dim3A_70 : i32 to vector<16xi32>
    %swap3A_72 = arith.constant 10080 : index
    %swap3A_73 = tpu.vector_load %arg5[%swap3A_72] {strides = array<i32>} : memref<10240xi32, #tpu.memory_space<vmem>>, vector<16xi32>,
    %swap3A_74 = vector.shape_cast %swap3A_73 : vector<16xi32> to vector<16xi32>
    %swap3A_75 = vector.shape_cast %broadcast_in_dim3A_71 : vector<16xi32> to vector<16xi32>
    tpu.vector_store %arg5[%swap3A_72], %swap3A_75 {strides = array<i32>} : memref<10240xi32, #tpu.memory_space<vmem>>, vector<16xi32>,
    %broadcast_in_dim3A_76 = arith.constant 10000 : i32
    %broadcast_in_dim3A_77 = vector.broadcast %broadcast_in_dim3A_76 : i32 to vector<16xi32>
    %swap3A_78 = arith.constant 10080 : index
    %swap3A_79 = tpu.vector_load %arg6[%swap3A_78] {strides = array<i32>} : memref<10240xi32, #tpu.memory_space<vmem>>, vector<16xi32>,
    %swap3A_80 = vector.shape_cast %swap3A_79 : vector<16xi32> to vector<16xi32>
    %swap3A_81 = vector.shape_cast %broadcast_in_dim3A_77 : vector<16xi32> to vector<16xi32>
    tpu.vector_store %arg6[%swap3A_78], %swap3A_81 {strides = array<i32>} : memref<10240xi32, #tpu.memory_space<vmem>>, vector<16xi32>,
    %broadcast_in_dim3A_82 = arith.constant 10000 : i32
    %broadcast_in_dim3A_83 = vector.broadcast %broadcast_in_dim3A_82 : i32 to vector<16xi32>
    %swap3A_84 = arith.constant 10096 : index
    %swap3A_85 = tpu.vector_load %arg5[%swap3A_84] {strides = array<i32>} : memref<10240xi32, #tpu.memory_space<vmem>>, vector<16xi32>,
    %swap3A_86 = vector.shape_cast %swap3A_85 : vector<16xi32> to vector<16xi32>
    %swap3A_87 = vector.shape_cast %broadcast_in_dim3A_83 : vector<16xi32> to vector<16xi32>
    tpu.vector_store %arg5[%swap3A_84], %swap3A_87 {strides = array<i32>} : memref<10240xi32, #tpu.memory_space<vmem>>, vector<16xi32>,
    %broadcast_in_dim3A_88 = arith.constant 10000 : i32
    %broadcast_in_dim3A_89 = vector.broadcast %broadcast_in_dim3A_88 : i32 to vector<16xi32>
    %swap3A_90 = arith.constant 10096 : index
    %swap3A_91 = tpu.vector_load %arg6[%swap3A_90] {strides = array<i32>} : memref<10240xi32, #tpu.memory_space<vmem>>, vector<16xi32>,
    %swap3A_92 = vector.shape_cast %swap3A_91 : vector<16xi32> to vector<16xi32>
    %swap3A_93 = vector.shape_cast %broadcast_in_dim3A_89 : vector<16xi32> to vector<16xi32>
    tpu.vector_store %arg6[%swap3A_90], %swap3A_93 {strides = array<i32>} : memref<10240xi32, #tpu.memory_space<vmem>>, vector<16xi32>,
    %broadcast_in_dim3A_94 = arith.constant 10000 : i32
    %broadcast_in_dim3A_95 = vector.broadcast %broadcast_in_dim3A_94 : i32 to vector<16xi32>
    %swap3A_96 = arith.constant 10112 : index
    %swap3A_97 = tpu.vector_load %arg5[%swap3A_96] {strides = array<i32>} : memref<10240xi32, #tpu.memory_space<vmem>>, vector<16xi32>,
    %swap3A_98 = vector.shape_cast %swap3A_97 : vector<16xi32> to vector<16xi32>
    %swap3A_99 = vector.shape_cast %broadcast_in_dim3A_95 : vector<16xi32> to vector<16xi32>
    tpu.vector_store %arg5[%swap3A_96], %swap3A_99 {strides = array<i32>} : memref<10240xi32, #tpu.memory_space<vmem>>, vector<16xi32>,
    %broadcast_in_dim3A_100 = arith.constant 10000 : i32
    %broadcast_in_dim3A_101 = vector.broadcast %broadcast_in_dim3A_100 : i32 to vector<16xi32>
    %swap3A_102 = arith.constant 10112 : index
    %swap3A_103 = tpu.vector_load %arg6[%swap3A_102] {strides = array<i32>} : memref<10240xi32, #tpu.memory_space<vmem>>, vector<16xi32>,
    %swap3A_104 = vector.shape_cast %swap3A_103 : vector<16xi32> to vector<16xi32>
    %swap3A_105 = vector.shape_cast %broadcast_in_dim3A_101 : vector<16xi32> to vector<16xi32>
    tpu.vector_store %arg6[%swap3A_102], %swap3A_105 {strides = array<i32>} : memref<10240xi32, #tpu.memory_space<vmem>>, vector<16xi32>,
    %broadcast_in_dim3A_106 = arith.constant 10000 : i32
    %broadcast_in_dim3A_107 = vector.broadcast %broadcast_in_dim3A_106 : i32 to vector<16xi32>
    %swap3A_108 = arith.constant 10128 : index
    %swap3A_109 = tpu.vector_load %arg5[%swap3A_108] {strides = array<i32>} : memref<10240xi32, #tpu.memory_space<vmem>>, vector<16xi32>,
    %swap3A_110 = vector.shape_cast %swap3A_109 : vector<16xi32> to vector<16xi32>
    %swap3A_111 = vector.shape_cast %broadcast_in_dim3A_107 : vector<16xi32> to vector<16xi32>
    tpu.vector_store %arg5[%swap3A_108], %swap3A_111 {strides = array<i32>} : memref<10240xi32, #tpu.memory_space<vmem>>, vector<16xi32>,
    %broadcast_in_dim3A_112 = arith.constant 10000 : i32
    %broadcast_in_dim3A_113 = vector.broadcast %broadcast_in_dim3A_112 : i32 to vector<16xi32>
    %swap3A_114 = arith.constant 10128 : index
    %swap3A_115 = tpu.vector_load %arg6[%swap3A_114] {strides = array<i32>} : memref<10240xi32, #tpu.memory_space<vmem>>, vector<16xi32>,
    %swap3A_116 = vector.shape_cast %swap3A_115 : vector<16xi32> to vector<16xi32>
    %swap3A_117 = vector.shape_cast %broadcast_in_dim3A_113 : vector<16xi32> to vector<16xi32>
    tpu.vector_store %arg6[%swap3A_114], %swap3A_117 {strides = array<i32>} : memref<10240xi32, #tpu.memory_space<vmem>>, vector<16xi32>,
    %broadcast_in_dim3A_118 = arith.constant 10000 : i32
    %broadcast_in_dim3A_119 = vector.broadcast %broadcast_in_dim3A_118 : i32 to vector<16xi32>
    %swap3A_120 = arith.constant 10144 : index
    %swap3A_121 = tpu.vector_load %arg5[%swap3A_120] {strides = array<i32>} : memref<10240xi32, #tpu.memory_space<vmem>>, vector<16xi32>,
    %swap3A_122 = vector.shape_cast %swap3A_121 : vector<16xi32> to vector<16xi32>
    %swap3A_123 = vector.shape_cast %broadcast_in_dim3A_119 : vector<16xi32> to vector<16xi32>
    tpu.vector_store %arg5[%swap3A_120], %swap3A_123 {strides = array<i32>} : memref<10240xi32, #tpu.memory_space<vmem>>, vector<16xi32>,
    %broadcast_in_dim3A_124 = arith.constant 10000 : i32
    %broadcast_in_dim3A_125 = vector.broadcast %broadcast_in_dim3A_124 : i32 to vector<16xi32>
    %swap3A_126 = arith.constant 10144 : index
    %swap3A_127 = tpu.vector_load %arg6[%swap3A_126] {strides = array<i32>} : memref<10240xi32, #tpu.memory_space<vmem>>, vector<16xi32>,
    %swap3A_128 = vector.shape_cast %swap3A_127 : vector<16xi32> to vector<16xi32>
    %swap3A_129 = vector.shape_cast %broadcast_in_dim3A_125 : vector<16xi32> to vector<16xi32>
    tpu.vector_store %arg6[%swap3A_126], %swap3A_129 {strides = array<i32>} : memref<10240xi32, #tpu.memory_space<vmem>>, vector<16xi32>,
    %broadcast_in_dim3A_130 = arith.constant 10000 : i32
    %broadcast_in_dim3A_131 = vector.broadcast %broadcast_in_dim3A_130 : i32 to vector<16xi32>
    %swap3A_132 = arith.constant 10160 : index
    %swap3A_133 = tpu.vector_load %arg5[%swap3A_132] {strides = array<i32>} : memref<10240xi32, #tpu.memory_space<vmem>>, vector<16xi32>,
    %swap3A_134 = vector.shape_cast %swap3A_133 : vector<16xi32> to vector<16xi32>
    %swap3A_135 = vector.shape_cast %broadcast_in_dim3A_131 : vector<16xi32> to vector<16xi32>
    tpu.vector_store %arg5[%swap3A_132], %swap3A_135 {strides = array<i32>} : memref<10240xi32, #tpu.memory_space<vmem>>, vector<16xi32>,
    %broadcast_in_dim3A_136 = arith.constant 10000 : i32
    %broadcast_in_dim3A_137 = vector.broadcast %broadcast_in_dim3A_136 : i32 to vector<16xi32>
    %swap3A_138 = arith.constant 10160 : index
    %swap3A_139 = tpu.vector_load %arg6[%swap3A_138] {strides = array<i32>} : memref<10240xi32, #tpu.memory_space<vmem>>, vector<16xi32>,
    %swap3A_140 = vector.shape_cast %swap3A_139 : vector<16xi32> to vector<16xi32>
    %swap3A_141 = vector.shape_cast %broadcast_in_dim3A_137 : vector<16xi32> to vector<16xi32>
    tpu.vector_store %arg6[%swap3A_138], %swap3A_141 {strides = array<i32>} : memref<10240xi32, #tpu.memory_space<vmem>>, vector<16xi32>,
    %broadcast_in_dim3A_142 = arith.constant 10000 : i32
    %broadcast_in_dim3A_143 = vector.broadcast %broadcast_in_dim3A_142 : i32 to vector<16xi32>
    %swap3A_144 = arith.constant 10176 : index
    %swap3A_145 = tpu.vector_load %arg5[%swap3A_144] {strides = array<i32>} : memref<10240xi32, #tpu.memory_space<vmem>>, vector<16xi32>,
    %swap3A_146 = vector.shape_cast %swap3A_145 : vector<16xi32> to vector<16xi32>
    %swap3A_147 = vector.shape_cast %broadcast_in_dim3A_143 : vector<16xi32> to vector<16xi32>
    tpu.vector_store %arg5[%swap3A_144], %swap3A_147 {strides = array<i32>} : memref<10240xi32, #tpu.memory_space<vmem>>, vector<16xi32>,
    %broadcast_in_dim3A_148 = arith.constant 10000 : i32
    %broadcast_in_dim3A_149 = vector.broadcast %broadcast_in_dim3A_148 : i32 to vector<16xi32>
    %swap3A_150 = arith.constant 10176 : index
    %swap3A_151 = tpu.vector_load %arg6[%swap3A_150] {strides = array<i32>} : memref<10240xi32, #tpu.memory_space<vmem>>, vector<16xi32>,
    %swap3A_152 = vector.shape_cast %swap3A_151 : vector<16xi32> to vector<16xi32>
    %swap3A_153 = vector.shape_cast %broadcast_in_dim3A_149 : vector<16xi32> to vector<16xi32>
    tpu.vector_store %arg6[%swap3A_150], %swap3A_153 {strides = array<i32>} : memref<10240xi32, #tpu.memory_space<vmem>>, vector<16xi32>,
    %broadcast_in_dim3A_154 = arith.constant 10000 : i32
    %broadcast_in_dim3A_155 = vector.broadcast %broadcast_in_dim3A_154 : i32 to vector<16xi32>
    %swap3A_156 = arith.constant 10192 : index
    %swap3A_157 = tpu.vector_load %arg5[%swap3A_156] {strides = array<i32>} : memref<10240xi32, #tpu.memory_space<vmem>>, vector<16xi32>,
    %swap3A_158 = vector.shape_cast %swap3A_157 : vector<16xi32> to vector<16xi32>
    %swap3A_159 = vector.shape_cast %broadcast_in_dim3A_155 : vector<16xi32> to vector<16xi32>
    tpu.vector_store %arg5[%swap3A_156], %swap3A_159 {strides = array<i32>} : memref<10240xi32, #tpu.memory_space<vmem>>, vector<16xi32>,
    %broadcast_in_dim3A_160 = arith.constant 10000 : i32
    %broadcast_in_dim3A_161 = vector.broadcast %broadcast_in_dim3A_160 : i32 to vector<16xi32>
    %swap3A_162 = arith.constant 10192 : index
    %swap3A_163 = tpu.vector_load %arg6[%swap3A_162] {strides = array<i32>} : memref<10240xi32, #tpu.memory_space<vmem>>, vector<16xi32>,
    %swap3A_164 = vector.shape_cast %swap3A_163 : vector<16xi32> to vector<16xi32>
    %swap3A_165 = vector.shape_cast %broadcast_in_dim3A_161 : vector<16xi32> to vector<16xi32>
    tpu.vector_store %arg6[%swap3A_162], %swap3A_165 {strides = array<i32>} : memref<10240xi32, #tpu.memory_space<vmem>>, vector<16xi32>,
    %broadcast_in_dim3A_166 = arith.constant 10000 : i32
    %broadcast_in_dim3A_167 = vector.broadcast %broadcast_in_dim3A_166 : i32 to vector<16xi32>
    %swap3A_168 = arith.constant 10208 : index
    %swap3A_169 = tpu.vector_load %arg5[%swap3A_168] {strides = array<i32>} : memref<10240xi32, #tpu.memory_space<vmem>>, vector<16xi32>,
    %swap3A_170 = vector.shape_cast %swap3A_169 : vector<16xi32> to vector<16xi32>
    %swap3A_171 = vector.shape_cast %broadcast_in_dim3A_167 : vector<16xi32> to vector<16xi32>
    tpu.vector_store %arg5[%swap3A_168], %swap3A_171 {strides = array<i32>} : memref<10240xi32, #tpu.memory_space<vmem>>, vector<16xi32>,
    %broadcast_in_dim3A_172 = arith.constant 10000 : i32
    %broadcast_in_dim3A_173 = vector.broadcast %broadcast_in_dim3A_172 : i32 to vector<16xi32>
    %swap3A_174 = arith.constant 10208 : index
    %swap3A_175 = tpu.vector_load %arg6[%swap3A_174] {strides = array<i32>} : memref<10240xi32, #tpu.memory_space<vmem>>, vector<16xi32>,
    %swap3A_176 = vector.shape_cast %swap3A_175 : vector<16xi32> to vector<16xi32>
    %swap3A_177 = vector.shape_cast %broadcast_in_dim3A_173 : vector<16xi32> to vector<16xi32>
    tpu.vector_store %arg6[%swap3A_174], %swap3A_177 {strides = array<i32>} : memref<10240xi32, #tpu.memory_space<vmem>>, vector<16xi32>,
    %broadcast_in_dim3A_178 = arith.constant 10000 : i32
    %broadcast_in_dim3A_179 = vector.broadcast %broadcast_in_dim3A_178 : i32 to vector<16xi32>
    %swap3A_180 = arith.constant 10224 : index
    %swap3A_181 = tpu.vector_load %arg5[%swap3A_180] {strides = array<i32>} : memref<10240xi32, #tpu.memory_space<vmem>>, vector<16xi32>,
    %swap3A_182 = vector.shape_cast %swap3A_181 : vector<16xi32> to vector<16xi32>
    %swap3A_183 = vector.shape_cast %broadcast_in_dim3A_179 : vector<16xi32> to vector<16xi32>
    tpu.vector_store %arg5[%swap3A_180], %swap3A_183 {strides = array<i32>} : memref<10240xi32, #tpu.memory_space<vmem>>, vector<16xi32>,
    %broadcast_in_dim3A_184 = arith.constant 10000 : i32
    %broadcast_in_dim3A_185 = vector.broadcast %broadcast_in_dim3A_184 : i32 to vector<16xi32>
    %swap3A_186 = arith.constant 10224 : index
    %swap3A_187 = tpu.vector_load %arg6[%swap3A_186] {strides = array<i32>} : memref<10240xi32, #tpu.memory_space<vmem>>, vector<16xi32>,
    %swap3A_188 = vector.shape_cast %swap3A_187 : vector<16xi32> to vector<16xi32>
    %swap3A_189 = vector.shape_cast %broadcast_in_dim3A_185 : vector<16xi32> to vector<16xi32>
    tpu.vector_store %arg6[%swap3A_186], %swap3A_189 {strides = array<i32>} : memref<10240xi32, #tpu.memory_space<vmem>>, vector<16xi32>,
    %dma_start3A = arith.constant 0 : i32
    %dma_start3A_190 = tpu.memref_slice %arg5[%dma_start3A] : memref<10240xi32, #tpu.memory_space<vmem>> -> memref<256xi32, #tpu.memory_space<vmem>>
    %dma_start3A_191 = arith.constant 0 : i32
    %dma_start3A_192 = arith.constant 0 : i32
    %dma_start3A_193 = tpu.memref_slice %arg21[%dma_start3A_191, %dma_start3A_192] : memref<10240x16xf32, #tpu.memory_space<vmem_shared>> -> memref<10240x16xf32, #tpu.memory_space<vmem_shared>>
    tpu.enqueue_indirect_dma source(%dma_start3A_193 : memref<10240x16xf32, #tpu.memory_space<vmem_shared>>) target(%arg7 : memref<256x16xf32, #tpu.memory_space<vmem>>) offsets(%dma_start3A_190 : memref<256xi32, #tpu.memory_space<vmem>>) semaphore(%arg12 : memref<!tpu.dma_semaphore, #tpu.memory_space<semaphore_mem>>)
    %dma_start3A_194 = arith.constant 256 : i32
    %dma_start3A_195 = tpu.memref_slice %arg5[%dma_start3A_194] : memref<10240xi32, #tpu.memory_space<vmem>> -> memref<256xi32, #tpu.memory_space<vmem>>
    %dma_start3A_196 = arith.constant 0 : i32
    %dma_start3A_197 = arith.constant 0 : i32
    %dma_start3A_198 = tpu.memref_slice %arg21[%dma_start3A_196, %dma_start3A_197] : memref<10240x16xf32, #tpu.memory_space<vmem_shared>> -> memref<10240x16xf32, #tpu.memory_space<vmem_shared>>
    tpu.enqueue_indirect_dma source(%dma_start3A_198 : memref<10240x16xf32, #tpu.memory_space<vmem_shared>>) target(%arg8 : memref<256x16xf32, #tpu.memory_space<vmem>>) offsets(%dma_start3A_195 : memref<256xi32, #tpu.memory_space<vmem>>) semaphore(%arg13 : memref<!tpu.dma_semaphore, #tpu.memory_space<semaphore_mem>>)
    %dma_start3A_199 = arith.constant 512 : i32
    %dma_start3A_200 = tpu.memref_slice %arg5[%dma_start3A_199] : memref<10240xi32, #tpu.memory_space<vmem>> -> memref<256xi32, #tpu.memory_space<vmem>>
    %dma_start3A_201 = arith.constant 0 : i32
    %dma_start3A_202 = arith.constant 0 : i32
    %dma_start3A_203 = tpu.memref_slice %arg21[%dma_start3A_201, %dma_start3A_202] : memref<10240x16xf32, #tpu.memory_space<vmem_shared>> -> memref<10240x16xf32, #tpu.memory_space<vmem_shared>>
    tpu.enqueue_indirect_dma source(%dma_start3A_203 : memref<10240x16xf32, #tpu.memory_space<vmem_shared>>) target(%arg9 : memref<256x16xf32, #tpu.memory_space<vmem>>) offsets(%dma_start3A_200 : memref<256xi32, #tpu.memory_space<vmem>>) semaphore(%arg14 : memref<!tpu.dma_semaphore, #tpu.memory_space<semaphore_mem>>)
    %dma_start3A_204 = arith.constant 768 : i32
    %dma_start3A_205 = tpu.memref_slice %arg5[%dma_start3A_204] : memref<10240xi32, #tpu.memory_space<vmem>> -> memref<256xi32, #tpu.memory_space<vmem>>
    %dma_start3A_206 = arith.constant 0 : i32
    %dma_start3A_207 = arith.constant 0 : i32
    %dma_start3A_208 = tpu.memref_slice %arg21[%dma_start3A_206, %dma_start3A_207] : memref<10240x16xf32, #tpu.memory_space<vmem_shared>> -> memref<10240x16xf32, #tpu.memory_space<vmem_shared>>
    tpu.enqueue_indirect_dma source(%dma_start3A_208 : memref<10240x16xf32, #tpu.memory_space<vmem_shared>>) target(%arg10 : memref<256x16xf32, #tpu.memory_space<vmem>>) offsets(%dma_start3A_205 : memref<256xi32, #tpu.memory_space<vmem>>) semaphore(%arg15 : memref<!tpu.dma_semaphore, #tpu.memory_space<semaphore_mem>>)
    %scan3A = arith.constant 0 : i32
    %scan3A_209 = arith.constant 0 : i32
    %scan3A_210 = arith.constant 9 : i32
    %scan3A_211 = arith.addi %scan3A_209, %scan3A_210 : i32
    %scan3A_212 = arith.constant 1 : i32
    scf.for %scan3A_278 = %scan3A_209 to %scan3A_211 step %scan3A_212  : i32 {
      %mul3A_279 = arith.constant 4 : i32
      %mul3A_280 = arith.muli %scan3A_278, %mul3A_279 : i32
      %add3A_281 = arith.constant 0 : i32
      %add3A_282 = arith.addi %mul3A_280, %add3A_281 : i32
      %mul3A_283 = arith.constant 256 : i32
      %mul3A_284 = arith.muli %add3A_282, %mul3A_283 : i32
      %dma_wait3A_285 = tpu.memref_slice %arg5[%mul3A_284] : memref<10240xi32, #tpu.memory_space<vmem>> -> memref<256xi32, #tpu.memory_space<vmem>>
      %dma_wait3A_286 = arith.constant 0 : i32
      %dma_wait3A_287 = arith.constant 0 : i32
      %dma_wait3A_288 = tpu.memref_slice %arg21[%dma_wait3A_286, %dma_wait3A_287] : memref<10240x16xf32, #tpu.memory_space<vmem_shared>> -> memref<10240x16xf32, #tpu.memory_space<vmem_shared>>
      tpu.wait_indirect_dma semaphore(%arg12 : memref<!tpu.dma_semaphore, #tpu.memory_space<semaphore_mem>>) src(%dma_wait3A_288 : memref<10240x16xf32, #tpu.memory_space<vmem_shared>>) dst(%arg7 : memref<256x16xf32, #tpu.memory_space<vmem>>)
      %mul3A_289 = arith.constant 256 : i32
      %mul3A_290 = arith.muli %add3A_282, %mul3A_289 : i32
      %dma_start3A_291 = tpu.memref_slice %arg6[%mul3A_290] : memref<10240xi32, #tpu.memory_space<vmem>> -> memref<256xi32, #tpu.memory_space<vmem>>
      %dma_start3A_292 = arith.constant 0 : i32
      %dma_start3A_293 = arith.constant 0 : i32
      %dma_start3A_294 = tpu.memref_slice %arg20[%dma_start3A_292, %dma_start3A_293] : memref<10240x16xf32, #tpu.memory_space<vmem_shared>> -> memref<10240x16xf32, #tpu.memory_space<vmem_shared>>
      tpu.enqueue_indirect_dma source(%arg7 : memref<256x16xf32, #tpu.memory_space<vmem>>) target(%dma_start3A_294 : memref<10240x16xf32, #tpu.memory_space<vmem_shared>>) offsets(%dma_start3A_291 : memref<256xi32, #tpu.memory_space<vmem>>) semaphore(%arg16 : memref<!tpu.dma_semaphore, #tpu.memory_space<semaphore_mem>>) {add = true}
      %mul3A_295 = arith.constant 4 : i32
      %mul3A_296 = arith.muli %scan3A_278, %mul3A_295 : i32
      %add3A_297 = arith.constant 1 : i32
      %add3A_298 = arith.addi %mul3A_296, %add3A_297 : i32
      %mul3A_299 = arith.constant 256 : i32
      %mul3A_300 = arith.muli %add3A_298, %mul3A_299 : i32
      %dma_wait3A_301 = tpu.memref_slice %arg5[%mul3A_300] : memref<10240xi32, #tpu.memory_space<vmem>> -> memref<256xi32, #tpu.memory_space<vmem>>
      %dma_wait3A_302 = arith.constant 0 : i32
      %dma_wait3A_303 = arith.constant 0 : i32
      %dma_wait3A_304 = tpu.memref_slice %arg21[%dma_wait3A_302, %dma_wait3A_303] : memref<10240x16xf32, #tpu.memory_space<vmem_shared>> -> memref<10240x16xf32, #tpu.memory_space<vmem_shared>>
      tpu.wait_indirect_dma semaphore(%arg13 : memref<!tpu.dma_semaphore, #tpu.memory_space<semaphore_mem>>) src(%dma_wait3A_304 : memref<10240x16xf32, #tpu.memory_space<vmem_shared>>) dst(%arg8 : memref<256x16xf32, #tpu.memory_space<vmem>>)
      %mul3A_305 = arith.constant 256 : i32
      %mul3A_306 = arith.muli %add3A_298, %mul3A_305 : i32
      %dma_start3A_307 = tpu.memref_slice %arg6[%mul3A_306] : memref<10240xi32, #tpu.memory_space<vmem>> -> memref<256xi32, #tpu.memory_space<vmem>>
      %dma_start3A_308 = arith.constant 0 : i32
      %dma_start3A_309 = arith.constant 0 : i32
      %dma_start3A_310 = tpu.memref_slice %arg20[%dma_start3A_308, %dma_start3A_309] : memref<10240x16xf32, #tpu.memory_space<vmem_shared>> -> memref<10240x16xf32, #tpu.memory_space<vmem_shared>>
      tpu.enqueue_indirect_dma source(%arg8 : memref<256x16xf32, #tpu.memory_space<vmem>>) target(%dma_start3A_310 : memref<10240x16xf32, #tpu.memory_space<vmem_shared>>) offsets(%dma_start3A_307 : memref<256xi32, #tpu.memory_space<vmem>>) semaphore(%arg17 : memref<!tpu.dma_semaphore, #tpu.memory_space<semaphore_mem>>) {add = true}
      %mul3A_311 = arith.constant 4 : i32
      %mul3A_312 = arith.muli %scan3A_278, %mul3A_311 : i32
      %add3A_313 = arith.constant 2 : i32
      %add3A_314 = arith.addi %mul3A_312, %add3A_313 : i32
      %mul3A_315 = arith.constant 256 : i32
      %mul3A_316 = arith.muli %add3A_314, %mul3A_315 : i32
      %dma_wait3A_317 = tpu.memref_slice %arg5[%mul3A_316] : memref<10240xi32, #tpu.memory_space<vmem>> -> memref<256xi32, #tpu.memory_space<vmem>>
      %dma_wait3A_318 = arith.constant 0 : i32
      %dma_wait3A_319 = arith.constant 0 : i32
      %dma_wait3A_320 = tpu.memref_slice %arg21[%dma_wait3A_318, %dma_wait3A_319] : memref<10240x16xf32, #tpu.memory_space<vmem_shared>> -> memref<10240x16xf32, #tpu.memory_space<vmem_shared>>
      tpu.wait_indirect_dma semaphore(%arg14 : memref<!tpu.dma_semaphore, #tpu.memory_space<semaphore_mem>>) src(%dma_wait3A_320 : memref<10240x16xf32, #tpu.memory_space<vmem_shared>>) dst(%arg9 : memref<256x16xf32, #tpu.memory_space<vmem>>)
      %mul3A_321 = arith.constant 256 : i32
      %mul3A_322 = arith.muli %add3A_314, %mul3A_321 : i32
      %dma_start3A_323 = tpu.memref_slice %arg6[%mul3A_322] : memref<10240xi32, #tpu.memory_space<vmem>> -> memref<256xi32, #tpu.memory_space<vmem>>
      %dma_start3A_324 = arith.constant 0 : i32
      %dma_start3A_325 = arith.constant 0 : i32
      %dma_start3A_326 = tpu.memref_slice %arg20[%dma_start3A_324, %dma_start3A_325] : memref<10240x16xf32, #tpu.memory_space<vmem_shared>> -> memref<10240x16xf32, #tpu.memory_space<vmem_shared>>
      tpu.enqueue_indirect_dma source(%arg9 : memref<256x16xf32, #tpu.memory_space<vmem>>) target(%dma_start3A_326 : memref<10240x16xf32, #tpu.memory_space<vmem_shared>>) offsets(%dma_start3A_323 : memref<256xi32, #tpu.memory_space<vmem>>) semaphore(%arg18 : memref<!tpu.dma_semaphore, #tpu.memory_space<semaphore_mem>>) {add = true}
      %mul3A_327 = arith.constant 4 : i32
      %mul3A_328 = arith.muli %scan3A_278, %mul3A_327 : i32
      %add3A_329 = arith.constant 3 : i32
      %add3A_330 = arith.addi %mul3A_328, %add3A_329 : i32
      %mul3A_331 = arith.constant 256 : i32
      %mul3A_332 = arith.muli %add3A_330, %mul3A_331 : i32
      %dma_wait3A_333 = tpu.memref_slice %arg5[%mul3A_332] : memref<10240xi32, #tpu.memory_space<vmem>> -> memref<256xi32, #tpu.memory_space<vmem>>
      %dma_wait3A_334 = arith.constant 0 : i32
      %dma_wait3A_335 = arith.constant 0 : i32
      %dma_wait3A_336 = tpu.memref_slice %arg21[%dma_wait3A_334, %dma_wait3A_335] : memref<10240x16xf32, #tpu.memory_space<vmem_shared>> -> memref<10240x16xf32, #tpu.memory_space<vmem_shared>>
      tpu.wait_indirect_dma semaphore(%arg15 : memref<!tpu.dma_semaphore, #tpu.memory_space<semaphore_mem>>) src(%dma_wait3A_336 : memref<10240x16xf32, #tpu.memory_space<vmem_shared>>) dst(%arg10 : memref<256x16xf32, #tpu.memory_space<vmem>>)
      %mul3A_337 = arith.constant 256 : i32
      %mul3A_338 = arith.muli %add3A_330, %mul3A_337 : i32
      %dma_start3A_339 = tpu.memref_slice %arg6[%mul3A_338] : memref<10240xi32, #tpu.memory_space<vmem>> -> memref<256xi32, #tpu.memory_space<vmem>>
      %dma_start3A_340 = arith.constant 0 : i32
      %dma_start3A_341 = arith.constant 0 : i32
      %dma_start3A_342 = tpu.memref_slice %arg20[%dma_start3A_340, %dma_start3A_341] : memref<10240x16xf32, #tpu.memory_space<vmem_shared>> -> memref<10240x16xf32, #tpu.memory_space<vmem_shared>>
      tpu.enqueue_indirect_dma source(%arg10 : memref<256x16xf32, #tpu.memory_space<vmem>>) target(%dma_start3A_342 : memref<10240x16xf32, #tpu.memory_space<vmem_shared>>) offsets(%dma_start3A_339 : memref<256xi32, #tpu.memory_space<vmem>>) semaphore(%arg19 : memref<!tpu.dma_semaphore, #tpu.memory_space<semaphore_mem>>) {add = true}
      %add3A_343 = arith.constant 1 : i32
      %add3A_344 = arith.addi %scan3A_278, %add3A_343 : i32
      %mul3A_345 = arith.constant 4 : i32
      %mul3A_346 = arith.muli %add3A_344, %mul3A_345 : i32
      %add3A_347 = arith.constant 0 : i32
      %add3A_348 = arith.addi %mul3A_346, %add3A_347 : i32
      %mul3A_349 = arith.constant 256 : i32
      %mul3A_350 = arith.muli %add3A_348, %mul3A_349 : i32
      %dma_wait3A_351 = tpu.memref_slice %arg6[%mul3A_350] : memref<10240xi32, #tpu.memory_space<vmem>> -> memref<256xi32, #tpu.memory_space<vmem>>
      %dma_wait3A_352 = arith.constant 0 : i32
      %dma_wait3A_353 = arith.constant 0 : i32
      %dma_wait3A_354 = tpu.memref_slice %arg20[%dma_wait3A_352, %dma_wait3A_353] : memref<10240x16xf32, #tpu.memory_space<vmem_shared>> -> memref<10240x16xf32, #tpu.memory_space<vmem_shared>>
      tpu.wait_indirect_dma semaphore(%arg16 : memref<!tpu.dma_semaphore, #tpu.memory_space<semaphore_mem>>) src(%arg7 : memref<256x16xf32, #tpu.memory_space<vmem>>) dst(%dma_wait3A_354 : memref<10240x16xf32, #tpu.memory_space<vmem_shared>>)
      %mul3A_355 = arith.constant 256 : i32
      %mul3A_356 = arith.muli %add3A_348, %mul3A_355 : i32
      %dma_start3A_357 = tpu.memref_slice %arg5[%mul3A_356] : memref<10240xi32, #tpu.memory_space<vmem>> -> memref<256xi32, #tpu.memory_space<vmem>>
      %dma_start3A_358 = arith.constant 0 : i32
      %dma_start3A_359 = arith.constant 0 : i32
      %dma_start3A_360 = tpu.memref_slice %arg21[%dma_start3A_358, %dma_start3A_359] : memref<10240x16xf32, #tpu.memory_space<vmem_shared>> -> memref<10240x16xf32, #tpu.memory_space<vmem_shared>>
      tpu.enqueue_indirect_dma source(%dma_start3A_360 : memref<10240x16xf32, #tpu.memory_space<vmem_shared>>) target(%arg7 : memref<256x16xf32, #tpu.memory_space<vmem>>) offsets(%dma_start3A_357 : memref<256xi32, #tpu.memory_space<vmem>>) semaphore(%arg12 : memref<!tpu.dma_semaphore, #tpu.memory_space<semaphore_mem>>)
      %add3A_361 = arith.constant 1 : i32
      %add3A_362 = arith.addi %scan3A_278, %add3A_361 : i32
      %mul3A_363 = arith.constant 4 : i32
      %mul3A_364 = arith.muli %add3A_362, %mul3A_363 : i32
      %add3A_365 = arith.constant 1 : i32
      %add3A_366 = arith.addi %mul3A_364, %add3A_365 : i32
      %mul3A_367 = arith.constant 256 : i32
      %mul3A_368 = arith.muli %add3A_366, %mul3A_367 : i32
      %dma_wait3A_369 = tpu.memref_slice %arg6[%mul3A_368] : memref<10240xi32, #tpu.memory_space<vmem>> -> memref<256xi32, #tpu.memory_space<vmem>>
      %dma_wait3A_370 = arith.constant 0 : i32
      %dma_wait3A_371 = arith.constant 0 : i32
      %dma_wait3A_372 = tpu.memref_slice %arg20[%dma_wait3A_370, %dma_wait3A_371] : memref<10240x16xf32, #tpu.memory_space<vmem_shared>> -> memref<10240x16xf32, #tpu.memory_space<vmem_shared>>
      tpu.wait_indirect_dma semaphore(%arg17 : memref<!tpu.dma_semaphore, #tpu.memory_space<semaphore_mem>>) src(%arg8 : memref<256x16xf32, #tpu.memory_space<vmem>>) dst(%dma_wait3A_372 : memref<10240x16xf32, #tpu.memory_space<vmem_shared>>)
      %mul3A_373 = arith.constant 256 : i32
      %mul3A_374 = arith.muli %add3A_366, %mul3A_373 : i32
      %dma_start3A_375 = tpu.memref_slice %arg5[%mul3A_374] : memref<10240xi32, #tpu.memory_space<vmem>> -> memref<256xi32, #tpu.memory_space<vmem>>
      %dma_start3A_376 = arith.constant 0 : i32
      %dma_start3A_377 = arith.constant 0 : i32
      %dma_start3A_378 = tpu.memref_slice %arg21[%dma_start3A_376, %dma_start3A_377] : memref<10240x16xf32, #tpu.memory_space<vmem_shared>> -> memref<10240x16xf32, #tpu.memory_space<vmem_shared>>
      tpu.enqueue_indirect_dma source(%dma_start3A_378 : memref<10240x16xf32, #tpu.memory_space<vmem_shared>>) target(%arg8 : memref<256x16xf32, #tpu.memory_space<vmem>>) offsets(%dma_start3A_375 : memref<256xi32, #tpu.memory_space<vmem>>) semaphore(%arg13 : memref<!tpu.dma_semaphore, #tpu.memory_space<semaphore_mem>>)
      %add3A_379 = arith.constant 1 : i32
      %add3A_380 = arith.addi %scan3A_278, %add3A_379 : i32
      %mul3A_381 = arith.constant 4 : i32
      %mul3A_382 = arith.muli %add3A_380, %mul3A_381 : i32
      %add3A_383 = arith.constant 2 : i32
      %add3A_384 = arith.addi %mul3A_382, %add3A_383 : i32
      %mul3A_385 = arith.constant 256 : i32
      %mul3A_386 = arith.muli %add3A_384, %mul3A_385 : i32
      %dma_wait3A_387 = tpu.memref_slice %arg6[%mul3A_386] : memref<10240xi32, #tpu.memory_space<vmem>> -> memref<256xi32, #tpu.memory_space<vmem>>
      %dma_wait3A_388 = arith.constant 0 : i32
      %dma_wait3A_389 = arith.constant 0 : i32
      %dma_wait3A_390 = tpu.memref_slice %arg20[%dma_wait3A_388, %dma_wait3A_389] : memref<10240x16xf32, #tpu.memory_space<vmem_shared>> -> memref<10240x16xf32, #tpu.memory_space<vmem_shared>>
      tpu.wait_indirect_dma semaphore(%arg18 : memref<!tpu.dma_semaphore, #tpu.memory_space<semaphore_mem>>) src(%arg9 : memref<256x16xf32, #tpu.memory_space<vmem>>) dst(%dma_wait3A_390 : memref<10240x16xf32, #tpu.memory_space<vmem_shared>>)
      %mul3A_391 = arith.constant 256 : i32
      %mul3A_392 = arith.muli %add3A_384, %mul3A_391 : i32
      %dma_start3A_393 = tpu.memref_slice %arg5[%mul3A_392] : memref<10240xi32, #tpu.memory_space<vmem>> -> memref<256xi32, #tpu.memory_space<vmem>>
      %dma_start3A_394 = arith.constant 0 : i32
      %dma_start3A_395 = arith.constant 0 : i32
      %dma_start3A_396 = tpu.memref_slice %arg21[%dma_start3A_394, %dma_start3A_395] : memref<10240x16xf32, #tpu.memory_space<vmem_shared>> -> memref<10240x16xf32, #tpu.memory_space<vmem_shared>>
      tpu.enqueue_indirect_dma source(%dma_start3A_396 : memref<10240x16xf32, #tpu.memory_space<vmem_shared>>) target(%arg9 : memref<256x16xf32, #tpu.memory_space<vmem>>) offsets(%dma_start3A_393 : memref<256xi32, #tpu.memory_space<vmem>>) semaphore(%arg14 : memref<!tpu.dma_semaphore, #tpu.memory_space<semaphore_mem>>)
      %add3A_397 = arith.constant 1 : i32
      %add3A_398 = arith.addi %scan3A_278, %add3A_397 : i32
      %mul3A_399 = arith.constant 4 : i32
      %mul3A_400 = arith.muli %add3A_398, %mul3A_399 : i32
      %add3A_401 = arith.constant 3 : i32
      %add3A_402 = arith.addi %mul3A_400, %add3A_401 : i32
      %mul3A_403 = arith.constant 256 : i32
      %mul3A_404 = arith.muli %add3A_402, %mul3A_403 : i32
      %dma_wait3A_405 = tpu.memref_slice %arg6[%mul3A_404] : memref<10240xi32, #tpu.memory_space<vmem>> -> memref<256xi32, #tpu.memory_space<vmem>>
      %dma_wait3A_406 = arith.constant 0 : i32
      %dma_wait3A_407 = arith.constant 0 : i32
      %dma_wait3A_408 = tpu.memref_slice %arg20[%dma_wait3A_406, %dma_wait3A_407] : memref<10240x16xf32, #tpu.memory_space<vmem_shared>> -> memref<10240x16xf32, #tpu.memory_space<vmem_shared>>
      tpu.wait_indirect_dma semaphore(%arg19 : memref<!tpu.dma_semaphore, #tpu.memory_space<semaphore_mem>>) src(%arg10 : memref<256x16xf32, #tpu.memory_space<vmem>>) dst(%dma_wait3A_408 : memref<10240x16xf32, #tpu.memory_space<vmem_shared>>)
      %mul3A_409 = arith.constant 256 : i32
      %mul3A_410 = arith.muli %add3A_402, %mul3A_409 : i32
      %dma_start3A_411 = tpu.memref_slice %arg5[%mul3A_410] : memref<10240xi32, #tpu.memory_space<vmem>> -> memref<256xi32, #tpu.memory_space<vmem>>
      %dma_start3A_412 = arith.constant 0 : i32
      %dma_start3A_413 = arith.constant 0 : i32
      %dma_start3A_414 = tpu.memref_slice %arg21[%dma_start3A_412, %dma_start3A_413] : memref<10240x16xf32, #tpu.memory_space<vmem_shared>> -> memref<10240x16xf32, #tpu.memory_space<vmem_shared>>
      tpu.enqueue_indirect_dma source(%dma_start3A_414 : memref<10240x16xf32, #tpu.memory_space<vmem_shared>>) target(%arg10 : memref<256x16xf32, #tpu.memory_space<vmem>>) offsets(%dma_start3A_411 : memref<256xi32, #tpu.memory_space<vmem>>) semaphore(%arg15 : memref<!tpu.dma_semaphore, #tpu.memory_space<semaphore_mem>>)
    }
    %scan3A_213 = arith.constant 9 : i32
    %dma_wait3A = arith.constant 9216 : i32
    %dma_wait3A_214 = tpu.memref_slice %arg5[%dma_wait3A] : memref<10240xi32, #tpu.memory_space<vmem>> -> memref<256xi32, #tpu.memory_space<vmem>>
    %dma_wait3A_215 = arith.constant 0 : i32
    %dma_wait3A_216 = arith.constant 0 : i32
    %dma_wait3A_217 = tpu.memref_slice %arg21[%dma_wait3A_215, %dma_wait3A_216] : memref<10240x16xf32, #tpu.memory_space<vmem_shared>> -> memref<10240x16xf32, #tpu.memory_space<vmem_shared>>
    tpu.wait_indirect_dma semaphore(%arg12 : memref<!tpu.dma_semaphore, #tpu.memory_space<semaphore_mem>>) src(%dma_wait3A_217 : memref<10240x16xf32, #tpu.memory_space<vmem_shared>>) dst(%arg7 : memref<256x16xf32, #tpu.memory_space<vmem>>)
    %dma_start3A_218 = arith.constant 9216 : i32
    %dma_start3A_219 = tpu.memref_slice %arg6[%dma_start3A_218] : memref<10240xi32, #tpu.memory_space<vmem>> -> memref<256xi32, #tpu.memory_space<vmem>>
    %dma_start3A_220 = arith.constant 0 : i32
    %dma_start3A_221 = arith.constant 0 : i32
    %dma_start3A_222 = tpu.memref_slice %arg20[%dma_start3A_220, %dma_start3A_221] : memref<10240x16xf32, #tpu.memory_space<vmem_shared>> -> memref<10240x16xf32, #tpu.memory_space<vmem_shared>>
    tpu.enqueue_indirect_dma source(%arg7 : memref<256x16xf32, #tpu.memory_space<vmem>>) target(%dma_start3A_222 : memref<10240x16xf32, #tpu.memory_space<vmem_shared>>) offsets(%dma_start3A_219 : memref<256xi32, #tpu.memory_space<vmem>>) semaphore(%arg16 : memref<!tpu.dma_semaphore, #tpu.memory_space<semaphore_mem>>) {add = true}
    %dma_wait3A_223 = arith.constant 9472 : i32
    %dma_wait3A_224 = tpu.memref_slice %arg5[%dma_wait3A_223] : memref<10240xi32, #tpu.memory_space<vmem>> -> memref<256xi32, #tpu.memory_space<vmem>>
    %dma_wait3A_225 = arith.constant 0 : i32
    %dma_wait3A_226 = arith.constant 0 : i32
    %dma_wait3A_227 = tpu.memref_slice %arg21[%dma_wait3A_225, %dma_wait3A_226] : memref<10240x16xf32, #tpu.memory_space<vmem_shared>> -> memref<10240x16xf32, #tpu.memory_space<vmem_shared>>
    tpu.wait_indirect_dma semaphore(%arg13 : memref<!tpu.dma_semaphore, #tpu.memory_space<semaphore_mem>>) src(%dma_wait3A_227 : memref<10240x16xf32, #tpu.memory_space<vmem_shared>>) dst(%arg8 : memref<256x16xf32, #tpu.memory_space<vmem>>)
    %dma_start3A_228 = arith.constant 9472 : i32
    %dma_start3A_229 = tpu.memref_slice %arg6[%dma_start3A_228] : memref<10240xi32, #tpu.memory_space<vmem>> -> memref<256xi32, #tpu.memory_space<vmem>>
    %dma_start3A_230 = arith.constant 0 : i32
    %dma_start3A_231 = arith.constant 0 : i32
    %dma_start3A_232 = tpu.memref_slice %arg20[%dma_start3A_230, %dma_start3A_231] : memref<10240x16xf32, #tpu.memory_space<vmem_shared>> -> memref<10240x16xf32, #tpu.memory_space<vmem_shared>>
    tpu.enqueue_indirect_dma source(%arg8 : memref<256x16xf32, #tpu.memory_space<vmem>>) target(%dma_start3A_232 : memref<10240x16xf32, #tpu.memory_space<vmem_shared>>) offsets(%dma_start3A_229 : memref<256xi32, #tpu.memory_space<vmem>>) semaphore(%arg17 : memref<!tpu.dma_semaphore, #tpu.memory_space<semaphore_mem>>) {add = true}
    %dma_wait3A_233 = arith.constant 9728 : i32
    %dma_wait3A_234 = tpu.memref_slice %arg5[%dma_wait3A_233] : memref<10240xi32, #tpu.memory_space<vmem>> -> memref<256xi32, #tpu.memory_space<vmem>>
    %dma_wait3A_235 = arith.constant 0 : i32
    %dma_wait3A_236 = arith.constant 0 : i32
    %dma_wait3A_237 = tpu.memref_slice %arg21[%dma_wait3A_235, %dma_wait3A_236] : memref<10240x16xf32, #tpu.memory_space<vmem_shared>> -> memref<10240x16xf32, #tpu.memory_space<vmem_shared>>
    tpu.wait_indirect_dma semaphore(%arg14 : memref<!tpu.dma_semaphore, #tpu.memory_space<semaphore_mem>>) src(%dma_wait3A_237 : memref<10240x16xf32, #tpu.memory_space<vmem_shared>>) dst(%arg9 : memref<256x16xf32, #tpu.memory_space<vmem>>)
    %dma_start3A_238 = arith.constant 9728 : i32
    %dma_start3A_239 = tpu.memref_slice %arg6[%dma_start3A_238] : memref<10240xi32, #tpu.memory_space<vmem>> -> memref<256xi32, #tpu.memory_space<vmem>>
    %dma_start3A_240 = arith.constant 0 : i32
    %dma_start3A_241 = arith.constant 0 : i32
    %dma_start3A_242 = tpu.memref_slice %arg20[%dma_start3A_240, %dma_start3A_241] : memref<10240x16xf32, #tpu.memory_space<vmem_shared>> -> memref<10240x16xf32, #tpu.memory_space<vmem_shared>>
    tpu.enqueue_indirect_dma source(%arg9 : memref<256x16xf32, #tpu.memory_space<vmem>>) target(%dma_start3A_242 : memref<10240x16xf32, #tpu.memory_space<vmem_shared>>) offsets(%dma_start3A_239 : memref<256xi32, #tpu.memory_space<vmem>>) semaphore(%arg18 : memref<!tpu.dma_semaphore, #tpu.memory_space<semaphore_mem>>) {add = true}
    %dma_wait3A_243 = arith.constant 9984 : i32
    %dma_wait3A_244 = tpu.memref_slice %arg5[%dma_wait3A_243] : memref<10240xi32, #tpu.memory_space<vmem>> -> memref<256xi32, #tpu.memory_space<vmem>>
    %dma_wait3A_245 = arith.constant 0 : i32
    %dma_wait3A_246 = arith.constant 0 : i32
    %dma_wait3A_247 = tpu.memref_slice %arg21[%dma_wait3A_245, %dma_wait3A_246] : memref<10240x16xf32, #tpu.memory_space<vmem_shared>> -> memref<10240x16xf32, #tpu.memory_space<vmem_shared>>
    tpu.wait_indirect_dma semaphore(%arg15 : memref<!tpu.dma_semaphore, #tpu.memory_space<semaphore_mem>>) src(%dma_wait3A_247 : memref<10240x16xf32, #tpu.memory_space<vmem_shared>>) dst(%arg10 : memref<256x16xf32, #tpu.memory_space<vmem>>)
    %dma_start3A_248 = arith.constant 9984 : i32
    %dma_start3A_249 = tpu.memref_slice %arg6[%dma_start3A_248] : memref<10240xi32, #tpu.memory_space<vmem>> -> memref<256xi32, #tpu.memory_space<vmem>>
    %dma_start3A_250 = arith.constant 0 : i32
    %dma_start3A_251 = arith.constant 0 : i32
    %dma_start3A_252 = tpu.memref_slice %arg20[%dma_start3A_250, %dma_start3A_251] : memref<10240x16xf32, #tpu.memory_space<vmem_shared>> -> memref<10240x16xf32, #tpu.memory_space<vmem_shared>>
    tpu.enqueue_indirect_dma source(%arg10 : memref<256x16xf32, #tpu.memory_space<vmem>>) target(%dma_start3A_252 : memref<10240x16xf32, #tpu.memory_space<vmem_shared>>) offsets(%dma_start3A_249 : memref<256xi32, #tpu.memory_space<vmem>>) semaphore(%arg19 : memref<!tpu.dma_semaphore, #tpu.memory_space<semaphore_mem>>) {add = true}
    %dma_wait3A_253 = arith.constant 9216 : i32
    %dma_wait3A_254 = tpu.memref_slice %arg6[%dma_wait3A_253] : memref<10240xi32, #tpu.memory_space<vmem>> -> memref<256xi32, #tpu.memory_space<vmem>>
    %dma_wait3A_255 = arith.constant 0 : i32
    %dma_wait3A_256 = arith.constant 0 : i32
    %dma_wait3A_257 = tpu.memref_slice %arg20[%dma_wait3A_255, %dma_wait3A_256] : memref<10240x16xf32, #tpu.memory_space<vmem_shared>> -> memref<10240x16xf32, #tpu.memory_space<vmem_shared>>
    tpu.wait_indirect_dma semaphore(%arg16 : memref<!tpu.dma_semaphore, #tpu.memory_space<semaphore_mem>>) src(%arg7 : memref<256x16xf32, #tpu.memory_space<vmem>>) dst(%dma_wait3A_257 : memref<10240x16xf32, #tpu.memory_space<vmem_shared>>)
    %dma_wait3A_258 = arith.constant 9472 : i32
    %dma_wait3A_259 = tpu.memref_slice %arg6[%dma_wait3A_258] : memref<10240xi32, #tpu.memory_space<vmem>> -> memref<256xi32, #tpu.memory_space<vmem>>
    %dma_wait3A_260 = arith.constant 0 : i32
    %dma_wait3A_261 = arith.constant 0 : i32
    %dma_wait3A_262 = tpu.memref_slice %arg20[%dma_wait3A_260, %dma_wait3A_261] : memref<10240x16xf32, #tpu.memory_space<vmem_shared>> -> memref<10240x16xf32, #tpu.memory_space<vmem_shared>>
    tpu.wait_indirect_dma semaphore(%arg17 : memref<!tpu.dma_semaphore, #tpu.memory_space<semaphore_mem>>) src(%arg8 : memref<256x16xf32, #tpu.memory_space<vmem>>) dst(%dma_wait3A_262 : memref<10240x16xf32, #tpu.memory_space<vmem_shared>>)
    %dma_wait3A_263 = arith.constant 9728 : i32
    %dma_wait3A_264 = tpu.memref_slice %arg6[%dma_wait3A_263] : memref<10240xi32, #tpu.memory_space<vmem>> -> memref<256xi32, #tpu.memory_space<vmem>>
    %dma_wait3A_265 = arith.constant 0 : i32
    %dma_wait3A_266 = arith.constant 0 : i32
    %dma_wait3A_267 = tpu.memref_slice %arg20[%dma_wait3A_265, %dma_wait3A_266] : memref<10240x16xf32, #tpu.memory_space<vmem_shared>> -> memref<10240x16xf32, #tpu.memory_space<vmem_shared>>
    tpu.wait_indirect_dma semaphore(%arg18 : memref<!tpu.dma_semaphore, #tpu.memory_space<semaphore_mem>>) src(%arg9 : memref<256x16xf32, #tpu.memory_space<vmem>>) dst(%dma_wait3A_267 : memref<10240x16xf32, #tpu.memory_space<vmem_shared>>)
    %dma_wait3A_268 = arith.constant 9984 : i32
    %dma_wait3A_269 = tpu.memref_slice %arg6[%dma_wait3A_268] : memref<10240xi32, #tpu.memory_space<vmem>> -> memref<256xi32, #tpu.memory_space<vmem>>
    %dma_wait3A_270 = arith.constant 0 : i32
    %dma_wait3A_271 = arith.constant 0 : i32
    %dma_wait3A_272 = tpu.memref_slice %arg20[%dma_wait3A_270, %dma_wait3A_271] : memref<10240x16xf32, #tpu.memory_space<vmem_shared>> -> memref<10240x16xf32, #tpu.memory_space<vmem_shared>>
    tpu.wait_indirect_dma semaphore(%arg19 : memref<!tpu.dma_semaphore, #tpu.memory_space<semaphore_mem>>) src(%arg10 : memref<256x16xf32, #tpu.memory_space<vmem>>) dst(%dma_wait3A_272 : memref<10240x16xf32, #tpu.memory_space<vmem_shared>>)
    %barrier3A_273 = arith.constant 0 : index
    tpu.barrier barrier_id(%barrier3A_273)
    %mul3A_274 = arith.constant 640 : i32
    %mul3A_275 = arith.muli %arg1, %mul3A_274 : i32
    "tpu.region"() ({
      %run_scoped3A_278 = tpu.sem_alloc : memref<!tpu.dma_semaphore, #tpu.memory_space<semaphore_mem>>
      %dma_start3A_279 = arith.constant 0 : i32
      %dma_start3A_280 = tpu.memref_slice %arg20[%mul3A_275, %dma_start3A_279] : memref<10240x16xf32, #tpu.memory_space<vmem_shared>> -> memref<640x16xf32, #tpu.memory_space<vmem_shared>>
      %dma_start3A_281 = arith.constant 0 : i32
      %dma_start3A_282 = tpu.memref_slice %arg20[%mul3A_275, %dma_start3A_281] : memref<10240x16xf32, #tpu.memory_space<vmem_shared>> -> memref<640x16xf32, #tpu.memory_space<vmem_shared>>
      tpu.enqueue_dma source(%dma_start3A_282 : memref<640x16xf32, #tpu.memory_space<vmem_shared>>) target(%arg11 : memref<640x16xf32, #tpu.memory_space<vmem>>) target_semaphore(%run_scoped3A_278 : memref<!tpu.dma_semaphore, #tpu.memory_space<semaphore_mem>>)
      %dma_wait3A_283 = arith.constant 0 : i32
      %dma_wait3A_284 = tpu.memref_slice %arg20[%mul3A_275, %dma_wait3A_283] : memref<10240x16xf32, #tpu.memory_space<vmem_shared>> -> memref<640x16xf32, #tpu.memory_space<vmem_shared>>
      %dma_wait3A_285 = arith.constant 0 : i32
      %dma_wait3A_286 = tpu.memref_slice %arg20[%mul3A_275, %dma_wait3A_285] : memref<10240x16xf32, #tpu.memory_space<vmem_shared>> -> memref<640x16xf32, #tpu.memory_space<vmem_shared>>
      tpu.wait_dma2 semaphore(%run_scoped3A_278 : memref<!tpu.dma_semaphore, #tpu.memory_space<semaphore_mem>>) src(%dma_wait3A_286 : memref<640x16xf32, #tpu.memory_space<vmem_shared>>) dst(%arg11 : memref<640x16xf32, #tpu.memory_space<vmem>>)
      tpu.yield
    }) : () -> ()
    %mul3A_276 = arith.constant 640 : i32
    %mul3A_277 = arith.muli %arg1, %mul3A_276 : i32
    "tpu.region"() ({
      %run_scoped3A_278 = tpu.sem_alloc : memref<!tpu.dma_semaphore, #tpu.memory_space<semaphore_mem>>
      %dma_start3A_279 = arith.constant 0 : i32
      %dma_start3A_280 = tpu.memref_slice %arg4[%arg0, %mul3A_277, %dma_start3A_279] : memref<2x10240x16xf32, #tpu.memory_space<hbm>> -> memref<1x640x16xf32, #tpu.memory_space<hbm>>
      %dma_start3A_281 = tpu.memref_squeeze %dma_start3A_280 : memref<1x640x16xf32, #tpu.memory_space<hbm>> -> memref<640x16xf32, #tpu.memory_space<hbm>>
      %dma_start3A_282 = arith.constant 0 : i32
      %dma_start3A_283 = tpu.memref_slice %arg4[%arg0, %mul3A_277, %dma_start3A_282] : memref<2x10240x16xf32, #tpu.memory_space<hbm>> -> memref<1x640x16xf32, #tpu.memory_space<hbm>>
      %dma_start3A_284 = tpu.memref_squeeze %dma_start3A_283 : memref<1x640x16xf32, #tpu.memory_space<hbm>> -> memref<640x16xf32, #tpu.memory_space<hbm>>
      tpu.enqueue_dma source(%arg11 : memref<640x16xf32, #tpu.memory_space<vmem>>) target(%dma_start3A_284 : memref<640x16xf32, #tpu.memory_space<hbm>>) target_semaphore(%run_scoped3A_278 : memref<!tpu.dma_semaphore, #tpu.memory_space<semaphore_mem>>)
      %dma_wait3A_285 = arith.constant 0 : i32
      %dma_wait3A_286 = tpu.memref_slice %arg4[%arg0, %mul3A_277, %dma_wait3A_285] : memref<2x10240x16xf32, #tpu.memory_space<hbm>> -> memref<1x640x16xf32, #tpu.memory_space<hbm>>
      %dma_wait3A_287 = tpu.memref_squeeze %dma_wait3A_286 : memref<1x640x16xf32, #tpu.memory_space<hbm>> -> memref<640x16xf32, #tpu.memory_space<hbm>>
      %dma_wait3A_288 = arith.constant 0 : i32
      %dma_wait3A_289 = tpu.memref_slice %arg4[%arg0, %mul3A_277, %dma_wait3A_288] : memref<2x10240x16xf32, #tpu.memory_space<hbm>> -> memref<1x640x16xf32, #tpu.memory_space<hbm>>
      %dma_wait3A_290 = tpu.memref_squeeze %dma_wait3A_289 : memref<1x640x16xf32, #tpu.memory_space<hbm>> -> memref<640x16xf32, #tpu.memory_space<hbm>>
      tpu.wait_dma2 semaphore(%run_scoped3A_278 : memref<!tpu.dma_semaphore, #tpu.memory_space<semaphore_mem>>) src(%arg11 : memref<640x16xf32, #tpu.memory_space<vmem>>) dst(%dma_wait3A_290 : memref<640x16xf32, #tpu.memory_space<hbm>>)
      tpu.yield
    }) : () -> ()
    return
  }
}

#map = affine_map<(d0, d1) -> (0, 0, 0)>
#map1 = affine_map<(d0, d1) -> (0, 0)>
module attributes {stable_mosaic.version = 14 : i64} {
  func.func @_edge_kernel(%arg0: i32, %arg1: i32, %arg2: memref<2x32x10000xi32, #tpu.memory_space<hbm>>, %arg3: memref<10240x16xf32, #tpu.memory_space<hbm>>, %arg4: memref<2x10240x16xf32, #tpu.memory_space<hbm>>, %arg5: memref<10240xi32, #tpu.memory_space<vmem>>, %arg6: memref<10240xi32, #tpu.memory_space<vmem>>, %arg7: memref<256x16xf32, #tpu.memory_space<vmem>>, %arg8: memref<256x16xf32, #tpu.memory_space<vmem>>, %arg9: memref<256x16xf32, #tpu.memory_space<vmem>>, %arg10: memref<256x16xf32, #tpu.memory_space<vmem>>, %arg11: memref<640x16xf32, #tpu.memory_space<vmem>>, %arg12: memref<!tpu.dma_semaphore, #tpu.memory_space<semaphore_mem>>, %arg13: memref<!tpu.dma_semaphore, #tpu.memory_space<semaphore_mem>>, %arg14: memref<!tpu.dma_semaphore, #tpu.memory_space<semaphore_mem>>, %arg15: memref<!tpu.dma_semaphore, #tpu.memory_space<semaphore_mem>>, %arg16: memref<!tpu.dma_semaphore, #tpu.memory_space<semaphore_mem>>, %arg17: memref<!tpu.dma_semaphore, #tpu.memory_space<semaphore_mem>>, %arg18: memref<!tpu.dma_semaphore, #tpu.memory_space<semaphore_mem>>, %arg19: memref<!tpu.dma_semaphore, #tpu.memory_space<semaphore_mem>>, %arg20: memref<10240x16xf32, #tpu.memory_space<vmem_shared>>, %arg21: memref<10240x16xf32, #tpu.memory_space<vmem_shared>>) attributes {dimension_semantics = [#tpu.dimension_semantics<core_parallel>, #tpu.dimension_semantics<subcore_parallel>], iteration_bounds = array<i64: 2, 16>, scalar_prefetch = 0 : i64, scratch_operands = 17 : i64, tpu.core_type = #tpu.core_type<sc_vector_subcore>, window_params = [{transform_indices = #map}, {transform_indices = #map1}, {transform_indices = #map}]} {
    %mul3A = arith.constant 16 : i32
    %mul3A_0 = arith.muli %arg0, %mul3A : i32
    %add3A = arith.addi %mul3A_0, %arg1 : i32
    %mul3A_1 = arith.constant 640 : i32
    %mul3A_2 = arith.muli %arg1, %mul3A_1 : i32
    "tpu.region"() ({
      %run_scoped3A_278 = tpu.sem_alloc : memref<!tpu.dma_semaphore, #tpu.memory_space<semaphore_mem>>
      %dma_start3A_279 = arith.constant 0 : i32
      %dma_start3A_280 = tpu.memref_slice %arg3[%mul3A_2, %dma_start3A_279] : memref<10240x16xf32, #tpu.memory_space<hbm>> -> memref<640x16xf32, #tpu.memory_space<hbm>>
      %dma_start3A_281 = arith.constant 0 : i32
      %dma_start3A_282 = tpu.memref_slice %arg3[%mul3A_2, %dma_start3A_281] : memref<10240x16xf32, #tpu.memory_space<hbm>> -> memref<640x16xf32, #tpu.memory_space<hbm>>
      tpu.enqueue_dma source(%dma_start3A_282 : memref<640x16xf32, #tpu.memory_space<hbm>>) target(%arg11 : memref<640x16xf32, #tpu.memory_space<vmem>>) target_semaphore(%run_scoped3A_278 : memref<!tpu.dma_semaphore, #tpu.memory_space<semaphore_mem>>)
      %dma_wait3A_283 = arith.constant 0 : i32
      %dma_wait3A_284 = tpu.memref_slice %arg3[%mul3A_2, %dma_wait3A_283] : memref<10240x16xf32, #tpu.memory_space<hbm>> -> memref<640x16xf32, #tpu.memory_space<hbm>>
      %dma_wait3A_285 = arith.constant 0 : i32
      %dma_wait3A_286 = tpu.memref_slice %arg3[%mul3A_2, %dma_wait3A_285] : memref<10240x16xf32, #tpu.memory_space<hbm>> -> memref<640x16xf32, #tpu.memory_space<hbm>>
      tpu.wait_dma2 semaphore(%run_scoped3A_278 : memref<!tpu.dma_semaphore, #tpu.memory_space<semaphore_mem>>) src(%dma_wait3A_286 : memref<640x16xf32, #tpu.memory_space<hbm>>) dst(%arg11 : memref<640x16xf32, #tpu.memory_space<vmem>>)
      tpu.yield
    }) : () -> ()
    %mul3A_3 = arith.constant 640 : i32
    %mul3A_4 = arith.muli %arg1, %mul3A_3 : i32
    "tpu.region"() ({
      %run_scoped3A_278 = tpu.sem_alloc : memref<!tpu.dma_semaphore, #tpu.memory_space<semaphore_mem>>
      %dma_start3A_279 = arith.constant 0 : i32
      %dma_start3A_280 = tpu.memref_slice %arg21[%mul3A_4, %dma_start3A_279] : memref<10240x16xf32, #tpu.memory_space<vmem_shared>> -> memref<640x16xf32, #tpu.memory_space<vmem_shared>>
      %dma_start3A_281 = arith.constant 0 : i32
      %dma_start3A_282 = tpu.memref_slice %arg21[%mul3A_4, %dma_start3A_281] : memref<10240x16xf32, #tpu.memory_space<vmem_shared>> -> memref<640x16xf32, #tpu.memory_space<vmem_shared>>
      tpu.enqueue_dma source(%arg11 : memref<640x16xf32, #tpu.memory_space<vmem>>) target(%dma_start3A_282 : memref<640x16xf32, #tpu.memory_space<vmem_shared>>) target_semaphore(%run_scoped3A_278 : memref<!tpu.dma_semaphore, #tpu.memory_space<semaphore_mem>>)
      %dma_wait3A_283 = arith.constant 0 : i32
      %dma_wait3A_284 = tpu.memref_slice %arg21[%mul3A_4, %dma_wait3A_283] : memref<10240x16xf32, #tpu.memory_space<vmem_shared>> -> memref<640x16xf32, #tpu.memory_space<vmem_shared>>
      %dma_wait3A_285 = arith.constant 0 : i32
      %dma_wait3A_286 = tpu.memref_slice %arg21[%mul3A_4, %dma_wait3A_285] : memref<10240x16xf32, #tpu.memory_space<vmem_shared>> -> memref<640x16xf32, #tpu.memory_space<vmem_shared>>
      tpu.wait_dma2 semaphore(%run_scoped3A_278 : memref<!tpu.dma_semaphore, #tpu.memory_space<semaphore_mem>>) src(%arg11 : memref<640x16xf32, #tpu.memory_space<vmem>>) dst(%dma_wait3A_286 : memref<640x16xf32, #tpu.memory_space<vmem_shared>>)
      tpu.yield
    }) : () -> ()
    %eq3A = arith.constant 0 : i32
    %eq3A_5 = arith.cmpi eq, %arg0, %eq3A : i32
    %convert_element_type3A = arith.extui %eq3A_5 : i1 to i32
    %cond3A = arith.constant 0 : i32
    %cond3A_6 = arith.cmpi ne, %convert_element_type3A, %cond3A : i32
    scf.if %cond3A_6 {
      %mul3A_278 = arith.constant 640 : i32
      %mul3A_279 = arith.muli %arg1, %mul3A_278 : i32
      "tpu.region"() ({
        %run_scoped3A_280 = tpu.sem_alloc : memref<!tpu.dma_semaphore, #tpu.memory_space<semaphore_mem>>
        %dma_start3A_281 = arith.constant 0 : i32
        %dma_start3A_282 = tpu.memref_slice %arg20[%mul3A_279, %dma_start3A_281] : memref<10240x16xf32, #tpu.memory_space<vmem_shared>> -> memref<640x16xf32, #tpu.memory_space<vmem_shared>>
        %dma_start3A_283 = arith.constant 0 : i32
        %dma_start3A_284 = tpu.memref_slice %arg20[%mul3A_279, %dma_start3A_283] : memref<10240x16xf32, #tpu.memory_space<vmem_shared>> -> memref<640x16xf32, #tpu.memory_space<vmem_shared>>
        tpu.enqueue_dma source(%arg11 : memref<640x16xf32, #tpu.memory_space<vmem>>) target(%dma_start3A_284 : memref<640x16xf32, #tpu.memory_space<vmem_shared>>) target_semaphore(%run_scoped3A_280 : memref<!tpu.dma_semaphore, #tpu.memory_space<semaphore_mem>>)
        %dma_wait3A_285 = arith.constant 0 : i32
        %dma_wait3A_286 = tpu.memref_slice %arg20[%mul3A_279, %dma_wait3A_285] : memref<10240x16xf32, #tpu.memory_space<vmem_shared>> -> memref<640x16xf32, #tpu.memory_space<vmem_shared>>
        %dma_wait3A_287 = arith.constant 0 : i32
        %dma_wait3A_288 = tpu.memref_slice %arg20[%mul3A_279, %dma_wait3A_287] : memref<10240x16xf32, #tpu.memory_space<vmem_shared>> -> memref<640x16xf32, #tpu.memory_space<vmem_shared>>
        tpu.wait_dma2 semaphore(%run_scoped3A_280 : memref<!tpu.dma_semaphore, #tpu.memory_space<semaphore_mem>>) src(%arg11 : memref<640x16xf32, #tpu.memory_space<vmem>>) dst(%dma_wait3A_288 : memref<640x16xf32, #tpu.memory_space<vmem_shared>>)
        tpu.yield
      }) : () -> ()
    } else {
    }
    %ne3A = arith.constant 0 : i32
    %ne3A_7 = arith.cmpi ne, %arg0, %ne3A : i32
    %convert_element_type3A_8 = arith.extui %ne3A_7 : i1 to i32
    %cond3A_9 = arith.constant 0 : i32
    %cond3A_10 = arith.cmpi ne, %convert_element_type3A_8, %cond3A_9 : i32
    scf.if %cond3A_10 {
      %broadcast_in_dim3A_278 = arith.constant 0.000000e+00 : f32
      %broadcast_in_dim3A_279 = vector.broadcast %broadcast_in_dim3A_278 : f32 to vector<16xf32>
      %swap3A_280 = arith.constant 0 : i32
      %swap3A_281 = arith.index_cast %swap3A_280 : i32 to index
      %swap3A_282 = arith.constant 0 : index
      %swap3A_283 = tpu.vector_load %arg7[%swap3A_281, %swap3A_282] {strides = array<i32>} : memref<256x16xf32, #tpu.memory_space<vmem>>, vector<1x16xf32>,
      %swap3A_284 = vector.shape_cast %swap3A_283 : vector<1x16xf32> to vector<16xf32>
      %swap3A_285 = vector.shape_cast %broadcast_in_dim3A_279 : vector<16xf32> to vector<1x16xf32>
      tpu.vector_store %arg7[%swap3A_281, %swap3A_282], %swap3A_285 {strides = array<i32>} : memref<256x16xf32, #tpu.memory_space<vmem>>, vector<1x16xf32>,
      %broadcast_in_dim3A_286 = arith.constant 0.000000e+00 : f32
      %broadcast_in_dim3A_287 = vector.broadcast %broadcast_in_dim3A_286 : f32 to vector<16xf32>
      %swap3A_288 = arith.constant 1 : i32
      %swap3A_289 = arith.index_cast %swap3A_288 : i32 to index
      %swap3A_290 = arith.constant 0 : index
      %swap3A_291 = tpu.vector_load %arg7[%swap3A_289, %swap3A_290] {strides = array<i32>} : memref<256x16xf32, #tpu.memory_space<vmem>>, vector<1x16xf32>,
      %swap3A_292 = vector.shape_cast %swap3A_291 : vector<1x16xf32> to vector<16xf32>
      %swap3A_293 = vector.shape_cast %broadcast_in_dim3A_287 : vector<16xf32> to vector<1x16xf32>
      tpu.vector_store %arg7[%swap3A_289, %swap3A_290], %swap3A_293 {strides = array<i32>} : memref<256x16xf32, #tpu.memory_space<vmem>>, vector<1x16xf32>,
      %broadcast_in_dim3A_294 = arith.constant 0.000000e+00 : f32
      %broadcast_in_dim3A_295 = vector.broadcast %broadcast_in_dim3A_294 : f32 to vector<16xf32>
      %swap3A_296 = arith.constant 2 : i32
      %swap3A_297 = arith.index_cast %swap3A_296 : i32 to index
      %swap3A_298 = arith.constant 0 : index
      %swap3A_299 = tpu.vector_load %arg7[%swap3A_297, %swap3A_298] {strides = array<i32>} : memref<256x16xf32, #tpu.memory_space<vmem>>, vector<1x16xf32>,
      %swap3A_300 = vector.shape_cast %swap3A_299 : vector<1x16xf32> to vector<16xf32>
      %swap3A_301 = vector.shape_cast %broadcast_in_dim3A_295 : vector<16xf32> to vector<1x16xf32>
      tpu.vector_store %arg7[%swap3A_297, %swap3A_298], %swap3A_301 {strides = array<i32>} : memref<256x16xf32, #tpu.memory_space<vmem>>, vector<1x16xf32>,
      %broadcast_in_dim3A_302 = arith.constant 0.000000e+00 : f32
      %broadcast_in_dim3A_303 = vector.broadcast %broadcast_in_dim3A_302 : f32 to vector<16xf32>
      %swap3A_304 = arith.constant 3 : i32
      %swap3A_305 = arith.index_cast %swap3A_304 : i32 to index
      %swap3A_306 = arith.constant 0 : index
      %swap3A_307 = tpu.vector_load %arg7[%swap3A_305, %swap3A_306] {strides = array<i32>} : memref<256x16xf32, #tpu.memory_space<vmem>>, vector<1x16xf32>,
      %swap3A_308 = vector.shape_cast %swap3A_307 : vector<1x16xf32> to vector<16xf32>
      %swap3A_309 = vector.shape_cast %broadcast_in_dim3A_303 : vector<16xf32> to vector<1x16xf32>
      tpu.vector_store %arg7[%swap3A_305, %swap3A_306], %swap3A_309 {strides = array<i32>} : memref<256x16xf32, #tpu.memory_space<vmem>>, vector<1x16xf32>,
      %broadcast_in_dim3A_310 = arith.constant 0.000000e+00 : f32
      %broadcast_in_dim3A_311 = vector.broadcast %broadcast_in_dim3A_310 : f32 to vector<16xf32>
      %swap3A_312 = arith.constant 4 : i32
      %swap3A_313 = arith.index_cast %swap3A_312 : i32 to index
      %swap3A_314 = arith.constant 0 : index
      %swap3A_315 = tpu.vector_load %arg7[%swap3A_313, %swap3A_314] {strides = array<i32>} : memref<256x16xf32, #tpu.memory_space<vmem>>, vector<1x16xf32>,
      %swap3A_316 = vector.shape_cast %swap3A_315 : vector<1x16xf32> to vector<16xf32>
      %swap3A_317 = vector.shape_cast %broadcast_in_dim3A_311 : vector<16xf32> to vector<1x16xf32>
      tpu.vector_store %arg7[%swap3A_313, %swap3A_314], %swap3A_317 {strides = array<i32>} : memref<256x16xf32, #tpu.memory_space<vmem>>, vector<1x16xf32>,
      %broadcast_in_dim3A_318 = arith.constant 0.000000e+00 : f32
      %broadcast_in_dim3A_319 = vector.broadcast %broadcast_in_dim3A_318 : f32 to vector<16xf32>
      %swap3A_320 = arith.constant 5 : i32
      %swap3A_321 = arith.index_cast %swap3A_320 : i32 to index
      %swap3A_322 = arith.constant 0 : index
      %swap3A_323 = tpu.vector_load %arg7[%swap3A_321, %swap3A_322] {strides = array<i32>} : memref<256x16xf32, #tpu.memory_space<vmem>>, vector<1x16xf32>,
      %swap3A_324 = vector.shape_cast %swap3A_323 : vector<1x16xf32> to vector<16xf32>
      %swap3A_325 = vector.shape_cast %broadcast_in_dim3A_319 : vector<16xf32> to vector<1x16xf32>
      tpu.vector_store %arg7[%swap3A_321, %swap3A_322], %swap3A_325 {strides = array<i32>} : memref<256x16xf32, #tpu.memory_space<vmem>>, vector<1x16xf32>,
      %broadcast_in_dim3A_326 = arith.constant 0.000000e+00 : f32
      %broadcast_in_dim3A_327 = vector.broadcast %broadcast_in_dim3A_326 : f32 to vector<16xf32>
      %swap3A_328 = arith.constant 6 : i32
      %swap3A_329 = arith.index_cast %swap3A_328 : i32 to index
      %swap3A_330 = arith.constant 0 : index
      %swap3A_331 = tpu.vector_load %arg7[%swap3A_329, %swap3A_330] {strides = array<i32>} : memref<256x16xf32, #tpu.memory_space<vmem>>, vector<1x16xf32>,
      %swap3A_332 = vector.shape_cast %swap3A_331 : vector<1x16xf32> to vector<16xf32>
      %swap3A_333 = vector.shape_cast %broadcast_in_dim3A_327 : vector<16xf32> to vector<1x16xf32>
      tpu.vector_store %arg7[%swap3A_329, %swap3A_330], %swap3A_333 {strides = array<i32>} : memref<256x16xf32, #tpu.memory_space<vmem>>, vector<1x16xf32>,
      %broadcast_in_dim3A_334 = arith.constant 0.000000e+00 : f32
      %broadcast_in_dim3A_335 = vector.broadcast %broadcast_in_dim3A_334 : f32 to vector<16xf32>
      %swap3A_336 = arith.constant 7 : i32
      %swap3A_337 = arith.index_cast %swap3A_336 : i32 to index
      %swap3A_338 = arith.constant 0 : index
      %swap3A_339 = tpu.vector_load %arg7[%swap3A_337, %swap3A_338] {strides = array<i32>} : memref<256x16xf32, #tpu.memory_space<vmem>>, vector<1x16xf32>,
      %swap3A_340 = vector.shape_cast %swap3A_339 : vector<1x16xf32> to vector<16xf32>
      %swap3A_341 = vector.shape_cast %broadcast_in_dim3A_335 : vector<16xf32> to vector<1x16xf32>
      tpu.vector_store %arg7[%swap3A_337, %swap3A_338], %swap3A_341 {strides = array<i32>} : memref<256x16xf32, #tpu.memory_space<vmem>>, vector<1x16xf32>,
      %broadcast_in_dim3A_342 = arith.constant 0.000000e+00 : f32
      %broadcast_in_dim3A_343 = vector.broadcast %broadcast_in_dim3A_342 : f32 to vector<16xf32>
      %swap3A_344 = arith.constant 8 : i32
      %swap3A_345 = arith.index_cast %swap3A_344 : i32 to index
      %swap3A_346 = arith.constant 0 : index
      %swap3A_347 = tpu.vector_load %arg7[%swap3A_345, %swap3A_346] {strides = array<i32>} : memref<256x16xf32, #tpu.memory_space<vmem>>, vector<1x16xf32>,
      %swap3A_348 = vector.shape_cast %swap3A_347 : vector<1x16xf32> to vector<16xf32>
      %swap3A_349 = vector.shape_cast %broadcast_in_dim3A_343 : vector<16xf32> to vector<1x16xf32>
      tpu.vector_store %arg7[%swap3A_345, %swap3A_346], %swap3A_349 {strides = array<i32>} : memref<256x16xf32, #tpu.memory_space<vmem>>, vector<1x16xf32>,
      %broadcast_in_dim3A_350 = arith.constant 0.000000e+00 : f32
      %broadcast_in_dim3A_351 = vector.broadcast %broadcast_in_dim3A_350 : f32 to vector<16xf32>
      %swap3A_352 = arith.constant 9 : i32
      %swap3A_353 = arith.index_cast %swap3A_352 : i32 to index
      %swap3A_354 = arith.constant 0 : index
      %swap3A_355 = tpu.vector_load %arg7[%swap3A_353, %swap3A_354] {strides = array<i32>} : memref<256x16xf32, #tpu.memory_space<vmem>>, vector<1x16xf32>,
      %swap3A_356 = vector.shape_cast %swap3A_355 : vector<1x16xf32> to vector<16xf32>
      %swap3A_357 = vector.shape_cast %broadcast_in_dim3A_351 : vector<16xf32> to vector<1x16xf32>
      tpu.vector_store %arg7[%swap3A_353, %swap3A_354], %swap3A_357 {strides = array<i32>} : memref<256x16xf32, #tpu.memory_space<vmem>>, vector<1x16xf32>,
      %broadcast_in_dim3A_358 = arith.constant 0.000000e+00 : f32
      %broadcast_in_dim3A_359 = vector.broadcast %broadcast_in_dim3A_358 : f32 to vector<16xf32>
      %swap3A_360 = arith.constant 10 : i32
      %swap3A_361 = arith.index_cast %swap3A_360 : i32 to index
      %swap3A_362 = arith.constant 0 : index
      %swap3A_363 = tpu.vector_load %arg7[%swap3A_361, %swap3A_362] {strides = array<i32>} : memref<256x16xf32, #tpu.memory_space<vmem>>, vector<1x16xf32>,
      %swap3A_364 = vector.shape_cast %swap3A_363 : vector<1x16xf32> to vector<16xf32>
      %swap3A_365 = vector.shape_cast %broadcast_in_dim3A_359 : vector<16xf32> to vector<1x16xf32>
      tpu.vector_store %arg7[%swap3A_361, %swap3A_362], %swap3A_365 {strides = array<i32>} : memref<256x16xf32, #tpu.memory_space<vmem>>, vector<1x16xf32>,
      %broadcast_in_dim3A_366 = arith.constant 0.000000e+00 : f32
      %broadcast_in_dim3A_367 = vector.broadcast %broadcast_in_dim3A_366 : f32 to vector<16xf32>
      %swap3A_368 = arith.constant 11 : i32
      %swap3A_369 = arith.index_cast %swap3A_368 : i32 to index
      %swap3A_370 = arith.constant 0 : index
      %swap3A_371 = tpu.vector_load %arg7[%swap3A_369, %swap3A_370] {strides = array<i32>} : memref<256x16xf32, #tpu.memory_space<vmem>>, vector<1x16xf32>,
      %swap3A_372 = vector.shape_cast %swap3A_371 : vector<1x16xf32> to vector<16xf32>
      %swap3A_373 = vector.shape_cast %broadcast_in_dim3A_367 : vector<16xf32> to vector<1x16xf32>
      tpu.vector_store %arg7[%swap3A_369, %swap3A_370], %swap3A_373 {strides = array<i32>} : memref<256x16xf32, #tpu.memory_space<vmem>>, vector<1x16xf32>,
      %broadcast_in_dim3A_374 = arith.constant 0.000000e+00 : f32
      %broadcast_in_dim3A_375 = vector.broadcast %broadcast_in_dim3A_374 : f32 to vector<16xf32>
      %swap3A_376 = arith.constant 12 : i32
      %swap3A_377 = arith.index_cast %swap3A_376 : i32 to index
      %swap3A_378 = arith.constant 0 : index
      %swap3A_379 = tpu.vector_load %arg7[%swap3A_377, %swap3A_378] {strides = array<i32>} : memref<256x16xf32, #tpu.memory_space<vmem>>, vector<1x16xf32>,
      %swap3A_380 = vector.shape_cast %swap3A_379 : vector<1x16xf32> to vector<16xf32>
      %swap3A_381 = vector.shape_cast %broadcast_in_dim3A_375 : vector<16xf32> to vector<1x16xf32>
      tpu.vector_store %arg7[%swap3A_377, %swap3A_378], %swap3A_381 {strides = array<i32>} : memref<256x16xf32, #tpu.memory_space<vmem>>, vector<1x16xf32>,
      %broadcast_in_dim3A_382 = arith.constant 0.000000e+00 : f32
      %broadcast_in_dim3A_383 = vector.broadcast %broadcast_in_dim3A_382 : f32 to vector<16xf32>
      %swap3A_384 = arith.constant 13 : i32
      %swap3A_385 = arith.index_cast %swap3A_384 : i32 to index
      %swap3A_386 = arith.constant 0 : index
      %swap3A_387 = tpu.vector_load %arg7[%swap3A_385, %swap3A_386] {strides = array<i32>} : memref<256x16xf32, #tpu.memory_space<vmem>>, vector<1x16xf32>,
      %swap3A_388 = vector.shape_cast %swap3A_387 : vector<1x16xf32> to vector<16xf32>
      %swap3A_389 = vector.shape_cast %broadcast_in_dim3A_383 : vector<16xf32> to vector<1x16xf32>
      tpu.vector_store %arg7[%swap3A_385, %swap3A_386], %swap3A_389 {strides = array<i32>} : memref<256x16xf32, #tpu.memory_space<vmem>>, vector<1x16xf32>,
      %broadcast_in_dim3A_390 = arith.constant 0.000000e+00 : f32
      %broadcast_in_dim3A_391 = vector.broadcast %broadcast_in_dim3A_390 : f32 to vector<16xf32>
      %swap3A_392 = arith.constant 14 : i32
      %swap3A_393 = arith.index_cast %swap3A_392 : i32 to index
      %swap3A_394 = arith.constant 0 : index
      %swap3A_395 = tpu.vector_load %arg7[%swap3A_393, %swap3A_394] {strides = array<i32>} : memref<256x16xf32, #tpu.memory_space<vmem>>, vector<1x16xf32>,
      %swap3A_396 = vector.shape_cast %swap3A_395 : vector<1x16xf32> to vector<16xf32>
      %swap3A_397 = vector.shape_cast %broadcast_in_dim3A_391 : vector<16xf32> to vector<1x16xf32>
      tpu.vector_store %arg7[%swap3A_393, %swap3A_394], %swap3A_397 {strides = array<i32>} : memref<256x16xf32, #tpu.memory_space<vmem>>, vector<1x16xf32>,
      %broadcast_in_dim3A_398 = arith.constant 0.000000e+00 : f32
      %broadcast_in_dim3A_399 = vector.broadcast %broadcast_in_dim3A_398 : f32 to vector<16xf32>
      %swap3A_400 = arith.constant 15 : i32
      %swap3A_401 = arith.index_cast %swap3A_400 : i32 to index
      %swap3A_402 = arith.constant 0 : index
      %swap3A_403 = tpu.vector_load %arg7[%swap3A_401, %swap3A_402] {strides = array<i32>} : memref<256x16xf32, #tpu.memory_space<vmem>>, vector<1x16xf32>,
      %swap3A_404 = vector.shape_cast %swap3A_403 : vector<1x16xf32> to vector<16xf32>
      %swap3A_405 = vector.shape_cast %broadcast_in_dim3A_399 : vector<16xf32> to vector<1x16xf32>
      tpu.vector_store %arg7[%swap3A_401, %swap3A_402], %swap3A_405 {strides = array<i32>} : memref<256x16xf32, #tpu.memory_space<vmem>>, vector<1x16xf32>,
      %broadcast_in_dim3A_406 = arith.constant 0.000000e+00 : f32
      %broadcast_in_dim3A_407 = vector.broadcast %broadcast_in_dim3A_406 : f32 to vector<16xf32>
      %swap3A_408 = arith.constant 16 : i32
      %swap3A_409 = arith.index_cast %swap3A_408 : i32 to index
      %swap3A_410 = arith.constant 0 : index
      %swap3A_411 = tpu.vector_load %arg7[%swap3A_409, %swap3A_410] {strides = array<i32>} : memref<256x16xf32, #tpu.memory_space<vmem>>, vector<1x16xf32>,
      %swap3A_412 = vector.shape_cast %swap3A_411 : vector<1x16xf32> to vector<16xf32>
      %swap3A_413 = vector.shape_cast %broadcast_in_dim3A_407 : vector<16xf32> to vector<1x16xf32>
      tpu.vector_store %arg7[%swap3A_409, %swap3A_410], %swap3A_413 {strides = array<i32>} : memref<256x16xf32, #tpu.memory_space<vmem>>, vector<1x16xf32>,
      %broadcast_in_dim3A_414 = arith.constant 0.000000e+00 : f32
      %broadcast_in_dim3A_415 = vector.broadcast %broadcast_in_dim3A_414 : f32 to vector<16xf32>
      %swap3A_416 = arith.constant 17 : i32
      %swap3A_417 = arith.index_cast %swap3A_416 : i32 to index
      %swap3A_418 = arith.constant 0 : index
      %swap3A_419 = tpu.vector_load %arg7[%swap3A_417, %swap3A_418] {strides = array<i32>} : memref<256x16xf32, #tpu.memory_space<vmem>>, vector<1x16xf32>,
      %swap3A_420 = vector.shape_cast %swap3A_419 : vector<1x16xf32> to vector<16xf32>
      %swap3A_421 = vector.shape_cast %broadcast_in_dim3A_415 : vector<16xf32> to vector<1x16xf32>
      tpu.vector_store %arg7[%swap3A_417, %swap3A_418], %swap3A_421 {strides = array<i32>} : memref<256x16xf32, #tpu.memory_space<vmem>>, vector<1x16xf32>,
      %broadcast_in_dim3A_422 = arith.constant 0.000000e+00 : f32
      %broadcast_in_dim3A_423 = vector.broadcast %broadcast_in_dim3A_422 : f32 to vector<16xf32>
      %swap3A_424 = arith.constant 18 : i32
      %swap3A_425 = arith.index_cast %swap3A_424 : i32 to index
      %swap3A_426 = arith.constant 0 : index
      %swap3A_427 = tpu.vector_load %arg7[%swap3A_425, %swap3A_426] {strides = array<i32>} : memref<256x16xf32, #tpu.memory_space<vmem>>, vector<1x16xf32>,
      %swap3A_428 = vector.shape_cast %swap3A_427 : vector<1x16xf32> to vector<16xf32>
      %swap3A_429 = vector.shape_cast %broadcast_in_dim3A_423 : vector<16xf32> to vector<1x16xf32>
      tpu.vector_store %arg7[%swap3A_425, %swap3A_426], %swap3A_429 {strides = array<i32>} : memref<256x16xf32, #tpu.memory_space<vmem>>, vector<1x16xf32>,
      %broadcast_in_dim3A_430 = arith.constant 0.000000e+00 : f32
      %broadcast_in_dim3A_431 = vector.broadcast %broadcast_in_dim3A_430 : f32 to vector<16xf32>
      %swap3A_432 = arith.constant 19 : i32
      %swap3A_433 = arith.index_cast %swap3A_432 : i32 to index
      %swap3A_434 = arith.constant 0 : index
      %swap3A_435 = tpu.vector_load %arg7[%swap3A_433, %swap3A_434] {strides = array<i32>} : memref<256x16xf32, #tpu.memory_space<vmem>>, vector<1x16xf32>,
      %swap3A_436 = vector.shape_cast %swap3A_435 : vector<1x16xf32> to vector<16xf32>
      %swap3A_437 = vector.shape_cast %broadcast_in_dim3A_431 : vector<16xf32> to vector<1x16xf32>
      tpu.vector_store %arg7[%swap3A_433, %swap3A_434], %swap3A_437 {strides = array<i32>} : memref<256x16xf32, #tpu.memory_space<vmem>>, vector<1x16xf32>,
      %broadcast_in_dim3A_438 = arith.constant 0.000000e+00 : f32
      %broadcast_in_dim3A_439 = vector.broadcast %broadcast_in_dim3A_438 : f32 to vector<16xf32>
      %swap3A_440 = arith.constant 20 : i32
      %swap3A_441 = arith.index_cast %swap3A_440 : i32 to index
      %swap3A_442 = arith.constant 0 : index
      %swap3A_443 = tpu.vector_load %arg7[%swap3A_441, %swap3A_442] {strides = array<i32>} : memref<256x16xf32, #tpu.memory_space<vmem>>, vector<1x16xf32>,
      %swap3A_444 = vector.shape_cast %swap3A_443 : vector<1x16xf32> to vector<16xf32>
      %swap3A_445 = vector.shape_cast %broadcast_in_dim3A_439 : vector<16xf32> to vector<1x16xf32>
      tpu.vector_store %arg7[%swap3A_441, %swap3A_442], %swap3A_445 {strides = array<i32>} : memref<256x16xf32, #tpu.memory_space<vmem>>, vector<1x16xf32>,
      %broadcast_in_dim3A_446 = arith.constant 0.000000e+00 : f32
      %broadcast_in_dim3A_447 = vector.broadcast %broadcast_in_dim3A_446 : f32 to vector<16xf32>
      %swap3A_448 = arith.constant 21 : i32
      %swap3A_449 = arith.index_cast %swap3A_448 : i32 to index
      %swap3A_450 = arith.constant 0 : index
      %swap3A_451 = tpu.vector_load %arg7[%swap3A_449, %swap3A_450] {strides = array<i32>} : memref<256x16xf32, #tpu.memory_space<vmem>>, vector<1x16xf32>,
      %swap3A_452 = vector.shape_cast %swap3A_451 : vector<1x16xf32> to vector<16xf32>
      %swap3A_453 = vector.shape_cast %broadcast_in_dim3A_447 : vector<16xf32> to vector<1x16xf32>
      tpu.vector_store %arg7[%swap3A_449, %swap3A_450], %swap3A_453 {strides = array<i32>} : memref<256x16xf32, #tpu.memory_space<vmem>>, vector<1x16xf32>,
      %broadcast_in_dim3A_454 = arith.constant 0.000000e+00 : f32
      %broadcast_in_dim3A_455 = vector.broadcast %broadcast_in_dim3A_454 : f32 to vector<16xf32>
      %swap3A_456 = arith.constant 22 : i32
      %swap3A_457 = arith.index_cast %swap3A_456 : i32 to index
      %swap3A_458 = arith.constant 0 : index
      %swap3A_459 = tpu.vector_load %arg7[%swap3A_457, %swap3A_458] {strides = array<i32>} : memref<256x16xf32, #tpu.memory_space<vmem>>, vector<1x16xf32>,
      %swap3A_460 = vector.shape_cast %swap3A_459 : vector<1x16xf32> to vector<16xf32>
      %swap3A_461 = vector.shape_cast %broadcast_in_dim3A_455 : vector<16xf32> to vector<1x16xf32>
      tpu.vector_store %arg7[%swap3A_457, %swap3A_458], %swap3A_461 {strides = array<i32>} : memref<256x16xf32, #tpu.memory_space<vmem>>, vector<1x16xf32>,
      %broadcast_in_dim3A_462 = arith.constant 0.000000e+00 : f32
      %broadcast_in_dim3A_463 = vector.broadcast %broadcast_in_dim3A_462 : f32 to vector<16xf32>
      %swap3A_464 = arith.constant 23 : i32
      %swap3A_465 = arith.index_cast %swap3A_464 : i32 to index
      %swap3A_466 = arith.constant 0 : index
      %swap3A_467 = tpu.vector_load %arg7[%swap3A_465, %swap3A_466] {strides = array<i32>} : memref<256x16xf32, #tpu.memory_space<vmem>>, vector<1x16xf32>,
      %swap3A_468 = vector.shape_cast %swap3A_467 : vector<1x16xf32> to vector<16xf32>
      %swap3A_469 = vector.shape_cast %broadcast_in_dim3A_463 : vector<16xf32> to vector<1x16xf32>
      tpu.vector_store %arg7[%swap3A_465, %swap3A_466], %swap3A_469 {strides = array<i32>} : memref<256x16xf32, #tpu.memory_space<vmem>>, vector<1x16xf32>,
      %broadcast_in_dim3A_470 = arith.constant 0.000000e+00 : f32
      %broadcast_in_dim3A_471 = vector.broadcast %broadcast_in_dim3A_470 : f32 to vector<16xf32>
      %swap3A_472 = arith.constant 24 : i32
      %swap3A_473 = arith.index_cast %swap3A_472 : i32 to index
      %swap3A_474 = arith.constant 0 : index
      %swap3A_475 = tpu.vector_load %arg7[%swap3A_473, %swap3A_474] {strides = array<i32>} : memref<256x16xf32, #tpu.memory_space<vmem>>, vector<1x16xf32>,
      %swap3A_476 = vector.shape_cast %swap3A_475 : vector<1x16xf32> to vector<16xf32>
      %swap3A_477 = vector.shape_cast %broadcast_in_dim3A_471 : vector<16xf32> to vector<1x16xf32>
      tpu.vector_store %arg7[%swap3A_473, %swap3A_474], %swap3A_477 {strides = array<i32>} : memref<256x16xf32, #tpu.memory_space<vmem>>, vector<1x16xf32>,
      %broadcast_in_dim3A_478 = arith.constant 0.000000e+00 : f32
      %broadcast_in_dim3A_479 = vector.broadcast %broadcast_in_dim3A_478 : f32 to vector<16xf32>
      %swap3A_480 = arith.constant 25 : i32
      %swap3A_481 = arith.index_cast %swap3A_480 : i32 to index
      %swap3A_482 = arith.constant 0 : index
      %swap3A_483 = tpu.vector_load %arg7[%swap3A_481, %swap3A_482] {strides = array<i32>} : memref<256x16xf32, #tpu.memory_space<vmem>>, vector<1x16xf32>,
      %swap3A_484 = vector.shape_cast %swap3A_483 : vector<1x16xf32> to vector<16xf32>
      %swap3A_485 = vector.shape_cast %broadcast_in_dim3A_479 : vector<16xf32> to vector<1x16xf32>
      tpu.vector_store %arg7[%swap3A_481, %swap3A_482], %swap3A_485 {strides = array<i32>} : memref<256x16xf32, #tpu.memory_space<vmem>>, vector<1x16xf32>,
      %broadcast_in_dim3A_486 = arith.constant 0.000000e+00 : f32
      %broadcast_in_dim3A_487 = vector.broadcast %broadcast_in_dim3A_486 : f32 to vector<16xf32>
      %swap3A_488 = arith.constant 26 : i32
      %swap3A_489 = arith.index_cast %swap3A_488 : i32 to index
      %swap3A_490 = arith.constant 0 : index
      %swap3A_491 = tpu.vector_load %arg7[%swap3A_489, %swap3A_490] {strides = array<i32>} : memref<256x16xf32, #tpu.memory_space<vmem>>, vector<1x16xf32>,
      %swap3A_492 = vector.shape_cast %swap3A_491 : vector<1x16xf32> to vector<16xf32>
      %swap3A_493 = vector.shape_cast %broadcast_in_dim3A_487 : vector<16xf32> to vector<1x16xf32>
      tpu.vector_store %arg7[%swap3A_489, %swap3A_490], %swap3A_493 {strides = array<i32>} : memref<256x16xf32, #tpu.memory_space<vmem>>, vector<1x16xf32>,
      %broadcast_in_dim3A_494 = arith.constant 0.000000e+00 : f32
      %broadcast_in_dim3A_495 = vector.broadcast %broadcast_in_dim3A_494 : f32 to vector<16xf32>
      %swap3A_496 = arith.constant 27 : i32
      %swap3A_497 = arith.index_cast %swap3A_496 : i32 to index
      %swap3A_498 = arith.constant 0 : index
      %swap3A_499 = tpu.vector_load %arg7[%swap3A_497, %swap3A_498] {strides = array<i32>} : memref<256x16xf32, #tpu.memory_space<vmem>>, vector<1x16xf32>,
      %swap3A_500 = vector.shape_cast %swap3A_499 : vector<1x16xf32> to vector<16xf32>
      %swap3A_501 = vector.shape_cast %broadcast_in_dim3A_495 : vector<16xf32> to vector<1x16xf32>
      tpu.vector_store %arg7[%swap3A_497, %swap3A_498], %swap3A_501 {strides = array<i32>} : memref<256x16xf32, #tpu.memory_space<vmem>>, vector<1x16xf32>,
      %broadcast_in_dim3A_502 = arith.constant 0.000000e+00 : f32
      %broadcast_in_dim3A_503 = vector.broadcast %broadcast_in_dim3A_502 : f32 to vector<16xf32>
      %swap3A_504 = arith.constant 28 : i32
      %swap3A_505 = arith.index_cast %swap3A_504 : i32 to index
      %swap3A_506 = arith.constant 0 : index
      %swap3A_507 = tpu.vector_load %arg7[%swap3A_505, %swap3A_506] {strides = array<i32>} : memref<256x16xf32, #tpu.memory_space<vmem>>, vector<1x16xf32>,
      %swap3A_508 = vector.shape_cast %swap3A_507 : vector<1x16xf32> to vector<16xf32>
      %swap3A_509 = vector.shape_cast %broadcast_in_dim3A_503 : vector<16xf32> to vector<1x16xf32>
      tpu.vector_store %arg7[%swap3A_505, %swap3A_506], %swap3A_509 {strides = array<i32>} : memref<256x16xf32, #tpu.memory_space<vmem>>, vector<1x16xf32>,
      %broadcast_in_dim3A_510 = arith.constant 0.000000e+00 : f32
      %broadcast_in_dim3A_511 = vector.broadcast %broadcast_in_dim3A_510 : f32 to vector<16xf32>
      %swap3A_512 = arith.constant 29 : i32
      %swap3A_513 = arith.index_cast %swap3A_512 : i32 to index
      %swap3A_514 = arith.constant 0 : index
      %swap3A_515 = tpu.vector_load %arg7[%swap3A_513, %swap3A_514] {strides = array<i32>} : memref<256x16xf32, #tpu.memory_space<vmem>>, vector<1x16xf32>,
      %swap3A_516 = vector.shape_cast %swap3A_515 : vector<1x16xf32> to vector<16xf32>
      %swap3A_517 = vector.shape_cast %broadcast_in_dim3A_511 : vector<16xf32> to vector<1x16xf32>
      tpu.vector_store %arg7[%swap3A_513, %swap3A_514], %swap3A_517 {strides = array<i32>} : memref<256x16xf32, #tpu.memory_space<vmem>>, vector<1x16xf32>,
      %broadcast_in_dim3A_518 = arith.constant 0.000000e+00 : f32
      %broadcast_in_dim3A_519 = vector.broadcast %broadcast_in_dim3A_518 : f32 to vector<16xf32>
      %swap3A_520 = arith.constant 30 : i32
      %swap3A_521 = arith.index_cast %swap3A_520 : i32 to index
      %swap3A_522 = arith.constant 0 : index
      %swap3A_523 = tpu.vector_load %arg7[%swap3A_521, %swap3A_522] {strides = array<i32>} : memref<256x16xf32, #tpu.memory_space<vmem>>, vector<1x16xf32>,
      %swap3A_524 = vector.shape_cast %swap3A_523 : vector<1x16xf32> to vector<16xf32>
      %swap3A_525 = vector.shape_cast %broadcast_in_dim3A_519 : vector<16xf32> to vector<1x16xf32>
      tpu.vector_store %arg7[%swap3A_521, %swap3A_522], %swap3A_525 {strides = array<i32>} : memref<256x16xf32, #tpu.memory_space<vmem>>, vector<1x16xf32>,
      %broadcast_in_dim3A_526 = arith.constant 0.000000e+00 : f32
      %broadcast_in_dim3A_527 = vector.broadcast %broadcast_in_dim3A_526 : f32 to vector<16xf32>
      %swap3A_528 = arith.constant 31 : i32
      %swap3A_529 = arith.index_cast %swap3A_528 : i32 to index
      %swap3A_530 = arith.constant 0 : index
      %swap3A_531 = tpu.vector_load %arg7[%swap3A_529, %swap3A_530] {strides = array<i32>} : memref<256x16xf32, #tpu.memory_space<vmem>>, vector<1x16xf32>,
      %swap3A_532 = vector.shape_cast %swap3A_531 : vector<1x16xf32> to vector<16xf32>
      %swap3A_533 = vector.shape_cast %broadcast_in_dim3A_527 : vector<16xf32> to vector<1x16xf32>
      tpu.vector_store %arg7[%swap3A_529, %swap3A_530], %swap3A_533 {strides = array<i32>} : memref<256x16xf32, #tpu.memory_space<vmem>>, vector<1x16xf32>,
      %broadcast_in_dim3A_534 = arith.constant 0.000000e+00 : f32
      %broadcast_in_dim3A_535 = vector.broadcast %broadcast_in_dim3A_534 : f32 to vector<16xf32>
      %swap3A_536 = arith.constant 32 : i32
      %swap3A_537 = arith.index_cast %swap3A_536 : i32 to index
      %swap3A_538 = arith.constant 0 : index
      %swap3A_539 = tpu.vector_load %arg7[%swap3A_537, %swap3A_538] {strides = array<i32>} : memref<256x16xf32, #tpu.memory_space<vmem>>, vector<1x16xf32>,
      %swap3A_540 = vector.shape_cast %swap3A_539 : vector<1x16xf32> to vector<16xf32>
      %swap3A_541 = vector.shape_cast %broadcast_in_dim3A_535 : vector<16xf32> to vector<1x16xf32>
      tpu.vector_store %arg7[%swap3A_537, %swap3A_538], %swap3A_541 {strides = array<i32>} : memref<256x16xf32, #tpu.memory_space<vmem>>, vector<1x16xf32>,
      %broadcast_in_dim3A_542 = arith.constant 0.000000e+00 : f32
      %broadcast_in_dim3A_543 = vector.broadcast %broadcast_in_dim3A_542 : f32 to vector<16xf32>
      %swap3A_544 = arith.constant 33 : i32
      %swap3A_545 = arith.index_cast %swap3A_544 : i32 to index
      %swap3A_546 = arith.constant 0 : index
      %swap3A_547 = tpu.vector_load %arg7[%swap3A_545, %swap3A_546] {strides = array<i32>} : memref<256x16xf32, #tpu.memory_space<vmem>>, vector<1x16xf32>,
      %swap3A_548 = vector.shape_cast %swap3A_547 : vector<1x16xf32> to vector<16xf32>
      %swap3A_549 = vector.shape_cast %broadcast_in_dim3A_543 : vector<16xf32> to vector<1x16xf32>
      tpu.vector_store %arg7[%swap3A_545, %swap3A_546], %swap3A_549 {strides = array<i32>} : memref<256x16xf32, #tpu.memory_space<vmem>>, vector<1x16xf32>,
      %broadcast_in_dim3A_550 = arith.constant 0.000000e+00 : f32
      %broadcast_in_dim3A_551 = vector.broadcast %broadcast_in_dim3A_550 : f32 to vector<16xf32>
      %swap3A_552 = arith.constant 34 : i32
      %swap3A_553 = arith.index_cast %swap3A_552 : i32 to index
      %swap3A_554 = arith.constant 0 : index
      %swap3A_555 = tpu.vector_load %arg7[%swap3A_553, %swap3A_554] {strides = array<i32>} : memref<256x16xf32, #tpu.memory_space<vmem>>, vector<1x16xf32>,
      %swap3A_556 = vector.shape_cast %swap3A_555 : vector<1x16xf32> to vector<16xf32>
      %swap3A_557 = vector.shape_cast %broadcast_in_dim3A_551 : vector<16xf32> to vector<1x16xf32>
      tpu.vector_store %arg7[%swap3A_553, %swap3A_554], %swap3A_557 {strides = array<i32>} : memref<256x16xf32, #tpu.memory_space<vmem>>, vector<1x16xf32>,
      %broadcast_in_dim3A_558 = arith.constant 0.000000e+00 : f32
      %broadcast_in_dim3A_559 = vector.broadcast %broadcast_in_dim3A_558 : f32 to vector<16xf32>
      %swap3A_560 = arith.constant 35 : i32
      %swap3A_561 = arith.index_cast %swap3A_560 : i32 to index
      %swap3A_562 = arith.constant 0 : index
      %swap3A_563 = tpu.vector_load %arg7[%swap3A_561, %swap3A_562] {strides = array<i32>} : memref<256x16xf32, #tpu.memory_space<vmem>>, vector<1x16xf32>,
      %swap3A_564 = vector.shape_cast %swap3A_563 : vector<1x16xf32> to vector<16xf32>
      %swap3A_565 = vector.shape_cast %broadcast_in_dim3A_559 : vector<16xf32> to vector<1x16xf32>
      tpu.vector_store %arg7[%swap3A_561, %swap3A_562], %swap3A_565 {strides = array<i32>} : memref<256x16xf32, #tpu.memory_space<vmem>>, vector<1x16xf32>,
      %broadcast_in_dim3A_566 = arith.constant 0.000000e+00 : f32
      %broadcast_in_dim3A_567 = vector.broadcast %broadcast_in_dim3A_566 : f32 to vector<16xf32>
      %swap3A_568 = arith.constant 36 : i32
      %swap3A_569 = arith.index_cast %swap3A_568 : i32 to index
      %swap3A_570 = arith.constant 0 : index
      %swap3A_571 = tpu.vector_load %arg7[%swap3A_569, %swap3A_570] {strides = array<i32>} : memref<256x16xf32, #tpu.memory_space<vmem>>, vector<1x16xf32>,
      %swap3A_572 = vector.shape_cast %swap3A_571 : vector<1x16xf32> to vector<16xf32>
      %swap3A_573 = vector.shape_cast %broadcast_in_dim3A_567 : vector<16xf32> to vector<1x16xf32>
      tpu.vector_store %arg7[%swap3A_569, %swap3A_570], %swap3A_573 {strides = array<i32>} : memref<256x16xf32, #tpu.memory_space<vmem>>, vector<1x16xf32>,
      %broadcast_in_dim3A_574 = arith.constant 0.000000e+00 : f32
      %broadcast_in_dim3A_575 = vector.broadcast %broadcast_in_dim3A_574 : f32 to vector<16xf32>
      %swap3A_576 = arith.constant 37 : i32
      %swap3A_577 = arith.index_cast %swap3A_576 : i32 to index
      %swap3A_578 = arith.constant 0 : index
      %swap3A_579 = tpu.vector_load %arg7[%swap3A_577, %swap3A_578] {strides = array<i32>} : memref<256x16xf32, #tpu.memory_space<vmem>>, vector<1x16xf32>,
      %swap3A_580 = vector.shape_cast %swap3A_579 : vector<1x16xf32> to vector<16xf32>
      %swap3A_581 = vector.shape_cast %broadcast_in_dim3A_575 : vector<16xf32> to vector<1x16xf32>
      tpu.vector_store %arg7[%swap3A_577, %swap3A_578], %swap3A_581 {strides = array<i32>} : memref<256x16xf32, #tpu.memory_space<vmem>>, vector<1x16xf32>,
      %broadcast_in_dim3A_582 = arith.constant 0.000000e+00 : f32
      %broadcast_in_dim3A_583 = vector.broadcast %broadcast_in_dim3A_582 : f32 to vector<16xf32>
      %swap3A_584 = arith.constant 38 : i32
      %swap3A_585 = arith.index_cast %swap3A_584 : i32 to index
      %swap3A_586 = arith.constant 0 : index
      %swap3A_587 = tpu.vector_load %arg7[%swap3A_585, %swap3A_586] {strides = array<i32>} : memref<256x16xf32, #tpu.memory_space<vmem>>, vector<1x16xf32>,
      %swap3A_588 = vector.shape_cast %swap3A_587 : vector<1x16xf32> to vector<16xf32>
      %swap3A_589 = vector.shape_cast %broadcast_in_dim3A_583 : vector<16xf32> to vector<1x16xf32>
      tpu.vector_store %arg7[%swap3A_585, %swap3A_586], %swap3A_589 {strides = array<i32>} : memref<256x16xf32, #tpu.memory_space<vmem>>, vector<1x16xf32>,
      %broadcast_in_dim3A_590 = arith.constant 0.000000e+00 : f32
      %broadcast_in_dim3A_591 = vector.broadcast %broadcast_in_dim3A_590 : f32 to vector<16xf32>
      %swap3A_592 = arith.constant 39 : i32
      %swap3A_593 = arith.index_cast %swap3A_592 : i32 to index
      %swap3A_594 = arith.constant 0 : index
      %swap3A_595 = tpu.vector_load %arg7[%swap3A_593, %swap3A_594] {strides = array<i32>} : memref<256x16xf32, #tpu.memory_space<vmem>>, vector<1x16xf32>,
      %swap3A_596 = vector.shape_cast %swap3A_595 : vector<1x16xf32> to vector<16xf32>
      %swap3A_597 = vector.shape_cast %broadcast_in_dim3A_591 : vector<16xf32> to vector<1x16xf32>
      tpu.vector_store %arg7[%swap3A_593, %swap3A_594], %swap3A_597 {strides = array<i32>} : memref<256x16xf32, #tpu.memory_space<vmem>>, vector<1x16xf32>,
      %broadcast_in_dim3A_598 = arith.constant 0.000000e+00 : f32
      %broadcast_in_dim3A_599 = vector.broadcast %broadcast_in_dim3A_598 : f32 to vector<16xf32>
      %swap3A_600 = arith.constant 40 : i32
      %swap3A_601 = arith.index_cast %swap3A_600 : i32 to index
      %swap3A_602 = arith.constant 0 : index
      %swap3A_603 = tpu.vector_load %arg7[%swap3A_601, %swap3A_602] {strides = array<i32>} : memref<256x16xf32, #tpu.memory_space<vmem>>, vector<1x16xf32>,
      %swap3A_604 = vector.shape_cast %swap3A_603 : vector<1x16xf32> to vector<16xf32>
      %swap3A_605 = vector.shape_cast %broadcast_in_dim3A_599 : vector<16xf32> to vector<1x16xf32>
      tpu.vector_store %arg7[%swap3A_601, %swap3A_602], %swap3A_605 {strides = array<i32>} : memref<256x16xf32, #tpu.memory_space<vmem>>, vector<1x16xf32>,
      %broadcast_in_dim3A_606 = arith.constant 0.000000e+00 : f32
      %broadcast_in_dim3A_607 = vector.broadcast %broadcast_in_dim3A_606 : f32 to vector<16xf32>
      %swap3A_608 = arith.constant 41 : i32
      %swap3A_609 = arith.index_cast %swap3A_608 : i32 to index
      %swap3A_610 = arith.constant 0 : index
      %swap3A_611 = tpu.vector_load %arg7[%swap3A_609, %swap3A_610] {strides = array<i32>} : memref<256x16xf32, #tpu.memory_space<vmem>>, vector<1x16xf32>,
      %swap3A_612 = vector.shape_cast %swap3A_611 : vector<1x16xf32> to vector<16xf32>
      %swap3A_613 = vector.shape_cast %broadcast_in_dim3A_607 : vector<16xf32> to vector<1x16xf32>
      tpu.vector_store %arg7[%swap3A_609, %swap3A_610], %swap3A_613 {strides = array<i32>} : memref<256x16xf32, #tpu.memory_space<vmem>>, vector<1x16xf32>,
      %broadcast_in_dim3A_614 = arith.constant 0.000000e+00 : f32
      %broadcast_in_dim3A_615 = vector.broadcast %broadcast_in_dim3A_614 : f32 to vector<16xf32>
      %swap3A_616 = arith.constant 42 : i32
      %swap3A_617 = arith.index_cast %swap3A_616 : i32 to index
      %swap3A_618 = arith.constant 0 : index
      %swap3A_619 = tpu.vector_load %arg7[%swap3A_617, %swap3A_618] {strides = array<i32>} : memref<256x16xf32, #tpu.memory_space<vmem>>, vector<1x16xf32>,
      %swap3A_620 = vector.shape_cast %swap3A_619 : vector<1x16xf32> to vector<16xf32>
      %swap3A_621 = vector.shape_cast %broadcast_in_dim3A_615 : vector<16xf32> to vector<1x16xf32>
      tpu.vector_store %arg7[%swap3A_617, %swap3A_618], %swap3A_621 {strides = array<i32>} : memref<256x16xf32, #tpu.memory_space<vmem>>, vector<1x16xf32>,
      %broadcast_in_dim3A_622 = arith.constant 0.000000e+00 : f32
      %broadcast_in_dim3A_623 = vector.broadcast %broadcast_in_dim3A_622 : f32 to vector<16xf32>
      %swap3A_624 = arith.constant 43 : i32
      %swap3A_625 = arith.index_cast %swap3A_624 : i32 to index
      %swap3A_626 = arith.constant 0 : index
      %swap3A_627 = tpu.vector_load %arg7[%swap3A_625, %swap3A_626] {strides = array<i32>} : memref<256x16xf32, #tpu.memory_space<vmem>>, vector<1x16xf32>,
      %swap3A_628 = vector.shape_cast %swap3A_627 : vector<1x16xf32> to vector<16xf32>
      %swap3A_629 = vector.shape_cast %broadcast_in_dim3A_623 : vector<16xf32> to vector<1x16xf32>
      tpu.vector_store %arg7[%swap3A_625, %swap3A_626], %swap3A_629 {strides = array<i32>} : memref<256x16xf32, #tpu.memory_space<vmem>>, vector<1x16xf32>,
      %broadcast_in_dim3A_630 = arith.constant 0.000000e+00 : f32
      %broadcast_in_dim3A_631 = vector.broadcast %broadcast_in_dim3A_630 : f32 to vector<16xf32>
      %swap3A_632 = arith.constant 44 : i32
      %swap3A_633 = arith.index_cast %swap3A_632 : i32 to index
      %swap3A_634 = arith.constant 0 : index
      %swap3A_635 = tpu.vector_load %arg7[%swap3A_633, %swap3A_634] {strides = array<i32>} : memref<256x16xf32, #tpu.memory_space<vmem>>, vector<1x16xf32>,
      %swap3A_636 = vector.shape_cast %swap3A_635 : vector<1x16xf32> to vector<16xf32>
      %swap3A_637 = vector.shape_cast %broadcast_in_dim3A_631 : vector<16xf32> to vector<1x16xf32>
      tpu.vector_store %arg7[%swap3A_633, %swap3A_634], %swap3A_637 {strides = array<i32>} : memref<256x16xf32, #tpu.memory_space<vmem>>, vector<1x16xf32>,
      %broadcast_in_dim3A_638 = arith.constant 0.000000e+00 : f32
      %broadcast_in_dim3A_639 = vector.broadcast %broadcast_in_dim3A_638 : f32 to vector<16xf32>
      %swap3A_640 = arith.constant 45 : i32
      %swap3A_641 = arith.index_cast %swap3A_640 : i32 to index
      %swap3A_642 = arith.constant 0 : index
      %swap3A_643 = tpu.vector_load %arg7[%swap3A_641, %swap3A_642] {strides = array<i32>} : memref<256x16xf32, #tpu.memory_space<vmem>>, vector<1x16xf32>,
      %swap3A_644 = vector.shape_cast %swap3A_643 : vector<1x16xf32> to vector<16xf32>
      %swap3A_645 = vector.shape_cast %broadcast_in_dim3A_639 : vector<16xf32> to vector<1x16xf32>
      tpu.vector_store %arg7[%swap3A_641, %swap3A_642], %swap3A_645 {strides = array<i32>} : memref<256x16xf32, #tpu.memory_space<vmem>>, vector<1x16xf32>,
      %broadcast_in_dim3A_646 = arith.constant 0.000000e+00 : f32
      %broadcast_in_dim3A_647 = vector.broadcast %broadcast_in_dim3A_646 : f32 to vector<16xf32>
      %swap3A_648 = arith.constant 46 : i32
      %swap3A_649 = arith.index_cast %swap3A_648 : i32 to index
      %swap3A_650 = arith.constant 0 : index
      %swap3A_651 = tpu.vector_load %arg7[%swap3A_649, %swap3A_650] {strides = array<i32>} : memref<256x16xf32, #tpu.memory_space<vmem>>, vector<1x16xf32>,
      %swap3A_652 = vector.shape_cast %swap3A_651 : vector<1x16xf32> to vector<16xf32>
      %swap3A_653 = vector.shape_cast %broadcast_in_dim3A_647 : vector<16xf32> to vector<1x16xf32>
      tpu.vector_store %arg7[%swap3A_649, %swap3A_650], %swap3A_653 {strides = array<i32>} : memref<256x16xf32, #tpu.memory_space<vmem>>, vector<1x16xf32>,
      %broadcast_in_dim3A_654 = arith.constant 0.000000e+00 : f32
      %broadcast_in_dim3A_655 = vector.broadcast %broadcast_in_dim3A_654 : f32 to vector<16xf32>
      %swap3A_656 = arith.constant 47 : i32
      %swap3A_657 = arith.index_cast %swap3A_656 : i32 to index
      %swap3A_658 = arith.constant 0 : index
      %swap3A_659 = tpu.vector_load %arg7[%swap3A_657, %swap3A_658] {strides = array<i32>} : memref<256x16xf32, #tpu.memory_space<vmem>>, vector<1x16xf32>,
      %swap3A_660 = vector.shape_cast %swap3A_659 : vector<1x16xf32> to vector<16xf32>
      %swap3A_661 = vector.shape_cast %broadcast_in_dim3A_655 : vector<16xf32> to vector<1x16xf32>
      tpu.vector_store %arg7[%swap3A_657, %swap3A_658], %swap3A_661 {strides = array<i32>} : memref<256x16xf32, #tpu.memory_space<vmem>>, vector<1x16xf32>,
      %broadcast_in_dim3A_662 = arith.constant 0.000000e+00 : f32
      %broadcast_in_dim3A_663 = vector.broadcast %broadcast_in_dim3A_662 : f32 to vector<16xf32>
      %swap3A_664 = arith.constant 48 : i32
      %swap3A_665 = arith.index_cast %swap3A_664 : i32 to index
      %swap3A_666 = arith.constant 0 : index
      %swap3A_667 = tpu.vector_load %arg7[%swap3A_665, %swap3A_666] {strides = array<i32>} : memref<256x16xf32, #tpu.memory_space<vmem>>, vector<1x16xf32>,
      %swap3A_668 = vector.shape_cast %swap3A_667 : vector<1x16xf32> to vector<16xf32>
      %swap3A_669 = vector.shape_cast %broadcast_in_dim3A_663 : vector<16xf32> to vector<1x16xf32>
      tpu.vector_store %arg7[%swap3A_665, %swap3A_666], %swap3A_669 {strides = array<i32>} : memref<256x16xf32, #tpu.memory_space<vmem>>, vector<1x16xf32>,
      %broadcast_in_dim3A_670 = arith.constant 0.000000e+00 : f32
      %broadcast_in_dim3A_671 = vector.broadcast %broadcast_in_dim3A_670 : f32 to vector<16xf32>
      %swap3A_672 = arith.constant 49 : i32
      %swap3A_673 = arith.index_cast %swap3A_672 : i32 to index
      %swap3A_674 = arith.constant 0 : index
      %swap3A_675 = tpu.vector_load %arg7[%swap3A_673, %swap3A_674] {strides = array<i32>} : memref<256x16xf32, #tpu.memory_space<vmem>>, vector<1x16xf32>,
      %swap3A_676 = vector.shape_cast %swap3A_675 : vector<1x16xf32> to vector<16xf32>
      %swap3A_677 = vector.shape_cast %broadcast_in_dim3A_671 : vector<16xf32> to vector<1x16xf32>
      tpu.vector_store %arg7[%swap3A_673, %swap3A_674], %swap3A_677 {strides = array<i32>} : memref<256x16xf32, #tpu.memory_space<vmem>>, vector<1x16xf32>,
      %broadcast_in_dim3A_678 = arith.constant 0.000000e+00 : f32
      %broadcast_in_dim3A_679 = vector.broadcast %broadcast_in_dim3A_678 : f32 to vector<16xf32>
      %swap3A_680 = arith.constant 50 : i32
      %swap3A_681 = arith.index_cast %swap3A_680 : i32 to index
      %swap3A_682 = arith.constant 0 : index
      %swap3A_683 = tpu.vector_load %arg7[%swap3A_681, %swap3A_682] {strides = array<i32>} : memref<256x16xf32, #tpu.memory_space<vmem>>, vector<1x16xf32>,
      %swap3A_684 = vector.shape_cast %swap3A_683 : vector<1x16xf32> to vector<16xf32>
      %swap3A_685 = vector.shape_cast %broadcast_in_dim3A_679 : vector<16xf32> to vector<1x16xf32>
      tpu.vector_store %arg7[%swap3A_681, %swap3A_682], %swap3A_685 {strides = array<i32>} : memref<256x16xf32, #tpu.memory_space<vmem>>, vector<1x16xf32>,
      %broadcast_in_dim3A_686 = arith.constant 0.000000e+00 : f32
      %broadcast_in_dim3A_687 = vector.broadcast %broadcast_in_dim3A_686 : f32 to vector<16xf32>
      %swap3A_688 = arith.constant 51 : i32
      %swap3A_689 = arith.index_cast %swap3A_688 : i32 to index
      %swap3A_690 = arith.constant 0 : index
      %swap3A_691 = tpu.vector_load %arg7[%swap3A_689, %swap3A_690] {strides = array<i32>} : memref<256x16xf32, #tpu.memory_space<vmem>>, vector<1x16xf32>,
      %swap3A_692 = vector.shape_cast %swap3A_691 : vector<1x16xf32> to vector<16xf32>
      %swap3A_693 = vector.shape_cast %broadcast_in_dim3A_687 : vector<16xf32> to vector<1x16xf32>
      tpu.vector_store %arg7[%swap3A_689, %swap3A_690], %swap3A_693 {strides = array<i32>} : memref<256x16xf32, #tpu.memory_space<vmem>>, vector<1x16xf32>,
      %broadcast_in_dim3A_694 = arith.constant 0.000000e+00 : f32
      %broadcast_in_dim3A_695 = vector.broadcast %broadcast_in_dim3A_694 : f32 to vector<16xf32>
      %swap3A_696 = arith.constant 52 : i32
      %swap3A_697 = arith.index_cast %swap3A_696 : i32 to index
      %swap3A_698 = arith.constant 0 : index
      %swap3A_699 = tpu.vector_load %arg7[%swap3A_697, %swap3A_698] {strides = array<i32>} : memref<256x16xf32, #tpu.memory_space<vmem>>, vector<1x16xf32>,
      %swap3A_700 = vector.shape_cast %swap3A_699 : vector<1x16xf32> to vector<16xf32>
      %swap3A_701 = vector.shape_cast %broadcast_in_dim3A_695 : vector<16xf32> to vector<1x16xf32>
      tpu.vector_store %arg7[%swap3A_697, %swap3A_698], %swap3A_701 {strides = array<i32>} : memref<256x16xf32, #tpu.memory_space<vmem>>, vector<1x16xf32>,
      %broadcast_in_dim3A_702 = arith.constant 0.000000e+00 : f32
      %broadcast_in_dim3A_703 = vector.broadcast %broadcast_in_dim3A_702 : f32 to vector<16xf32>
      %swap3A_704 = arith.constant 53 : i32
      %swap3A_705 = arith.index_cast %swap3A_704 : i32 to index
      %swap3A_706 = arith.constant 0 : index
      %swap3A_707 = tpu.vector_load %arg7[%swap3A_705, %swap3A_706] {strides = array<i32>} : memref<256x16xf32, #tpu.memory_space<vmem>>, vector<1x16xf32>,
      %swap3A_708 = vector.shape_cast %swap3A_707 : vector<1x16xf32> to vector<16xf32>
      %swap3A_709 = vector.shape_cast %broadcast_in_dim3A_703 : vector<16xf32> to vector<1x16xf32>
      tpu.vector_store %arg7[%swap3A_705, %swap3A_706], %swap3A_709 {strides = array<i32>} : memref<256x16xf32, #tpu.memory_space<vmem>>, vector<1x16xf32>,
      %broadcast_in_dim3A_710 = arith.constant 0.000000e+00 : f32
      %broadcast_in_dim3A_711 = vector.broadcast %broadcast_in_dim3A_710 : f32 to vector<16xf32>
      %swap3A_712 = arith.constant 54 : i32
      %swap3A_713 = arith.index_cast %swap3A_712 : i32 to index
      %swap3A_714 = arith.constant 0 : index
      %swap3A_715 = tpu.vector_load %arg7[%swap3A_713, %swap3A_714] {strides = array<i32>} : memref<256x16xf32, #tpu.memory_space<vmem>>, vector<1x16xf32>,
      %swap3A_716 = vector.shape_cast %swap3A_715 : vector<1x16xf32> to vector<16xf32>
      %swap3A_717 = vector.shape_cast %broadcast_in_dim3A_711 : vector<16xf32> to vector<1x16xf32>
      tpu.vector_store %arg7[%swap3A_713, %swap3A_714], %swap3A_717 {strides = array<i32>} : memref<256x16xf32, #tpu.memory_space<vmem>>, vector<1x16xf32>,
      %broadcast_in_dim3A_718 = arith.constant 0.000000e+00 : f32
      %broadcast_in_dim3A_719 = vector.broadcast %broadcast_in_dim3A_718 : f32 to vector<16xf32>
      %swap3A_720 = arith.constant 55 : i32
      %swap3A_721 = arith.index_cast %swap3A_720 : i32 to index
      %swap3A_722 = arith.constant 0 : index
      %swap3A_723 = tpu.vector_load %arg7[%swap3A_721, %swap3A_722] {strides = array<i32>} : memref<256x16xf32, #tpu.memory_space<vmem>>, vector<1x16xf32>,
      %swap3A_724 = vector.shape_cast %swap3A_723 : vector<1x16xf32> to vector<16xf32>
      %swap3A_725 = vector.shape_cast %broadcast_in_dim3A_719 : vector<16xf32> to vector<1x16xf32>
      tpu.vector_store %arg7[%swap3A_721, %swap3A_722], %swap3A_725 {strides = array<i32>} : memref<256x16xf32, #tpu.memory_space<vmem>>, vector<1x16xf32>,
      %broadcast_in_dim3A_726 = arith.constant 0.000000e+00 : f32
      %broadcast_in_dim3A_727 = vector.broadcast %broadcast_in_dim3A_726 : f32 to vector<16xf32>
      %swap3A_728 = arith.constant 56 : i32
      %swap3A_729 = arith.index_cast %swap3A_728 : i32 to index
      %swap3A_730 = arith.constant 0 : index
      %swap3A_731 = tpu.vector_load %arg7[%swap3A_729, %swap3A_730] {strides = array<i32>} : memref<256x16xf32, #tpu.memory_space<vmem>>, vector<1x16xf32>,
      %swap3A_732 = vector.shape_cast %swap3A_731 : vector<1x16xf32> to vector<16xf32>
      %swap3A_733 = vector.shape_cast %broadcast_in_dim3A_727 : vector<16xf32> to vector<1x16xf32>
      tpu.vector_store %arg7[%swap3A_729, %swap3A_730], %swap3A_733 {strides = array<i32>} : memref<256x16xf32, #tpu.memory_space<vmem>>, vector<1x16xf32>,
      %broadcast_in_dim3A_734 = arith.constant 0.000000e+00 : f32
      %broadcast_in_dim3A_735 = vector.broadcast %broadcast_in_dim3A_734 : f32 to vector<16xf32>
      %swap3A_736 = arith.constant 57 : i32
      %swap3A_737 = arith.index_cast %swap3A_736 : i32 to index
      %swap3A_738 = arith.constant 0 : index
      %swap3A_739 = tpu.vector_load %arg7[%swap3A_737, %swap3A_738] {strides = array<i32>} : memref<256x16xf32, #tpu.memory_space<vmem>>, vector<1x16xf32>,
      %swap3A_740 = vector.shape_cast %swap3A_739 : vector<1x16xf32> to vector<16xf32>
      %swap3A_741 = vector.shape_cast %broadcast_in_dim3A_735 : vector<16xf32> to vector<1x16xf32>
      tpu.vector_store %arg7[%swap3A_737, %swap3A_738], %swap3A_741 {strides = array<i32>} : memref<256x16xf32, #tpu.memory_space<vmem>>, vector<1x16xf32>,
      %broadcast_in_dim3A_742 = arith.constant 0.000000e+00 : f32
      %broadcast_in_dim3A_743 = vector.broadcast %broadcast_in_dim3A_742 : f32 to vector<16xf32>
      %swap3A_744 = arith.constant 58 : i32
      %swap3A_745 = arith.index_cast %swap3A_744 : i32 to index
      %swap3A_746 = arith.constant 0 : index
      %swap3A_747 = tpu.vector_load %arg7[%swap3A_745, %swap3A_746] {strides = array<i32>} : memref<256x16xf32, #tpu.memory_space<vmem>>, vector<1x16xf32>,
      %swap3A_748 = vector.shape_cast %swap3A_747 : vector<1x16xf32> to vector<16xf32>
      %swap3A_749 = vector.shape_cast %broadcast_in_dim3A_743 : vector<16xf32> to vector<1x16xf32>
      tpu.vector_store %arg7[%swap3A_745, %swap3A_746], %swap3A_749 {strides = array<i32>} : memref<256x16xf32, #tpu.memory_space<vmem>>, vector<1x16xf32>,
      %broadcast_in_dim3A_750 = arith.constant 0.000000e+00 : f32
      %broadcast_in_dim3A_751 = vector.broadcast %broadcast_in_dim3A_750 : f32 to vector<16xf32>
      %swap3A_752 = arith.constant 59 : i32
      %swap3A_753 = arith.index_cast %swap3A_752 : i32 to index
      %swap3A_754 = arith.constant 0 : index
      %swap3A_755 = tpu.vector_load %arg7[%swap3A_753, %swap3A_754] {strides = array<i32>} : memref<256x16xf32, #tpu.memory_space<vmem>>, vector<1x16xf32>,
      %swap3A_756 = vector.shape_cast %swap3A_755 : vector<1x16xf32> to vector<16xf32>
      %swap3A_757 = vector.shape_cast %broadcast_in_dim3A_751 : vector<16xf32> to vector<1x16xf32>
      tpu.vector_store %arg7[%swap3A_753, %swap3A_754], %swap3A_757 {strides = array<i32>} : memref<256x16xf32, #tpu.memory_space<vmem>>, vector<1x16xf32>,
      %broadcast_in_dim3A_758 = arith.constant 0.000000e+00 : f32
      %broadcast_in_dim3A_759 = vector.broadcast %broadcast_in_dim3A_758 : f32 to vector<16xf32>
      %swap3A_760 = arith.constant 60 : i32
      %swap3A_761 = arith.index_cast %swap3A_760 : i32 to index
      %swap3A_762 = arith.constant 0 : index
      %swap3A_763 = tpu.vector_load %arg7[%swap3A_761, %swap3A_762] {strides = array<i32>} : memref<256x16xf32, #tpu.memory_space<vmem>>, vector<1x16xf32>,
      %swap3A_764 = vector.shape_cast %swap3A_763 : vector<1x16xf32> to vector<16xf32>
      %swap3A_765 = vector.shape_cast %broadcast_in_dim3A_759 : vector<16xf32> to vector<1x16xf32>
      tpu.vector_store %arg7[%swap3A_761, %swap3A_762], %swap3A_765 {strides = array<i32>} : memref<256x16xf32, #tpu.memory_space<vmem>>, vector<1x16xf32>,
      %broadcast_in_dim3A_766 = arith.constant 0.000000e+00 : f32
      %broadcast_in_dim3A_767 = vector.broadcast %broadcast_in_dim3A_766 : f32 to vector<16xf32>
      %swap3A_768 = arith.constant 61 : i32
      %swap3A_769 = arith.index_cast %swap3A_768 : i32 to index
      %swap3A_770 = arith.constant 0 : index
      %swap3A_771 = tpu.vector_load %arg7[%swap3A_769, %swap3A_770] {strides = array<i32>} : memref<256x16xf32, #tpu.memory_space<vmem>>, vector<1x16xf32>,
      %swap3A_772 = vector.shape_cast %swap3A_771 : vector<1x16xf32> to vector<16xf32>
      %swap3A_773 = vector.shape_cast %broadcast_in_dim3A_767 : vector<16xf32> to vector<1x16xf32>
      tpu.vector_store %arg7[%swap3A_769, %swap3A_770], %swap3A_773 {strides = array<i32>} : memref<256x16xf32, #tpu.memory_space<vmem>>, vector<1x16xf32>,
      %broadcast_in_dim3A_774 = arith.constant 0.000000e+00 : f32
      %broadcast_in_dim3A_775 = vector.broadcast %broadcast_in_dim3A_774 : f32 to vector<16xf32>
      %swap3A_776 = arith.constant 62 : i32
      %swap3A_777 = arith.index_cast %swap3A_776 : i32 to index
      %swap3A_778 = arith.constant 0 : index
      %swap3A_779 = tpu.vector_load %arg7[%swap3A_777, %swap3A_778] {strides = array<i32>} : memref<256x16xf32, #tpu.memory_space<vmem>>, vector<1x16xf32>,
      %swap3A_780 = vector.shape_cast %swap3A_779 : vector<1x16xf32> to vector<16xf32>
      %swap3A_781 = vector.shape_cast %broadcast_in_dim3A_775 : vector<16xf32> to vector<1x16xf32>
      tpu.vector_store %arg7[%swap3A_777, %swap3A_778], %swap3A_781 {strides = array<i32>} : memref<256x16xf32, #tpu.memory_space<vmem>>, vector<1x16xf32>,
      %broadcast_in_dim3A_782 = arith.constant 0.000000e+00 : f32
      %broadcast_in_dim3A_783 = vector.broadcast %broadcast_in_dim3A_782 : f32 to vector<16xf32>
      %swap3A_784 = arith.constant 63 : i32
      %swap3A_785 = arith.index_cast %swap3A_784 : i32 to index
      %swap3A_786 = arith.constant 0 : index
      %swap3A_787 = tpu.vector_load %arg7[%swap3A_785, %swap3A_786] {strides = array<i32>} : memref<256x16xf32, #tpu.memory_space<vmem>>, vector<1x16xf32>,
      %swap3A_788 = vector.shape_cast %swap3A_787 : vector<1x16xf32> to vector<16xf32>
      %swap3A_789 = vector.shape_cast %broadcast_in_dim3A_783 : vector<16xf32> to vector<1x16xf32>
      tpu.vector_store %arg7[%swap3A_785, %swap3A_786], %swap3A_789 {strides = array<i32>} : memref<256x16xf32, #tpu.memory_space<vmem>>, vector<1x16xf32>,
      %broadcast_in_dim3A_790 = arith.constant 0.000000e+00 : f32
      %broadcast_in_dim3A_791 = vector.broadcast %broadcast_in_dim3A_790 : f32 to vector<16xf32>
      %swap3A_792 = arith.constant 64 : i32
      %swap3A_793 = arith.index_cast %swap3A_792 : i32 to index
      %swap3A_794 = arith.constant 0 : index
      %swap3A_795 = tpu.vector_load %arg7[%swap3A_793, %swap3A_794] {strides = array<i32>} : memref<256x16xf32, #tpu.memory_space<vmem>>, vector<1x16xf32>,
      %swap3A_796 = vector.shape_cast %swap3A_795 : vector<1x16xf32> to vector<16xf32>
      %swap3A_797 = vector.shape_cast %broadcast_in_dim3A_791 : vector<16xf32> to vector<1x16xf32>
      tpu.vector_store %arg7[%swap3A_793, %swap3A_794], %swap3A_797 {strides = array<i32>} : memref<256x16xf32, #tpu.memory_space<vmem>>, vector<1x16xf32>,
      %broadcast_in_dim3A_798 = arith.constant 0.000000e+00 : f32
      %broadcast_in_dim3A_799 = vector.broadcast %broadcast_in_dim3A_798 : f32 to vector<16xf32>
      %swap3A_800 = arith.constant 65 : i32
      %swap3A_801 = arith.index_cast %swap3A_800 : i32 to index
      %swap3A_802 = arith.constant 0 : index
      %swap3A_803 = tpu.vector_load %arg7[%swap3A_801, %swap3A_802] {strides = array<i32>} : memref<256x16xf32, #tpu.memory_space<vmem>>, vector<1x16xf32>,
      %swap3A_804 = vector.shape_cast %swap3A_803 : vector<1x16xf32> to vector<16xf32>
      %swap3A_805 = vector.shape_cast %broadcast_in_dim3A_799 : vector<16xf32> to vector<1x16xf32>
      tpu.vector_store %arg7[%swap3A_801, %swap3A_802], %swap3A_805 {strides = array<i32>} : memref<256x16xf32, #tpu.memory_space<vmem>>, vector<1x16xf32>,
      %broadcast_in_dim3A_806 = arith.constant 0.000000e+00 : f32
      %broadcast_in_dim3A_807 = vector.broadcast %broadcast_in_dim3A_806 : f32 to vector<16xf32>
      %swap3A_808 = arith.constant 66 : i32
      %swap3A_809 = arith.index_cast %swap3A_808 : i32 to index
      %swap3A_810 = arith.constant 0 : index
      %swap3A_811 = tpu.vector_load %arg7[%swap3A_809, %swap3A_810] {strides = array<i32>} : memref<256x16xf32, #tpu.memory_space<vmem>>, vector<1x16xf32>,
      %swap3A_812 = vector.shape_cast %swap3A_811 : vector<1x16xf32> to vector<16xf32>
      %swap3A_813 = vector.shape_cast %broadcast_in_dim3A_807 : vector<16xf32> to vector<1x16xf32>
      tpu.vector_store %arg7[%swap3A_809, %swap3A_810], %swap3A_813 {strides = array<i32>} : memref<256x16xf32, #tpu.memory_space<vmem>>, vector<1x16xf32>,
      %broadcast_in_dim3A_814 = arith.constant 0.000000e+00 : f32
      %broadcast_in_dim3A_815 = vector.broadcast %broadcast_in_dim3A_814 : f32 to vector<16xf32>
      %swap3A_816 = arith.constant 67 : i32
      %swap3A_817 = arith.index_cast %swap3A_816 : i32 to index
      %swap3A_818 = arith.constant 0 : index
      %swap3A_819 = tpu.vector_load %arg7[%swap3A_817, %swap3A_818] {strides = array<i32>} : memref<256x16xf32, #tpu.memory_space<vmem>>, vector<1x16xf32>,
      %swap3A_820 = vector.shape_cast %swap3A_819 : vector<1x16xf32> to vector<16xf32>
      %swap3A_821 = vector.shape_cast %broadcast_in_dim3A_815 : vector<16xf32> to vector<1x16xf32>
      tpu.vector_store %arg7[%swap3A_817, %swap3A_818], %swap3A_821 {strides = array<i32>} : memref<256x16xf32, #tpu.memory_space<vmem>>, vector<1x16xf32>,
      %broadcast_in_dim3A_822 = arith.constant 0.000000e+00 : f32
      %broadcast_in_dim3A_823 = vector.broadcast %broadcast_in_dim3A_822 : f32 to vector<16xf32>
      %swap3A_824 = arith.constant 68 : i32
      %swap3A_825 = arith.index_cast %swap3A_824 : i32 to index
      %swap3A_826 = arith.constant 0 : index
      %swap3A_827 = tpu.vector_load %arg7[%swap3A_825, %swap3A_826] {strides = array<i32>} : memref<256x16xf32, #tpu.memory_space<vmem>>, vector<1x16xf32>,
      %swap3A_828 = vector.shape_cast %swap3A_827 : vector<1x16xf32> to vector<16xf32>
      %swap3A_829 = vector.shape_cast %broadcast_in_dim3A_823 : vector<16xf32> to vector<1x16xf32>
      tpu.vector_store %arg7[%swap3A_825, %swap3A_826], %swap3A_829 {strides = array<i32>} : memref<256x16xf32, #tpu.memory_space<vmem>>, vector<1x16xf32>,
      %broadcast_in_dim3A_830 = arith.constant 0.000000e+00 : f32
      %broadcast_in_dim3A_831 = vector.broadcast %broadcast_in_dim3A_830 : f32 to vector<16xf32>
      %swap3A_832 = arith.constant 69 : i32
      %swap3A_833 = arith.index_cast %swap3A_832 : i32 to index
      %swap3A_834 = arith.constant 0 : index
      %swap3A_835 = tpu.vector_load %arg7[%swap3A_833, %swap3A_834] {strides = array<i32>} : memref<256x16xf32, #tpu.memory_space<vmem>>, vector<1x16xf32>,
      %swap3A_836 = vector.shape_cast %swap3A_835 : vector<1x16xf32> to vector<16xf32>
      %swap3A_837 = vector.shape_cast %broadcast_in_dim3A_831 : vector<16xf32> to vector<1x16xf32>
      tpu.vector_store %arg7[%swap3A_833, %swap3A_834], %swap3A_837 {strides = array<i32>} : memref<256x16xf32, #tpu.memory_space<vmem>>, vector<1x16xf32>,
      %broadcast_in_dim3A_838 = arith.constant 0.000000e+00 : f32
      %broadcast_in_dim3A_839 = vector.broadcast %broadcast_in_dim3A_838 : f32 to vector<16xf32>
      %swap3A_840 = arith.constant 70 : i32
      %swap3A_841 = arith.index_cast %swap3A_840 : i32 to index
      %swap3A_842 = arith.constant 0 : index
      %swap3A_843 = tpu.vector_load %arg7[%swap3A_841, %swap3A_842] {strides = array<i32>} : memref<256x16xf32, #tpu.memory_space<vmem>>, vector<1x16xf32>,
      %swap3A_844 = vector.shape_cast %swap3A_843 : vector<1x16xf32> to vector<16xf32>
      %swap3A_845 = vector.shape_cast %broadcast_in_dim3A_839 : vector<16xf32> to vector<1x16xf32>
      tpu.vector_store %arg7[%swap3A_841, %swap3A_842], %swap3A_845 {strides = array<i32>} : memref<256x16xf32, #tpu.memory_space<vmem>>, vector<1x16xf32>,
      %broadcast_in_dim3A_846 = arith.constant 0.000000e+00 : f32
      %broadcast_in_dim3A_847 = vector.broadcast %broadcast_in_dim3A_846 : f32 to vector<16xf32>
      %swap3A_848 = arith.constant 71 : i32
      %swap3A_849 = arith.index_cast %swap3A_848 : i32 to index
      %swap3A_850 = arith.constant 0 : index
      %swap3A_851 = tpu.vector_load %arg7[%swap3A_849, %swap3A_850] {strides = array<i32>} : memref<256x16xf32, #tpu.memory_space<vmem>>, vector<1x16xf32>,
      %swap3A_852 = vector.shape_cast %swap3A_851 : vector<1x16xf32> to vector<16xf32>
      %swap3A_853 = vector.shape_cast %broadcast_in_dim3A_847 : vector<16xf32> to vector<1x16xf32>
      tpu.vector_store %arg7[%swap3A_849, %swap3A_850], %swap3A_853 {strides = array<i32>} : memref<256x16xf32, #tpu.memory_space<vmem>>, vector<1x16xf32>,
      %broadcast_in_dim3A_854 = arith.constant 0.000000e+00 : f32
      %broadcast_in_dim3A_855 = vector.broadcast %broadcast_in_dim3A_854 : f32 to vector<16xf32>
      %swap3A_856 = arith.constant 72 : i32
      %swap3A_857 = arith.index_cast %swap3A_856 : i32 to index
      %swap3A_858 = arith.constant 0 : index
      %swap3A_859 = tpu.vector_load %arg7[%swap3A_857, %swap3A_858] {strides = array<i32>} : memref<256x16xf32, #tpu.memory_space<vmem>>, vector<1x16xf32>,
      %swap3A_860 = vector.shape_cast %swap3A_859 : vector<1x16xf32> to vector<16xf32>
      %swap3A_861 = vector.shape_cast %broadcast_in_dim3A_855 : vector<16xf32> to vector<1x16xf32>
      tpu.vector_store %arg7[%swap3A_857, %swap3A_858], %swap3A_861 {strides = array<i32>} : memref<256x16xf32, #tpu.memory_space<vmem>>, vector<1x16xf32>,
      %broadcast_in_dim3A_862 = arith.constant 0.000000e+00 : f32
      %broadcast_in_dim3A_863 = vector.broadcast %broadcast_in_dim3A_862 : f32 to vector<16xf32>
      %swap3A_864 = arith.constant 73 : i32
      %swap3A_865 = arith.index_cast %swap3A_864 : i32 to index
      %swap3A_866 = arith.constant 0 : index
      %swap3A_867 = tpu.vector_load %arg7[%swap3A_865, %swap3A_866] {strides = array<i32>} : memref<256x16xf32, #tpu.memory_space<vmem>>, vector<1x16xf32>,
      %swap3A_868 = vector.shape_cast %swap3A_867 : vector<1x16xf32> to vector<16xf32>
      %swap3A_869 = vector.shape_cast %broadcast_in_dim3A_863 : vector<16xf32> to vector<1x16xf32>
      tpu.vector_store %arg7[%swap3A_865, %swap3A_866], %swap3A_869 {strides = array<i32>} : memref<256x16xf32, #tpu.memory_space<vmem>>, vector<1x16xf32>,
      %broadcast_in_dim3A_870 = arith.constant 0.000000e+00 : f32
      %broadcast_in_dim3A_871 = vector.broadcast %broadcast_in_dim3A_870 : f32 to vector<16xf32>
      %swap3A_872 = arith.constant 74 : i32
      %swap3A_873 = arith.index_cast %swap3A_872 : i32 to index
      %swap3A_874 = arith.constant 0 : index
      %swap3A_875 = tpu.vector_load %arg7[%swap3A_873, %swap3A_874] {strides = array<i32>} : memref<256x16xf32, #tpu.memory_space<vmem>>, vector<1x16xf32>,
      %swap3A_876 = vector.shape_cast %swap3A_875 : vector<1x16xf32> to vector<16xf32>
      %swap3A_877 = vector.shape_cast %broadcast_in_dim3A_871 : vector<16xf32> to vector<1x16xf32>
      tpu.vector_store %arg7[%swap3A_873, %swap3A_874], %swap3A_877 {strides = array<i32>} : memref<256x16xf32, #tpu.memory_space<vmem>>, vector<1x16xf32>,
      %broadcast_in_dim3A_878 = arith.constant 0.000000e+00 : f32
      %broadcast_in_dim3A_879 = vector.broadcast %broadcast_in_dim3A_878 : f32 to vector<16xf32>
      %swap3A_880 = arith.constant 75 : i32
      %swap3A_881 = arith.index_cast %swap3A_880 : i32 to index
      %swap3A_882 = arith.constant 0 : index
      %swap3A_883 = tpu.vector_load %arg7[%swap3A_881, %swap3A_882] {strides = array<i32>} : memref<256x16xf32, #tpu.memory_space<vmem>>, vector<1x16xf32>,
      %swap3A_884 = vector.shape_cast %swap3A_883 : vector<1x16xf32> to vector<16xf32>
      %swap3A_885 = vector.shape_cast %broadcast_in_dim3A_879 : vector<16xf32> to vector<1x16xf32>
      tpu.vector_store %arg7[%swap3A_881, %swap3A_882], %swap3A_885 {strides = array<i32>} : memref<256x16xf32, #tpu.memory_space<vmem>>, vector<1x16xf32>,
      %broadcast_in_dim3A_886 = arith.constant 0.000000e+00 : f32
      %broadcast_in_dim3A_887 = vector.broadcast %broadcast_in_dim3A_886 : f32 to vector<16xf32>
      %swap3A_888 = arith.constant 76 : i32
      %swap3A_889 = arith.index_cast %swap3A_888 : i32 to index
      %swap3A_890 = arith.constant 0 : index
      %swap3A_891 = tpu.vector_load %arg7[%swap3A_889, %swap3A_890] {strides = array<i32>} : memref<256x16xf32, #tpu.memory_space<vmem>>, vector<1x16xf32>,
      %swap3A_892 = vector.shape_cast %swap3A_891 : vector<1x16xf32> to vector<16xf32>
      %swap3A_893 = vector.shape_cast %broadcast_in_dim3A_887 : vector<16xf32> to vector<1x16xf32>
      tpu.vector_store %arg7[%swap3A_889, %swap3A_890], %swap3A_893 {strides = array<i32>} : memref<256x16xf32, #tpu.memory_space<vmem>>, vector<1x16xf32>,
      %broadcast_in_dim3A_894 = arith.constant 0.000000e+00 : f32
      %broadcast_in_dim3A_895 = vector.broadcast %broadcast_in_dim3A_894 : f32 to vector<16xf32>
      %swap3A_896 = arith.constant 77 : i32
      %swap3A_897 = arith.index_cast %swap3A_896 : i32 to index
      %swap3A_898 = arith.constant 0 : index
      %swap3A_899 = tpu.vector_load %arg7[%swap3A_897, %swap3A_898] {strides = array<i32>} : memref<256x16xf32, #tpu.memory_space<vmem>>, vector<1x16xf32>,
      %swap3A_900 = vector.shape_cast %swap3A_899 : vector<1x16xf32> to vector<16xf32>
      %swap3A_901 = vector.shape_cast %broadcast_in_dim3A_895 : vector<16xf32> to vector<1x16xf32>
      tpu.vector_store %arg7[%swap3A_897, %swap3A_898], %swap3A_901 {strides = array<i32>} : memref<256x16xf32, #tpu.memory_space<vmem>>, vector<1x16xf32>,
      %broadcast_in_dim3A_902 = arith.constant 0.000000e+00 : f32
      %broadcast_in_dim3A_903 = vector.broadcast %broadcast_in_dim3A_902 : f32 to vector<16xf32>
      %swap3A_904 = arith.constant 78 : i32
      %swap3A_905 = arith.index_cast %swap3A_904 : i32 to index
      %swap3A_906 = arith.constant 0 : index
      %swap3A_907 = tpu.vector_load %arg7[%swap3A_905, %swap3A_906] {strides = array<i32>} : memref<256x16xf32, #tpu.memory_space<vmem>>, vector<1x16xf32>,
      %swap3A_908 = vector.shape_cast %swap3A_907 : vector<1x16xf32> to vector<16xf32>
      %swap3A_909 = vector.shape_cast %broadcast_in_dim3A_903 : vector<16xf32> to vector<1x16xf32>
      tpu.vector_store %arg7[%swap3A_905, %swap3A_906], %swap3A_909 {strides = array<i32>} : memref<256x16xf32, #tpu.memory_space<vmem>>, vector<1x16xf32>,
      %broadcast_in_dim3A_910 = arith.constant 0.000000e+00 : f32
      %broadcast_in_dim3A_911 = vector.broadcast %broadcast_in_dim3A_910 : f32 to vector<16xf32>
      %swap3A_912 = arith.constant 79 : i32
      %swap3A_913 = arith.index_cast %swap3A_912 : i32 to index
      %swap3A_914 = arith.constant 0 : index
      %swap3A_915 = tpu.vector_load %arg7[%swap3A_913, %swap3A_914] {strides = array<i32>} : memref<256x16xf32, #tpu.memory_space<vmem>>, vector<1x16xf32>,
      %swap3A_916 = vector.shape_cast %swap3A_915 : vector<1x16xf32> to vector<16xf32>
      %swap3A_917 = vector.shape_cast %broadcast_in_dim3A_911 : vector<16xf32> to vector<1x16xf32>
      tpu.vector_store %arg7[%swap3A_913, %swap3A_914], %swap3A_917 {strides = array<i32>} : memref<256x16xf32, #tpu.memory_space<vmem>>, vector<1x16xf32>,
      %broadcast_in_dim3A_918 = arith.constant 0.000000e+00 : f32
      %broadcast_in_dim3A_919 = vector.broadcast %broadcast_in_dim3A_918 : f32 to vector<16xf32>
      %swap3A_920 = arith.constant 80 : i32
      %swap3A_921 = arith.index_cast %swap3A_920 : i32 to index
      %swap3A_922 = arith.constant 0 : index
      %swap3A_923 = tpu.vector_load %arg7[%swap3A_921, %swap3A_922] {strides = array<i32>} : memref<256x16xf32, #tpu.memory_space<vmem>>, vector<1x16xf32>,
      %swap3A_924 = vector.shape_cast %swap3A_923 : vector<1x16xf32> to vector<16xf32>
      %swap3A_925 = vector.shape_cast %broadcast_in_dim3A_919 : vector<16xf32> to vector<1x16xf32>
      tpu.vector_store %arg7[%swap3A_921, %swap3A_922], %swap3A_925 {strides = array<i32>} : memref<256x16xf32, #tpu.memory_space<vmem>>, vector<1x16xf32>,
      %broadcast_in_dim3A_926 = arith.constant 0.000000e+00 : f32
      %broadcast_in_dim3A_927 = vector.broadcast %broadcast_in_dim3A_926 : f32 to vector<16xf32>
      %swap3A_928 = arith.constant 81 : i32
      %swap3A_929 = arith.index_cast %swap3A_928 : i32 to index
      %swap3A_930 = arith.constant 0 : index
      %swap3A_931 = tpu.vector_load %arg7[%swap3A_929, %swap3A_930] {strides = array<i32>} : memref<256x16xf32, #tpu.memory_space<vmem>>, vector<1x16xf32>,
      %swap3A_932 = vector.shape_cast %swap3A_931 : vector<1x16xf32> to vector<16xf32>
      %swap3A_933 = vector.shape_cast %broadcast_in_dim3A_927 : vector<16xf32> to vector<1x16xf32>
      tpu.vector_store %arg7[%swap3A_929, %swap3A_930], %swap3A_933 {strides = array<i32>} : memref<256x16xf32, #tpu.memory_space<vmem>>, vector<1x16xf32>,
      %broadcast_in_dim3A_934 = arith.constant 0.000000e+00 : f32
      %broadcast_in_dim3A_935 = vector.broadcast %broadcast_in_dim3A_934 : f32 to vector<16xf32>
      %swap3A_936 = arith.constant 82 : i32
      %swap3A_937 = arith.index_cast %swap3A_936 : i32 to index
      %swap3A_938 = arith.constant 0 : index
      %swap3A_939 = tpu.vector_load %arg7[%swap3A_937, %swap3A_938] {strides = array<i32>} : memref<256x16xf32, #tpu.memory_space<vmem>>, vector<1x16xf32>,
      %swap3A_940 = vector.shape_cast %swap3A_939 : vector<1x16xf32> to vector<16xf32>
      %swap3A_941 = vector.shape_cast %broadcast_in_dim3A_935 : vector<16xf32> to vector<1x16xf32>
      tpu.vector_store %arg7[%swap3A_937, %swap3A_938], %swap3A_941 {strides = array<i32>} : memref<256x16xf32, #tpu.memory_space<vmem>>, vector<1x16xf32>,
      %broadcast_in_dim3A_942 = arith.constant 0.000000e+00 : f32
      %broadcast_in_dim3A_943 = vector.broadcast %broadcast_in_dim3A_942 : f32 to vector<16xf32>
      %swap3A_944 = arith.constant 83 : i32
      %swap3A_945 = arith.index_cast %swap3A_944 : i32 to index
      %swap3A_946 = arith.constant 0 : index
      %swap3A_947 = tpu.vector_load %arg7[%swap3A_945, %swap3A_946] {strides = array<i32>} : memref<256x16xf32, #tpu.memory_space<vmem>>, vector<1x16xf32>,
      %swap3A_948 = vector.shape_cast %swap3A_947 : vector<1x16xf32> to vector<16xf32>
      %swap3A_949 = vector.shape_cast %broadcast_in_dim3A_943 : vector<16xf32> to vector<1x16xf32>
      tpu.vector_store %arg7[%swap3A_945, %swap3A_946], %swap3A_949 {strides = array<i32>} : memref<256x16xf32, #tpu.memory_space<vmem>>, vector<1x16xf32>,
      %broadcast_in_dim3A_950 = arith.constant 0.000000e+00 : f32
      %broadcast_in_dim3A_951 = vector.broadcast %broadcast_in_dim3A_950 : f32 to vector<16xf32>
      %swap3A_952 = arith.constant 84 : i32
      %swap3A_953 = arith.index_cast %swap3A_952 : i32 to index
      %swap3A_954 = arith.constant 0 : index
      %swap3A_955 = tpu.vector_load %arg7[%swap3A_953, %swap3A_954] {strides = array<i32>} : memref<256x16xf32, #tpu.memory_space<vmem>>, vector<1x16xf32>,
      %swap3A_956 = vector.shape_cast %swap3A_955 : vector<1x16xf32> to vector<16xf32>
      %swap3A_957 = vector.shape_cast %broadcast_in_dim3A_951 : vector<16xf32> to vector<1x16xf32>
      tpu.vector_store %arg7[%swap3A_953, %swap3A_954], %swap3A_957 {strides = array<i32>} : memref<256x16xf32, #tpu.memory_space<vmem>>, vector<1x16xf32>,
      %broadcast_in_dim3A_958 = arith.constant 0.000000e+00 : f32
      %broadcast_in_dim3A_959 = vector.broadcast %broadcast_in_dim3A_958 : f32 to vector<16xf32>
      %swap3A_960 = arith.constant 85 : i32
      %swap3A_961 = arith.index_cast %swap3A_960 : i32 to index
      %swap3A_962 = arith.constant 0 : index
      %swap3A_963 = tpu.vector_load %arg7[%swap3A_961, %swap3A_962] {strides = array<i32>} : memref<256x16xf32, #tpu.memory_space<vmem>>, vector<1x16xf32>,
      %swap3A_964 = vector.shape_cast %swap3A_963 : vector<1x16xf32> to vector<16xf32>
      %swap3A_965 = vector.shape_cast %broadcast_in_dim3A_959 : vector<16xf32> to vector<1x16xf32>
      tpu.vector_store %arg7[%swap3A_961, %swap3A_962], %swap3A_965 {strides = array<i32>} : memref<256x16xf32, #tpu.memory_space<vmem>>, vector<1x16xf32>,
      %broadcast_in_dim3A_966 = arith.constant 0.000000e+00 : f32
      %broadcast_in_dim3A_967 = vector.broadcast %broadcast_in_dim3A_966 : f32 to vector<16xf32>
      %swap3A_968 = arith.constant 86 : i32
      %swap3A_969 = arith.index_cast %swap3A_968 : i32 to index
      %swap3A_970 = arith.constant 0 : index
      %swap3A_971 = tpu.vector_load %arg7[%swap3A_969, %swap3A_970] {strides = array<i32>} : memref<256x16xf32, #tpu.memory_space<vmem>>, vector<1x16xf32>,
      %swap3A_972 = vector.shape_cast %swap3A_971 : vector<1x16xf32> to vector<16xf32>
      %swap3A_973 = vector.shape_cast %broadcast_in_dim3A_967 : vector<16xf32> to vector<1x16xf32>
      tpu.vector_store %arg7[%swap3A_969, %swap3A_970], %swap3A_973 {strides = array<i32>} : memref<256x16xf32, #tpu.memory_space<vmem>>, vector<1x16xf32>,
      %broadcast_in_dim3A_974 = arith.constant 0.000000e+00 : f32
      %broadcast_in_dim3A_975 = vector.broadcast %broadcast_in_dim3A_974 : f32 to vector<16xf32>
      %swap3A_976 = arith.constant 87 : i32
      %swap3A_977 = arith.index_cast %swap3A_976 : i32 to index
      %swap3A_978 = arith.constant 0 : index
      %swap3A_979 = tpu.vector_load %arg7[%swap3A_977, %swap3A_978] {strides = array<i32>} : memref<256x16xf32, #tpu.memory_space<vmem>>, vector<1x16xf32>,
      %swap3A_980 = vector.shape_cast %swap3A_979 : vector<1x16xf32> to vector<16xf32>
      %swap3A_981 = vector.shape_cast %broadcast_in_dim3A_975 : vector<16xf32> to vector<1x16xf32>
      tpu.vector_store %arg7[%swap3A_977, %swap3A_978], %swap3A_981 {strides = array<i32>} : memref<256x16xf32, #tpu.memory_space<vmem>>, vector<1x16xf32>,
      %broadcast_in_dim3A_982 = arith.constant 0.000000e+00 : f32
      %broadcast_in_dim3A_983 = vector.broadcast %broadcast_in_dim3A_982 : f32 to vector<16xf32>
      %swap3A_984 = arith.constant 88 : i32
      %swap3A_985 = arith.index_cast %swap3A_984 : i32 to index
      %swap3A_986 = arith.constant 0 : index
      %swap3A_987 = tpu.vector_load %arg7[%swap3A_985, %swap3A_986] {strides = array<i32>} : memref<256x16xf32, #tpu.memory_space<vmem>>, vector<1x16xf32>,
      %swap3A_988 = vector.shape_cast %swap3A_987 : vector<1x16xf32> to vector<16xf32>
      %swap3A_989 = vector.shape_cast %broadcast_in_dim3A_983 : vector<16xf32> to vector<1x16xf32>
      tpu.vector_store %arg7[%swap3A_985, %swap3A_986], %swap3A_989 {strides = array<i32>} : memref<256x16xf32, #tpu.memory_space<vmem>>, vector<1x16xf32>,
      %broadcast_in_dim3A_990 = arith.constant 0.000000e+00 : f32
      %broadcast_in_dim3A_991 = vector.broadcast %broadcast_in_dim3A_990 : f32 to vector<16xf32>
      %swap3A_992 = arith.constant 89 : i32
      %swap3A_993 = arith.index_cast %swap3A_992 : i32 to index
      %swap3A_994 = arith.constant 0 : index
      %swap3A_995 = tpu.vector_load %arg7[%swap3A_993, %swap3A_994] {strides = array<i32>} : memref<256x16xf32, #tpu.memory_space<vmem>>, vector<1x16xf32>,
      %swap3A_996 = vector.shape_cast %swap3A_995 : vector<1x16xf32> to vector<16xf32>
      %swap3A_997 = vector.shape_cast %broadcast_in_dim3A_991 : vector<16xf32> to vector<1x16xf32>
      tpu.vector_store %arg7[%swap3A_993, %swap3A_994], %swap3A_997 {strides = array<i32>} : memref<256x16xf32, #tpu.memory_space<vmem>>, vector<1x16xf32>,
      %broadcast_in_dim3A_998 = arith.constant 0.000000e+00 : f32
      %broadcast_in_dim3A_999 = vector.broadcast %broadcast_in_dim3A_998 : f32 to vector<16xf32>
      %swap3A_1000 = arith.constant 90 : i32
      %swap3A_1001 = arith.index_cast %swap3A_1000 : i32 to index
      %swap3A_1002 = arith.constant 0 : index
      %swap3A_1003 = tpu.vector_load %arg7[%swap3A_1001, %swap3A_1002] {strides = array<i32>} : memref<256x16xf32, #tpu.memory_space<vmem>>, vector<1x16xf32>,
      %swap3A_1004 = vector.shape_cast %swap3A_1003 : vector<1x16xf32> to vector<16xf32>
      %swap3A_1005 = vector.shape_cast %broadcast_in_dim3A_999 : vector<16xf32> to vector<1x16xf32>
      tpu.vector_store %arg7[%swap3A_1001, %swap3A_1002], %swap3A_1005 {strides = array<i32>} : memref<256x16xf32, #tpu.memory_space<vmem>>, vector<1x16xf32>,
      %broadcast_in_dim3A_1006 = arith.constant 0.000000e+00 : f32
      %broadcast_in_dim3A_1007 = vector.broadcast %broadcast_in_dim3A_1006 : f32 to vector<16xf32>
      %swap3A_1008 = arith.constant 91 : i32
      %swap3A_1009 = arith.index_cast %swap3A_1008 : i32 to index
      %swap3A_1010 = arith.constant 0 : index
      %swap3A_1011 = tpu.vector_load %arg7[%swap3A_1009, %swap3A_1010] {strides = array<i32>} : memref<256x16xf32, #tpu.memory_space<vmem>>, vector<1x16xf32>,
      %swap3A_1012 = vector.shape_cast %swap3A_1011 : vector<1x16xf32> to vector<16xf32>
      %swap3A_1013 = vector.shape_cast %broadcast_in_dim3A_1007 : vector<16xf32> to vector<1x16xf32>
      tpu.vector_store %arg7[%swap3A_1009, %swap3A_1010], %swap3A_1013 {strides = array<i32>} : memref<256x16xf32, #tpu.memory_space<vmem>>, vector<1x16xf32>,
      %broadcast_in_dim3A_1014 = arith.constant 0.000000e+00 : f32
      %broadcast_in_dim3A_1015 = vector.broadcast %broadcast_in_dim3A_1014 : f32 to vector<16xf32>
      %swap3A_1016 = arith.constant 92 : i32
      %swap3A_1017 = arith.index_cast %swap3A_1016 : i32 to index
      %swap3A_1018 = arith.constant 0 : index
      %swap3A_1019 = tpu.vector_load %arg7[%swap3A_1017, %swap3A_1018] {strides = array<i32>} : memref<256x16xf32, #tpu.memory_space<vmem>>, vector<1x16xf32>,
      %swap3A_1020 = vector.shape_cast %swap3A_1019 : vector<1x16xf32> to vector<16xf32>
      %swap3A_1021 = vector.shape_cast %broadcast_in_dim3A_1015 : vector<16xf32> to vector<1x16xf32>
      tpu.vector_store %arg7[%swap3A_1017, %swap3A_1018], %swap3A_1021 {strides = array<i32>} : memref<256x16xf32, #tpu.memory_space<vmem>>, vector<1x16xf32>,
      %broadcast_in_dim3A_1022 = arith.constant 0.000000e+00 : f32
      %broadcast_in_dim3A_1023 = vector.broadcast %broadcast_in_dim3A_1022 : f32 to vector<16xf32>
      %swap3A_1024 = arith.constant 93 : i32
      %swap3A_1025 = arith.index_cast %swap3A_1024 : i32 to index
      %swap3A_1026 = arith.constant 0 : index
      %swap3A_1027 = tpu.vector_load %arg7[%swap3A_1025, %swap3A_1026] {strides = array<i32>} : memref<256x16xf32, #tpu.memory_space<vmem>>, vector<1x16xf32>,
      %swap3A_1028 = vector.shape_cast %swap3A_1027 : vector<1x16xf32> to vector<16xf32>
      %swap3A_1029 = vector.shape_cast %broadcast_in_dim3A_1023 : vector<16xf32> to vector<1x16xf32>
      tpu.vector_store %arg7[%swap3A_1025, %swap3A_1026], %swap3A_1029 {strides = array<i32>} : memref<256x16xf32, #tpu.memory_space<vmem>>, vector<1x16xf32>,
      %broadcast_in_dim3A_1030 = arith.constant 0.000000e+00 : f32
      %broadcast_in_dim3A_1031 = vector.broadcast %broadcast_in_dim3A_1030 : f32 to vector<16xf32>
      %swap3A_1032 = arith.constant 94 : i32
      %swap3A_1033 = arith.index_cast %swap3A_1032 : i32 to index
      %swap3A_1034 = arith.constant 0 : index
      %swap3A_1035 = tpu.vector_load %arg7[%swap3A_1033, %swap3A_1034] {strides = array<i32>} : memref<256x16xf32, #tpu.memory_space<vmem>>, vector<1x16xf32>,
      %swap3A_1036 = vector.shape_cast %swap3A_1035 : vector<1x16xf32> to vector<16xf32>
      %swap3A_1037 = vector.shape_cast %broadcast_in_dim3A_1031 : vector<16xf32> to vector<1x16xf32>
      tpu.vector_store %arg7[%swap3A_1033, %swap3A_1034], %swap3A_1037 {strides = array<i32>} : memref<256x16xf32, #tpu.memory_space<vmem>>, vector<1x16xf32>,
      %broadcast_in_dim3A_1038 = arith.constant 0.000000e+00 : f32
      %broadcast_in_dim3A_1039 = vector.broadcast %broadcast_in_dim3A_1038 : f32 to vector<16xf32>
      %swap3A_1040 = arith.constant 95 : i32
      %swap3A_1041 = arith.index_cast %swap3A_1040 : i32 to index
      %swap3A_1042 = arith.constant 0 : index
      %swap3A_1043 = tpu.vector_load %arg7[%swap3A_1041, %swap3A_1042] {strides = array<i32>} : memref<256x16xf32, #tpu.memory_space<vmem>>, vector<1x16xf32>,
      %swap3A_1044 = vector.shape_cast %swap3A_1043 : vector<1x16xf32> to vector<16xf32>
      %swap3A_1045 = vector.shape_cast %broadcast_in_dim3A_1039 : vector<16xf32> to vector<1x16xf32>
      tpu.vector_store %arg7[%swap3A_1041, %swap3A_1042], %swap3A_1045 {strides = array<i32>} : memref<256x16xf32, #tpu.memory_space<vmem>>, vector<1x16xf32>,
      %broadcast_in_dim3A_1046 = arith.constant 0.000000e+00 : f32
      %broadcast_in_dim3A_1047 = vector.broadcast %broadcast_in_dim3A_1046 : f32 to vector<16xf32>
      %swap3A_1048 = arith.constant 96 : i32
      %swap3A_1049 = arith.index_cast %swap3A_1048 : i32 to index
      %swap3A_1050 = arith.constant 0 : index
      %swap3A_1051 = tpu.vector_load %arg7[%swap3A_1049, %swap3A_1050] {strides = array<i32>} : memref<256x16xf32, #tpu.memory_space<vmem>>, vector<1x16xf32>,
      %swap3A_1052 = vector.shape_cast %swap3A_1051 : vector<1x16xf32> to vector<16xf32>
      %swap3A_1053 = vector.shape_cast %broadcast_in_dim3A_1047 : vector<16xf32> to vector<1x16xf32>
      tpu.vector_store %arg7[%swap3A_1049, %swap3A_1050], %swap3A_1053 {strides = array<i32>} : memref<256x16xf32, #tpu.memory_space<vmem>>, vector<1x16xf32>,
      %broadcast_in_dim3A_1054 = arith.constant 0.000000e+00 : f32
      %broadcast_in_dim3A_1055 = vector.broadcast %broadcast_in_dim3A_1054 : f32 to vector<16xf32>
      %swap3A_1056 = arith.constant 97 : i32
      %swap3A_1057 = arith.index_cast %swap3A_1056 : i32 to index
      %swap3A_1058 = arith.constant 0 : index
      %swap3A_1059 = tpu.vector_load %arg7[%swap3A_1057, %swap3A_1058] {strides = array<i32>} : memref<256x16xf32, #tpu.memory_space<vmem>>, vector<1x16xf32>,
      %swap3A_1060 = vector.shape_cast %swap3A_1059 : vector<1x16xf32> to vector<16xf32>
      %swap3A_1061 = vector.shape_cast %broadcast_in_dim3A_1055 : vector<16xf32> to vector<1x16xf32>
      tpu.vector_store %arg7[%swap3A_1057, %swap3A_1058], %swap3A_1061 {strides = array<i32>} : memref<256x16xf32, #tpu.memory_space<vmem>>, vector<1x16xf32>,
      %broadcast_in_dim3A_1062 = arith.constant 0.000000e+00 : f32
      %broadcast_in_dim3A_1063 = vector.broadcast %broadcast_in_dim3A_1062 : f32 to vector<16xf32>
      %swap3A_1064 = arith.constant 98 : i32
      %swap3A_1065 = arith.index_cast %swap3A_1064 : i32 to index
      %swap3A_1066 = arith.constant 0 : index
      %swap3A_1067 = tpu.vector_load %arg7[%swap3A_1065, %swap3A_1066] {strides = array<i32>} : memref<256x16xf32, #tpu.memory_space<vmem>>, vector<1x16xf32>,
      %swap3A_1068 = vector.shape_cast %swap3A_1067 : vector<1x16xf32> to vector<16xf32>
      %swap3A_1069 = vector.shape_cast %broadcast_in_dim3A_1063 : vector<16xf32> to vector<1x16xf32>
      tpu.vector_store %arg7[%swap3A_1065, %swap3A_1066], %swap3A_1069 {strides = array<i32>} : memref<256x16xf32, #tpu.memory_space<vmem>>, vector<1x16xf32>,
      %broadcast_in_dim3A_1070 = arith.constant 0.000000e+00 : f32
      %broadcast_in_dim3A_1071 = vector.broadcast %broadcast_in_dim3A_1070 : f32 to vector<16xf32>
      %swap3A_1072 = arith.constant 99 : i32
      %swap3A_1073 = arith.index_cast %swap3A_1072 : i32 to index
      %swap3A_1074 = arith.constant 0 : index
      %swap3A_1075 = tpu.vector_load %arg7[%swap3A_1073, %swap3A_1074] {strides = array<i32>} : memref<256x16xf32, #tpu.memory_space<vmem>>, vector<1x16xf32>,
      %swap3A_1076 = vector.shape_cast %swap3A_1075 : vector<1x16xf32> to vector<16xf32>
      %swap3A_1077 = vector.shape_cast %broadcast_in_dim3A_1071 : vector<16xf32> to vector<1x16xf32>
      tpu.vector_store %arg7[%swap3A_1073, %swap3A_1074], %swap3A_1077 {strides = array<i32>} : memref<256x16xf32, #tpu.memory_space<vmem>>, vector<1x16xf32>,
      %broadcast_in_dim3A_1078 = arith.constant 0.000000e+00 : f32
      %broadcast_in_dim3A_1079 = vector.broadcast %broadcast_in_dim3A_1078 : f32 to vector<16xf32>
      %swap3A_1080 = arith.constant 100 : i32
      %swap3A_1081 = arith.index_cast %swap3A_1080 : i32 to index
      %swap3A_1082 = arith.constant 0 : index
      %swap3A_1083 = tpu.vector_load %arg7[%swap3A_1081, %swap3A_1082] {strides = array<i32>} : memref<256x16xf32, #tpu.memory_space<vmem>>, vector<1x16xf32>,
      %swap3A_1084 = vector.shape_cast %swap3A_1083 : vector<1x16xf32> to vector<16xf32>
      %swap3A_1085 = vector.shape_cast %broadcast_in_dim3A_1079 : vector<16xf32> to vector<1x16xf32>
      tpu.vector_store %arg7[%swap3A_1081, %swap3A_1082], %swap3A_1085 {strides = array<i32>} : memref<256x16xf32, #tpu.memory_space<vmem>>, vector<1x16xf32>,
      %broadcast_in_dim3A_1086 = arith.constant 0.000000e+00 : f32
      %broadcast_in_dim3A_1087 = vector.broadcast %broadcast_in_dim3A_1086 : f32 to vector<16xf32>
      %swap3A_1088 = arith.constant 101 : i32
      %swap3A_1089 = arith.index_cast %swap3A_1088 : i32 to index
      %swap3A_1090 = arith.constant 0 : index
      %swap3A_1091 = tpu.vector_load %arg7[%swap3A_1089, %swap3A_1090] {strides = array<i32>} : memref<256x16xf32, #tpu.memory_space<vmem>>, vector<1x16xf32>,
      %swap3A_1092 = vector.shape_cast %swap3A_1091 : vector<1x16xf32> to vector<16xf32>
      %swap3A_1093 = vector.shape_cast %broadcast_in_dim3A_1087 : vector<16xf32> to vector<1x16xf32>
      tpu.vector_store %arg7[%swap3A_1089, %swap3A_1090], %swap3A_1093 {strides = array<i32>} : memref<256x16xf32, #tpu.memory_space<vmem>>, vector<1x16xf32>,
      %broadcast_in_dim3A_1094 = arith.constant 0.000000e+00 : f32
      %broadcast_in_dim3A_1095 = vector.broadcast %broadcast_in_dim3A_1094 : f32 to vector<16xf32>
      %swap3A_1096 = arith.constant 102 : i32
      %swap3A_1097 = arith.index_cast %swap3A_1096 : i32 to index
      %swap3A_1098 = arith.constant 0 : index
      %swap3A_1099 = tpu.vector_load %arg7[%swap3A_1097, %swap3A_1098] {strides = array<i32>} : memref<256x16xf32, #tpu.memory_space<vmem>>, vector<1x16xf32>,
      %swap3A_1100 = vector.shape_cast %swap3A_1099 : vector<1x16xf32> to vector<16xf32>
      %swap3A_1101 = vector.shape_cast %broadcast_in_dim3A_1095 : vector<16xf32> to vector<1x16xf32>
      tpu.vector_store %arg7[%swap3A_1097, %swap3A_1098], %swap3A_1101 {strides = array<i32>} : memref<256x16xf32, #tpu.memory_space<vmem>>, vector<1x16xf32>,
      %broadcast_in_dim3A_1102 = arith.constant 0.000000e+00 : f32
      %broadcast_in_dim3A_1103 = vector.broadcast %broadcast_in_dim3A_1102 : f32 to vector<16xf32>
      %swap3A_1104 = arith.constant 103 : i32
      %swap3A_1105 = arith.index_cast %swap3A_1104 : i32 to index
      %swap3A_1106 = arith.constant 0 : index
      %swap3A_1107 = tpu.vector_load %arg7[%swap3A_1105, %swap3A_1106] {strides = array<i32>} : memref<256x16xf32, #tpu.memory_space<vmem>>, vector<1x16xf32>,
      %swap3A_1108 = vector.shape_cast %swap3A_1107 : vector<1x16xf32> to vector<16xf32>
      %swap3A_1109 = vector.shape_cast %broadcast_in_dim3A_1103 : vector<16xf32> to vector<1x16xf32>
      tpu.vector_store %arg7[%swap3A_1105, %swap3A_1106], %swap3A_1109 {strides = array<i32>} : memref<256x16xf32, #tpu.memory_space<vmem>>, vector<1x16xf32>,
      %broadcast_in_dim3A_1110 = arith.constant 0.000000e+00 : f32
      %broadcast_in_dim3A_1111 = vector.broadcast %broadcast_in_dim3A_1110 : f32 to vector<16xf32>
      %swap3A_1112 = arith.constant 104 : i32
      %swap3A_1113 = arith.index_cast %swap3A_1112 : i32 to index
      %swap3A_1114 = arith.constant 0 : index
      %swap3A_1115 = tpu.vector_load %arg7[%swap3A_1113, %swap3A_1114] {strides = array<i32>} : memref<256x16xf32, #tpu.memory_space<vmem>>, vector<1x16xf32>,
      %swap3A_1116 = vector.shape_cast %swap3A_1115 : vector<1x16xf32> to vector<16xf32>
      %swap3A_1117 = vector.shape_cast %broadcast_in_dim3A_1111 : vector<16xf32> to vector<1x16xf32>
      tpu.vector_store %arg7[%swap3A_1113, %swap3A_1114], %swap3A_1117 {strides = array<i32>} : memref<256x16xf32, #tpu.memory_space<vmem>>, vector<1x16xf32>,
      %broadcast_in_dim3A_1118 = arith.constant 0.000000e+00 : f32
      %broadcast_in_dim3A_1119 = vector.broadcast %broadcast_in_dim3A_1118 : f32 to vector<16xf32>
      %swap3A_1120 = arith.constant 105 : i32
      %swap3A_1121 = arith.index_cast %swap3A_1120 : i32 to index
      %swap3A_1122 = arith.constant 0 : index
      %swap3A_1123 = tpu.vector_load %arg7[%swap3A_1121, %swap3A_1122] {strides = array<i32>} : memref<256x16xf32, #tpu.memory_space<vmem>>, vector<1x16xf32>,
      %swap3A_1124 = vector.shape_cast %swap3A_1123 : vector<1x16xf32> to vector<16xf32>
      %swap3A_1125 = vector.shape_cast %broadcast_in_dim3A_1119 : vector<16xf32> to vector<1x16xf32>
      tpu.vector_store %arg7[%swap3A_1121, %swap3A_1122], %swap3A_1125 {strides = array<i32>} : memref<256x16xf32, #tpu.memory_space<vmem>>, vector<1x16xf32>,
      %broadcast_in_dim3A_1126 = arith.constant 0.000000e+00 : f32
      %broadcast_in_dim3A_1127 = vector.broadcast %broadcast_in_dim3A_1126 : f32 to vector<16xf32>
      %swap3A_1128 = arith.constant 106 : i32
      %swap3A_1129 = arith.index_cast %swap3A_1128 : i32 to index
      %swap3A_1130 = arith.constant 0 : index
      %swap3A_1131 = tpu.vector_load %arg7[%swap3A_1129, %swap3A_1130] {strides = array<i32>} : memref<256x16xf32, #tpu.memory_space<vmem>>, vector<1x16xf32>,
      %swap3A_1132 = vector.shape_cast %swap3A_1131 : vector<1x16xf32> to vector<16xf32>
      %swap3A_1133 = vector.shape_cast %broadcast_in_dim3A_1127 : vector<16xf32> to vector<1x16xf32>
      tpu.vector_store %arg7[%swap3A_1129, %swap3A_1130], %swap3A_1133 {strides = array<i32>} : memref<256x16xf32, #tpu.memory_space<vmem>>, vector<1x16xf32>,
      %broadcast_in_dim3A_1134 = arith.constant 0.000000e+00 : f32
      %broadcast_in_dim3A_1135 = vector.broadcast %broadcast_in_dim3A_1134 : f32 to vector<16xf32>
      %swap3A_1136 = arith.constant 107 : i32
      %swap3A_1137 = arith.index_cast %swap3A_1136 : i32 to index
      %swap3A_1138 = arith.constant 0 : index
      %swap3A_1139 = tpu.vector_load %arg7[%swap3A_1137, %swap3A_1138] {strides = array<i32>} : memref<256x16xf32, #tpu.memory_space<vmem>>, vector<1x16xf32>,
      %swap3A_1140 = vector.shape_cast %swap3A_1139 : vector<1x16xf32> to vector<16xf32>
      %swap3A_1141 = vector.shape_cast %broadcast_in_dim3A_1135 : vector<16xf32> to vector<1x16xf32>
      tpu.vector_store %arg7[%swap3A_1137, %swap3A_1138], %swap3A_1141 {strides = array<i32>} : memref<256x16xf32, #tpu.memory_space<vmem>>, vector<1x16xf32>,
      %broadcast_in_dim3A_1142 = arith.constant 0.000000e+00 : f32
      %broadcast_in_dim3A_1143 = vector.broadcast %broadcast_in_dim3A_1142 : f32 to vector<16xf32>
      %swap3A_1144 = arith.constant 108 : i32
      %swap3A_1145 = arith.index_cast %swap3A_1144 : i32 to index
      %swap3A_1146 = arith.constant 0 : index
      %swap3A_1147 = tpu.vector_load %arg7[%swap3A_1145, %swap3A_1146] {strides = array<i32>} : memref<256x16xf32, #tpu.memory_space<vmem>>, vector<1x16xf32>,
      %swap3A_1148 = vector.shape_cast %swap3A_1147 : vector<1x16xf32> to vector<16xf32>
      %swap3A_1149 = vector.shape_cast %broadcast_in_dim3A_1143 : vector<16xf32> to vector<1x16xf32>
      tpu.vector_store %arg7[%swap3A_1145, %swap3A_1146], %swap3A_1149 {strides = array<i32>} : memref<256x16xf32, #tpu.memory_space<vmem>>, vector<1x16xf32>,
      %broadcast_in_dim3A_1150 = arith.constant 0.000000e+00 : f32
      %broadcast_in_dim3A_1151 = vector.broadcast %broadcast_in_dim3A_1150 : f32 to vector<16xf32>
      %swap3A_1152 = arith.constant 109 : i32
      %swap3A_1153 = arith.index_cast %swap3A_1152 : i32 to index
      %swap3A_1154 = arith.constant 0 : index
      %swap3A_1155 = tpu.vector_load %arg7[%swap3A_1153, %swap3A_1154] {strides = array<i32>} : memref<256x16xf32, #tpu.memory_space<vmem>>, vector<1x16xf32>,
      %swap3A_1156 = vector.shape_cast %swap3A_1155 : vector<1x16xf32> to vector<16xf32>
      %swap3A_1157 = vector.shape_cast %broadcast_in_dim3A_1151 : vector<16xf32> to vector<1x16xf32>
      tpu.vector_store %arg7[%swap3A_1153, %swap3A_1154], %swap3A_1157 {strides = array<i32>} : memref<256x16xf32, #tpu.memory_space<vmem>>, vector<1x16xf32>,
      %broadcast_in_dim3A_1158 = arith.constant 0.000000e+00 : f32
      %broadcast_in_dim3A_1159 = vector.broadcast %broadcast_in_dim3A_1158 : f32 to vector<16xf32>
      %swap3A_1160 = arith.constant 110 : i32
      %swap3A_1161 = arith.index_cast %swap3A_1160 : i32 to index
      %swap3A_1162 = arith.constant 0 : index
      %swap3A_1163 = tpu.vector_load %arg7[%swap3A_1161, %swap3A_1162] {strides = array<i32>} : memref<256x16xf32, #tpu.memory_space<vmem>>, vector<1x16xf32>,
      %swap3A_1164 = vector.shape_cast %swap3A_1163 : vector<1x16xf32> to vector<16xf32>
      %swap3A_1165 = vector.shape_cast %broadcast_in_dim3A_1159 : vector<16xf32> to vector<1x16xf32>
      tpu.vector_store %arg7[%swap3A_1161, %swap3A_1162], %swap3A_1165 {strides = array<i32>} : memref<256x16xf32, #tpu.memory_space<vmem>>, vector<1x16xf32>,
      %broadcast_in_dim3A_1166 = arith.constant 0.000000e+00 : f32
      %broadcast_in_dim3A_1167 = vector.broadcast %broadcast_in_dim3A_1166 : f32 to vector<16xf32>
      %swap3A_1168 = arith.constant 111 : i32
      %swap3A_1169 = arith.index_cast %swap3A_1168 : i32 to index
      %swap3A_1170 = arith.constant 0 : index
      %swap3A_1171 = tpu.vector_load %arg7[%swap3A_1169, %swap3A_1170] {strides = array<i32>} : memref<256x16xf32, #tpu.memory_space<vmem>>, vector<1x16xf32>,
      %swap3A_1172 = vector.shape_cast %swap3A_1171 : vector<1x16xf32> to vector<16xf32>
      %swap3A_1173 = vector.shape_cast %broadcast_in_dim3A_1167 : vector<16xf32> to vector<1x16xf32>
      tpu.vector_store %arg7[%swap3A_1169, %swap3A_1170], %swap3A_1173 {strides = array<i32>} : memref<256x16xf32, #tpu.memory_space<vmem>>, vector<1x16xf32>,
      %broadcast_in_dim3A_1174 = arith.constant 0.000000e+00 : f32
      %broadcast_in_dim3A_1175 = vector.broadcast %broadcast_in_dim3A_1174 : f32 to vector<16xf32>
      %swap3A_1176 = arith.constant 112 : i32
      %swap3A_1177 = arith.index_cast %swap3A_1176 : i32 to index
      %swap3A_1178 = arith.constant 0 : index
      %swap3A_1179 = tpu.vector_load %arg7[%swap3A_1177, %swap3A_1178] {strides = array<i32>} : memref<256x16xf32, #tpu.memory_space<vmem>>, vector<1x16xf32>,
      %swap3A_1180 = vector.shape_cast %swap3A_1179 : vector<1x16xf32> to vector<16xf32>
      %swap3A_1181 = vector.shape_cast %broadcast_in_dim3A_1175 : vector<16xf32> to vector<1x16xf32>
      tpu.vector_store %arg7[%swap3A_1177, %swap3A_1178], %swap3A_1181 {strides = array<i32>} : memref<256x16xf32, #tpu.memory_space<vmem>>, vector<1x16xf32>,
      %broadcast_in_dim3A_1182 = arith.constant 0.000000e+00 : f32
      %broadcast_in_dim3A_1183 = vector.broadcast %broadcast_in_dim3A_1182 : f32 to vector<16xf32>
      %swap3A_1184 = arith.constant 113 : i32
      %swap3A_1185 = arith.index_cast %swap3A_1184 : i32 to index
      %swap3A_1186 = arith.constant 0 : index
      %swap3A_1187 = tpu.vector_load %arg7[%swap3A_1185, %swap3A_1186] {strides = array<i32>} : memref<256x16xf32, #tpu.memory_space<vmem>>, vector<1x16xf32>,
      %swap3A_1188 = vector.shape_cast %swap3A_1187 : vector<1x16xf32> to vector<16xf32>
      %swap3A_1189 = vector.shape_cast %broadcast_in_dim3A_1183 : vector<16xf32> to vector<1x16xf32>
      tpu.vector_store %arg7[%swap3A_1185, %swap3A_1186], %swap3A_1189 {strides = array<i32>} : memref<256x16xf32, #tpu.memory_space<vmem>>, vector<1x16xf32>,
      %broadcast_in_dim3A_1190 = arith.constant 0.000000e+00 : f32
      %broadcast_in_dim3A_1191 = vector.broadcast %broadcast_in_dim3A_1190 : f32 to vector<16xf32>
      %swap3A_1192 = arith.constant 114 : i32
      %swap3A_1193 = arith.index_cast %swap3A_1192 : i32 to index
      %swap3A_1194 = arith.constant 0 : index
      %swap3A_1195 = tpu.vector_load %arg7[%swap3A_1193, %swap3A_1194] {strides = array<i32>} : memref<256x16xf32, #tpu.memory_space<vmem>>, vector<1x16xf32>,
      %swap3A_1196 = vector.shape_cast %swap3A_1195 : vector<1x16xf32> to vector<16xf32>
      %swap3A_1197 = vector.shape_cast %broadcast_in_dim3A_1191 : vector<16xf32> to vector<1x16xf32>
      tpu.vector_store %arg7[%swap3A_1193, %swap3A_1194], %swap3A_1197 {strides = array<i32>} : memref<256x16xf32, #tpu.memory_space<vmem>>, vector<1x16xf32>,
      %broadcast_in_dim3A_1198 = arith.constant 0.000000e+00 : f32
      %broadcast_in_dim3A_1199 = vector.broadcast %broadcast_in_dim3A_1198 : f32 to vector<16xf32>
      %swap3A_1200 = arith.constant 115 : i32
      %swap3A_1201 = arith.index_cast %swap3A_1200 : i32 to index
      %swap3A_1202 = arith.constant 0 : index
      %swap3A_1203 = tpu.vector_load %arg7[%swap3A_1201, %swap3A_1202] {strides = array<i32>} : memref<256x16xf32, #tpu.memory_space<vmem>>, vector<1x16xf32>,
      %swap3A_1204 = vector.shape_cast %swap3A_1203 : vector<1x16xf32> to vector<16xf32>
      %swap3A_1205 = vector.shape_cast %broadcast_in_dim3A_1199 : vector<16xf32> to vector<1x16xf32>
      tpu.vector_store %arg7[%swap3A_1201, %swap3A_1202], %swap3A_1205 {strides = array<i32>} : memref<256x16xf32, #tpu.memory_space<vmem>>, vector<1x16xf32>,
      %broadcast_in_dim3A_1206 = arith.constant 0.000000e+00 : f32
      %broadcast_in_dim3A_1207 = vector.broadcast %broadcast_in_dim3A_1206 : f32 to vector<16xf32>
      %swap3A_1208 = arith.constant 116 : i32
      %swap3A_1209 = arith.index_cast %swap3A_1208 : i32 to index
      %swap3A_1210 = arith.constant 0 : index
      %swap3A_1211 = tpu.vector_load %arg7[%swap3A_1209, %swap3A_1210] {strides = array<i32>} : memref<256x16xf32, #tpu.memory_space<vmem>>, vector<1x16xf32>,
      %swap3A_1212 = vector.shape_cast %swap3A_1211 : vector<1x16xf32> to vector<16xf32>
      %swap3A_1213 = vector.shape_cast %broadcast_in_dim3A_1207 : vector<16xf32> to vector<1x16xf32>
      tpu.vector_store %arg7[%swap3A_1209, %swap3A_1210], %swap3A_1213 {strides = array<i32>} : memref<256x16xf32, #tpu.memory_space<vmem>>, vector<1x16xf32>,
      %broadcast_in_dim3A_1214 = arith.constant 0.000000e+00 : f32
      %broadcast_in_dim3A_1215 = vector.broadcast %broadcast_in_dim3A_1214 : f32 to vector<16xf32>
      %swap3A_1216 = arith.constant 117 : i32
      %swap3A_1217 = arith.index_cast %swap3A_1216 : i32 to index
      %swap3A_1218 = arith.constant 0 : index
      %swap3A_1219 = tpu.vector_load %arg7[%swap3A_1217, %swap3A_1218] {strides = array<i32>} : memref<256x16xf32, #tpu.memory_space<vmem>>, vector<1x16xf32>,
      %swap3A_1220 = vector.shape_cast %swap3A_1219 : vector<1x16xf32> to vector<16xf32>
      %swap3A_1221 = vector.shape_cast %broadcast_in_dim3A_1215 : vector<16xf32> to vector<1x16xf32>
      tpu.vector_store %arg7[%swap3A_1217, %swap3A_1218], %swap3A_1221 {strides = array<i32>} : memref<256x16xf32, #tpu.memory_space<vmem>>, vector<1x16xf32>,
      %broadcast_in_dim3A_1222 = arith.constant 0.000000e+00 : f32
      %broadcast_in_dim3A_1223 = vector.broadcast %broadcast_in_dim3A_1222 : f32 to vector<16xf32>
      %swap3A_1224 = arith.constant 118 : i32
      %swap3A_1225 = arith.index_cast %swap3A_1224 : i32 to index
      %swap3A_1226 = arith.constant 0 : index
      %swap3A_1227 = tpu.vector_load %arg7[%swap3A_1225, %swap3A_1226] {strides = array<i32>} : memref<256x16xf32, #tpu.memory_space<vmem>>, vector<1x16xf32>,
      %swap3A_1228 = vector.shape_cast %swap3A_1227 : vector<1x16xf32> to vector<16xf32>
      %swap3A_1229 = vector.shape_cast %broadcast_in_dim3A_1223 : vector<16xf32> to vector<1x16xf32>
      tpu.vector_store %arg7[%swap3A_1225, %swap3A_1226], %swap3A_1229 {strides = array<i32>} : memref<256x16xf32, #tpu.memory_space<vmem>>, vector<1x16xf32>,
      %broadcast_in_dim3A_1230 = arith.constant 0.000000e+00 : f32
      %broadcast_in_dim3A_1231 = vector.broadcast %broadcast_in_dim3A_1230 : f32 to vector<16xf32>
      %swap3A_1232 = arith.constant 119 : i32
      %swap3A_1233 = arith.index_cast %swap3A_1232 : i32 to index
      %swap3A_1234 = arith.constant 0 : index
      %swap3A_1235 = tpu.vector_load %arg7[%swap3A_1233, %swap3A_1234] {strides = array<i32>} : memref<256x16xf32, #tpu.memory_space<vmem>>, vector<1x16xf32>,
      %swap3A_1236 = vector.shape_cast %swap3A_1235 : vector<1x16xf32> to vector<16xf32>
      %swap3A_1237 = vector.shape_cast %broadcast_in_dim3A_1231 : vector<16xf32> to vector<1x16xf32>
      tpu.vector_store %arg7[%swap3A_1233, %swap3A_1234], %swap3A_1237 {strides = array<i32>} : memref<256x16xf32, #tpu.memory_space<vmem>>, vector<1x16xf32>,
      %broadcast_in_dim3A_1238 = arith.constant 0.000000e+00 : f32
      %broadcast_in_dim3A_1239 = vector.broadcast %broadcast_in_dim3A_1238 : f32 to vector<16xf32>
      %swap3A_1240 = arith.constant 120 : i32
      %swap3A_1241 = arith.index_cast %swap3A_1240 : i32 to index
      %swap3A_1242 = arith.constant 0 : index
      %swap3A_1243 = tpu.vector_load %arg7[%swap3A_1241, %swap3A_1242] {strides = array<i32>} : memref<256x16xf32, #tpu.memory_space<vmem>>, vector<1x16xf32>,
      %swap3A_1244 = vector.shape_cast %swap3A_1243 : vector<1x16xf32> to vector<16xf32>
      %swap3A_1245 = vector.shape_cast %broadcast_in_dim3A_1239 : vector<16xf32> to vector<1x16xf32>
      tpu.vector_store %arg7[%swap3A_1241, %swap3A_1242], %swap3A_1245 {strides = array<i32>} : memref<256x16xf32, #tpu.memory_space<vmem>>, vector<1x16xf32>,
      %broadcast_in_dim3A_1246 = arith.constant 0.000000e+00 : f32
      %broadcast_in_dim3A_1247 = vector.broadcast %broadcast_in_dim3A_1246 : f32 to vector<16xf32>
      %swap3A_1248 = arith.constant 121 : i32
      %swap3A_1249 = arith.index_cast %swap3A_1248 : i32 to index
      %swap3A_1250 = arith.constant 0 : index
      %swap3A_1251 = tpu.vector_load %arg7[%swap3A_1249, %swap3A_1250] {strides = array<i32>} : memref<256x16xf32, #tpu.memory_space<vmem>>, vector<1x16xf32>,
      %swap3A_1252 = vector.shape_cast %swap3A_1251 : vector<1x16xf32> to vector<16xf32>
      %swap3A_1253 = vector.shape_cast %broadcast_in_dim3A_1247 : vector<16xf32> to vector<1x16xf32>
      tpu.vector_store %arg7[%swap3A_1249, %swap3A_1250], %swap3A_1253 {strides = array<i32>} : memref<256x16xf32, #tpu.memory_space<vmem>>, vector<1x16xf32>,
      %broadcast_in_dim3A_1254 = arith.constant 0.000000e+00 : f32
      %broadcast_in_dim3A_1255 = vector.broadcast %broadcast_in_dim3A_1254 : f32 to vector<16xf32>
      %swap3A_1256 = arith.constant 122 : i32
      %swap3A_1257 = arith.index_cast %swap3A_1256 : i32 to index
      %swap3A_1258 = arith.constant 0 : index
      %swap3A_1259 = tpu.vector_load %arg7[%swap3A_1257, %swap3A_1258] {strides = array<i32>} : memref<256x16xf32, #tpu.memory_space<vmem>>, vector<1x16xf32>,
      %swap3A_1260 = vector.shape_cast %swap3A_1259 : vector<1x16xf32> to vector<16xf32>
      %swap3A_1261 = vector.shape_cast %broadcast_in_dim3A_1255 : vector<16xf32> to vector<1x16xf32>
      tpu.vector_store %arg7[%swap3A_1257, %swap3A_1258], %swap3A_1261 {strides = array<i32>} : memref<256x16xf32, #tpu.memory_space<vmem>>, vector<1x16xf32>,
      %broadcast_in_dim3A_1262 = arith.constant 0.000000e+00 : f32
      %broadcast_in_dim3A_1263 = vector.broadcast %broadcast_in_dim3A_1262 : f32 to vector<16xf32>
      %swap3A_1264 = arith.constant 123 : i32
      %swap3A_1265 = arith.index_cast %swap3A_1264 : i32 to index
      %swap3A_1266 = arith.constant 0 : index
      %swap3A_1267 = tpu.vector_load %arg7[%swap3A_1265, %swap3A_1266] {strides = array<i32>} : memref<256x16xf32, #tpu.memory_space<vmem>>, vector<1x16xf32>,
      %swap3A_1268 = vector.shape_cast %swap3A_1267 : vector<1x16xf32> to vector<16xf32>
      %swap3A_1269 = vector.shape_cast %broadcast_in_dim3A_1263 : vector<16xf32> to vector<1x16xf32>
      tpu.vector_store %arg7[%swap3A_1265, %swap3A_1266], %swap3A_1269 {strides = array<i32>} : memref<256x16xf32, #tpu.memory_space<vmem>>, vector<1x16xf32>,
      %broadcast_in_dim3A_1270 = arith.constant 0.000000e+00 : f32
      %broadcast_in_dim3A_1271 = vector.broadcast %broadcast_in_dim3A_1270 : f32 to vector<16xf32>
      %swap3A_1272 = arith.constant 124 : i32
      %swap3A_1273 = arith.index_cast %swap3A_1272 : i32 to index
      %swap3A_1274 = arith.constant 0 : index
      %swap3A_1275 = tpu.vector_load %arg7[%swap3A_1273, %swap3A_1274] {strides = array<i32>} : memref<256x16xf32, #tpu.memory_space<vmem>>, vector<1x16xf32>,
      %swap3A_1276 = vector.shape_cast %swap3A_1275 : vector<1x16xf32> to vector<16xf32>
      %swap3A_1277 = vector.shape_cast %broadcast_in_dim3A_1271 : vector<16xf32> to vector<1x16xf32>
      tpu.vector_store %arg7[%swap3A_1273, %swap3A_1274], %swap3A_1277 {strides = array<i32>} : memref<256x16xf32, #tpu.memory_space<vmem>>, vector<1x16xf32>,
      %broadcast_in_dim3A_1278 = arith.constant 0.000000e+00 : f32
      %broadcast_in_dim3A_1279 = vector.broadcast %broadcast_in_dim3A_1278 : f32 to vector<16xf32>
      %swap3A_1280 = arith.constant 125 : i32
      %swap3A_1281 = arith.index_cast %swap3A_1280 : i32 to index
      %swap3A_1282 = arith.constant 0 : index
      %swap3A_1283 = tpu.vector_load %arg7[%swap3A_1281, %swap3A_1282] {strides = array<i32>} : memref<256x16xf32, #tpu.memory_space<vmem>>, vector<1x16xf32>,
      %swap3A_1284 = vector.shape_cast %swap3A_1283 : vector<1x16xf32> to vector<16xf32>
      %swap3A_1285 = vector.shape_cast %broadcast_in_dim3A_1279 : vector<16xf32> to vector<1x16xf32>
      tpu.vector_store %arg7[%swap3A_1281, %swap3A_1282], %swap3A_1285 {strides = array<i32>} : memref<256x16xf32, #tpu.memory_space<vmem>>, vector<1x16xf32>,
      %broadcast_in_dim3A_1286 = arith.constant 0.000000e+00 : f32
      %broadcast_in_dim3A_1287 = vector.broadcast %broadcast_in_dim3A_1286 : f32 to vector<16xf32>
      %swap3A_1288 = arith.constant 126 : i32
      %swap3A_1289 = arith.index_cast %swap3A_1288 : i32 to index
      %swap3A_1290 = arith.constant 0 : index
      %swap3A_1291 = tpu.vector_load %arg7[%swap3A_1289, %swap3A_1290] {strides = array<i32>} : memref<256x16xf32, #tpu.memory_space<vmem>>, vector<1x16xf32>,
      %swap3A_1292 = vector.shape_cast %swap3A_1291 : vector<1x16xf32> to vector<16xf32>
      %swap3A_1293 = vector.shape_cast %broadcast_in_dim3A_1287 : vector<16xf32> to vector<1x16xf32>
      tpu.vector_store %arg7[%swap3A_1289, %swap3A_1290], %swap3A_1293 {strides = array<i32>} : memref<256x16xf32, #tpu.memory_space<vmem>>, vector<1x16xf32>,
      %broadcast_in_dim3A_1294 = arith.constant 0.000000e+00 : f32
      %broadcast_in_dim3A_1295 = vector.broadcast %broadcast_in_dim3A_1294 : f32 to vector<16xf32>
      %swap3A_1296 = arith.constant 127 : i32
      %swap3A_1297 = arith.index_cast %swap3A_1296 : i32 to index
      %swap3A_1298 = arith.constant 0 : index
      %swap3A_1299 = tpu.vector_load %arg7[%swap3A_1297, %swap3A_1298] {strides = array<i32>} : memref<256x16xf32, #tpu.memory_space<vmem>>, vector<1x16xf32>,
      %swap3A_1300 = vector.shape_cast %swap3A_1299 : vector<1x16xf32> to vector<16xf32>
      %swap3A_1301 = vector.shape_cast %broadcast_in_dim3A_1295 : vector<16xf32> to vector<1x16xf32>
      tpu.vector_store %arg7[%swap3A_1297, %swap3A_1298], %swap3A_1301 {strides = array<i32>} : memref<256x16xf32, #tpu.memory_space<vmem>>, vector<1x16xf32>,
      %mul3A_1302 = arith.constant 640 : i32
      %mul3A_1303 = arith.muli %arg1, %mul3A_1302 : i32
      %add3A_1304 = arith.constant 0 : i32
      %add3A_1305 = arith.addi %mul3A_1303, %add3A_1304 : i32
      "tpu.region"() ({
        %run_scoped3A_1322 = tpu.sem_alloc : memref<!tpu.dma_semaphore, #tpu.memory_space<semaphore_mem>>
        %dma_start3A_1323 = arith.constant 0 : i32
        %dma_start3A_1324 = arith.constant 0 : i32
        %dma_start3A_1325 = tpu.memref_slice %arg7[%dma_start3A_1323, %dma_start3A_1324] : memref<256x16xf32, #tpu.memory_space<vmem>> -> memref<128x16xf32, #tpu.memory_space<vmem>>
        %dma_start3A_1326 = arith.constant 0 : i32
        %dma_start3A_1327 = tpu.memref_slice %arg20[%add3A_1305, %dma_start3A_1326] : memref<10240x16xf32, #tpu.memory_space<vmem_shared>> -> memref<128x16xf32, #tpu.memory_space<vmem_shared>>
        %dma_start3A_1328 = arith.constant 0 : i32
        %dma_start3A_1329 = tpu.memref_slice %arg20[%add3A_1305, %dma_start3A_1328] : memref<10240x16xf32, #tpu.memory_space<vmem_shared>> -> memref<128x16xf32, #tpu.memory_space<vmem_shared>>
        %dma_start3A_1330 = arith.constant 0 : i32
        %dma_start3A_1331 = arith.constant 0 : i32
        %dma_start3A_1332 = tpu.memref_slice %arg7[%dma_start3A_1330, %dma_start3A_1331] : memref<256x16xf32, #tpu.memory_space<vmem>> -> memref<128x16xf32, #tpu.memory_space<vmem>>
        tpu.enqueue_dma source(%dma_start3A_1332 : memref<128x16xf32, #tpu.memory_space<vmem>>) target(%dma_start3A_1329 : memref<128x16xf32, #tpu.memory_space<vmem_shared>>) target_semaphore(%run_scoped3A_1322 : memref<!tpu.dma_semaphore, #tpu.memory_space<semaphore_mem>>)
        %dma_wait3A_1333 = arith.constant 0 : i32
        %dma_wait3A_1334 = arith.constant 0 : i32
        %dma_wait3A_1335 = tpu.memref_slice %arg7[%dma_wait3A_1333, %dma_wait3A_1334] : memref<256x16xf32, #tpu.memory_space<vmem>> -> memref<128x16xf32, #tpu.memory_space<vmem>>
        %dma_wait3A_1336 = arith.constant 0 : i32
        %dma_wait3A_1337 = tpu.memref_slice %arg20[%add3A_1305, %dma_wait3A_1336] : memref<10240x16xf32, #tpu.memory_space<vmem_shared>> -> memref<128x16xf32, #tpu.memory_space<vmem_shared>>
        %dma_wait3A_1338 = arith.constant 0 : i32
        %dma_wait3A_1339 = tpu.memref_slice %arg20[%add3A_1305, %dma_wait3A_1338] : memref<10240x16xf32, #tpu.memory_space<vmem_shared>> -> memref<128x16xf32, #tpu.memory_space<vmem_shared>>
        %dma_wait3A_1340 = arith.constant 0 : i32
        %dma_wait3A_1341 = arith.constant 0 : i32
        %dma_wait3A_1342 = tpu.memref_slice %arg7[%dma_wait3A_1340, %dma_wait3A_1341] : memref<256x16xf32, #tpu.memory_space<vmem>> -> memref<128x16xf32, #tpu.memory_space<vmem>>
        tpu.wait_dma2 semaphore(%run_scoped3A_1322 : memref<!tpu.dma_semaphore, #tpu.memory_space<semaphore_mem>>) src(%dma_wait3A_1342 : memref<128x16xf32, #tpu.memory_space<vmem>>) dst(%dma_wait3A_1339 : memref<128x16xf32, #tpu.memory_space<vmem_shared>>)
        tpu.yield
      }) : () -> ()
      %mul3A_1306 = arith.constant 640 : i32
      %mul3A_1307 = arith.muli %arg1, %mul3A_1306 : i32
      %add3A_1308 = arith.constant 128 : i32
      %add3A_1309 = arith.addi %mul3A_1307, %add3A_1308 : i32
      "tpu.region"() ({
        %run_scoped3A_1322 = tpu.sem_alloc : memref<!tpu.dma_semaphore, #tpu.memory_space<semaphore_mem>>
        %dma_start3A_1323 = arith.constant 0 : i32
        %dma_start3A_1324 = arith.constant 0 : i32
        %dma_start3A_1325 = tpu.memref_slice %arg7[%dma_start3A_1323, %dma_start3A_1324] : memref<256x16xf32, #tpu.memory_space<vmem>> -> memref<128x16xf32, #tpu.memory_space<vmem>>
        %dma_start3A_1326 = arith.constant 0 : i32
        %dma_start3A_1327 = tpu.memref_slice %arg20[%add3A_1309, %dma_start3A_1326] : memref<10240x16xf32, #tpu.memory_space<vmem_shared>> -> memref<128x16xf32, #tpu.memory_space<vmem_shared>>
        %dma_start3A_1328 = arith.constant 0 : i32
        %dma_start3A_1329 = tpu.memref_slice %arg20[%add3A_1309, %dma_start3A_1328] : memref<10240x16xf32, #tpu.memory_space<vmem_shared>> -> memref<128x16xf32, #tpu.memory_space<vmem_shared>>
        %dma_start3A_1330 = arith.constant 0 : i32
        %dma_start3A_1331 = arith.constant 0 : i32
        %dma_start3A_1332 = tpu.memref_slice %arg7[%dma_start3A_1330, %dma_start3A_1331] : memref<256x16xf32, #tpu.memory_space<vmem>> -> memref<128x16xf32, #tpu.memory_space<vmem>>
        tpu.enqueue_dma source(%dma_start3A_1332 : memref<128x16xf32, #tpu.memory_space<vmem>>) target(%dma_start3A_1329 : memref<128x16xf32, #tpu.memory_space<vmem_shared>>) target_semaphore(%run_scoped3A_1322 : memref<!tpu.dma_semaphore, #tpu.memory_space<semaphore_mem>>)
        %dma_wait3A_1333 = arith.constant 0 : i32
        %dma_wait3A_1334 = arith.constant 0 : i32
        %dma_wait3A_1335 = tpu.memref_slice %arg7[%dma_wait3A_1333, %dma_wait3A_1334] : memref<256x16xf32, #tpu.memory_space<vmem>> -> memref<128x16xf32, #tpu.memory_space<vmem>>
        %dma_wait3A_1336 = arith.constant 0 : i32
        %dma_wait3A_1337 = tpu.memref_slice %arg20[%add3A_1309, %dma_wait3A_1336] : memref<10240x16xf32, #tpu.memory_space<vmem_shared>> -> memref<128x16xf32, #tpu.memory_space<vmem_shared>>
        %dma_wait3A_1338 = arith.constant 0 : i32
        %dma_wait3A_1339 = tpu.memref_slice %arg20[%add3A_1309, %dma_wait3A_1338] : memref<10240x16xf32, #tpu.memory_space<vmem_shared>> -> memref<128x16xf32, #tpu.memory_space<vmem_shared>>
        %dma_wait3A_1340 = arith.constant 0 : i32
        %dma_wait3A_1341 = arith.constant 0 : i32
        %dma_wait3A_1342 = tpu.memref_slice %arg7[%dma_wait3A_1340, %dma_wait3A_1341] : memref<256x16xf32, #tpu.memory_space<vmem>> -> memref<128x16xf32, #tpu.memory_space<vmem>>
        tpu.wait_dma2 semaphore(%run_scoped3A_1322 : memref<!tpu.dma_semaphore, #tpu.memory_space<semaphore_mem>>) src(%dma_wait3A_1342 : memref<128x16xf32, #tpu.memory_space<vmem>>) dst(%dma_wait3A_1339 : memref<128x16xf32, #tpu.memory_space<vmem_shared>>)
        tpu.yield
      }) : () -> ()
      %mul3A_1310 = arith.constant 640 : i32
      %mul3A_1311 = arith.muli %arg1, %mul3A_1310 : i32
      %add3A_1312 = arith.constant 256 : i32
      %add3A_1313 = arith.addi %mul3A_1311, %add3A_1312 : i32
      "tpu.region"() ({
        %run_scoped3A_1322 = tpu.sem_alloc : memref<!tpu.dma_semaphore, #tpu.memory_space<semaphore_mem>>
        %dma_start3A_1323 = arith.constant 0 : i32
        %dma_start3A_1324 = arith.constant 0 : i32
        %dma_start3A_1325 = tpu.memref_slice %arg7[%dma_start3A_1323, %dma_start3A_1324] : memref<256x16xf32, #tpu.memory_space<vmem>> -> memref<128x16xf32, #tpu.memory_space<vmem>>
        %dma_start3A_1326 = arith.constant 0 : i32
        %dma_start3A_1327 = tpu.memref_slice %arg20[%add3A_1313, %dma_start3A_1326] : memref<10240x16xf32, #tpu.memory_space<vmem_shared>> -> memref<128x16xf32, #tpu.memory_space<vmem_shared>>
        %dma_start3A_1328 = arith.constant 0 : i32
        %dma_start3A_1329 = tpu.memref_slice %arg20[%add3A_1313, %dma_start3A_1328] : memref<10240x16xf32, #tpu.memory_space<vmem_shared>> -> memref<128x16xf32, #tpu.memory_space<vmem_shared>>
        %dma_start3A_1330 = arith.constant 0 : i32
        %dma_start3A_1331 = arith.constant 0 : i32
        %dma_start3A_1332 = tpu.memref_slice %arg7[%dma_start3A_1330, %dma_start3A_1331] : memref<256x16xf32, #tpu.memory_space<vmem>> -> memref<128x16xf32, #tpu.memory_space<vmem>>
        tpu.enqueue_dma source(%dma_start3A_1332 : memref<128x16xf32, #tpu.memory_space<vmem>>) target(%dma_start3A_1329 : memref<128x16xf32, #tpu.memory_space<vmem_shared>>) target_semaphore(%run_scoped3A_1322 : memref<!tpu.dma_semaphore, #tpu.memory_space<semaphore_mem>>)
        %dma_wait3A_1333 = arith.constant 0 : i32
        %dma_wait3A_1334 = arith.constant 0 : i32
        %dma_wait3A_1335 = tpu.memref_slice %arg7[%dma_wait3A_1333, %dma_wait3A_1334] : memref<256x16xf32, #tpu.memory_space<vmem>> -> memref<128x16xf32, #tpu.memory_space<vmem>>
        %dma_wait3A_1336 = arith.constant 0 : i32
        %dma_wait3A_1337 = tpu.memref_slice %arg20[%add3A_1313, %dma_wait3A_1336] : memref<10240x16xf32, #tpu.memory_space<vmem_shared>> -> memref<128x16xf32, #tpu.memory_space<vmem_shared>>
        %dma_wait3A_1338 = arith.constant 0 : i32
        %dma_wait3A_1339 = tpu.memref_slice %arg20[%add3A_1313, %dma_wait3A_1338] : memref<10240x16xf32, #tpu.memory_space<vmem_shared>> -> memref<128x16xf32, #tpu.memory_space<vmem_shared>>
        %dma_wait3A_1340 = arith.constant 0 : i32
        %dma_wait3A_1341 = arith.constant 0 : i32
        %dma_wait3A_1342 = tpu.memref_slice %arg7[%dma_wait3A_1340, %dma_wait3A_1341] : memref<256x16xf32, #tpu.memory_space<vmem>> -> memref<128x16xf32, #tpu.memory_space<vmem>>
        tpu.wait_dma2 semaphore(%run_scoped3A_1322 : memref<!tpu.dma_semaphore, #tpu.memory_space<semaphore_mem>>) src(%dma_wait3A_1342 : memref<128x16xf32, #tpu.memory_space<vmem>>) dst(%dma_wait3A_1339 : memref<128x16xf32, #tpu.memory_space<vmem_shared>>)
        tpu.yield
      }) : () -> ()
      %mul3A_1314 = arith.constant 640 : i32
      %mul3A_1315 = arith.muli %arg1, %mul3A_1314 : i32
      %add3A_1316 = arith.constant 384 : i32
      %add3A_1317 = arith.addi %mul3A_1315, %add3A_1316 : i32
      "tpu.region"() ({
        %run_scoped3A_1322 = tpu.sem_alloc : memref<!tpu.dma_semaphore, #tpu.memory_space<semaphore_mem>>
        %dma_start3A_1323 = arith.constant 0 : i32
        %dma_start3A_1324 = arith.constant 0 : i32
        %dma_start3A_1325 = tpu.memref_slice %arg7[%dma_start3A_1323, %dma_start3A_1324] : memref<256x16xf32, #tpu.memory_space<vmem>> -> memref<128x16xf32, #tpu.memory_space<vmem>>
        %dma_start3A_1326 = arith.constant 0 : i32
        %dma_start3A_1327 = tpu.memref_slice %arg20[%add3A_1317, %dma_start3A_1326] : memref<10240x16xf32, #tpu.memory_space<vmem_shared>> -> memref<128x16xf32, #tpu.memory_space<vmem_shared>>
        %dma_start3A_1328 = arith.constant 0 : i32
        %dma_start3A_1329 = tpu.memref_slice %arg20[%add3A_1317, %dma_start3A_1328] : memref<10240x16xf32, #tpu.memory_space<vmem_shared>> -> memref<128x16xf32, #tpu.memory_space<vmem_shared>>
        %dma_start3A_1330 = arith.constant 0 : i32
        %dma_start3A_1331 = arith.constant 0 : i32
        %dma_start3A_1332 = tpu.memref_slice %arg7[%dma_start3A_1330, %dma_start3A_1331] : memref<256x16xf32, #tpu.memory_space<vmem>> -> memref<128x16xf32, #tpu.memory_space<vmem>>
        tpu.enqueue_dma source(%dma_start3A_1332 : memref<128x16xf32, #tpu.memory_space<vmem>>) target(%dma_start3A_1329 : memref<128x16xf32, #tpu.memory_space<vmem_shared>>) target_semaphore(%run_scoped3A_1322 : memref<!tpu.dma_semaphore, #tpu.memory_space<semaphore_mem>>)
        %dma_wait3A_1333 = arith.constant 0 : i32
        %dma_wait3A_1334 = arith.constant 0 : i32
        %dma_wait3A_1335 = tpu.memref_slice %arg7[%dma_wait3A_1333, %dma_wait3A_1334] : memref<256x16xf32, #tpu.memory_space<vmem>> -> memref<128x16xf32, #tpu.memory_space<vmem>>
        %dma_wait3A_1336 = arith.constant 0 : i32
        %dma_wait3A_1337 = tpu.memref_slice %arg20[%add3A_1317, %dma_wait3A_1336] : memref<10240x16xf32, #tpu.memory_space<vmem_shared>> -> memref<128x16xf32, #tpu.memory_space<vmem_shared>>
        %dma_wait3A_1338 = arith.constant 0 : i32
        %dma_wait3A_1339 = tpu.memref_slice %arg20[%add3A_1317, %dma_wait3A_1338] : memref<10240x16xf32, #tpu.memory_space<vmem_shared>> -> memref<128x16xf32, #tpu.memory_space<vmem_shared>>
        %dma_wait3A_1340 = arith.constant 0 : i32
        %dma_wait3A_1341 = arith.constant 0 : i32
        %dma_wait3A_1342 = tpu.memref_slice %arg7[%dma_wait3A_1340, %dma_wait3A_1341] : memref<256x16xf32, #tpu.memory_space<vmem>> -> memref<128x16xf32, #tpu.memory_space<vmem>>
        tpu.wait_dma2 semaphore(%run_scoped3A_1322 : memref<!tpu.dma_semaphore, #tpu.memory_space<semaphore_mem>>) src(%dma_wait3A_1342 : memref<128x16xf32, #tpu.memory_space<vmem>>) dst(%dma_wait3A_1339 : memref<128x16xf32, #tpu.memory_space<vmem_shared>>)
        tpu.yield
      }) : () -> ()
      %mul3A_1318 = arith.constant 640 : i32
      %mul3A_1319 = arith.muli %arg1, %mul3A_1318 : i32
      %add3A_1320 = arith.constant 512 : i32
      %add3A_1321 = arith.addi %mul3A_1319, %add3A_1320 : i32
      "tpu.region"() ({
        %run_scoped3A_1322 = tpu.sem_alloc : memref<!tpu.dma_semaphore, #tpu.memory_space<semaphore_mem>>
        %dma_start3A_1323 = arith.constant 0 : i32
        %dma_start3A_1324 = arith.constant 0 : i32
        %dma_start3A_1325 = tpu.memref_slice %arg7[%dma_start3A_1323, %dma_start3A_1324] : memref<256x16xf32, #tpu.memory_space<vmem>> -> memref<128x16xf32, #tpu.memory_space<vmem>>
        %dma_start3A_1326 = arith.constant 0 : i32
        %dma_start3A_1327 = tpu.memref_slice %arg20[%add3A_1321, %dma_start3A_1326] : memref<10240x16xf32, #tpu.memory_space<vmem_shared>> -> memref<128x16xf32, #tpu.memory_space<vmem_shared>>
        %dma_start3A_1328 = arith.constant 0 : i32
        %dma_start3A_1329 = tpu.memref_slice %arg20[%add3A_1321, %dma_start3A_1328] : memref<10240x16xf32, #tpu.memory_space<vmem_shared>> -> memref<128x16xf32, #tpu.memory_space<vmem_shared>>
        %dma_start3A_1330 = arith.constant 0 : i32
        %dma_start3A_1331 = arith.constant 0 : i32
        %dma_start3A_1332 = tpu.memref_slice %arg7[%dma_start3A_1330, %dma_start3A_1331] : memref<256x16xf32, #tpu.memory_space<vmem>> -> memref<128x16xf32, #tpu.memory_space<vmem>>
        tpu.enqueue_dma source(%dma_start3A_1332 : memref<128x16xf32, #tpu.memory_space<vmem>>) target(%dma_start3A_1329 : memref<128x16xf32, #tpu.memory_space<vmem_shared>>) target_semaphore(%run_scoped3A_1322 : memref<!tpu.dma_semaphore, #tpu.memory_space<semaphore_mem>>)
        %dma_wait3A_1333 = arith.constant 0 : i32
        %dma_wait3A_1334 = arith.constant 0 : i32
        %dma_wait3A_1335 = tpu.memref_slice %arg7[%dma_wait3A_1333, %dma_wait3A_1334] : memref<256x16xf32, #tpu.memory_space<vmem>> -> memref<128x16xf32, #tpu.memory_space<vmem>>
        %dma_wait3A_1336 = arith.constant 0 : i32
        %dma_wait3A_1337 = tpu.memref_slice %arg20[%add3A_1321, %dma_wait3A_1336] : memref<10240x16xf32, #tpu.memory_space<vmem_shared>> -> memref<128x16xf32, #tpu.memory_space<vmem_shared>>
        %dma_wait3A_1338 = arith.constant 0 : i32
        %dma_wait3A_1339 = tpu.memref_slice %arg20[%add3A_1321, %dma_wait3A_1338] : memref<10240x16xf32, #tpu.memory_space<vmem_shared>> -> memref<128x16xf32, #tpu.memory_space<vmem_shared>>
        %dma_wait3A_1340 = arith.constant 0 : i32
        %dma_wait3A_1341 = arith.constant 0 : i32
        %dma_wait3A_1342 = tpu.memref_slice %arg7[%dma_wait3A_1340, %dma_wait3A_1341] : memref<256x16xf32, #tpu.memory_space<vmem>> -> memref<128x16xf32, #tpu.memory_space<vmem>>
        tpu.wait_dma2 semaphore(%run_scoped3A_1322 : memref<!tpu.dma_semaphore, #tpu.memory_space<semaphore_mem>>) src(%dma_wait3A_1342 : memref<128x16xf32, #tpu.memory_space<vmem>>) dst(%dma_wait3A_1339 : memref<128x16xf32, #tpu.memory_space<vmem_shared>>)
        tpu.yield
      }) : () -> ()
    } else {
    }
    %barrier3A = arith.constant 0 : index
    tpu.barrier barrier_id(%barrier3A)
    %run_scoped3A = arith.constant 0 : i32
    "tpu.region"() ({
      %run_scoped3A_278 = tpu.sem_alloc : memref<!tpu.dma_semaphore, #tpu.memory_space<semaphore_mem>>
      %dma_start3A_279 = arith.constant 0 : i32
      %dma_start3A_280 = tpu.memref_slice %arg5[%dma_start3A_279] : memref<10240xi32, #tpu.memory_space<vmem>> -> memref<10000xi32, #tpu.memory_space<vmem>>
      %dma_start3A_281 = arith.constant 0 : i32
      %dma_start3A_282 = tpu.memref_slice %arg2[%run_scoped3A, %add3A, %dma_start3A_281] : memref<2x32x10000xi32, #tpu.memory_space<hbm>> -> memref<1x1x10000xi32, #tpu.memory_space<hbm>>
      %dma_start3A_283 = tpu.memref_squeeze %dma_start3A_282 : memref<1x1x10000xi32, #tpu.memory_space<hbm>> -> memref<10000xi32, #tpu.memory_space<hbm>>
      %dma_start3A_284 = arith.constant 0 : i32
      %dma_start3A_285 = tpu.memref_slice %arg5[%dma_start3A_284] : memref<10240xi32, #tpu.memory_space<vmem>> -> memref<10000xi32, #tpu.memory_space<vmem>>
      %dma_start3A_286 = arith.constant 0 : i32
      %dma_start3A_287 = tpu.memref_slice %arg2[%run_scoped3A, %add3A, %dma_start3A_286] : memref<2x32x10000xi32, #tpu.memory_space<hbm>> -> memref<1x1x10000xi32, #tpu.memory_space<hbm>>
      %dma_start3A_288 = tpu.memref_squeeze %dma_start3A_287 : memref<1x1x10000xi32, #tpu.memory_space<hbm>> -> memref<10000xi32, #tpu.memory_space<hbm>>
      tpu.enqueue_dma source(%dma_start3A_288 : memref<10000xi32, #tpu.memory_space<hbm>>) target(%dma_start3A_285 : memref<10000xi32, #tpu.memory_space<vmem>>) target_semaphore(%run_scoped3A_278 : memref<!tpu.dma_semaphore, #tpu.memory_space<semaphore_mem>>)
      %dma_wait3A_289 = arith.constant 0 : i32
      %dma_wait3A_290 = tpu.memref_slice %arg5[%dma_wait3A_289] : memref<10240xi32, #tpu.memory_space<vmem>> -> memref<10000xi32, #tpu.memory_space<vmem>>
      %dma_wait3A_291 = arith.constant 0 : i32
      %dma_wait3A_292 = tpu.memref_slice %arg2[%run_scoped3A, %add3A, %dma_wait3A_291] : memref<2x32x10000xi32, #tpu.memory_space<hbm>> -> memref<1x1x10000xi32, #tpu.memory_space<hbm>>
      %dma_wait3A_293 = tpu.memref_squeeze %dma_wait3A_292 : memref<1x1x10000xi32, #tpu.memory_space<hbm>> -> memref<10000xi32, #tpu.memory_space<hbm>>
      %dma_wait3A_294 = arith.constant 0 : i32
      %dma_wait3A_295 = tpu.memref_slice %arg5[%dma_wait3A_294] : memref<10240xi32, #tpu.memory_space<vmem>> -> memref<10000xi32, #tpu.memory_space<vmem>>
      %dma_wait3A_296 = arith.constant 0 : i32
      %dma_wait3A_297 = tpu.memref_slice %arg2[%run_scoped3A, %add3A, %dma_wait3A_296] : memref<2x32x10000xi32, #tpu.memory_space<hbm>> -> memref<1x1x10000xi32, #tpu.memory_space<hbm>>
      %dma_wait3A_298 = tpu.memref_squeeze %dma_wait3A_297 : memref<1x1x10000xi32, #tpu.memory_space<hbm>> -> memref<10000xi32, #tpu.memory_space<hbm>>
      tpu.wait_dma2 semaphore(%run_scoped3A_278 : memref<!tpu.dma_semaphore, #tpu.memory_space<semaphore_mem>>) src(%dma_wait3A_298 : memref<10000xi32, #tpu.memory_space<hbm>>) dst(%dma_wait3A_295 : memref<10000xi32, #tpu.memory_space<vmem>>)
      tpu.yield
    }) : () -> ()
    %run_scoped3A_11 = arith.constant 1 : i32
    "tpu.region"() ({
      %run_scoped3A_278 = tpu.sem_alloc : memref<!tpu.dma_semaphore, #tpu.memory_space<semaphore_mem>>
      %dma_start3A_279 = arith.constant 0 : i32
      %dma_start3A_280 = tpu.memref_slice %arg6[%dma_start3A_279] : memref<10240xi32, #tpu.memory_space<vmem>> -> memref<10000xi32, #tpu.memory_space<vmem>>
      %dma_start3A_281 = arith.constant 0 : i32
      %dma_start3A_282 = tpu.memref_slice %arg2[%run_scoped3A_11, %add3A, %dma_start3A_281] : memref<2x32x10000xi32, #tpu.memory_space<hbm>> -> memref<1x1x10000xi32, #tpu.memory_space<hbm>>
      %dma_start3A_283 = tpu.memref_squeeze %dma_start3A_282 : memref<1x1x10000xi32, #tpu.memory_space<hbm>> -> memref<10000xi32, #tpu.memory_space<hbm>>
      %dma_start3A_284 = arith.constant 0 : i32
      %dma_start3A_285 = tpu.memref_slice %arg6[%dma_start3A_284] : memref<10240xi32, #tpu.memory_space<vmem>> -> memref<10000xi32, #tpu.memory_space<vmem>>
      %dma_start3A_286 = arith.constant 0 : i32
      %dma_start3A_287 = tpu.memref_slice %arg2[%run_scoped3A_11, %add3A, %dma_start3A_286] : memref<2x32x10000xi32, #tpu.memory_space<hbm>> -> memref<1x1x10000xi32, #tpu.memory_space<hbm>>
      %dma_start3A_288 = tpu.memref_squeeze %dma_start3A_287 : memref<1x1x10000xi32, #tpu.memory_space<hbm>> -> memref<10000xi32, #tpu.memory_space<hbm>>
      tpu.enqueue_dma source(%dma_start3A_288 : memref<10000xi32, #tpu.memory_space<hbm>>) target(%dma_start3A_285 : memref<10000xi32, #tpu.memory_space<vmem>>) target_semaphore(%run_scoped3A_278 : memref<!tpu.dma_semaphore, #tpu.memory_space<semaphore_mem>>)
      %dma_wait3A_289 = arith.constant 0 : i32
      %dma_wait3A_290 = tpu.memref_slice %arg6[%dma_wait3A_289] : memref<10240xi32, #tpu.memory_space<vmem>> -> memref<10000xi32, #tpu.memory_space<vmem>>
      %dma_wait3A_291 = arith.constant 0 : i32
      %dma_wait3A_292 = tpu.memref_slice %arg2[%run_scoped3A_11, %add3A, %dma_wait3A_291] : memref<2x32x10000xi32, #tpu.memory_space<hbm>> -> memref<1x1x10000xi32, #tpu.memory_space<hbm>>
      %dma_wait3A_293 = tpu.memref_squeeze %dma_wait3A_292 : memref<1x1x10000xi32, #tpu.memory_space<hbm>> -> memref<10000xi32, #tpu.memory_space<hbm>>
      %dma_wait3A_294 = arith.constant 0 : i32
      %dma_wait3A_295 = tpu.memref_slice %arg6[%dma_wait3A_294] : memref<10240xi32, #tpu.memory_space<vmem>> -> memref<10000xi32, #tpu.memory_space<vmem>>
      %dma_wait3A_296 = arith.constant 0 : i32
      %dma_wait3A_297 = tpu.memref_slice %arg2[%run_scoped3A_11, %add3A, %dma_wait3A_296] : memref<2x32x10000xi32, #tpu.memory_space<hbm>> -> memref<1x1x10000xi32, #tpu.memory_space<hbm>>
      %dma_wait3A_298 = tpu.memref_squeeze %dma_wait3A_297 : memref<1x1x10000xi32, #tpu.memory_space<hbm>> -> memref<10000xi32, #tpu.memory_space<hbm>>
      tpu.wait_dma2 semaphore(%run_scoped3A_278 : memref<!tpu.dma_semaphore, #tpu.memory_space<semaphore_mem>>) src(%dma_wait3A_298 : memref<10000xi32, #tpu.memory_space<hbm>>) dst(%dma_wait3A_295 : memref<10000xi32, #tpu.memory_space<vmem>>)
      tpu.yield
    }) : () -> ()
    %broadcast_in_dim3A = arith.constant 10000 : i32
    %broadcast_in_dim3A_12 = vector.broadcast %broadcast_in_dim3A : i32 to vector<16xi32>
    %swap3A = arith.constant 10000 : index
    %swap3A_13 = tpu.vector_load %arg5[%swap3A] {strides = array<i32>} : memref<10240xi32, #tpu.memory_space<vmem>>, vector<16xi32>,
    %swap3A_14 = vector.shape_cast %swap3A_13 : vector<16xi32> to vector<16xi32>
    %swap3A_15 = vector.shape_cast %broadcast_in_dim3A_12 : vector<16xi32> to vector<16xi32>
    tpu.vector_store %arg5[%swap3A], %swap3A_15 {strides = array<i32>} : memref<10240xi32, #tpu.memory_space<vmem>>, vector<16xi32>,
    %broadcast_in_dim3A_16 = arith.constant 10000 : i32
    %broadcast_in_dim3A_17 = vector.broadcast %broadcast_in_dim3A_16 : i32 to vector<16xi32>
    %swap3A_18 = arith.constant 10000 : index
    %swap3A_19 = tpu.vector_load %arg6[%swap3A_18] {strides = array<i32>} : memref<10240xi32, #tpu.memory_space<vmem>>, vector<16xi32>,
    %swap3A_20 = vector.shape_cast %swap3A_19 : vector<16xi32> to vector<16xi32>
    %swap3A_21 = vector.shape_cast %broadcast_in_dim3A_17 : vector<16xi32> to vector<16xi32>
    tpu.vector_store %arg6[%swap3A_18], %swap3A_21 {strides = array<i32>} : memref<10240xi32, #tpu.memory_space<vmem>>, vector<16xi32>,
    %broadcast_in_dim3A_22 = arith.constant 10000 : i32
    %broadcast_in_dim3A_23 = vector.broadcast %broadcast_in_dim3A_22 : i32 to vector<16xi32>
    %swap3A_24 = arith.constant 10016 : index
    %swap3A_25 = tpu.vector_load %arg5[%swap3A_24] {strides = array<i32>} : memref<10240xi32, #tpu.memory_space<vmem>>, vector<16xi32>,
    %swap3A_26 = vector.shape_cast %swap3A_25 : vector<16xi32> to vector<16xi32>
    %swap3A_27 = vector.shape_cast %broadcast_in_dim3A_23 : vector<16xi32> to vector<16xi32>
    tpu.vector_store %arg5[%swap3A_24], %swap3A_27 {strides = array<i32>} : memref<10240xi32, #tpu.memory_space<vmem>>, vector<16xi32>,
    %broadcast_in_dim3A_28 = arith.constant 10000 : i32
    %broadcast_in_dim3A_29 = vector.broadcast %broadcast_in_dim3A_28 : i32 to vector<16xi32>
    %swap3A_30 = arith.constant 10016 : index
    %swap3A_31 = tpu.vector_load %arg6[%swap3A_30] {strides = array<i32>} : memref<10240xi32, #tpu.memory_space<vmem>>, vector<16xi32>,
    %swap3A_32 = vector.shape_cast %swap3A_31 : vector<16xi32> to vector<16xi32>
    %swap3A_33 = vector.shape_cast %broadcast_in_dim3A_29 : vector<16xi32> to vector<16xi32>
    tpu.vector_store %arg6[%swap3A_30], %swap3A_33 {strides = array<i32>} : memref<10240xi32, #tpu.memory_space<vmem>>, vector<16xi32>,
    %broadcast_in_dim3A_34 = arith.constant 10000 : i32
    %broadcast_in_dim3A_35 = vector.broadcast %broadcast_in_dim3A_34 : i32 to vector<16xi32>
    %swap3A_36 = arith.constant 10032 : index
    %swap3A_37 = tpu.vector_load %arg5[%swap3A_36] {strides = array<i32>} : memref<10240xi32, #tpu.memory_space<vmem>>, vector<16xi32>,
    %swap3A_38 = vector.shape_cast %swap3A_37 : vector<16xi32> to vector<16xi32>
    %swap3A_39 = vector.shape_cast %broadcast_in_dim3A_35 : vector<16xi32> to vector<16xi32>
    tpu.vector_store %arg5[%swap3A_36], %swap3A_39 {strides = array<i32>} : memref<10240xi32, #tpu.memory_space<vmem>>, vector<16xi32>,
    %broadcast_in_dim3A_40 = arith.constant 10000 : i32
    %broadcast_in_dim3A_41 = vector.broadcast %broadcast_in_dim3A_40 : i32 to vector<16xi32>
    %swap3A_42 = arith.constant 10032 : index
    %swap3A_43 = tpu.vector_load %arg6[%swap3A_42] {strides = array<i32>} : memref<10240xi32, #tpu.memory_space<vmem>>, vector<16xi32>,
    %swap3A_44 = vector.shape_cast %swap3A_43 : vector<16xi32> to vector<16xi32>
    %swap3A_45 = vector.shape_cast %broadcast_in_dim3A_41 : vector<16xi32> to vector<16xi32>
    tpu.vector_store %arg6[%swap3A_42], %swap3A_45 {strides = array<i32>} : memref<10240xi32, #tpu.memory_space<vmem>>, vector<16xi32>,
    %broadcast_in_dim3A_46 = arith.constant 10000 : i32
    %broadcast_in_dim3A_47 = vector.broadcast %broadcast_in_dim3A_46 : i32 to vector<16xi32>
    %swap3A_48 = arith.constant 10048 : index
    %swap3A_49 = tpu.vector_load %arg5[%swap3A_48] {strides = array<i32>} : memref<10240xi32, #tpu.memory_space<vmem>>, vector<16xi32>,
    %swap3A_50 = vector.shape_cast %swap3A_49 : vector<16xi32> to vector<16xi32>
    %swap3A_51 = vector.shape_cast %broadcast_in_dim3A_47 : vector<16xi32> to vector<16xi32>
    tpu.vector_store %arg5[%swap3A_48], %swap3A_51 {strides = array<i32>} : memref<10240xi32, #tpu.memory_space<vmem>>, vector<16xi32>,
    %broadcast_in_dim3A_52 = arith.constant 10000 : i32
    %broadcast_in_dim3A_53 = vector.broadcast %broadcast_in_dim3A_52 : i32 to vector<16xi32>
    %swap3A_54 = arith.constant 10048 : index
    %swap3A_55 = tpu.vector_load %arg6[%swap3A_54] {strides = array<i32>} : memref<10240xi32, #tpu.memory_space<vmem>>, vector<16xi32>,
    %swap3A_56 = vector.shape_cast %swap3A_55 : vector<16xi32> to vector<16xi32>
    %swap3A_57 = vector.shape_cast %broadcast_in_dim3A_53 : vector<16xi32> to vector<16xi32>
    tpu.vector_store %arg6[%swap3A_54], %swap3A_57 {strides = array<i32>} : memref<10240xi32, #tpu.memory_space<vmem>>, vector<16xi32>,
    %broadcast_in_dim3A_58 = arith.constant 10000 : i32
    %broadcast_in_dim3A_59 = vector.broadcast %broadcast_in_dim3A_58 : i32 to vector<16xi32>
    %swap3A_60 = arith.constant 10064 : index
    %swap3A_61 = tpu.vector_load %arg5[%swap3A_60] {strides = array<i32>} : memref<10240xi32, #tpu.memory_space<vmem>>, vector<16xi32>,
    %swap3A_62 = vector.shape_cast %swap3A_61 : vector<16xi32> to vector<16xi32>
    %swap3A_63 = vector.shape_cast %broadcast_in_dim3A_59 : vector<16xi32> to vector<16xi32>
    tpu.vector_store %arg5[%swap3A_60], %swap3A_63 {strides = array<i32>} : memref<10240xi32, #tpu.memory_space<vmem>>, vector<16xi32>,
    %broadcast_in_dim3A_64 = arith.constant 10000 : i32
    %broadcast_in_dim3A_65 = vector.broadcast %broadcast_in_dim3A_64 : i32 to vector<16xi32>
    %swap3A_66 = arith.constant 10064 : index
    %swap3A_67 = tpu.vector_load %arg6[%swap3A_66] {strides = array<i32>} : memref<10240xi32, #tpu.memory_space<vmem>>, vector<16xi32>,
    %swap3A_68 = vector.shape_cast %swap3A_67 : vector<16xi32> to vector<16xi32>
    %swap3A_69 = vector.shape_cast %broadcast_in_dim3A_65 : vector<16xi32> to vector<16xi32>
    tpu.vector_store %arg6[%swap3A_66], %swap3A_69 {strides = array<i32>} : memref<10240xi32, #tpu.memory_space<vmem>>, vector<16xi32>,
    %broadcast_in_dim3A_70 = arith.constant 10000 : i32
    %broadcast_in_dim3A_71 = vector.broadcast %broadcast_in_dim3A_70 : i32 to vector<16xi32>
    %swap3A_72 = arith.constant 10080 : index
    %swap3A_73 = tpu.vector_load %arg5[%swap3A_72] {strides = array<i32>} : memref<10240xi32, #tpu.memory_space<vmem>>, vector<16xi32>,
    %swap3A_74 = vector.shape_cast %swap3A_73 : vector<16xi32> to vector<16xi32>
    %swap3A_75 = vector.shape_cast %broadcast_in_dim3A_71 : vector<16xi32> to vector<16xi32>
    tpu.vector_store %arg5[%swap3A_72], %swap3A_75 {strides = array<i32>} : memref<10240xi32, #tpu.memory_space<vmem>>, vector<16xi32>,
    %broadcast_in_dim3A_76 = arith.constant 10000 : i32
    %broadcast_in_dim3A_77 = vector.broadcast %broadcast_in_dim3A_76 : i32 to vector<16xi32>
    %swap3A_78 = arith.constant 10080 : index
    %swap3A_79 = tpu.vector_load %arg6[%swap3A_78] {strides = array<i32>} : memref<10240xi32, #tpu.memory_space<vmem>>, vector<16xi32>,
    %swap3A_80 = vector.shape_cast %swap3A_79 : vector<16xi32> to vector<16xi32>
    %swap3A_81 = vector.shape_cast %broadcast_in_dim3A_77 : vector<16xi32> to vector<16xi32>
    tpu.vector_store %arg6[%swap3A_78], %swap3A_81 {strides = array<i32>} : memref<10240xi32, #tpu.memory_space<vmem>>, vector<16xi32>,
    %broadcast_in_dim3A_82 = arith.constant 10000 : i32
    %broadcast_in_dim3A_83 = vector.broadcast %broadcast_in_dim3A_82 : i32 to vector<16xi32>
    %swap3A_84 = arith.constant 10096 : index
    %swap3A_85 = tpu.vector_load %arg5[%swap3A_84] {strides = array<i32>} : memref<10240xi32, #tpu.memory_space<vmem>>, vector<16xi32>,
    %swap3A_86 = vector.shape_cast %swap3A_85 : vector<16xi32> to vector<16xi32>
    %swap3A_87 = vector.shape_cast %broadcast_in_dim3A_83 : vector<16xi32> to vector<16xi32>
    tpu.vector_store %arg5[%swap3A_84], %swap3A_87 {strides = array<i32>} : memref<10240xi32, #tpu.memory_space<vmem>>, vector<16xi32>,
    %broadcast_in_dim3A_88 = arith.constant 10000 : i32
    %broadcast_in_dim3A_89 = vector.broadcast %broadcast_in_dim3A_88 : i32 to vector<16xi32>
    %swap3A_90 = arith.constant 10096 : index
    %swap3A_91 = tpu.vector_load %arg6[%swap3A_90] {strides = array<i32>} : memref<10240xi32, #tpu.memory_space<vmem>>, vector<16xi32>,
    %swap3A_92 = vector.shape_cast %swap3A_91 : vector<16xi32> to vector<16xi32>
    %swap3A_93 = vector.shape_cast %broadcast_in_dim3A_89 : vector<16xi32> to vector<16xi32>
    tpu.vector_store %arg6[%swap3A_90], %swap3A_93 {strides = array<i32>} : memref<10240xi32, #tpu.memory_space<vmem>>, vector<16xi32>,
    %broadcast_in_dim3A_94 = arith.constant 10000 : i32
    %broadcast_in_dim3A_95 = vector.broadcast %broadcast_in_dim3A_94 : i32 to vector<16xi32>
    %swap3A_96 = arith.constant 10112 : index
    %swap3A_97 = tpu.vector_load %arg5[%swap3A_96] {strides = array<i32>} : memref<10240xi32, #tpu.memory_space<vmem>>, vector<16xi32>,
    %swap3A_98 = vector.shape_cast %swap3A_97 : vector<16xi32> to vector<16xi32>
    %swap3A_99 = vector.shape_cast %broadcast_in_dim3A_95 : vector<16xi32> to vector<16xi32>
    tpu.vector_store %arg5[%swap3A_96], %swap3A_99 {strides = array<i32>} : memref<10240xi32, #tpu.memory_space<vmem>>, vector<16xi32>,
    %broadcast_in_dim3A_100 = arith.constant 10000 : i32
    %broadcast_in_dim3A_101 = vector.broadcast %broadcast_in_dim3A_100 : i32 to vector<16xi32>
    %swap3A_102 = arith.constant 10112 : index
    %swap3A_103 = tpu.vector_load %arg6[%swap3A_102] {strides = array<i32>} : memref<10240xi32, #tpu.memory_space<vmem>>, vector<16xi32>,
    %swap3A_104 = vector.shape_cast %swap3A_103 : vector<16xi32> to vector<16xi32>
    %swap3A_105 = vector.shape_cast %broadcast_in_dim3A_101 : vector<16xi32> to vector<16xi32>
    tpu.vector_store %arg6[%swap3A_102], %swap3A_105 {strides = array<i32>} : memref<10240xi32, #tpu.memory_space<vmem>>, vector<16xi32>,
    %broadcast_in_dim3A_106 = arith.constant 10000 : i32
    %broadcast_in_dim3A_107 = vector.broadcast %broadcast_in_dim3A_106 : i32 to vector<16xi32>
    %swap3A_108 = arith.constant 10128 : index
    %swap3A_109 = tpu.vector_load %arg5[%swap3A_108] {strides = array<i32>} : memref<10240xi32, #tpu.memory_space<vmem>>, vector<16xi32>,
    %swap3A_110 = vector.shape_cast %swap3A_109 : vector<16xi32> to vector<16xi32>
    %swap3A_111 = vector.shape_cast %broadcast_in_dim3A_107 : vector<16xi32> to vector<16xi32>
    tpu.vector_store %arg5[%swap3A_108], %swap3A_111 {strides = array<i32>} : memref<10240xi32, #tpu.memory_space<vmem>>, vector<16xi32>,
    %broadcast_in_dim3A_112 = arith.constant 10000 : i32
    %broadcast_in_dim3A_113 = vector.broadcast %broadcast_in_dim3A_112 : i32 to vector<16xi32>
    %swap3A_114 = arith.constant 10128 : index
    %swap3A_115 = tpu.vector_load %arg6[%swap3A_114] {strides = array<i32>} : memref<10240xi32, #tpu.memory_space<vmem>>, vector<16xi32>,
    %swap3A_116 = vector.shape_cast %swap3A_115 : vector<16xi32> to vector<16xi32>
    %swap3A_117 = vector.shape_cast %broadcast_in_dim3A_113 : vector<16xi32> to vector<16xi32>
    tpu.vector_store %arg6[%swap3A_114], %swap3A_117 {strides = array<i32>} : memref<10240xi32, #tpu.memory_space<vmem>>, vector<16xi32>,
    %broadcast_in_dim3A_118 = arith.constant 10000 : i32
    %broadcast_in_dim3A_119 = vector.broadcast %broadcast_in_dim3A_118 : i32 to vector<16xi32>
    %swap3A_120 = arith.constant 10144 : index
    %swap3A_121 = tpu.vector_load %arg5[%swap3A_120] {strides = array<i32>} : memref<10240xi32, #tpu.memory_space<vmem>>, vector<16xi32>,
    %swap3A_122 = vector.shape_cast %swap3A_121 : vector<16xi32> to vector<16xi32>
    %swap3A_123 = vector.shape_cast %broadcast_in_dim3A_119 : vector<16xi32> to vector<16xi32>
    tpu.vector_store %arg5[%swap3A_120], %swap3A_123 {strides = array<i32>} : memref<10240xi32, #tpu.memory_space<vmem>>, vector<16xi32>,
    %broadcast_in_dim3A_124 = arith.constant 10000 : i32
    %broadcast_in_dim3A_125 = vector.broadcast %broadcast_in_dim3A_124 : i32 to vector<16xi32>
    %swap3A_126 = arith.constant 10144 : index
    %swap3A_127 = tpu.vector_load %arg6[%swap3A_126] {strides = array<i32>} : memref<10240xi32, #tpu.memory_space<vmem>>, vector<16xi32>,
    %swap3A_128 = vector.shape_cast %swap3A_127 : vector<16xi32> to vector<16xi32>
    %swap3A_129 = vector.shape_cast %broadcast_in_dim3A_125 : vector<16xi32> to vector<16xi32>
    tpu.vector_store %arg6[%swap3A_126], %swap3A_129 {strides = array<i32>} : memref<10240xi32, #tpu.memory_space<vmem>>, vector<16xi32>,
    %broadcast_in_dim3A_130 = arith.constant 10000 : i32
    %broadcast_in_dim3A_131 = vector.broadcast %broadcast_in_dim3A_130 : i32 to vector<16xi32>
    %swap3A_132 = arith.constant 10160 : index
    %swap3A_133 = tpu.vector_load %arg5[%swap3A_132] {strides = array<i32>} : memref<10240xi32, #tpu.memory_space<vmem>>, vector<16xi32>,
    %swap3A_134 = vector.shape_cast %swap3A_133 : vector<16xi32> to vector<16xi32>
    %swap3A_135 = vector.shape_cast %broadcast_in_dim3A_131 : vector<16xi32> to vector<16xi32>
    tpu.vector_store %arg5[%swap3A_132], %swap3A_135 {strides = array<i32>} : memref<10240xi32, #tpu.memory_space<vmem>>, vector<16xi32>,
    %broadcast_in_dim3A_136 = arith.constant 10000 : i32
    %broadcast_in_dim3A_137 = vector.broadcast %broadcast_in_dim3A_136 : i32 to vector<16xi32>
    %swap3A_138 = arith.constant 10160 : index
    %swap3A_139 = tpu.vector_load %arg6[%swap3A_138] {strides = array<i32>} : memref<10240xi32, #tpu.memory_space<vmem>>, vector<16xi32>,
    %swap3A_140 = vector.shape_cast %swap3A_139 : vector<16xi32> to vector<16xi32>
    %swap3A_141 = vector.shape_cast %broadcast_in_dim3A_137 : vector<16xi32> to vector<16xi32>
    tpu.vector_store %arg6[%swap3A_138], %swap3A_141 {strides = array<i32>} : memref<10240xi32, #tpu.memory_space<vmem>>, vector<16xi32>,
    %broadcast_in_dim3A_142 = arith.constant 10000 : i32
    %broadcast_in_dim3A_143 = vector.broadcast %broadcast_in_dim3A_142 : i32 to vector<16xi32>
    %swap3A_144 = arith.constant 10176 : index
    %swap3A_145 = tpu.vector_load %arg5[%swap3A_144] {strides = array<i32>} : memref<10240xi32, #tpu.memory_space<vmem>>, vector<16xi32>,
    %swap3A_146 = vector.shape_cast %swap3A_145 : vector<16xi32> to vector<16xi32>
    %swap3A_147 = vector.shape_cast %broadcast_in_dim3A_143 : vector<16xi32> to vector<16xi32>
    tpu.vector_store %arg5[%swap3A_144], %swap3A_147 {strides = array<i32>} : memref<10240xi32, #tpu.memory_space<vmem>>, vector<16xi32>,
    %broadcast_in_dim3A_148 = arith.constant 10000 : i32
    %broadcast_in_dim3A_149 = vector.broadcast %broadcast_in_dim3A_148 : i32 to vector<16xi32>
    %swap3A_150 = arith.constant 10176 : index
    %swap3A_151 = tpu.vector_load %arg6[%swap3A_150] {strides = array<i32>} : memref<10240xi32, #tpu.memory_space<vmem>>, vector<16xi32>,
    %swap3A_152 = vector.shape_cast %swap3A_151 : vector<16xi32> to vector<16xi32>
    %swap3A_153 = vector.shape_cast %broadcast_in_dim3A_149 : vector<16xi32> to vector<16xi32>
    tpu.vector_store %arg6[%swap3A_150], %swap3A_153 {strides = array<i32>} : memref<10240xi32, #tpu.memory_space<vmem>>, vector<16xi32>,
    %broadcast_in_dim3A_154 = arith.constant 10000 : i32
    %broadcast_in_dim3A_155 = vector.broadcast %broadcast_in_dim3A_154 : i32 to vector<16xi32>
    %swap3A_156 = arith.constant 10192 : index
    %swap3A_157 = tpu.vector_load %arg5[%swap3A_156] {strides = array<i32>} : memref<10240xi32, #tpu.memory_space<vmem>>, vector<16xi32>,
    %swap3A_158 = vector.shape_cast %swap3A_157 : vector<16xi32> to vector<16xi32>
    %swap3A_159 = vector.shape_cast %broadcast_in_dim3A_155 : vector<16xi32> to vector<16xi32>
    tpu.vector_store %arg5[%swap3A_156], %swap3A_159 {strides = array<i32>} : memref<10240xi32, #tpu.memory_space<vmem>>, vector<16xi32>,
    %broadcast_in_dim3A_160 = arith.constant 10000 : i32
    %broadcast_in_dim3A_161 = vector.broadcast %broadcast_in_dim3A_160 : i32 to vector<16xi32>
    %swap3A_162 = arith.constant 10192 : index
    %swap3A_163 = tpu.vector_load %arg6[%swap3A_162] {strides = array<i32>} : memref<10240xi32, #tpu.memory_space<vmem>>, vector<16xi32>,
    %swap3A_164 = vector.shape_cast %swap3A_163 : vector<16xi32> to vector<16xi32>
    %swap3A_165 = vector.shape_cast %broadcast_in_dim3A_161 : vector<16xi32> to vector<16xi32>
    tpu.vector_store %arg6[%swap3A_162], %swap3A_165 {strides = array<i32>} : memref<10240xi32, #tpu.memory_space<vmem>>, vector<16xi32>,
    %broadcast_in_dim3A_166 = arith.constant 10000 : i32
    %broadcast_in_dim3A_167 = vector.broadcast %broadcast_in_dim3A_166 : i32 to vector<16xi32>
    %swap3A_168 = arith.constant 10208 : index
    %swap3A_169 = tpu.vector_load %arg5[%swap3A_168] {strides = array<i32>} : memref<10240xi32, #tpu.memory_space<vmem>>, vector<16xi32>,
    %swap3A_170 = vector.shape_cast %swap3A_169 : vector<16xi32> to vector<16xi32>
    %swap3A_171 = vector.shape_cast %broadcast_in_dim3A_167 : vector<16xi32> to vector<16xi32>
    tpu.vector_store %arg5[%swap3A_168], %swap3A_171 {strides = array<i32>} : memref<10240xi32, #tpu.memory_space<vmem>>, vector<16xi32>,
    %broadcast_in_dim3A_172 = arith.constant 10000 : i32
    %broadcast_in_dim3A_173 = vector.broadcast %broadcast_in_dim3A_172 : i32 to vector<16xi32>
    %swap3A_174 = arith.constant 10208 : index
    %swap3A_175 = tpu.vector_load %arg6[%swap3A_174] {strides = array<i32>} : memref<10240xi32, #tpu.memory_space<vmem>>, vector<16xi32>,
    %swap3A_176 = vector.shape_cast %swap3A_175 : vector<16xi32> to vector<16xi32>
    %swap3A_177 = vector.shape_cast %broadcast_in_dim3A_173 : vector<16xi32> to vector<16xi32>
    tpu.vector_store %arg6[%swap3A_174], %swap3A_177 {strides = array<i32>} : memref<10240xi32, #tpu.memory_space<vmem>>, vector<16xi32>,
    %broadcast_in_dim3A_178 = arith.constant 10000 : i32
    %broadcast_in_dim3A_179 = vector.broadcast %broadcast_in_dim3A_178 : i32 to vector<16xi32>
    %swap3A_180 = arith.constant 10224 : index
    %swap3A_181 = tpu.vector_load %arg5[%swap3A_180] {strides = array<i32>} : memref<10240xi32, #tpu.memory_space<vmem>>, vector<16xi32>,
    %swap3A_182 = vector.shape_cast %swap3A_181 : vector<16xi32> to vector<16xi32>
    %swap3A_183 = vector.shape_cast %broadcast_in_dim3A_179 : vector<16xi32> to vector<16xi32>
    tpu.vector_store %arg5[%swap3A_180], %swap3A_183 {strides = array<i32>} : memref<10240xi32, #tpu.memory_space<vmem>>, vector<16xi32>,
    %broadcast_in_dim3A_184 = arith.constant 10000 : i32
    %broadcast_in_dim3A_185 = vector.broadcast %broadcast_in_dim3A_184 : i32 to vector<16xi32>
    %swap3A_186 = arith.constant 10224 : index
    %swap3A_187 = tpu.vector_load %arg6[%swap3A_186] {strides = array<i32>} : memref<10240xi32, #tpu.memory_space<vmem>>, vector<16xi32>,
    %swap3A_188 = vector.shape_cast %swap3A_187 : vector<16xi32> to vector<16xi32>
    %swap3A_189 = vector.shape_cast %broadcast_in_dim3A_185 : vector<16xi32> to vector<16xi32>
    tpu.vector_store %arg6[%swap3A_186], %swap3A_189 {strides = array<i32>} : memref<10240xi32, #tpu.memory_space<vmem>>, vector<16xi32>,
    %dma_start3A = arith.constant 0 : i32
    %dma_start3A_190 = tpu.memref_slice %arg5[%dma_start3A] : memref<10240xi32, #tpu.memory_space<vmem>> -> memref<256xi32, #tpu.memory_space<vmem>>
    %dma_start3A_191 = arith.constant 0 : i32
    %dma_start3A_192 = arith.constant 0 : i32
    %dma_start3A_193 = tpu.memref_slice %arg21[%dma_start3A_191, %dma_start3A_192] : memref<10240x16xf32, #tpu.memory_space<vmem_shared>> -> memref<10240x16xf32, #tpu.memory_space<vmem_shared>>
    tpu.enqueue_indirect_dma source(%dma_start3A_193 : memref<10240x16xf32, #tpu.memory_space<vmem_shared>>) target(%arg7 : memref<256x16xf32, #tpu.memory_space<vmem>>) offsets(%dma_start3A_190 : memref<256xi32, #tpu.memory_space<vmem>>) semaphore(%arg12 : memref<!tpu.dma_semaphore, #tpu.memory_space<semaphore_mem>>)
    %dma_start3A_194 = arith.constant 256 : i32
    %dma_start3A_195 = tpu.memref_slice %arg5[%dma_start3A_194] : memref<10240xi32, #tpu.memory_space<vmem>> -> memref<256xi32, #tpu.memory_space<vmem>>
    %dma_start3A_196 = arith.constant 0 : i32
    %dma_start3A_197 = arith.constant 0 : i32
    %dma_start3A_198 = tpu.memref_slice %arg21[%dma_start3A_196, %dma_start3A_197] : memref<10240x16xf32, #tpu.memory_space<vmem_shared>> -> memref<10240x16xf32, #tpu.memory_space<vmem_shared>>
    tpu.enqueue_indirect_dma source(%dma_start3A_198 : memref<10240x16xf32, #tpu.memory_space<vmem_shared>>) target(%arg8 : memref<256x16xf32, #tpu.memory_space<vmem>>) offsets(%dma_start3A_195 : memref<256xi32, #tpu.memory_space<vmem>>) semaphore(%arg13 : memref<!tpu.dma_semaphore, #tpu.memory_space<semaphore_mem>>)
    %dma_start3A_199 = arith.constant 512 : i32
    %dma_start3A_200 = tpu.memref_slice %arg5[%dma_start3A_199] : memref<10240xi32, #tpu.memory_space<vmem>> -> memref<256xi32, #tpu.memory_space<vmem>>
    %dma_start3A_201 = arith.constant 0 : i32
    %dma_start3A_202 = arith.constant 0 : i32
    %dma_start3A_203 = tpu.memref_slice %arg21[%dma_start3A_201, %dma_start3A_202] : memref<10240x16xf32, #tpu.memory_space<vmem_shared>> -> memref<10240x16xf32, #tpu.memory_space<vmem_shared>>
    tpu.enqueue_indirect_dma source(%dma_start3A_203 : memref<10240x16xf32, #tpu.memory_space<vmem_shared>>) target(%arg9 : memref<256x16xf32, #tpu.memory_space<vmem>>) offsets(%dma_start3A_200 : memref<256xi32, #tpu.memory_space<vmem>>) semaphore(%arg14 : memref<!tpu.dma_semaphore, #tpu.memory_space<semaphore_mem>>)
    %dma_start3A_204 = arith.constant 768 : i32
    %dma_start3A_205 = tpu.memref_slice %arg5[%dma_start3A_204] : memref<10240xi32, #tpu.memory_space<vmem>> -> memref<256xi32, #tpu.memory_space<vmem>>
    %dma_start3A_206 = arith.constant 0 : i32
    %dma_start3A_207 = arith.constant 0 : i32
    %dma_start3A_208 = tpu.memref_slice %arg21[%dma_start3A_206, %dma_start3A_207] : memref<10240x16xf32, #tpu.memory_space<vmem_shared>> -> memref<10240x16xf32, #tpu.memory_space<vmem_shared>>
    tpu.enqueue_indirect_dma source(%dma_start3A_208 : memref<10240x16xf32, #tpu.memory_space<vmem_shared>>) target(%arg10 : memref<256x16xf32, #tpu.memory_space<vmem>>) offsets(%dma_start3A_205 : memref<256xi32, #tpu.memory_space<vmem>>) semaphore(%arg15 : memref<!tpu.dma_semaphore, #tpu.memory_space<semaphore_mem>>)
    %scan3A = arith.constant 0 : i32
    %scan3A_209 = arith.constant 0 : i32
    %scan3A_210 = arith.constant 9 : i32
    %scan3A_211 = arith.addi %scan3A_209, %scan3A_210 : i32
    %scan3A_212 = arith.constant 1 : i32
    scf.for %scan3A_278 = %scan3A_209 to %scan3A_211 step %scan3A_212  : i32 {
      %mul3A_279 = arith.constant 4 : i32
      %mul3A_280 = arith.muli %scan3A_278, %mul3A_279 : i32
      %add3A_281 = arith.constant 0 : i32
      %add3A_282 = arith.addi %mul3A_280, %add3A_281 : i32
      %mul3A_283 = arith.constant 256 : i32
      %mul3A_284 = arith.muli %add3A_282, %mul3A_283 : i32
      %dma_wait3A_285 = tpu.memref_slice %arg5[%mul3A_284] : memref<10240xi32, #tpu.memory_space<vmem>> -> memref<256xi32, #tpu.memory_space<vmem>>
      %dma_wait3A_286 = arith.constant 0 : i32
      %dma_wait3A_287 = arith.constant 0 : i32
      %dma_wait3A_288 = tpu.memref_slice %arg21[%dma_wait3A_286, %dma_wait3A_287] : memref<10240x16xf32, #tpu.memory_space<vmem_shared>> -> memref<10240x16xf32, #tpu.memory_space<vmem_shared>>
      tpu.wait_indirect_dma semaphore(%arg12 : memref<!tpu.dma_semaphore, #tpu.memory_space<semaphore_mem>>) src(%dma_wait3A_288 : memref<10240x16xf32, #tpu.memory_space<vmem_shared>>) dst(%arg7 : memref<256x16xf32, #tpu.memory_space<vmem>>)
      %mul3A_289 = arith.constant 256 : i32
      %mul3A_290 = arith.muli %add3A_282, %mul3A_289 : i32
      %dma_start3A_291 = tpu.memref_slice %arg6[%mul3A_290] : memref<10240xi32, #tpu.memory_space<vmem>> -> memref<256xi32, #tpu.memory_space<vmem>>
      %dma_start3A_292 = arith.constant 0 : i32
      %dma_start3A_293 = arith.constant 0 : i32
      %dma_start3A_294 = tpu.memref_slice %arg20[%dma_start3A_292, %dma_start3A_293] : memref<10240x16xf32, #tpu.memory_space<vmem_shared>> -> memref<10240x16xf32, #tpu.memory_space<vmem_shared>>
      tpu.enqueue_indirect_dma source(%arg7 : memref<256x16xf32, #tpu.memory_space<vmem>>) target(%dma_start3A_294 : memref<10240x16xf32, #tpu.memory_space<vmem_shared>>) offsets(%dma_start3A_291 : memref<256xi32, #tpu.memory_space<vmem>>) semaphore(%arg16 : memref<!tpu.dma_semaphore, #tpu.memory_space<semaphore_mem>>) {add = true}
      %mul3A_295 = arith.constant 4 : i32
      %mul3A_296 = arith.muli %scan3A_278, %mul3A_295 : i32
      %add3A_297 = arith.constant 1 : i32
      %add3A_298 = arith.addi %mul3A_296, %add3A_297 : i32
      %mul3A_299 = arith.constant 256 : i32
      %mul3A_300 = arith.muli %add3A_298, %mul3A_299 : i32
      %dma_wait3A_301 = tpu.memref_slice %arg5[%mul3A_300] : memref<10240xi32, #tpu.memory_space<vmem>> -> memref<256xi32, #tpu.memory_space<vmem>>
      %dma_wait3A_302 = arith.constant 0 : i32
      %dma_wait3A_303 = arith.constant 0 : i32
      %dma_wait3A_304 = tpu.memref_slice %arg21[%dma_wait3A_302, %dma_wait3A_303] : memref<10240x16xf32, #tpu.memory_space<vmem_shared>> -> memref<10240x16xf32, #tpu.memory_space<vmem_shared>>
      tpu.wait_indirect_dma semaphore(%arg13 : memref<!tpu.dma_semaphore, #tpu.memory_space<semaphore_mem>>) src(%dma_wait3A_304 : memref<10240x16xf32, #tpu.memory_space<vmem_shared>>) dst(%arg8 : memref<256x16xf32, #tpu.memory_space<vmem>>)
      %mul3A_305 = arith.constant 256 : i32
      %mul3A_306 = arith.muli %add3A_298, %mul3A_305 : i32
      %dma_start3A_307 = tpu.memref_slice %arg6[%mul3A_306] : memref<10240xi32, #tpu.memory_space<vmem>> -> memref<256xi32, #tpu.memory_space<vmem>>
      %dma_start3A_308 = arith.constant 0 : i32
      %dma_start3A_309 = arith.constant 0 : i32
      %dma_start3A_310 = tpu.memref_slice %arg20[%dma_start3A_308, %dma_start3A_309] : memref<10240x16xf32, #tpu.memory_space<vmem_shared>> -> memref<10240x16xf32, #tpu.memory_space<vmem_shared>>
      tpu.enqueue_indirect_dma source(%arg8 : memref<256x16xf32, #tpu.memory_space<vmem>>) target(%dma_start3A_310 : memref<10240x16xf32, #tpu.memory_space<vmem_shared>>) offsets(%dma_start3A_307 : memref<256xi32, #tpu.memory_space<vmem>>) semaphore(%arg17 : memref<!tpu.dma_semaphore, #tpu.memory_space<semaphore_mem>>) {add = true}
      %mul3A_311 = arith.constant 4 : i32
      %mul3A_312 = arith.muli %scan3A_278, %mul3A_311 : i32
      %add3A_313 = arith.constant 2 : i32
      %add3A_314 = arith.addi %mul3A_312, %add3A_313 : i32
      %mul3A_315 = arith.constant 256 : i32
      %mul3A_316 = arith.muli %add3A_314, %mul3A_315 : i32
      %dma_wait3A_317 = tpu.memref_slice %arg5[%mul3A_316] : memref<10240xi32, #tpu.memory_space<vmem>> -> memref<256xi32, #tpu.memory_space<vmem>>
      %dma_wait3A_318 = arith.constant 0 : i32
      %dma_wait3A_319 = arith.constant 0 : i32
      %dma_wait3A_320 = tpu.memref_slice %arg21[%dma_wait3A_318, %dma_wait3A_319] : memref<10240x16xf32, #tpu.memory_space<vmem_shared>> -> memref<10240x16xf32, #tpu.memory_space<vmem_shared>>
      tpu.wait_indirect_dma semaphore(%arg14 : memref<!tpu.dma_semaphore, #tpu.memory_space<semaphore_mem>>) src(%dma_wait3A_320 : memref<10240x16xf32, #tpu.memory_space<vmem_shared>>) dst(%arg9 : memref<256x16xf32, #tpu.memory_space<vmem>>)
      %mul3A_321 = arith.constant 256 : i32
      %mul3A_322 = arith.muli %add3A_314, %mul3A_321 : i32
      %dma_start3A_323 = tpu.memref_slice %arg6[%mul3A_322] : memref<10240xi32, #tpu.memory_space<vmem>> -> memref<256xi32, #tpu.memory_space<vmem>>
      %dma_start3A_324 = arith.constant 0 : i32
      %dma_start3A_325 = arith.constant 0 : i32
      %dma_start3A_326 = tpu.memref_slice %arg20[%dma_start3A_324, %dma_start3A_325] : memref<10240x16xf32, #tpu.memory_space<vmem_shared>> -> memref<10240x16xf32, #tpu.memory_space<vmem_shared>>
      tpu.enqueue_indirect_dma source(%arg9 : memref<256x16xf32, #tpu.memory_space<vmem>>) target(%dma_start3A_326 : memref<10240x16xf32, #tpu.memory_space<vmem_shared>>) offsets(%dma_start3A_323 : memref<256xi32, #tpu.memory_space<vmem>>) semaphore(%arg18 : memref<!tpu.dma_semaphore, #tpu.memory_space<semaphore_mem>>) {add = true}
      %mul3A_327 = arith.constant 4 : i32
      %mul3A_328 = arith.muli %scan3A_278, %mul3A_327 : i32
      %add3A_329 = arith.constant 3 : i32
      %add3A_330 = arith.addi %mul3A_328, %add3A_329 : i32
      %mul3A_331 = arith.constant 256 : i32
      %mul3A_332 = arith.muli %add3A_330, %mul3A_331 : i32
      %dma_wait3A_333 = tpu.memref_slice %arg5[%mul3A_332] : memref<10240xi32, #tpu.memory_space<vmem>> -> memref<256xi32, #tpu.memory_space<vmem>>
      %dma_wait3A_334 = arith.constant 0 : i32
      %dma_wait3A_335 = arith.constant 0 : i32
      %dma_wait3A_336 = tpu.memref_slice %arg21[%dma_wait3A_334, %dma_wait3A_335] : memref<10240x16xf32, #tpu.memory_space<vmem_shared>> -> memref<10240x16xf32, #tpu.memory_space<vmem_shared>>
      tpu.wait_indirect_dma semaphore(%arg15 : memref<!tpu.dma_semaphore, #tpu.memory_space<semaphore_mem>>) src(%dma_wait3A_336 : memref<10240x16xf32, #tpu.memory_space<vmem_shared>>) dst(%arg10 : memref<256x16xf32, #tpu.memory_space<vmem>>)
      %mul3A_337 = arith.constant 256 : i32
      %mul3A_338 = arith.muli %add3A_330, %mul3A_337 : i32
      %dma_start3A_339 = tpu.memref_slice %arg6[%mul3A_338] : memref<10240xi32, #tpu.memory_space<vmem>> -> memref<256xi32, #tpu.memory_space<vmem>>
      %dma_start3A_340 = arith.constant 0 : i32
      %dma_start3A_341 = arith.constant 0 : i32
      %dma_start3A_342 = tpu.memref_slice %arg20[%dma_start3A_340, %dma_start3A_341] : memref<10240x16xf32, #tpu.memory_space<vmem_shared>> -> memref<10240x16xf32, #tpu.memory_space<vmem_shared>>
      tpu.enqueue_indirect_dma source(%arg10 : memref<256x16xf32, #tpu.memory_space<vmem>>) target(%dma_start3A_342 : memref<10240x16xf32, #tpu.memory_space<vmem_shared>>) offsets(%dma_start3A_339 : memref<256xi32, #tpu.memory_space<vmem>>) semaphore(%arg19 : memref<!tpu.dma_semaphore, #tpu.memory_space<semaphore_mem>>) {add = true}
      %add3A_343 = arith.constant 1 : i32
      %add3A_344 = arith.addi %scan3A_278, %add3A_343 : i32
      %mul3A_345 = arith.constant 4 : i32
      %mul3A_346 = arith.muli %add3A_344, %mul3A_345 : i32
      %add3A_347 = arith.constant 0 : i32
      %add3A_348 = arith.addi %mul3A_346, %add3A_347 : i32
      %mul3A_349 = arith.constant 256 : i32
      %mul3A_350 = arith.muli %add3A_348, %mul3A_349 : i32
      %dma_wait3A_351 = tpu.memref_slice %arg6[%mul3A_350] : memref<10240xi32, #tpu.memory_space<vmem>> -> memref<256xi32, #tpu.memory_space<vmem>>
      %dma_wait3A_352 = arith.constant 0 : i32
      %dma_wait3A_353 = arith.constant 0 : i32
      %dma_wait3A_354 = tpu.memref_slice %arg20[%dma_wait3A_352, %dma_wait3A_353] : memref<10240x16xf32, #tpu.memory_space<vmem_shared>> -> memref<10240x16xf32, #tpu.memory_space<vmem_shared>>
      tpu.wait_indirect_dma semaphore(%arg16 : memref<!tpu.dma_semaphore, #tpu.memory_space<semaphore_mem>>) src(%arg7 : memref<256x16xf32, #tpu.memory_space<vmem>>) dst(%dma_wait3A_354 : memref<10240x16xf32, #tpu.memory_space<vmem_shared>>)
      %mul3A_355 = arith.constant 256 : i32
      %mul3A_356 = arith.muli %add3A_348, %mul3A_355 : i32
      %dma_start3A_357 = tpu.memref_slice %arg5[%mul3A_356] : memref<10240xi32, #tpu.memory_space<vmem>> -> memref<256xi32, #tpu.memory_space<vmem>>
      %dma_start3A_358 = arith.constant 0 : i32
      %dma_start3A_359 = arith.constant 0 : i32
      %dma_start3A_360 = tpu.memref_slice %arg21[%dma_start3A_358, %dma_start3A_359] : memref<10240x16xf32, #tpu.memory_space<vmem_shared>> -> memref<10240x16xf32, #tpu.memory_space<vmem_shared>>
      tpu.enqueue_indirect_dma source(%dma_start3A_360 : memref<10240x16xf32, #tpu.memory_space<vmem_shared>>) target(%arg7 : memref<256x16xf32, #tpu.memory_space<vmem>>) offsets(%dma_start3A_357 : memref<256xi32, #tpu.memory_space<vmem>>) semaphore(%arg12 : memref<!tpu.dma_semaphore, #tpu.memory_space<semaphore_mem>>)
      %add3A_361 = arith.constant 1 : i32
      %add3A_362 = arith.addi %scan3A_278, %add3A_361 : i32
      %mul3A_363 = arith.constant 4 : i32
      %mul3A_364 = arith.muli %add3A_362, %mul3A_363 : i32
      %add3A_365 = arith.constant 1 : i32
      %add3A_366 = arith.addi %mul3A_364, %add3A_365 : i32
      %mul3A_367 = arith.constant 256 : i32
      %mul3A_368 = arith.muli %add3A_366, %mul3A_367 : i32
      %dma_wait3A_369 = tpu.memref_slice %arg6[%mul3A_368] : memref<10240xi32, #tpu.memory_space<vmem>> -> memref<256xi32, #tpu.memory_space<vmem>>
      %dma_wait3A_370 = arith.constant 0 : i32
      %dma_wait3A_371 = arith.constant 0 : i32
      %dma_wait3A_372 = tpu.memref_slice %arg20[%dma_wait3A_370, %dma_wait3A_371] : memref<10240x16xf32, #tpu.memory_space<vmem_shared>> -> memref<10240x16xf32, #tpu.memory_space<vmem_shared>>
      tpu.wait_indirect_dma semaphore(%arg17 : memref<!tpu.dma_semaphore, #tpu.memory_space<semaphore_mem>>) src(%arg8 : memref<256x16xf32, #tpu.memory_space<vmem>>) dst(%dma_wait3A_372 : memref<10240x16xf32, #tpu.memory_space<vmem_shared>>)
      %mul3A_373 = arith.constant 256 : i32
      %mul3A_374 = arith.muli %add3A_366, %mul3A_373 : i32
      %dma_start3A_375 = tpu.memref_slice %arg5[%mul3A_374] : memref<10240xi32, #tpu.memory_space<vmem>> -> memref<256xi32, #tpu.memory_space<vmem>>
      %dma_start3A_376 = arith.constant 0 : i32
      %dma_start3A_377 = arith.constant 0 : i32
      %dma_start3A_378 = tpu.memref_slice %arg21[%dma_start3A_376, %dma_start3A_377] : memref<10240x16xf32, #tpu.memory_space<vmem_shared>> -> memref<10240x16xf32, #tpu.memory_space<vmem_shared>>
      tpu.enqueue_indirect_dma source(%dma_start3A_378 : memref<10240x16xf32, #tpu.memory_space<vmem_shared>>) target(%arg8 : memref<256x16xf32, #tpu.memory_space<vmem>>) offsets(%dma_start3A_375 : memref<256xi32, #tpu.memory_space<vmem>>) semaphore(%arg13 : memref<!tpu.dma_semaphore, #tpu.memory_space<semaphore_mem>>)
      %add3A_379 = arith.constant 1 : i32
      %add3A_380 = arith.addi %scan3A_278, %add3A_379 : i32
      %mul3A_381 = arith.constant 4 : i32
      %mul3A_382 = arith.muli %add3A_380, %mul3A_381 : i32
      %add3A_383 = arith.constant 2 : i32
      %add3A_384 = arith.addi %mul3A_382, %add3A_383 : i32
      %mul3A_385 = arith.constant 256 : i32
      %mul3A_386 = arith.muli %add3A_384, %mul3A_385 : i32
      %dma_wait3A_387 = tpu.memref_slice %arg6[%mul3A_386] : memref<10240xi32, #tpu.memory_space<vmem>> -> memref<256xi32, #tpu.memory_space<vmem>>
      %dma_wait3A_388 = arith.constant 0 : i32
      %dma_wait3A_389 = arith.constant 0 : i32
      %dma_wait3A_390 = tpu.memref_slice %arg20[%dma_wait3A_388, %dma_wait3A_389] : memref<10240x16xf32, #tpu.memory_space<vmem_shared>> -> memref<10240x16xf32, #tpu.memory_space<vmem_shared>>
      tpu.wait_indirect_dma semaphore(%arg18 : memref<!tpu.dma_semaphore, #tpu.memory_space<semaphore_mem>>) src(%arg9 : memref<256x16xf32, #tpu.memory_space<vmem>>) dst(%dma_wait3A_390 : memref<10240x16xf32, #tpu.memory_space<vmem_shared>>)
      %mul3A_391 = arith.constant 256 : i32
      %mul3A_392 = arith.muli %add3A_384, %mul3A_391 : i32
      %dma_start3A_393 = tpu.memref_slice %arg5[%mul3A_392] : memref<10240xi32, #tpu.memory_space<vmem>> -> memref<256xi32, #tpu.memory_space<vmem>>
      %dma_start3A_394 = arith.constant 0 : i32
      %dma_start3A_395 = arith.constant 0 : i32
      %dma_start3A_396 = tpu.memref_slice %arg21[%dma_start3A_394, %dma_start3A_395] : memref<10240x16xf32, #tpu.memory_space<vmem_shared>> -> memref<10240x16xf32, #tpu.memory_space<vmem_shared>>
      tpu.enqueue_indirect_dma source(%dma_start3A_396 : memref<10240x16xf32, #tpu.memory_space<vmem_shared>>) target(%arg9 : memref<256x16xf32, #tpu.memory_space<vmem>>) offsets(%dma_start3A_393 : memref<256xi32, #tpu.memory_space<vmem>>) semaphore(%arg14 : memref<!tpu.dma_semaphore, #tpu.memory_space<semaphore_mem>>)
      %add3A_397 = arith.constant 1 : i32
      %add3A_398 = arith.addi %scan3A_278, %add3A_397 : i32
      %mul3A_399 = arith.constant 4 : i32
      %mul3A_400 = arith.muli %add3A_398, %mul3A_399 : i32
      %add3A_401 = arith.constant 3 : i32
      %add3A_402 = arith.addi %mul3A_400, %add3A_401 : i32
      %mul3A_403 = arith.constant 256 : i32
      %mul3A_404 = arith.muli %add3A_402, %mul3A_403 : i32
      %dma_wait3A_405 = tpu.memref_slice %arg6[%mul3A_404] : memref<10240xi32, #tpu.memory_space<vmem>> -> memref<256xi32, #tpu.memory_space<vmem>>
      %dma_wait3A_406 = arith.constant 0 : i32
      %dma_wait3A_407 = arith.constant 0 : i32
      %dma_wait3A_408 = tpu.memref_slice %arg20[%dma_wait3A_406, %dma_wait3A_407] : memref<10240x16xf32, #tpu.memory_space<vmem_shared>> -> memref<10240x16xf32, #tpu.memory_space<vmem_shared>>
      tpu.wait_indirect_dma semaphore(%arg19 : memref<!tpu.dma_semaphore, #tpu.memory_space<semaphore_mem>>) src(%arg10 : memref<256x16xf32, #tpu.memory_space<vmem>>) dst(%dma_wait3A_408 : memref<10240x16xf32, #tpu.memory_space<vmem_shared>>)
      %mul3A_409 = arith.constant 256 : i32
      %mul3A_410 = arith.muli %add3A_402, %mul3A_409 : i32
      %dma_start3A_411 = tpu.memref_slice %arg5[%mul3A_410] : memref<10240xi32, #tpu.memory_space<vmem>> -> memref<256xi32, #tpu.memory_space<vmem>>
      %dma_start3A_412 = arith.constant 0 : i32
      %dma_start3A_413 = arith.constant 0 : i32
      %dma_start3A_414 = tpu.memref_slice %arg21[%dma_start3A_412, %dma_start3A_413] : memref<10240x16xf32, #tpu.memory_space<vmem_shared>> -> memref<10240x16xf32, #tpu.memory_space<vmem_shared>>
      tpu.enqueue_indirect_dma source(%dma_start3A_414 : memref<10240x16xf32, #tpu.memory_space<vmem_shared>>) target(%arg10 : memref<256x16xf32, #tpu.memory_space<vmem>>) offsets(%dma_start3A_411 : memref<256xi32, #tpu.memory_space<vmem>>) semaphore(%arg15 : memref<!tpu.dma_semaphore, #tpu.memory_space<semaphore_mem>>)
    }
    %scan3A_213 = arith.constant 9 : i32
    %dma_wait3A = arith.constant 9216 : i32
    %dma_wait3A_214 = tpu.memref_slice %arg5[%dma_wait3A] : memref<10240xi32, #tpu.memory_space<vmem>> -> memref<256xi32, #tpu.memory_space<vmem>>
    %dma_wait3A_215 = arith.constant 0 : i32
    %dma_wait3A_216 = arith.constant 0 : i32
    %dma_wait3A_217 = tpu.memref_slice %arg21[%dma_wait3A_215, %dma_wait3A_216] : memref<10240x16xf32, #tpu.memory_space<vmem_shared>> -> memref<10240x16xf32, #tpu.memory_space<vmem_shared>>
    tpu.wait_indirect_dma semaphore(%arg12 : memref<!tpu.dma_semaphore, #tpu.memory_space<semaphore_mem>>) src(%dma_wait3A_217 : memref<10240x16xf32, #tpu.memory_space<vmem_shared>>) dst(%arg7 : memref<256x16xf32, #tpu.memory_space<vmem>>)
    %dma_start3A_218 = arith.constant 9216 : i32
    %dma_start3A_219 = tpu.memref_slice %arg6[%dma_start3A_218] : memref<10240xi32, #tpu.memory_space<vmem>> -> memref<256xi32, #tpu.memory_space<vmem>>
    %dma_start3A_220 = arith.constant 0 : i32
    %dma_start3A_221 = arith.constant 0 : i32
    %dma_start3A_222 = tpu.memref_slice %arg20[%dma_start3A_220, %dma_start3A_221] : memref<10240x16xf32, #tpu.memory_space<vmem_shared>> -> memref<10240x16xf32, #tpu.memory_space<vmem_shared>>
    tpu.enqueue_indirect_dma source(%arg7 : memref<256x16xf32, #tpu.memory_space<vmem>>) target(%dma_start3A_222 : memref<10240x16xf32, #tpu.memory_space<vmem_shared>>) offsets(%dma_start3A_219 : memref<256xi32, #tpu.memory_space<vmem>>) semaphore(%arg16 : memref<!tpu.dma_semaphore, #tpu.memory_space<semaphore_mem>>) {add = true}
    %dma_wait3A_223 = arith.constant 9472 : i32
    %dma_wait3A_224 = tpu.memref_slice %arg5[%dma_wait3A_223] : memref<10240xi32, #tpu.memory_space<vmem>> -> memref<256xi32, #tpu.memory_space<vmem>>
    %dma_wait3A_225 = arith.constant 0 : i32
    %dma_wait3A_226 = arith.constant 0 : i32
    %dma_wait3A_227 = tpu.memref_slice %arg21[%dma_wait3A_225, %dma_wait3A_226] : memref<10240x16xf32, #tpu.memory_space<vmem_shared>> -> memref<10240x16xf32, #tpu.memory_space<vmem_shared>>
    tpu.wait_indirect_dma semaphore(%arg13 : memref<!tpu.dma_semaphore, #tpu.memory_space<semaphore_mem>>) src(%dma_wait3A_227 : memref<10240x16xf32, #tpu.memory_space<vmem_shared>>) dst(%arg8 : memref<256x16xf32, #tpu.memory_space<vmem>>)
    %dma_start3A_228 = arith.constant 9472 : i32
    %dma_start3A_229 = tpu.memref_slice %arg6[%dma_start3A_228] : memref<10240xi32, #tpu.memory_space<vmem>> -> memref<256xi32, #tpu.memory_space<vmem>>
    %dma_start3A_230 = arith.constant 0 : i32
    %dma_start3A_231 = arith.constant 0 : i32
    %dma_start3A_232 = tpu.memref_slice %arg20[%dma_start3A_230, %dma_start3A_231] : memref<10240x16xf32, #tpu.memory_space<vmem_shared>> -> memref<10240x16xf32, #tpu.memory_space<vmem_shared>>
    tpu.enqueue_indirect_dma source(%arg8 : memref<256x16xf32, #tpu.memory_space<vmem>>) target(%dma_start3A_232 : memref<10240x16xf32, #tpu.memory_space<vmem_shared>>) offsets(%dma_start3A_229 : memref<256xi32, #tpu.memory_space<vmem>>) semaphore(%arg17 : memref<!tpu.dma_semaphore, #tpu.memory_space<semaphore_mem>>) {add = true}
    %dma_wait3A_233 = arith.constant 9728 : i32
    %dma_wait3A_234 = tpu.memref_slice %arg5[%dma_wait3A_233] : memref<10240xi32, #tpu.memory_space<vmem>> -> memref<256xi32, #tpu.memory_space<vmem>>
    %dma_wait3A_235 = arith.constant 0 : i32
    %dma_wait3A_236 = arith.constant 0 : i32
    %dma_wait3A_237 = tpu.memref_slice %arg21[%dma_wait3A_235, %dma_wait3A_236] : memref<10240x16xf32, #tpu.memory_space<vmem_shared>> -> memref<10240x16xf32, #tpu.memory_space<vmem_shared>>
    tpu.wait_indirect_dma semaphore(%arg14 : memref<!tpu.dma_semaphore, #tpu.memory_space<semaphore_mem>>) src(%dma_wait3A_237 : memref<10240x16xf32, #tpu.memory_space<vmem_shared>>) dst(%arg9 : memref<256x16xf32, #tpu.memory_space<vmem>>)
    %dma_start3A_238 = arith.constant 9728 : i32
    %dma_start3A_239 = tpu.memref_slice %arg6[%dma_start3A_238] : memref<10240xi32, #tpu.memory_space<vmem>> -> memref<256xi32, #tpu.memory_space<vmem>>
    %dma_start3A_240 = arith.constant 0 : i32
    %dma_start3A_241 = arith.constant 0 : i32
    %dma_start3A_242 = tpu.memref_slice %arg20[%dma_start3A_240, %dma_start3A_241] : memref<10240x16xf32, #tpu.memory_space<vmem_shared>> -> memref<10240x16xf32, #tpu.memory_space<vmem_shared>>
    tpu.enqueue_indirect_dma source(%arg9 : memref<256x16xf32, #tpu.memory_space<vmem>>) target(%dma_start3A_242 : memref<10240x16xf32, #tpu.memory_space<vmem_shared>>) offsets(%dma_start3A_239 : memref<256xi32, #tpu.memory_space<vmem>>) semaphore(%arg18 : memref<!tpu.dma_semaphore, #tpu.memory_space<semaphore_mem>>) {add = true}
    %dma_wait3A_243 = arith.constant 9984 : i32
    %dma_wait3A_244 = tpu.memref_slice %arg5[%dma_wait3A_243] : memref<10240xi32, #tpu.memory_space<vmem>> -> memref<256xi32, #tpu.memory_space<vmem>>
    %dma_wait3A_245 = arith.constant 0 : i32
    %dma_wait3A_246 = arith.constant 0 : i32
    %dma_wait3A_247 = tpu.memref_slice %arg21[%dma_wait3A_245, %dma_wait3A_246] : memref<10240x16xf32, #tpu.memory_space<vmem_shared>> -> memref<10240x16xf32, #tpu.memory_space<vmem_shared>>
    tpu.wait_indirect_dma semaphore(%arg15 : memref<!tpu.dma_semaphore, #tpu.memory_space<semaphore_mem>>) src(%dma_wait3A_247 : memref<10240x16xf32, #tpu.memory_space<vmem_shared>>) dst(%arg10 : memref<256x16xf32, #tpu.memory_space<vmem>>)
    %dma_start3A_248 = arith.constant 9984 : i32
    %dma_start3A_249 = tpu.memref_slice %arg6[%dma_start3A_248] : memref<10240xi32, #tpu.memory_space<vmem>> -> memref<256xi32, #tpu.memory_space<vmem>>
    %dma_start3A_250 = arith.constant 0 : i32
    %dma_start3A_251 = arith.constant 0 : i32
    %dma_start3A_252 = tpu.memref_slice %arg20[%dma_start3A_250, %dma_start3A_251] : memref<10240x16xf32, #tpu.memory_space<vmem_shared>> -> memref<10240x16xf32, #tpu.memory_space<vmem_shared>>
    tpu.enqueue_indirect_dma source(%arg10 : memref<256x16xf32, #tpu.memory_space<vmem>>) target(%dma_start3A_252 : memref<10240x16xf32, #tpu.memory_space<vmem_shared>>) offsets(%dma_start3A_249 : memref<256xi32, #tpu.memory_space<vmem>>) semaphore(%arg19 : memref<!tpu.dma_semaphore, #tpu.memory_space<semaphore_mem>>) {add = true}
    %dma_wait3A_253 = arith.constant 9216 : i32
    %dma_wait3A_254 = tpu.memref_slice %arg6[%dma_wait3A_253] : memref<10240xi32, #tpu.memory_space<vmem>> -> memref<256xi32, #tpu.memory_space<vmem>>
    %dma_wait3A_255 = arith.constant 0 : i32
    %dma_wait3A_256 = arith.constant 0 : i32
    %dma_wait3A_257 = tpu.memref_slice %arg20[%dma_wait3A_255, %dma_wait3A_256] : memref<10240x16xf32, #tpu.memory_space<vmem_shared>> -> memref<10240x16xf32, #tpu.memory_space<vmem_shared>>
    tpu.wait_indirect_dma semaphore(%arg16 : memref<!tpu.dma_semaphore, #tpu.memory_space<semaphore_mem>>) src(%arg7 : memref<256x16xf32, #tpu.memory_space<vmem>>) dst(%dma_wait3A_257 : memref<10240x16xf32, #tpu.memory_space<vmem_shared>>)
    %dma_wait3A_258 = arith.constant 9472 : i32
    %dma_wait3A_259 = tpu.memref_slice %arg6[%dma_wait3A_258] : memref<10240xi32, #tpu.memory_space<vmem>> -> memref<256xi32, #tpu.memory_space<vmem>>
    %dma_wait3A_260 = arith.constant 0 : i32
    %dma_wait3A_261 = arith.constant 0 : i32
    %dma_wait3A_262 = tpu.memref_slice %arg20[%dma_wait3A_260, %dma_wait3A_261] : memref<10240x16xf32, #tpu.memory_space<vmem_shared>> -> memref<10240x16xf32, #tpu.memory_space<vmem_shared>>
    tpu.wait_indirect_dma semaphore(%arg17 : memref<!tpu.dma_semaphore, #tpu.memory_space<semaphore_mem>>) src(%arg8 : memref<256x16xf32, #tpu.memory_space<vmem>>) dst(%dma_wait3A_262 : memref<10240x16xf32, #tpu.memory_space<vmem_shared>>)
    %dma_wait3A_263 = arith.constant 9728 : i32
    %dma_wait3A_264 = tpu.memref_slice %arg6[%dma_wait3A_263] : memref<10240xi32, #tpu.memory_space<vmem>> -> memref<256xi32, #tpu.memory_space<vmem>>
    %dma_wait3A_265 = arith.constant 0 : i32
    %dma_wait3A_266 = arith.constant 0 : i32
    %dma_wait3A_267 = tpu.memref_slice %arg20[%dma_wait3A_265, %dma_wait3A_266] : memref<10240x16xf32, #tpu.memory_space<vmem_shared>> -> memref<10240x16xf32, #tpu.memory_space<vmem_shared>>
    tpu.wait_indirect_dma semaphore(%arg18 : memref<!tpu.dma_semaphore, #tpu.memory_space<semaphore_mem>>) src(%arg9 : memref<256x16xf32, #tpu.memory_space<vmem>>) dst(%dma_wait3A_267 : memref<10240x16xf32, #tpu.memory_space<vmem_shared>>)
    %dma_wait3A_268 = arith.constant 9984 : i32
    %dma_wait3A_269 = tpu.memref_slice %arg6[%dma_wait3A_268] : memref<10240xi32, #tpu.memory_space<vmem>> -> memref<256xi32, #tpu.memory_space<vmem>>
    %dma_wait3A_270 = arith.constant 0 : i32
    %dma_wait3A_271 = arith.constant 0 : i32
    %dma_wait3A_272 = tpu.memref_slice %arg20[%dma_wait3A_270, %dma_wait3A_271] : memref<10240x16xf32, #tpu.memory_space<vmem_shared>> -> memref<10240x16xf32, #tpu.memory_space<vmem_shared>>
    tpu.wait_indirect_dma semaphore(%arg19 : memref<!tpu.dma_semaphore, #tpu.memory_space<semaphore_mem>>) src(%arg10 : memref<256x16xf32, #tpu.memory_space<vmem>>) dst(%dma_wait3A_272 : memref<10240x16xf32, #tpu.memory_space<vmem_shared>>)
    %barrier3A_273 = arith.constant 0 : index
    tpu.barrier barrier_id(%barrier3A_273)
    %mul3A_274 = arith.constant 640 : i32
    %mul3A_275 = arith.muli %arg1, %mul3A_274 : i32
    "tpu.region"() ({
      %run_scoped3A_278 = tpu.sem_alloc : memref<!tpu.dma_semaphore, #tpu.memory_space<semaphore_mem>>
      %dma_start3A_279 = arith.constant 0 : i32
      %dma_start3A_280 = tpu.memref_slice %arg20[%mul3A_275, %dma_start3A_279] : memref<10240x16xf32, #tpu.memory_space<vmem_shared>> -> memref<640x16xf32, #tpu.memory_space<vmem_shared>>
      %dma_start3A_281 = arith.constant 0 : i32
      %dma_start3A_282 = tpu.memref_slice %arg20[%mul3A_275, %dma_start3A_281] : memref<10240x16xf32, #tpu.memory_space<vmem_shared>> -> memref<640x16xf32, #tpu.memory_space<vmem_shared>>
      tpu.enqueue_dma source(%dma_start3A_282 : memref<640x16xf32, #tpu.memory_space<vmem_shared>>) target(%arg11 : memref<640x16xf32, #tpu.memory_space<vmem>>) target_semaphore(%run_scoped3A_278 : memref<!tpu.dma_semaphore, #tpu.memory_space<semaphore_mem>>)
      %dma_wait3A_283 = arith.constant 0 : i32
      %dma_wait3A_284 = tpu.memref_slice %arg20[%mul3A_275, %dma_wait3A_283] : memref<10240x16xf32, #tpu.memory_space<vmem_shared>> -> memref<640x16xf32, #tpu.memory_space<vmem_shared>>
      %dma_wait3A_285 = arith.constant 0 : i32
      %dma_wait3A_286 = tpu.memref_slice %arg20[%mul3A_275, %dma_wait3A_285] : memref<10240x16xf32, #tpu.memory_space<vmem_shared>> -> memref<640x16xf32, #tpu.memory_space<vmem_shared>>
      tpu.wait_dma2 semaphore(%run_scoped3A_278 : memref<!tpu.dma_semaphore, #tpu.memory_space<semaphore_mem>>) src(%dma_wait3A_286 : memref<640x16xf32, #tpu.memory_space<vmem_shared>>) dst(%arg11 : memref<640x16xf32, #tpu.memory_space<vmem>>)
      tpu.yield
    }) : () -> ()
    %mul3A_276 = arith.constant 640 : i32
    %mul3A_277 = arith.muli %arg1, %mul3A_276 : i32
    "tpu.region"() ({
      %run_scoped3A_278 = tpu.sem_alloc : memref<!tpu.dma_semaphore, #tpu.memory_space<semaphore_mem>>
      %dma_start3A_279 = arith.constant 0 : i32
      %dma_start3A_280 = tpu.memref_slice %arg4[%arg0, %mul3A_277, %dma_start3A_279] : memref<2x10240x16xf32, #tpu.memory_space<hbm>> -> memref<1x640x16xf32, #tpu.memory_space<hbm>>
      %dma_start3A_281 = tpu.memref_squeeze %dma_start3A_280 : memref<1x640x16xf32, #tpu.memory_space<hbm>> -> memref<640x16xf32, #tpu.memory_space<hbm>>
      %dma_start3A_282 = arith.constant 0 : i32
      %dma_start3A_283 = tpu.memref_slice %arg4[%arg0, %mul3A_277, %dma_start3A_282] : memref<2x10240x16xf32, #tpu.memory_space<hbm>> -> memref<1x640x16xf32, #tpu.memory_space<hbm>>
      %dma_start3A_284 = tpu.memref_squeeze %dma_start3A_283 : memref<1x640x16xf32, #tpu.memory_space<hbm>> -> memref<640x16xf32, #tpu.memory_space<hbm>>
      tpu.enqueue_dma source(%arg11 : memref<640x16xf32, #tpu.memory_space<vmem>>) target(%dma_start3A_284 : memref<640x16xf32, #tpu.memory_space<hbm>>) target_semaphore(%run_scoped3A_278 : memref<!tpu.dma_semaphore, #tpu.memory_space<semaphore_mem>>)
      %dma_wait3A_285 = arith.constant 0 : i32
      %dma_wait3A_286 = tpu.memref_slice %arg4[%arg0, %mul3A_277, %dma_wait3A_285] : memref<2x10240x16xf32, #tpu.memory_space<hbm>> -> memref<1x640x16xf32, #tpu.memory_space<hbm>>
      %dma_wait3A_287 = tpu.memref_squeeze %dma_wait3A_286 : memref<1x640x16xf32, #tpu.memory_space<hbm>> -> memref<640x16xf32, #tpu.memory_space<hbm>>
      %dma_wait3A_288 = arith.constant 0 : i32
      %dma_wait3A_289 = tpu.memref_slice %arg4[%arg0, %mul3A_277, %dma_wait3A_288] : memref<2x10240x16xf32, #tpu.memory_space<hbm>> -> memref<1x640x16xf32, #tpu.memory_space<hbm>>
      %dma_wait3A_290 = tpu.memref_squeeze %dma_wait3A_289 : memref<1x640x16xf32, #tpu.memory_space<hbm>> -> memref<640x16xf32, #tpu.memory_space<hbm>>
      tpu.wait_dma2 semaphore(%run_scoped3A_278 : memref<!tpu.dma_semaphore, #tpu.memory_space<semaphore_mem>>) src(%arg11 : memref<640x16xf32, #tpu.memory_space<vmem>>) dst(%dma_wait3A_290 : memref<640x16xf32, #tpu.memory_space<hbm>>)
      tpu.yield
    }) : () -> ()
    return
  }
}

#map = affine_map<(d0, d1) -> (0, 0, 0)>
#map1 = affine_map<(d0, d1) -> (0)>
module attributes {stable_mosaic.version = 14 : i64} {
  func.func @_deg_kernel(%arg0: i32, %arg1: i32, %arg2: memref<2x32x10000xi32, #tpu.memory_space<hbm>>, %arg3: memref<327680xf32, #tpu.memory_space<hbm>>, %arg4: memref<10240xi32, #tpu.memory_space<vmem>>, %arg5: memref<10240xi32, #tpu.memory_space<vmem>>, %arg6: memref<256xf32, #tpu.memory_space<vmem>>, %arg7: memref<10240xf32, #tpu.memory_space<vmem>>, %arg8: memref<163840xf32, #tpu.memory_space<vmem_shared>>) attributes {dimension_semantics = [#tpu.dimension_semantics<core_parallel>, #tpu.dimension_semantics<subcore_parallel>], iteration_bounds = array<i64: 2, 16>, scalar_prefetch = 0 : i64, scratch_operands = 5 : i64, tpu.core_type = #tpu.core_type<sc_vector_subcore>, window_params = [{transform_indices = #map}, {transform_indices = #map1}]} {
    %mul3A = arith.constant 16 : i32
    %mul3A_0 = arith.muli %arg0, %mul3A : i32
    %add3A = arith.addi %mul3A_0, %arg1 : i32
    %broadcast_in_dim3A = arith.constant 1.000000e+00 : f32
    %broadcast_in_dim3A_1 = vector.broadcast %broadcast_in_dim3A : f32 to vector<16xf32>
    %swap3A = arith.constant 0 : index
    %swap3A_2 = tpu.vector_load %arg6[%swap3A] {strides = array<i32>} : memref<256xf32, #tpu.memory_space<vmem>>, vector<16xf32>,
    %swap3A_3 = vector.shape_cast %swap3A_2 : vector<16xf32> to vector<16xf32>
    %swap3A_4 = vector.shape_cast %broadcast_in_dim3A_1 : vector<16xf32> to vector<16xf32>
    tpu.vector_store %arg6[%swap3A], %swap3A_4 {strides = array<i32>} : memref<256xf32, #tpu.memory_space<vmem>>, vector<16xf32>,
    %broadcast_in_dim3A_5 = arith.constant 1.000000e+00 : f32
    %broadcast_in_dim3A_6 = vector.broadcast %broadcast_in_dim3A_5 : f32 to vector<16xf32>
    %swap3A_7 = arith.constant 16 : index
    %swap3A_8 = tpu.vector_load %arg6[%swap3A_7] {strides = array<i32>} : memref<256xf32, #tpu.memory_space<vmem>>, vector<16xf32>,
    %swap3A_9 = vector.shape_cast %swap3A_8 : vector<16xf32> to vector<16xf32>
    %swap3A_10 = vector.shape_cast %broadcast_in_dim3A_6 : vector<16xf32> to vector<16xf32>
    tpu.vector_store %arg6[%swap3A_7], %swap3A_10 {strides = array<i32>} : memref<256xf32, #tpu.memory_space<vmem>>, vector<16xf32>,
    %broadcast_in_dim3A_11 = arith.constant 1.000000e+00 : f32
    %broadcast_in_dim3A_12 = vector.broadcast %broadcast_in_dim3A_11 : f32 to vector<16xf32>
    %swap3A_13 = arith.constant 32 : index
    %swap3A_14 = tpu.vector_load %arg6[%swap3A_13] {strides = array<i32>} : memref<256xf32, #tpu.memory_space<vmem>>, vector<16xf32>,
    %swap3A_15 = vector.shape_cast %swap3A_14 : vector<16xf32> to vector<16xf32>
    %swap3A_16 = vector.shape_cast %broadcast_in_dim3A_12 : vector<16xf32> to vector<16xf32>
    tpu.vector_store %arg6[%swap3A_13], %swap3A_16 {strides = array<i32>} : memref<256xf32, #tpu.memory_space<vmem>>, vector<16xf32>,
    %broadcast_in_dim3A_17 = arith.constant 1.000000e+00 : f32
    %broadcast_in_dim3A_18 = vector.broadcast %broadcast_in_dim3A_17 : f32 to vector<16xf32>
    %swap3A_19 = arith.constant 48 : index
    %swap3A_20 = tpu.vector_load %arg6[%swap3A_19] {strides = array<i32>} : memref<256xf32, #tpu.memory_space<vmem>>, vector<16xf32>,
    %swap3A_21 = vector.shape_cast %swap3A_20 : vector<16xf32> to vector<16xf32>
    %swap3A_22 = vector.shape_cast %broadcast_in_dim3A_18 : vector<16xf32> to vector<16xf32>
    tpu.vector_store %arg6[%swap3A_19], %swap3A_22 {strides = array<i32>} : memref<256xf32, #tpu.memory_space<vmem>>, vector<16xf32>,
    %broadcast_in_dim3A_23 = arith.constant 1.000000e+00 : f32
    %broadcast_in_dim3A_24 = vector.broadcast %broadcast_in_dim3A_23 : f32 to vector<16xf32>
    %swap3A_25 = arith.constant 64 : index
    %swap3A_26 = tpu.vector_load %arg6[%swap3A_25] {strides = array<i32>} : memref<256xf32, #tpu.memory_space<vmem>>, vector<16xf32>,
    %swap3A_27 = vector.shape_cast %swap3A_26 : vector<16xf32> to vector<16xf32>
    %swap3A_28 = vector.shape_cast %broadcast_in_dim3A_24 : vector<16xf32> to vector<16xf32>
    tpu.vector_store %arg6[%swap3A_25], %swap3A_28 {strides = array<i32>} : memref<256xf32, #tpu.memory_space<vmem>>, vector<16xf32>,
    %broadcast_in_dim3A_29 = arith.constant 1.000000e+00 : f32
    %broadcast_in_dim3A_30 = vector.broadcast %broadcast_in_dim3A_29 : f32 to vector<16xf32>
    %swap3A_31 = arith.constant 80 : index
    %swap3A_32 = tpu.vector_load %arg6[%swap3A_31] {strides = array<i32>} : memref<256xf32, #tpu.memory_space<vmem>>, vector<16xf32>,
    %swap3A_33 = vector.shape_cast %swap3A_32 : vector<16xf32> to vector<16xf32>
    %swap3A_34 = vector.shape_cast %broadcast_in_dim3A_30 : vector<16xf32> to vector<16xf32>
    tpu.vector_store %arg6[%swap3A_31], %swap3A_34 {strides = array<i32>} : memref<256xf32, #tpu.memory_space<vmem>>, vector<16xf32>,
    %broadcast_in_dim3A_35 = arith.constant 1.000000e+00 : f32
    %broadcast_in_dim3A_36 = vector.broadcast %broadcast_in_dim3A_35 : f32 to vector<16xf32>
    %swap3A_37 = arith.constant 96 : index
    %swap3A_38 = tpu.vector_load %arg6[%swap3A_37] {strides = array<i32>} : memref<256xf32, #tpu.memory_space<vmem>>, vector<16xf32>,
    %swap3A_39 = vector.shape_cast %swap3A_38 : vector<16xf32> to vector<16xf32>
    %swap3A_40 = vector.shape_cast %broadcast_in_dim3A_36 : vector<16xf32> to vector<16xf32>
    tpu.vector_store %arg6[%swap3A_37], %swap3A_40 {strides = array<i32>} : memref<256xf32, #tpu.memory_space<vmem>>, vector<16xf32>,
    %broadcast_in_dim3A_41 = arith.constant 1.000000e+00 : f32
    %broadcast_in_dim3A_42 = vector.broadcast %broadcast_in_dim3A_41 : f32 to vector<16xf32>
    %swap3A_43 = arith.constant 112 : index
    %swap3A_44 = tpu.vector_load %arg6[%swap3A_43] {strides = array<i32>} : memref<256xf32, #tpu.memory_space<vmem>>, vector<16xf32>,
    %swap3A_45 = vector.shape_cast %swap3A_44 : vector<16xf32> to vector<16xf32>
    %swap3A_46 = vector.shape_cast %broadcast_in_dim3A_42 : vector<16xf32> to vector<16xf32>
    tpu.vector_store %arg6[%swap3A_43], %swap3A_46 {strides = array<i32>} : memref<256xf32, #tpu.memory_space<vmem>>, vector<16xf32>,
    %broadcast_in_dim3A_47 = arith.constant 1.000000e+00 : f32
    %broadcast_in_dim3A_48 = vector.broadcast %broadcast_in_dim3A_47 : f32 to vector<16xf32>
    %swap3A_49 = arith.constant 128 : index
    %swap3A_50 = tpu.vector_load %arg6[%swap3A_49] {strides = array<i32>} : memref<256xf32, #tpu.memory_space<vmem>>, vector<16xf32>,
    %swap3A_51 = vector.shape_cast %swap3A_50 : vector<16xf32> to vector<16xf32>
    %swap3A_52 = vector.shape_cast %broadcast_in_dim3A_48 : vector<16xf32> to vector<16xf32>
    tpu.vector_store %arg6[%swap3A_49], %swap3A_52 {strides = array<i32>} : memref<256xf32, #tpu.memory_space<vmem>>, vector<16xf32>,
    %broadcast_in_dim3A_53 = arith.constant 1.000000e+00 : f32
    %broadcast_in_dim3A_54 = vector.broadcast %broadcast_in_dim3A_53 : f32 to vector<16xf32>
    %swap3A_55 = arith.constant 144 : index
    %swap3A_56 = tpu.vector_load %arg6[%swap3A_55] {strides = array<i32>} : memref<256xf32, #tpu.memory_space<vmem>>, vector<16xf32>,
    %swap3A_57 = vector.shape_cast %swap3A_56 : vector<16xf32> to vector<16xf32>
    %swap3A_58 = vector.shape_cast %broadcast_in_dim3A_54 : vector<16xf32> to vector<16xf32>
    tpu.vector_store %arg6[%swap3A_55], %swap3A_58 {strides = array<i32>} : memref<256xf32, #tpu.memory_space<vmem>>, vector<16xf32>,
    %broadcast_in_dim3A_59 = arith.constant 1.000000e+00 : f32
    %broadcast_in_dim3A_60 = vector.broadcast %broadcast_in_dim3A_59 : f32 to vector<16xf32>
    %swap3A_61 = arith.constant 160 : index
    %swap3A_62 = tpu.vector_load %arg6[%swap3A_61] {strides = array<i32>} : memref<256xf32, #tpu.memory_space<vmem>>, vector<16xf32>,
    %swap3A_63 = vector.shape_cast %swap3A_62 : vector<16xf32> to vector<16xf32>
    %swap3A_64 = vector.shape_cast %broadcast_in_dim3A_60 : vector<16xf32> to vector<16xf32>
    tpu.vector_store %arg6[%swap3A_61], %swap3A_64 {strides = array<i32>} : memref<256xf32, #tpu.memory_space<vmem>>, vector<16xf32>,
    %broadcast_in_dim3A_65 = arith.constant 1.000000e+00 : f32
    %broadcast_in_dim3A_66 = vector.broadcast %broadcast_in_dim3A_65 : f32 to vector<16xf32>
    %swap3A_67 = arith.constant 176 : index
    %swap3A_68 = tpu.vector_load %arg6[%swap3A_67] {strides = array<i32>} : memref<256xf32, #tpu.memory_space<vmem>>, vector<16xf32>,
    %swap3A_69 = vector.shape_cast %swap3A_68 : vector<16xf32> to vector<16xf32>
    %swap3A_70 = vector.shape_cast %broadcast_in_dim3A_66 : vector<16xf32> to vector<16xf32>
    tpu.vector_store %arg6[%swap3A_67], %swap3A_70 {strides = array<i32>} : memref<256xf32, #tpu.memory_space<vmem>>, vector<16xf32>,
    %broadcast_in_dim3A_71 = arith.constant 1.000000e+00 : f32
    %broadcast_in_dim3A_72 = vector.broadcast %broadcast_in_dim3A_71 : f32 to vector<16xf32>
    %swap3A_73 = arith.constant 192 : index
    %swap3A_74 = tpu.vector_load %arg6[%swap3A_73] {strides = array<i32>} : memref<256xf32, #tpu.memory_space<vmem>>, vector<16xf32>,
    %swap3A_75 = vector.shape_cast %swap3A_74 : vector<16xf32> to vector<16xf32>
    %swap3A_76 = vector.shape_cast %broadcast_in_dim3A_72 : vector<16xf32> to vector<16xf32>
    tpu.vector_store %arg6[%swap3A_73], %swap3A_76 {strides = array<i32>} : memref<256xf32, #tpu.memory_space<vmem>>, vector<16xf32>,
    %broadcast_in_dim3A_77 = arith.constant 1.000000e+00 : f32
    %broadcast_in_dim3A_78 = vector.broadcast %broadcast_in_dim3A_77 : f32 to vector<16xf32>
    %swap3A_79 = arith.constant 208 : index
    %swap3A_80 = tpu.vector_load %arg6[%swap3A_79] {strides = array<i32>} : memref<256xf32, #tpu.memory_space<vmem>>, vector<16xf32>,
    %swap3A_81 = vector.shape_cast %swap3A_80 : vector<16xf32> to vector<16xf32>
    %swap3A_82 = vector.shape_cast %broadcast_in_dim3A_78 : vector<16xf32> to vector<16xf32>
    tpu.vector_store %arg6[%swap3A_79], %swap3A_82 {strides = array<i32>} : memref<256xf32, #tpu.memory_space<vmem>>, vector<16xf32>,
    %broadcast_in_dim3A_83 = arith.constant 1.000000e+00 : f32
    %broadcast_in_dim3A_84 = vector.broadcast %broadcast_in_dim3A_83 : f32 to vector<16xf32>
    %swap3A_85 = arith.constant 224 : index
    %swap3A_86 = tpu.vector_load %arg6[%swap3A_85] {strides = array<i32>} : memref<256xf32, #tpu.memory_space<vmem>>, vector<16xf32>,
    %swap3A_87 = vector.shape_cast %swap3A_86 : vector<16xf32> to vector<16xf32>
    %swap3A_88 = vector.shape_cast %broadcast_in_dim3A_84 : vector<16xf32> to vector<16xf32>
    tpu.vector_store %arg6[%swap3A_85], %swap3A_88 {strides = array<i32>} : memref<256xf32, #tpu.memory_space<vmem>>, vector<16xf32>,
    %broadcast_in_dim3A_89 = arith.constant 1.000000e+00 : f32
    %broadcast_in_dim3A_90 = vector.broadcast %broadcast_in_dim3A_89 : f32 to vector<16xf32>
    %swap3A_91 = arith.constant 240 : index
    %swap3A_92 = tpu.vector_load %arg6[%swap3A_91] {strides = array<i32>} : memref<256xf32, #tpu.memory_space<vmem>>, vector<16xf32>,
    %swap3A_93 = vector.shape_cast %swap3A_92 : vector<16xf32> to vector<16xf32>
    %swap3A_94 = vector.shape_cast %broadcast_in_dim3A_90 : vector<16xf32> to vector<16xf32>
    tpu.vector_store %arg6[%swap3A_91], %swap3A_94 {strides = array<i32>} : memref<256xf32, #tpu.memory_space<vmem>>, vector<16xf32>,
    %scan3A = arith.constant 0 : i32
    %scan3A_95 = arith.constant 0 : i32
    %scan3A_96 = arith.constant 640 : i32
    %scan3A_97 = arith.addi %scan3A_95, %scan3A_96 : i32
    %scan3A_98 = arith.constant 1 : i32
    scf.for %scan3A_223 = %scan3A_95 to %scan3A_97 step %scan3A_98  : i32 {
      %broadcast_in_dim3A_224 = arith.constant 0.000000e+00 : f32
      %broadcast_in_dim3A_225 = vector.broadcast %broadcast_in_dim3A_224 : f32 to vector<16xf32>
      %mul3A_226 = arith.constant 16 : i32
      %mul3A_227 = arith.muli %scan3A_223, %mul3A_226 : i32
      %swap3A_228 = arith.index_cast %mul3A_227 : i32 to index
      %swap3A_229 = tpu.vector_load %arg7[%swap3A_228] {strides = array<i32>} : memref<10240xf32, #tpu.memory_space<vmem>>, vector<16xf32>,
      %swap3A_230 = vector.shape_cast %swap3A_229 : vector<16xf32> to vector<16xf32>
      %swap3A_231 = vector.shape_cast %broadcast_in_dim3A_225 : vector<16xf32> to vector<16xf32>
      tpu.vector_store %arg7[%swap3A_228], %swap3A_231 {strides = array<i32>} : memref<10240xf32, #tpu.memory_space<vmem>>, vector<16xf32>,
    }
    %scan3A_99 = arith.constant 640 : i32
    %mul3A_100 = arith.constant 10240 : i32
    %mul3A_101 = arith.muli %arg1, %mul3A_100 : i32
    "tpu.region"() ({
      %run_scoped3A_223 = tpu.sem_alloc : memref<!tpu.dma_semaphore, #tpu.memory_space<semaphore_mem>>
      %dma_start3A = tpu.memref_slice %arg8[%mul3A_101] : memref<163840xf32, #tpu.memory_space<vmem_shared>> -> memref<10240xf32, #tpu.memory_space<vmem_shared>>
      %dma_start3A_224 = tpu.memref_slice %arg8[%mul3A_101] : memref<163840xf32, #tpu.memory_space<vmem_shared>> -> memref<10240xf32, #tpu.memory_space<vmem_shared>>
      tpu.enqueue_dma source(%arg7 : memref<10240xf32, #tpu.memory_space<vmem>>) target(%dma_start3A_224 : memref<10240xf32, #tpu.memory_space<vmem_shared>>) target_semaphore(%run_scoped3A_223 : memref<!tpu.dma_semaphore, #tpu.memory_space<semaphore_mem>>)
      %dma_wait3A = tpu.memref_slice %arg8[%mul3A_101] : memref<163840xf32, #tpu.memory_space<vmem_shared>> -> memref<10240xf32, #tpu.memory_space<vmem_shared>>
      %dma_wait3A_225 = tpu.memref_slice %arg8[%mul3A_101] : memref<163840xf32, #tpu.memory_space<vmem_shared>> -> memref<10240xf32, #tpu.memory_space<vmem_shared>>
      tpu.wait_dma2 semaphore(%run_scoped3A_223 : memref<!tpu.dma_semaphore, #tpu.memory_space<semaphore_mem>>) src(%arg7 : memref<10240xf32, #tpu.memory_space<vmem>>) dst(%dma_wait3A_225 : memref<10240xf32, #tpu.memory_space<vmem_shared>>)
      tpu.yield
    }) : () -> ()
    %run_scoped3A = arith.constant 1 : i32
    "tpu.region"() ({
      %run_scoped3A_223 = tpu.sem_alloc : memref<!tpu.dma_semaphore, #tpu.memory_space<semaphore_mem>>
      %dma_start3A = arith.constant 0 : i32
      %dma_start3A_224 = tpu.memref_slice %arg4[%dma_start3A] : memref<10240xi32, #tpu.memory_space<vmem>> -> memref<10000xi32, #tpu.memory_space<vmem>>
      %dma_start3A_225 = arith.constant 0 : i32
      %dma_start3A_226 = tpu.memref_slice %arg2[%run_scoped3A, %add3A, %dma_start3A_225] : memref<2x32x10000xi32, #tpu.memory_space<hbm>> -> memref<1x1x10000xi32, #tpu.memory_space<hbm>>
      %dma_start3A_227 = tpu.memref_squeeze %dma_start3A_226 : memref<1x1x10000xi32, #tpu.memory_space<hbm>> -> memref<10000xi32, #tpu.memory_space<hbm>>
      %dma_start3A_228 = arith.constant 0 : i32
      %dma_start3A_229 = tpu.memref_slice %arg4[%dma_start3A_228] : memref<10240xi32, #tpu.memory_space<vmem>> -> memref<10000xi32, #tpu.memory_space<vmem>>
      %dma_start3A_230 = arith.constant 0 : i32
      %dma_start3A_231 = tpu.memref_slice %arg2[%run_scoped3A, %add3A, %dma_start3A_230] : memref<2x32x10000xi32, #tpu.memory_space<hbm>> -> memref<1x1x10000xi32, #tpu.memory_space<hbm>>
      %dma_start3A_232 = tpu.memref_squeeze %dma_start3A_231 : memref<1x1x10000xi32, #tpu.memory_space<hbm>> -> memref<10000xi32, #tpu.memory_space<hbm>>
      tpu.enqueue_dma source(%dma_start3A_232 : memref<10000xi32, #tpu.memory_space<hbm>>) target(%dma_start3A_229 : memref<10000xi32, #tpu.memory_space<vmem>>) target_semaphore(%run_scoped3A_223 : memref<!tpu.dma_semaphore, #tpu.memory_space<semaphore_mem>>)
      %dma_wait3A = arith.constant 0 : i32
      %dma_wait3A_233 = tpu.memref_slice %arg4[%dma_wait3A] : memref<10240xi32, #tpu.memory_space<vmem>> -> memref<10000xi32, #tpu.memory_space<vmem>>
      %dma_wait3A_234 = arith.constant 0 : i32
      %dma_wait3A_235 = tpu.memref_slice %arg2[%run_scoped3A, %add3A, %dma_wait3A_234] : memref<2x32x10000xi32, #tpu.memory_space<hbm>> -> memref<1x1x10000xi32, #tpu.memory_space<hbm>>
      %dma_wait3A_236 = tpu.memref_squeeze %dma_wait3A_235 : memref<1x1x10000xi32, #tpu.memory_space<hbm>> -> memref<10000xi32, #tpu.memory_space<hbm>>
      %dma_wait3A_237 = arith.constant 0 : i32
      %dma_wait3A_238 = tpu.memref_slice %arg4[%dma_wait3A_237] : memref<10240xi32, #tpu.memory_space<vmem>> -> memref<10000xi32, #tpu.memory_space<vmem>>
      %dma_wait3A_239 = arith.constant 0 : i32
      %dma_wait3A_240 = tpu.memref_slice %arg2[%run_scoped3A, %add3A, %dma_wait3A_239] : memref<2x32x10000xi32, #tpu.memory_space<hbm>> -> memref<1x1x10000xi32, #tpu.memory_space<hbm>>
      %dma_wait3A_241 = tpu.memref_squeeze %dma_wait3A_240 : memref<1x1x10000xi32, #tpu.memory_space<hbm>> -> memref<10000xi32, #tpu.memory_space<hbm>>
      tpu.wait_dma2 semaphore(%run_scoped3A_223 : memref<!tpu.dma_semaphore, #tpu.memory_space<semaphore_mem>>) src(%dma_wait3A_241 : memref<10000xi32, #tpu.memory_space<hbm>>) dst(%dma_wait3A_238 : memref<10000xi32, #tpu.memory_space<vmem>>)
      tpu.yield
    }) : () -> ()
    %scan3A_102 = arith.constant 0 : i32
    %scan3A_103 = arith.constant 0 : i32
    %scan3A_104 = arith.constant 39 : i32
    %scan3A_105 = arith.addi %scan3A_103, %scan3A_104 : i32
    %scan3A_106 = arith.constant 1 : i32
    scf.for %scan3A_223 = %scan3A_103 to %scan3A_105 step %scan3A_106  : i32 {
      %mul3A_224 = arith.constant 256 : i32
      %mul3A_225 = arith.muli %scan3A_223, %mul3A_224 : i32
      %add3A_226 = arith.constant 0 : i32
      %add3A_227 = arith.addi %mul3A_225, %add3A_226 : i32
      %get3A_228 = arith.index_cast %add3A_227 : i32 to index
      %get3A_229 = tpu.vector_load %arg4[%get3A_228] {strides = array<i32>} : memref<10240xi32, #tpu.memory_space<vmem>>, vector<16xi32>,
      %get3A_230 = vector.shape_cast %get3A_229 : vector<16xi32> to vector<16xi32>
      %mul3A_231 = arith.constant 16 : i32
      %mul3A_232 = vector.broadcast %mul3A_231 : i32 to vector<16xi32>
      %mul3A_233 = arith.muli %get3A_230, %mul3A_232 : vector<16xi32>
      %mul3A_234 = arith.constant 256 : i32
      %mul3A_235 = arith.muli %scan3A_223, %mul3A_234 : i32
      %add3A_236 = arith.constant 0 : i32
      %add3A_237 = arith.addi %mul3A_235, %add3A_236 : i32
      %swap3A_238 = arith.index_cast %add3A_237 : i32 to index
      %swap3A_239 = tpu.vector_load %arg5[%swap3A_238] {strides = array<i32>} : memref<10240xi32, #tpu.memory_space<vmem>>, vector<16xi32>,
      %swap3A_240 = vector.shape_cast %swap3A_239 : vector<16xi32> to vector<16xi32>
      %swap3A_241 = vector.shape_cast %mul3A_233 : vector<16xi32> to vector<16xi32>
      tpu.vector_store %arg5[%swap3A_238], %swap3A_241 {strides = array<i32>} : memref<10240xi32, #tpu.memory_space<vmem>>, vector<16xi32>,
      %mul3A_242 = arith.constant 256 : i32
      %mul3A_243 = arith.muli %scan3A_223, %mul3A_242 : i32
      %add3A_244 = arith.constant 16 : i32
      %add3A_245 = arith.addi %mul3A_243, %add3A_244 : i32
      %get3A_246 = arith.index_cast %add3A_245 : i32 to index
      %get3A_247 = tpu.vector_load %arg4[%get3A_246] {strides = array<i32>} : memref<10240xi32, #tpu.memory_space<vmem>>, vector<16xi32>,
      %get3A_248 = vector.shape_cast %get3A_247 : vector<16xi32> to vector<16xi32>
      %mul3A_249 = arith.constant 16 : i32
      %mul3A_250 = vector.broadcast %mul3A_249 : i32 to vector<16xi32>
      %mul3A_251 = arith.muli %get3A_248, %mul3A_250 : vector<16xi32>
      %mul3A_252 = arith.constant 256 : i32
      %mul3A_253 = arith.muli %scan3A_223, %mul3A_252 : i32
      %add3A_254 = arith.constant 16 : i32
      %add3A_255 = arith.addi %mul3A_253, %add3A_254 : i32
      %swap3A_256 = arith.index_cast %add3A_255 : i32 to index
      %swap3A_257 = tpu.vector_load %arg5[%swap3A_256] {strides = array<i32>} : memref<10240xi32, #tpu.memory_space<vmem>>, vector<16xi32>,
      %swap3A_258 = vector.shape_cast %swap3A_257 : vector<16xi32> to vector<16xi32>
      %swap3A_259 = vector.shape_cast %mul3A_251 : vector<16xi32> to vector<16xi32>
      tpu.vector_store %arg5[%swap3A_256], %swap3A_259 {strides = array<i32>} : memref<10240xi32, #tpu.memory_space<vmem>>, vector<16xi32>,
      %mul3A_260 = arith.constant 256 : i32
      %mul3A_261 = arith.muli %scan3A_223, %mul3A_260 : i32
      %add3A_262 = arith.constant 32 : i32
      %add3A_263 = arith.addi %mul3A_261, %add3A_262 : i32
      %get3A_264 = arith.index_cast %add3A_263 : i32 to index
      %get3A_265 = tpu.vector_load %arg4[%get3A_264] {strides = array<i32>} : memref<10240xi32, #tpu.memory_space<vmem>>, vector<16xi32>,
      %get3A_266 = vector.shape_cast %get3A_265 : vector<16xi32> to vector<16xi32>
      %mul3A_267 = arith.constant 16 : i32
      %mul3A_268 = vector.broadcast %mul3A_267 : i32 to vector<16xi32>
      %mul3A_269 = arith.muli %get3A_266, %mul3A_268 : vector<16xi32>
      %mul3A_270 = arith.constant 256 : i32
      %mul3A_271 = arith.muli %scan3A_223, %mul3A_270 : i32
      %add3A_272 = arith.constant 32 : i32
      %add3A_273 = arith.addi %mul3A_271, %add3A_272 : i32
      %swap3A_274 = arith.index_cast %add3A_273 : i32 to index
      %swap3A_275 = tpu.vector_load %arg5[%swap3A_274] {strides = array<i32>} : memref<10240xi32, #tpu.memory_space<vmem>>, vector<16xi32>,
      %swap3A_276 = vector.shape_cast %swap3A_275 : vector<16xi32> to vector<16xi32>
      %swap3A_277 = vector.shape_cast %mul3A_269 : vector<16xi32> to vector<16xi32>
      tpu.vector_store %arg5[%swap3A_274], %swap3A_277 {strides = array<i32>} : memref<10240xi32, #tpu.memory_space<vmem>>, vector<16xi32>,
      %mul3A_278 = arith.constant 256 : i32
      %mul3A_279 = arith.muli %scan3A_223, %mul3A_278 : i32
      %add3A_280 = arith.constant 48 : i32
      %add3A_281 = arith.addi %mul3A_279, %add3A_280 : i32
      %get3A_282 = arith.index_cast %add3A_281 : i32 to index
      %get3A_283 = tpu.vector_load %arg4[%get3A_282] {strides = array<i32>} : memref<10240xi32, #tpu.memory_space<vmem>>, vector<16xi32>,
      %get3A_284 = vector.shape_cast %get3A_283 : vector<16xi32> to vector<16xi32>
      %mul3A_285 = arith.constant 16 : i32
      %mul3A_286 = vector.broadcast %mul3A_285 : i32 to vector<16xi32>
      %mul3A_287 = arith.muli %get3A_284, %mul3A_286 : vector<16xi32>
      %mul3A_288 = arith.constant 256 : i32
      %mul3A_289 = arith.muli %scan3A_223, %mul3A_288 : i32
      %add3A_290 = arith.constant 48 : i32
      %add3A_291 = arith.addi %mul3A_289, %add3A_290 : i32
      %swap3A_292 = arith.index_cast %add3A_291 : i32 to index
      %swap3A_293 = tpu.vector_load %arg5[%swap3A_292] {strides = array<i32>} : memref<10240xi32, #tpu.memory_space<vmem>>, vector<16xi32>,
      %swap3A_294 = vector.shape_cast %swap3A_293 : vector<16xi32> to vector<16xi32>
      %swap3A_295 = vector.shape_cast %mul3A_287 : vector<16xi32> to vector<16xi32>
      tpu.vector_store %arg5[%swap3A_292], %swap3A_295 {strides = array<i32>} : memref<10240xi32, #tpu.memory_space<vmem>>, vector<16xi32>,
      %mul3A_296 = arith.constant 256 : i32
      %mul3A_297 = arith.muli %scan3A_223, %mul3A_296 : i32
      %add3A_298 = arith.constant 64 : i32
      %add3A_299 = arith.addi %mul3A_297, %add3A_298 : i32
      %get3A_300 = arith.index_cast %add3A_299 : i32 to index
      %get3A_301 = tpu.vector_load %arg4[%get3A_300] {strides = array<i32>} : memref<10240xi32, #tpu.memory_space<vmem>>, vector<16xi32>,
      %get3A_302 = vector.shape_cast %get3A_301 : vector<16xi32> to vector<16xi32>
      %mul3A_303 = arith.constant 16 : i32
      %mul3A_304 = vector.broadcast %mul3A_303 : i32 to vector<16xi32>
      %mul3A_305 = arith.muli %get3A_302, %mul3A_304 : vector<16xi32>
      %mul3A_306 = arith.constant 256 : i32
      %mul3A_307 = arith.muli %scan3A_223, %mul3A_306 : i32
      %add3A_308 = arith.constant 64 : i32
      %add3A_309 = arith.addi %mul3A_307, %add3A_308 : i32
      %swap3A_310 = arith.index_cast %add3A_309 : i32 to index
      %swap3A_311 = tpu.vector_load %arg5[%swap3A_310] {strides = array<i32>} : memref<10240xi32, #tpu.memory_space<vmem>>, vector<16xi32>,
      %swap3A_312 = vector.shape_cast %swap3A_311 : vector<16xi32> to vector<16xi32>
      %swap3A_313 = vector.shape_cast %mul3A_305 : vector<16xi32> to vector<16xi32>
      tpu.vector_store %arg5[%swap3A_310], %swap3A_313 {strides = array<i32>} : memref<10240xi32, #tpu.memory_space<vmem>>, vector<16xi32>,
      %mul3A_314 = arith.constant 256 : i32
      %mul3A_315 = arith.muli %scan3A_223, %mul3A_314 : i32
      %add3A_316 = arith.constant 80 : i32
      %add3A_317 = arith.addi %mul3A_315, %add3A_316 : i32
      %get3A_318 = arith.index_cast %add3A_317 : i32 to index
      %get3A_319 = tpu.vector_load %arg4[%get3A_318] {strides = array<i32>} : memref<10240xi32, #tpu.memory_space<vmem>>, vector<16xi32>,
      %get3A_320 = vector.shape_cast %get3A_319 : vector<16xi32> to vector<16xi32>
      %mul3A_321 = arith.constant 16 : i32
      %mul3A_322 = vector.broadcast %mul3A_321 : i32 to vector<16xi32>
      %mul3A_323 = arith.muli %get3A_320, %mul3A_322 : vector<16xi32>
      %mul3A_324 = arith.constant 256 : i32
      %mul3A_325 = arith.muli %scan3A_223, %mul3A_324 : i32
      %add3A_326 = arith.constant 80 : i32
      %add3A_327 = arith.addi %mul3A_325, %add3A_326 : i32
      %swap3A_328 = arith.index_cast %add3A_327 : i32 to index
      %swap3A_329 = tpu.vector_load %arg5[%swap3A_328] {strides = array<i32>} : memref<10240xi32, #tpu.memory_space<vmem>>, vector<16xi32>,
      %swap3A_330 = vector.shape_cast %swap3A_329 : vector<16xi32> to vector<16xi32>
      %swap3A_331 = vector.shape_cast %mul3A_323 : vector<16xi32> to vector<16xi32>
      tpu.vector_store %arg5[%swap3A_328], %swap3A_331 {strides = array<i32>} : memref<10240xi32, #tpu.memory_space<vmem>>, vector<16xi32>,
      %mul3A_332 = arith.constant 256 : i32
      %mul3A_333 = arith.muli %scan3A_223, %mul3A_332 : i32
      %add3A_334 = arith.constant 96 : i32
      %add3A_335 = arith.addi %mul3A_333, %add3A_334 : i32
      %get3A_336 = arith.index_cast %add3A_335 : i32 to index
      %get3A_337 = tpu.vector_load %arg4[%get3A_336] {strides = array<i32>} : memref<10240xi32, #tpu.memory_space<vmem>>, vector<16xi32>,
      %get3A_338 = vector.shape_cast %get3A_337 : vector<16xi32> to vector<16xi32>
      %mul3A_339 = arith.constant 16 : i32
      %mul3A_340 = vector.broadcast %mul3A_339 : i32 to vector<16xi32>
      %mul3A_341 = arith.muli %get3A_338, %mul3A_340 : vector<16xi32>
      %mul3A_342 = arith.constant 256 : i32
      %mul3A_343 = arith.muli %scan3A_223, %mul3A_342 : i32
      %add3A_344 = arith.constant 96 : i32
      %add3A_345 = arith.addi %mul3A_343, %add3A_344 : i32
      %swap3A_346 = arith.index_cast %add3A_345 : i32 to index
      %swap3A_347 = tpu.vector_load %arg5[%swap3A_346] {strides = array<i32>} : memref<10240xi32, #tpu.memory_space<vmem>>, vector<16xi32>,
      %swap3A_348 = vector.shape_cast %swap3A_347 : vector<16xi32> to vector<16xi32>
      %swap3A_349 = vector.shape_cast %mul3A_341 : vector<16xi32> to vector<16xi32>
      tpu.vector_store %arg5[%swap3A_346], %swap3A_349 {strides = array<i32>} : memref<10240xi32, #tpu.memory_space<vmem>>, vector<16xi32>,
      %mul3A_350 = arith.constant 256 : i32
      %mul3A_351 = arith.muli %scan3A_223, %mul3A_350 : i32
      %add3A_352 = arith.constant 112 : i32
      %add3A_353 = arith.addi %mul3A_351, %add3A_352 : i32
      %get3A_354 = arith.index_cast %add3A_353 : i32 to index
      %get3A_355 = tpu.vector_load %arg4[%get3A_354] {strides = array<i32>} : memref<10240xi32, #tpu.memory_space<vmem>>, vector<16xi32>,
      %get3A_356 = vector.shape_cast %get3A_355 : vector<16xi32> to vector<16xi32>
      %mul3A_357 = arith.constant 16 : i32
      %mul3A_358 = vector.broadcast %mul3A_357 : i32 to vector<16xi32>
      %mul3A_359 = arith.muli %get3A_356, %mul3A_358 : vector<16xi32>
      %mul3A_360 = arith.constant 256 : i32
      %mul3A_361 = arith.muli %scan3A_223, %mul3A_360 : i32
      %add3A_362 = arith.constant 112 : i32
      %add3A_363 = arith.addi %mul3A_361, %add3A_362 : i32
      %swap3A_364 = arith.index_cast %add3A_363 : i32 to index
      %swap3A_365 = tpu.vector_load %arg5[%swap3A_364] {strides = array<i32>} : memref<10240xi32, #tpu.memory_space<vmem>>, vector<16xi32>,
      %swap3A_366 = vector.shape_cast %swap3A_365 : vector<16xi32> to vector<16xi32>
      %swap3A_367 = vector.shape_cast %mul3A_359 : vector<16xi32> to vector<16xi32>
      tpu.vector_store %arg5[%swap3A_364], %swap3A_367 {strides = array<i32>} : memref<10240xi32, #tpu.memory_space<vmem>>, vector<16xi32>,
      %mul3A_368 = arith.constant 256 : i32
      %mul3A_369 = arith.muli %scan3A_223, %mul3A_368 : i32
      %add3A_370 = arith.constant 128 : i32
      %add3A_371 = arith.addi %mul3A_369, %add3A_370 : i32
      %get3A_372 = arith.index_cast %add3A_371 : i32 to index
      %get3A_373 = tpu.vector_load %arg4[%get3A_372] {strides = array<i32>} : memref<10240xi32, #tpu.memory_space<vmem>>, vector<16xi32>,
      %get3A_374 = vector.shape_cast %get3A_373 : vector<16xi32> to vector<16xi32>
      %mul3A_375 = arith.constant 16 : i32
      %mul3A_376 = vector.broadcast %mul3A_375 : i32 to vector<16xi32>
      %mul3A_377 = arith.muli %get3A_374, %mul3A_376 : vector<16xi32>
      %mul3A_378 = arith.constant 256 : i32
      %mul3A_379 = arith.muli %scan3A_223, %mul3A_378 : i32
      %add3A_380 = arith.constant 128 : i32
      %add3A_381 = arith.addi %mul3A_379, %add3A_380 : i32
      %swap3A_382 = arith.index_cast %add3A_381 : i32 to index
      %swap3A_383 = tpu.vector_load %arg5[%swap3A_382] {strides = array<i32>} : memref<10240xi32, #tpu.memory_space<vmem>>, vector<16xi32>,
      %swap3A_384 = vector.shape_cast %swap3A_383 : vector<16xi32> to vector<16xi32>
      %swap3A_385 = vector.shape_cast %mul3A_377 : vector<16xi32> to vector<16xi32>
      tpu.vector_store %arg5[%swap3A_382], %swap3A_385 {strides = array<i32>} : memref<10240xi32, #tpu.memory_space<vmem>>, vector<16xi32>,
      %mul3A_386 = arith.constant 256 : i32
      %mul3A_387 = arith.muli %scan3A_223, %mul3A_386 : i32
      %add3A_388 = arith.constant 144 : i32
      %add3A_389 = arith.addi %mul3A_387, %add3A_388 : i32
      %get3A_390 = arith.index_cast %add3A_389 : i32 to index
      %get3A_391 = tpu.vector_load %arg4[%get3A_390] {strides = array<i32>} : memref<10240xi32, #tpu.memory_space<vmem>>, vector<16xi32>,
      %get3A_392 = vector.shape_cast %get3A_391 : vector<16xi32> to vector<16xi32>
      %mul3A_393 = arith.constant 16 : i32
      %mul3A_394 = vector.broadcast %mul3A_393 : i32 to vector<16xi32>
      %mul3A_395 = arith.muli %get3A_392, %mul3A_394 : vector<16xi32>
      %mul3A_396 = arith.constant 256 : i32
      %mul3A_397 = arith.muli %scan3A_223, %mul3A_396 : i32
      %add3A_398 = arith.constant 144 : i32
      %add3A_399 = arith.addi %mul3A_397, %add3A_398 : i32
      %swap3A_400 = arith.index_cast %add3A_399 : i32 to index
      %swap3A_401 = tpu.vector_load %arg5[%swap3A_400] {strides = array<i32>} : memref<10240xi32, #tpu.memory_space<vmem>>, vector<16xi32>,
      %swap3A_402 = vector.shape_cast %swap3A_401 : vector<16xi32> to vector<16xi32>
      %swap3A_403 = vector.shape_cast %mul3A_395 : vector<16xi32> to vector<16xi32>
      tpu.vector_store %arg5[%swap3A_400], %swap3A_403 {strides = array<i32>} : memref<10240xi32, #tpu.memory_space<vmem>>, vector<16xi32>,
      %mul3A_404 = arith.constant 256 : i32
      %mul3A_405 = arith.muli %scan3A_223, %mul3A_404 : i32
      %add3A_406 = arith.constant 160 : i32
      %add3A_407 = arith.addi %mul3A_405, %add3A_406 : i32
      %get3A_408 = arith.index_cast %add3A_407 : i32 to index
      %get3A_409 = tpu.vector_load %arg4[%get3A_408] {strides = array<i32>} : memref<10240xi32, #tpu.memory_space<vmem>>, vector<16xi32>,
      %get3A_410 = vector.shape_cast %get3A_409 : vector<16xi32> to vector<16xi32>
      %mul3A_411 = arith.constant 16 : i32
      %mul3A_412 = vector.broadcast %mul3A_411 : i32 to vector<16xi32>
      %mul3A_413 = arith.muli %get3A_410, %mul3A_412 : vector<16xi32>
      %mul3A_414 = arith.constant 256 : i32
      %mul3A_415 = arith.muli %scan3A_223, %mul3A_414 : i32
      %add3A_416 = arith.constant 160 : i32
      %add3A_417 = arith.addi %mul3A_415, %add3A_416 : i32
      %swap3A_418 = arith.index_cast %add3A_417 : i32 to index
      %swap3A_419 = tpu.vector_load %arg5[%swap3A_418] {strides = array<i32>} : memref<10240xi32, #tpu.memory_space<vmem>>, vector<16xi32>,
      %swap3A_420 = vector.shape_cast %swap3A_419 : vector<16xi32> to vector<16xi32>
      %swap3A_421 = vector.shape_cast %mul3A_413 : vector<16xi32> to vector<16xi32>
      tpu.vector_store %arg5[%swap3A_418], %swap3A_421 {strides = array<i32>} : memref<10240xi32, #tpu.memory_space<vmem>>, vector<16xi32>,
      %mul3A_422 = arith.constant 256 : i32
      %mul3A_423 = arith.muli %scan3A_223, %mul3A_422 : i32
      %add3A_424 = arith.constant 176 : i32
      %add3A_425 = arith.addi %mul3A_423, %add3A_424 : i32
      %get3A_426 = arith.index_cast %add3A_425 : i32 to index
      %get3A_427 = tpu.vector_load %arg4[%get3A_426] {strides = array<i32>} : memref<10240xi32, #tpu.memory_space<vmem>>, vector<16xi32>,
      %get3A_428 = vector.shape_cast %get3A_427 : vector<16xi32> to vector<16xi32>
      %mul3A_429 = arith.constant 16 : i32
      %mul3A_430 = vector.broadcast %mul3A_429 : i32 to vector<16xi32>
      %mul3A_431 = arith.muli %get3A_428, %mul3A_430 : vector<16xi32>
      %mul3A_432 = arith.constant 256 : i32
      %mul3A_433 = arith.muli %scan3A_223, %mul3A_432 : i32
      %add3A_434 = arith.constant 176 : i32
      %add3A_435 = arith.addi %mul3A_433, %add3A_434 : i32
      %swap3A_436 = arith.index_cast %add3A_435 : i32 to index
      %swap3A_437 = tpu.vector_load %arg5[%swap3A_436] {strides = array<i32>} : memref<10240xi32, #tpu.memory_space<vmem>>, vector<16xi32>,
      %swap3A_438 = vector.shape_cast %swap3A_437 : vector<16xi32> to vector<16xi32>
      %swap3A_439 = vector.shape_cast %mul3A_431 : vector<16xi32> to vector<16xi32>
      tpu.vector_store %arg5[%swap3A_436], %swap3A_439 {strides = array<i32>} : memref<10240xi32, #tpu.memory_space<vmem>>, vector<16xi32>,
      %mul3A_440 = arith.constant 256 : i32
      %mul3A_441 = arith.muli %scan3A_223, %mul3A_440 : i32
      %add3A_442 = arith.constant 192 : i32
      %add3A_443 = arith.addi %mul3A_441, %add3A_442 : i32
      %get3A_444 = arith.index_cast %add3A_443 : i32 to index
      %get3A_445 = tpu.vector_load %arg4[%get3A_444] {strides = array<i32>} : memref<10240xi32, #tpu.memory_space<vmem>>, vector<16xi32>,
      %get3A_446 = vector.shape_cast %get3A_445 : vector<16xi32> to vector<16xi32>
      %mul3A_447 = arith.constant 16 : i32
      %mul3A_448 = vector.broadcast %mul3A_447 : i32 to vector<16xi32>
      %mul3A_449 = arith.muli %get3A_446, %mul3A_448 : vector<16xi32>
      %mul3A_450 = arith.constant 256 : i32
      %mul3A_451 = arith.muli %scan3A_223, %mul3A_450 : i32
      %add3A_452 = arith.constant 192 : i32
      %add3A_453 = arith.addi %mul3A_451, %add3A_452 : i32
      %swap3A_454 = arith.index_cast %add3A_453 : i32 to index
      %swap3A_455 = tpu.vector_load %arg5[%swap3A_454] {strides = array<i32>} : memref<10240xi32, #tpu.memory_space<vmem>>, vector<16xi32>,
      %swap3A_456 = vector.shape_cast %swap3A_455 : vector<16xi32> to vector<16xi32>
      %swap3A_457 = vector.shape_cast %mul3A_449 : vector<16xi32> to vector<16xi32>
      tpu.vector_store %arg5[%swap3A_454], %swap3A_457 {strides = array<i32>} : memref<10240xi32, #tpu.memory_space<vmem>>, vector<16xi32>,
      %mul3A_458 = arith.constant 256 : i32
      %mul3A_459 = arith.muli %scan3A_223, %mul3A_458 : i32
      %add3A_460 = arith.constant 208 : i32
      %add3A_461 = arith.addi %mul3A_459, %add3A_460 : i32
      %get3A_462 = arith.index_cast %add3A_461 : i32 to index
      %get3A_463 = tpu.vector_load %arg4[%get3A_462] {strides = array<i32>} : memref<10240xi32, #tpu.memory_space<vmem>>, vector<16xi32>,
      %get3A_464 = vector.shape_cast %get3A_463 : vector<16xi32> to vector<16xi32>
      %mul3A_465 = arith.constant 16 : i32
      %mul3A_466 = vector.broadcast %mul3A_465 : i32 to vector<16xi32>
      %mul3A_467 = arith.muli %get3A_464, %mul3A_466 : vector<16xi32>
      %mul3A_468 = arith.constant 256 : i32
      %mul3A_469 = arith.muli %scan3A_223, %mul3A_468 : i32
      %add3A_470 = arith.constant 208 : i32
      %add3A_471 = arith.addi %mul3A_469, %add3A_470 : i32
      %swap3A_472 = arith.index_cast %add3A_471 : i32 to index
      %swap3A_473 = tpu.vector_load %arg5[%swap3A_472] {strides = array<i32>} : memref<10240xi32, #tpu.memory_space<vmem>>, vector<16xi32>,
      %swap3A_474 = vector.shape_cast %swap3A_473 : vector<16xi32> to vector<16xi32>
      %swap3A_475 = vector.shape_cast %mul3A_467 : vector<16xi32> to vector<16xi32>
      tpu.vector_store %arg5[%swap3A_472], %swap3A_475 {strides = array<i32>} : memref<10240xi32, #tpu.memory_space<vmem>>, vector<16xi32>,
      %mul3A_476 = arith.constant 256 : i32
      %mul3A_477 = arith.muli %scan3A_223, %mul3A_476 : i32
      %add3A_478 = arith.constant 224 : i32
      %add3A_479 = arith.addi %mul3A_477, %add3A_478 : i32
      %get3A_480 = arith.index_cast %add3A_479 : i32 to index
      %get3A_481 = tpu.vector_load %arg4[%get3A_480] {strides = array<i32>} : memref<10240xi32, #tpu.memory_space<vmem>>, vector<16xi32>,
      %get3A_482 = vector.shape_cast %get3A_481 : vector<16xi32> to vector<16xi32>
      %mul3A_483 = arith.constant 16 : i32
      %mul3A_484 = vector.broadcast %mul3A_483 : i32 to vector<16xi32>
      %mul3A_485 = arith.muli %get3A_482, %mul3A_484 : vector<16xi32>
      %mul3A_486 = arith.constant 256 : i32
      %mul3A_487 = arith.muli %scan3A_223, %mul3A_486 : i32
      %add3A_488 = arith.constant 224 : i32
      %add3A_489 = arith.addi %mul3A_487, %add3A_488 : i32
      %swap3A_490 = arith.index_cast %add3A_489 : i32 to index
      %swap3A_491 = tpu.vector_load %arg5[%swap3A_490] {strides = array<i32>} : memref<10240xi32, #tpu.memory_space<vmem>>, vector<16xi32>,
      %swap3A_492 = vector.shape_cast %swap3A_491 : vector<16xi32> to vector<16xi32>
      %swap3A_493 = vector.shape_cast %mul3A_485 : vector<16xi32> to vector<16xi32>
      tpu.vector_store %arg5[%swap3A_490], %swap3A_493 {strides = array<i32>} : memref<10240xi32, #tpu.memory_space<vmem>>, vector<16xi32>,
      %mul3A_494 = arith.constant 256 : i32
      %mul3A_495 = arith.muli %scan3A_223, %mul3A_494 : i32
      %add3A_496 = arith.constant 240 : i32
      %add3A_497 = arith.addi %mul3A_495, %add3A_496 : i32
      %get3A_498 = arith.index_cast %add3A_497 : i32 to index
      %get3A_499 = tpu.vector_load %arg4[%get3A_498] {strides = array<i32>} : memref<10240xi32, #tpu.memory_space<vmem>>, vector<16xi32>,
      %get3A_500 = vector.shape_cast %get3A_499 : vector<16xi32> to vector<16xi32>
      %mul3A_501 = arith.constant 16 : i32
      %mul3A_502 = vector.broadcast %mul3A_501 : i32 to vector<16xi32>
      %mul3A_503 = arith.muli %get3A_500, %mul3A_502 : vector<16xi32>
      %mul3A_504 = arith.constant 256 : i32
      %mul3A_505 = arith.muli %scan3A_223, %mul3A_504 : i32
      %add3A_506 = arith.constant 240 : i32
      %add3A_507 = arith.addi %mul3A_505, %add3A_506 : i32
      %swap3A_508 = arith.index_cast %add3A_507 : i32 to index
      %swap3A_509 = tpu.vector_load %arg5[%swap3A_508] {strides = array<i32>} : memref<10240xi32, #tpu.memory_space<vmem>>, vector<16xi32>,
      %swap3A_510 = vector.shape_cast %swap3A_509 : vector<16xi32> to vector<16xi32>
      %swap3A_511 = vector.shape_cast %mul3A_503 : vector<16xi32> to vector<16xi32>
      tpu.vector_store %arg5[%swap3A_508], %swap3A_511 {strides = array<i32>} : memref<10240xi32, #tpu.memory_space<vmem>>, vector<16xi32>,
    }
    %scan3A_107 = arith.constant 39 : i32
    %get3A = arith.constant 9984 : index
    %get3A_108 = tpu.vector_load %arg4[%get3A] {strides = array<i32>} : memref<10240xi32, #tpu.memory_space<vmem>>, vector<16xi32>,
    %get3A_109 = vector.shape_cast %get3A_108 : vector<16xi32> to vector<16xi32>
    %mul3A_110 = arith.constant 16 : i32
    %mul3A_111 = vector.broadcast %mul3A_110 : i32 to vector<16xi32>
    %mul3A_112 = arith.muli %get3A_109, %mul3A_111 : vector<16xi32>
    %swap3A_113 = arith.constant 9984 : index
    %swap3A_114 = tpu.vector_load %arg5[%swap3A_113] {strides = array<i32>} : memref<10240xi32, #tpu.memory_space<vmem>>, vector<16xi32>,
    %swap3A_115 = vector.shape_cast %swap3A_114 : vector<16xi32> to vector<16xi32>
    %swap3A_116 = vector.shape_cast %mul3A_112 : vector<16xi32> to vector<16xi32>
    tpu.vector_store %arg5[%swap3A_113], %swap3A_116 {strides = array<i32>} : memref<10240xi32, #tpu.memory_space<vmem>>, vector<16xi32>,
    %broadcast_in_dim3A_117 = arith.constant 160000 : i32
    %broadcast_in_dim3A_118 = vector.broadcast %broadcast_in_dim3A_117 : i32 to vector<16xi32>
    %swap3A_119 = arith.constant 10000 : index
    %swap3A_120 = tpu.vector_load %arg5[%swap3A_119] {strides = array<i32>} : memref<10240xi32, #tpu.memory_space<vmem>>, vector<16xi32>,
    %swap3A_121 = vector.shape_cast %swap3A_120 : vector<16xi32> to vector<16xi32>
    %swap3A_122 = vector.shape_cast %broadcast_in_dim3A_118 : vector<16xi32> to vector<16xi32>
    tpu.vector_store %arg5[%swap3A_119], %swap3A_122 {strides = array<i32>} : memref<10240xi32, #tpu.memory_space<vmem>>, vector<16xi32>,
    %broadcast_in_dim3A_123 = arith.constant 160000 : i32
    %broadcast_in_dim3A_124 = vector.broadcast %broadcast_in_dim3A_123 : i32 to vector<16xi32>
    %swap3A_125 = arith.constant 10016 : index
    %swap3A_126 = tpu.vector_load %arg5[%swap3A_125] {strides = array<i32>} : memref<10240xi32, #tpu.memory_space<vmem>>, vector<16xi32>,
    %swap3A_127 = vector.shape_cast %swap3A_126 : vector<16xi32> to vector<16xi32>
    %swap3A_128 = vector.shape_cast %broadcast_in_dim3A_124 : vector<16xi32> to vector<16xi32>
    tpu.vector_store %arg5[%swap3A_125], %swap3A_128 {strides = array<i32>} : memref<10240xi32, #tpu.memory_space<vmem>>, vector<16xi32>,
    %broadcast_in_dim3A_129 = arith.constant 160000 : i32
    %broadcast_in_dim3A_130 = vector.broadcast %broadcast_in_dim3A_129 : i32 to vector<16xi32>
    %swap3A_131 = arith.constant 10032 : index
    %swap3A_132 = tpu.vector_load %arg5[%swap3A_131] {strides = array<i32>} : memref<10240xi32, #tpu.memory_space<vmem>>, vector<16xi32>,
    %swap3A_133 = vector.shape_cast %swap3A_132 : vector<16xi32> to vector<16xi32>
    %swap3A_134 = vector.shape_cast %broadcast_in_dim3A_130 : vector<16xi32> to vector<16xi32>
    tpu.vector_store %arg5[%swap3A_131], %swap3A_134 {strides = array<i32>} : memref<10240xi32, #tpu.memory_space<vmem>>, vector<16xi32>,
    %broadcast_in_dim3A_135 = arith.constant 160000 : i32
    %broadcast_in_dim3A_136 = vector.broadcast %broadcast_in_dim3A_135 : i32 to vector<16xi32>
    %swap3A_137 = arith.constant 10048 : index
    %swap3A_138 = tpu.vector_load %arg5[%swap3A_137] {strides = array<i32>} : memref<10240xi32, #tpu.memory_space<vmem>>, vector<16xi32>,
    %swap3A_139 = vector.shape_cast %swap3A_138 : vector<16xi32> to vector<16xi32>
    %swap3A_140 = vector.shape_cast %broadcast_in_dim3A_136 : vector<16xi32> to vector<16xi32>
    tpu.vector_store %arg5[%swap3A_137], %swap3A_140 {strides = array<i32>} : memref<10240xi32, #tpu.memory_space<vmem>>, vector<16xi32>,
    %broadcast_in_dim3A_141 = arith.constant 160000 : i32
    %broadcast_in_dim3A_142 = vector.broadcast %broadcast_in_dim3A_141 : i32 to vector<16xi32>
    %swap3A_143 = arith.constant 10064 : index
    %swap3A_144 = tpu.vector_load %arg5[%swap3A_143] {strides = array<i32>} : memref<10240xi32, #tpu.memory_space<vmem>>, vector<16xi32>,
    %swap3A_145 = vector.shape_cast %swap3A_144 : vector<16xi32> to vector<16xi32>
    %swap3A_146 = vector.shape_cast %broadcast_in_dim3A_142 : vector<16xi32> to vector<16xi32>
    tpu.vector_store %arg5[%swap3A_143], %swap3A_146 {strides = array<i32>} : memref<10240xi32, #tpu.memory_space<vmem>>, vector<16xi32>,
    %broadcast_in_dim3A_147 = arith.constant 160000 : i32
    %broadcast_in_dim3A_148 = vector.broadcast %broadcast_in_dim3A_147 : i32 to vector<16xi32>
    %swap3A_149 = arith.constant 10080 : index
    %swap3A_150 = tpu.vector_load %arg5[%swap3A_149] {strides = array<i32>} : memref<10240xi32, #tpu.memory_space<vmem>>, vector<16xi32>,
    %swap3A_151 = vector.shape_cast %swap3A_150 : vector<16xi32> to vector<16xi32>
    %swap3A_152 = vector.shape_cast %broadcast_in_dim3A_148 : vector<16xi32> to vector<16xi32>
    tpu.vector_store %arg5[%swap3A_149], %swap3A_152 {strides = array<i32>} : memref<10240xi32, #tpu.memory_space<vmem>>, vector<16xi32>,
    %broadcast_in_dim3A_153 = arith.constant 160000 : i32
    %broadcast_in_dim3A_154 = vector.broadcast %broadcast_in_dim3A_153 : i32 to vector<16xi32>
    %swap3A_155 = arith.constant 10096 : index
    %swap3A_156 = tpu.vector_load %arg5[%swap3A_155] {strides = array<i32>} : memref<10240xi32, #tpu.memory_space<vmem>>, vector<16xi32>,
    %swap3A_157 = vector.shape_cast %swap3A_156 : vector<16xi32> to vector<16xi32>
    %swap3A_158 = vector.shape_cast %broadcast_in_dim3A_154 : vector<16xi32> to vector<16xi32>
    tpu.vector_store %arg5[%swap3A_155], %swap3A_158 {strides = array<i32>} : memref<10240xi32, #tpu.memory_space<vmem>>, vector<16xi32>,
    %broadcast_in_dim3A_159 = arith.constant 160000 : i32
    %broadcast_in_dim3A_160 = vector.broadcast %broadcast_in_dim3A_159 : i32 to vector<16xi32>
    %swap3A_161 = arith.constant 10112 : index
    %swap3A_162 = tpu.vector_load %arg5[%swap3A_161] {strides = array<i32>} : memref<10240xi32, #tpu.memory_space<vmem>>, vector<16xi32>,
    %swap3A_163 = vector.shape_cast %swap3A_162 : vector<16xi32> to vector<16xi32>
    %swap3A_164 = vector.shape_cast %broadcast_in_dim3A_160 : vector<16xi32> to vector<16xi32>
    tpu.vector_store %arg5[%swap3A_161], %swap3A_164 {strides = array<i32>} : memref<10240xi32, #tpu.memory_space<vmem>>, vector<16xi32>,
    %broadcast_in_dim3A_165 = arith.constant 160000 : i32
    %broadcast_in_dim3A_166 = vector.broadcast %broadcast_in_dim3A_165 : i32 to vector<16xi32>
    %swap3A_167 = arith.constant 10128 : index
    %swap3A_168 = tpu.vector_load %arg5[%swap3A_167] {strides = array<i32>} : memref<10240xi32, #tpu.memory_space<vmem>>, vector<16xi32>,
    %swap3A_169 = vector.shape_cast %swap3A_168 : vector<16xi32> to vector<16xi32>
    %swap3A_170 = vector.shape_cast %broadcast_in_dim3A_166 : vector<16xi32> to vector<16xi32>
    tpu.vector_store %arg5[%swap3A_167], %swap3A_170 {strides = array<i32>} : memref<10240xi32, #tpu.memory_space<vmem>>, vector<16xi32>,
    %broadcast_in_dim3A_171 = arith.constant 160000 : i32
    %broadcast_in_dim3A_172 = vector.broadcast %broadcast_in_dim3A_171 : i32 to vector<16xi32>
    %swap3A_173 = arith.constant 10144 : index
    %swap3A_174 = tpu.vector_load %arg5[%swap3A_173] {strides = array<i32>} : memref<10240xi32, #tpu.memory_space<vmem>>, vector<16xi32>,
    %swap3A_175 = vector.shape_cast %swap3A_174 : vector<16xi32> to vector<16xi32>
    %swap3A_176 = vector.shape_cast %broadcast_in_dim3A_172 : vector<16xi32> to vector<16xi32>
    tpu.vector_store %arg5[%swap3A_173], %swap3A_176 {strides = array<i32>} : memref<10240xi32, #tpu.memory_space<vmem>>, vector<16xi32>,
    %broadcast_in_dim3A_177 = arith.constant 160000 : i32
    %broadcast_in_dim3A_178 = vector.broadcast %broadcast_in_dim3A_177 : i32 to vector<16xi32>
    %swap3A_179 = arith.constant 10160 : index
    %swap3A_180 = tpu.vector_load %arg5[%swap3A_179] {strides = array<i32>} : memref<10240xi32, #tpu.memory_space<vmem>>, vector<16xi32>,
    %swap3A_181 = vector.shape_cast %swap3A_180 : vector<16xi32> to vector<16xi32>
    %swap3A_182 = vector.shape_cast %broadcast_in_dim3A_178 : vector<16xi32> to vector<16xi32>
    tpu.vector_store %arg5[%swap3A_179], %swap3A_182 {strides = array<i32>} : memref<10240xi32, #tpu.memory_space<vmem>>, vector<16xi32>,
    %broadcast_in_dim3A_183 = arith.constant 160000 : i32
    %broadcast_in_dim3A_184 = vector.broadcast %broadcast_in_dim3A_183 : i32 to vector<16xi32>
    %swap3A_185 = arith.constant 10176 : index
    %swap3A_186 = tpu.vector_load %arg5[%swap3A_185] {strides = array<i32>} : memref<10240xi32, #tpu.memory_space<vmem>>, vector<16xi32>,
    %swap3A_187 = vector.shape_cast %swap3A_186 : vector<16xi32> to vector<16xi32>
    %swap3A_188 = vector.shape_cast %broadcast_in_dim3A_184 : vector<16xi32> to vector<16xi32>
    tpu.vector_store %arg5[%swap3A_185], %swap3A_188 {strides = array<i32>} : memref<10240xi32, #tpu.memory_space<vmem>>, vector<16xi32>,
    %broadcast_in_dim3A_189 = arith.constant 160000 : i32
    %broadcast_in_dim3A_190 = vector.broadcast %broadcast_in_dim3A_189 : i32 to vector<16xi32>
    %swap3A_191 = arith.constant 10192 : index
    %swap3A_192 = tpu.vector_load %arg5[%swap3A_191] {strides = array<i32>} : memref<10240xi32, #tpu.memory_space<vmem>>, vector<16xi32>,
    %swap3A_193 = vector.shape_cast %swap3A_192 : vector<16xi32> to vector<16xi32>
    %swap3A_194 = vector.shape_cast %broadcast_in_dim3A_190 : vector<16xi32> to vector<16xi32>
    tpu.vector_store %arg5[%swap3A_191], %swap3A_194 {strides = array<i32>} : memref<10240xi32, #tpu.memory_space<vmem>>, vector<16xi32>,
    %broadcast_in_dim3A_195 = arith.constant 160000 : i32
    %broadcast_in_dim3A_196 = vector.broadcast %broadcast_in_dim3A_195 : i32 to vector<16xi32>
    %swap3A_197 = arith.constant 10208 : index
    %swap3A_198 = tpu.vector_load %arg5[%swap3A_197] {strides = array<i32>} : memref<10240xi32, #tpu.memory_space<vmem>>, vector<16xi32>,
    %swap3A_199 = vector.shape_cast %swap3A_198 : vector<16xi32> to vector<16xi32>
    %swap3A_200 = vector.shape_cast %broadcast_in_dim3A_196 : vector<16xi32> to vector<16xi32>
    tpu.vector_store %arg5[%swap3A_197], %swap3A_200 {strides = array<i32>} : memref<10240xi32, #tpu.memory_space<vmem>>, vector<16xi32>,
    %broadcast_in_dim3A_201 = arith.constant 160000 : i32
    %broadcast_in_dim3A_202 = vector.broadcast %broadcast_in_dim3A_201 : i32 to vector<16xi32>
    %swap3A_203 = arith.constant 10224 : index
    %swap3A_204 = tpu.vector_load %arg5[%swap3A_203] {strides = array<i32>} : memref<10240xi32, #tpu.memory_space<vmem>>, vector<16xi32>,
    %swap3A_205 = vector.shape_cast %swap3A_204 : vector<16xi32> to vector<16xi32>
    %swap3A_206 = vector.shape_cast %broadcast_in_dim3A_202 : vector<16xi32> to vector<16xi32>
    tpu.vector_store %arg5[%swap3A_203], %swap3A_206 {strides = array<i32>} : memref<10240xi32, #tpu.memory_space<vmem>>, vector<16xi32>,
    %barrier3A = arith.constant 0 : index
    tpu.barrier barrier_id(%barrier3A)
    %scan3A_207 = arith.constant 0 : i32
    %scan3A_208 = arith.constant 0 : i32
    %scan3A_209 = arith.constant 40 : i32
    %scan3A_210 = arith.addi %scan3A_208, %scan3A_209 : i32
    %scan3A_211 = arith.constant 1 : i32
    scf.for %scan3A_223 = %scan3A_208 to %scan3A_210 step %scan3A_211  : i32 {
      %mul3A_224 = arith.constant 256 : i32
      %mul3A_225 = arith.muli %scan3A_223, %mul3A_224 : i32
      "tpu.region"() ({
        %run_scoped3A_226 = tpu.sem_alloc : memref<!tpu.dma_semaphore, #tpu.memory_space<semaphore_mem>>
        %dma_start3A = tpu.memref_slice %arg5[%mul3A_225] : memref<10240xi32, #tpu.memory_space<vmem>> -> memref<256xi32, #tpu.memory_space<vmem>>
        %dma_start3A_227 = arith.constant 0 : i32
        %dma_start3A_228 = tpu.memref_slice %arg8[%dma_start3A_227] : memref<163840xf32, #tpu.memory_space<vmem_shared>> -> memref<163840xf32, #tpu.memory_space<vmem_shared>>
        tpu.enqueue_indirect_dma source(%arg6 : memref<256xf32, #tpu.memory_space<vmem>>) target(%dma_start3A_228 : memref<163840xf32, #tpu.memory_space<vmem_shared>>) offsets(%dma_start3A : memref<256xi32, #tpu.memory_space<vmem>>) semaphore(%run_scoped3A_226 : memref<!tpu.dma_semaphore, #tpu.memory_space<semaphore_mem>>) {add = true}
        %dma_wait3A = tpu.memref_slice %arg5[%mul3A_225] : memref<10240xi32, #tpu.memory_space<vmem>> -> memref<256xi32, #tpu.memory_space<vmem>>
        %dma_wait3A_229 = arith.constant 0 : i32
        %dma_wait3A_230 = tpu.memref_slice %arg8[%dma_wait3A_229] : memref<163840xf32, #tpu.memory_space<vmem_shared>> -> memref<163840xf32, #tpu.memory_space<vmem_shared>>
        tpu.wait_indirect_dma semaphore(%run_scoped3A_226 : memref<!tpu.dma_semaphore, #tpu.memory_space<semaphore_mem>>) src(%arg6 : memref<256xf32, #tpu.memory_space<vmem>>) dst(%dma_wait3A_230 : memref<163840xf32, #tpu.memory_space<vmem_shared>>)
        tpu.yield
      }) : () -> ()
    }
    %scan3A_212 = arith.constant 40 : i32
    %barrier3A_213 = arith.constant 0 : index
    tpu.barrier barrier_id(%barrier3A_213)
    %mul3A_214 = arith.constant 10240 : i32
    %mul3A_215 = arith.muli %arg1, %mul3A_214 : i32
    "tpu.region"() ({
      %run_scoped3A_223 = tpu.sem_alloc : memref<!tpu.dma_semaphore, #tpu.memory_space<semaphore_mem>>
      %dma_start3A = tpu.memref_slice %arg8[%mul3A_215] : memref<163840xf32, #tpu.memory_space<vmem_shared>> -> memref<10240xf32, #tpu.memory_space<vmem_shared>>
      %dma_start3A_224 = tpu.memref_slice %arg8[%mul3A_215] : memref<163840xf32, #tpu.memory_space<vmem_shared>> -> memref<10240xf32, #tpu.memory_space<vmem_shared>>
      tpu.enqueue_dma source(%dma_start3A_224 : memref<10240xf32, #tpu.memory_space<vmem_shared>>) target(%arg7 : memref<10240xf32, #tpu.memory_space<vmem>>) target_semaphore(%run_scoped3A_223 : memref<!tpu.dma_semaphore, #tpu.memory_space<semaphore_mem>>)
      %dma_wait3A = tpu.memref_slice %arg8[%mul3A_215] : memref<163840xf32, #tpu.memory_space<vmem_shared>> -> memref<10240xf32, #tpu.memory_space<vmem_shared>>
      %dma_wait3A_225 = tpu.memref_slice %arg8[%mul3A_215] : memref<163840xf32, #tpu.memory_space<vmem_shared>> -> memref<10240xf32, #tpu.memory_space<vmem_shared>>
      tpu.wait_dma2 semaphore(%run_scoped3A_223 : memref<!tpu.dma_semaphore, #tpu.memory_space<semaphore_mem>>) src(%dma_wait3A_225 : memref<10240xf32, #tpu.memory_space<vmem_shared>>) dst(%arg7 : memref<10240xf32, #tpu.memory_space<vmem>>)
      tpu.yield
    }) : () -> ()
    %mul3A_216 = arith.constant 10240 : i32
    %mul3A_217 = arith.muli %arg0, %mul3A_216 : i32
    %mul3A_218 = arith.constant 16 : i32
    %mul3A_219 = arith.muli %mul3A_217, %mul3A_218 : i32
    %mul3A_220 = arith.constant 10240 : i32
    %mul3A_221 = arith.muli %arg1, %mul3A_220 : i32
    %add3A_222 = arith.addi %mul3A_219, %mul3A_221 : i32
    "tpu.region"() ({
      %run_scoped3A_223 = tpu.sem_alloc : memref<!tpu.dma_semaphore, #tpu.memory_space<semaphore_mem>>
      %dma_start3A = tpu.memref_slice %arg3[%add3A_222] : memref<327680xf32, #tpu.memory_space<hbm>> -> memref<10240xf32, #tpu.memory_space<hbm>>
      %dma_start3A_224 = tpu.memref_slice %arg3[%add3A_222] : memref<327680xf32, #tpu.memory_space<hbm>> -> memref<10240xf32, #tpu.memory_space<hbm>>
      tpu.enqueue_dma source(%arg7 : memref<10240xf32, #tpu.memory_space<vmem>>) target(%dma_start3A_224 : memref<10240xf32, #tpu.memory_space<hbm>>) target_semaphore(%run_scoped3A_223 : memref<!tpu.dma_semaphore, #tpu.memory_space<semaphore_mem>>)
      %dma_wait3A = tpu.memref_slice %arg3[%add3A_222] : memref<327680xf32, #tpu.memory_space<hbm>> -> memref<10240xf32, #tpu.memory_space<hbm>>
      %dma_wait3A_225 = tpu.memref_slice %arg3[%add3A_222] : memref<327680xf32, #tpu.memory_space<hbm>> -> memref<10240xf32, #tpu.memory_space<hbm>>
      tpu.wait_dma2 semaphore(%run_scoped3A_223 : memref<!tpu.dma_semaphore, #tpu.memory_space<semaphore_mem>>) src(%arg7 : memref<10240xf32, #tpu.memory_space<vmem>>) dst(%dma_wait3A_225 : memref<10240xf32, #tpu.memory_space<hbm>>)
      tpu.yield
    }) : () -> ()
    return
  }
}

module attributes {stable_mosaic.version = 14 : i64} {
  func.func @_tc1_body(%arg0: memref<1280x1024xf32, #tpu.memory_space<vmem>>, %arg1: memref<1024x128xf32, #tpu.memory_space<vmem>>, %arg2: memref<327680xf32, #tpu.memory_space<vmem>>, %arg3: memref<128x128xf32, #tpu.memory_space<vmem>>, %arg4: memref<1280x128xf32, #tpu.memory_space<vmem>>, %arg5: memref<163840xf32, #tpu.memory_space<vmem>>) attributes {dimension_semantics = [], scalar_prefetch = 0 : i64, scratch_operands = 0 : i64, tpu.core_type = #tpu.core_type<tc>} {
    %get3A = arith.constant 0 : index
    %get3A_0 = vector.load %arg2[%get3A] : memref<327680xf32, #tpu.memory_space<vmem>>, vector<327680xf32>
    %reshape3A = vector.shape_cast %get3A_0 : vector<327680xf32> to vector<2560x128xf32>
    %slice3A = vector.extract_strided_slice %reshape3A {offsets = [0, 0], sizes = [1280, 128], strides = [1, 1]} : vector<2560x128xf32> to vector<1280x128xf32>
    %slice3A_1 = vector.extract_strided_slice %reshape3A {offsets = [1280, 0], sizes = [1280, 128], strides = [1, 1]} : vector<2560x128xf32> to vector<1280x128xf32>
    %add3A = arith.addf %slice3A, %slice3A_1 : vector<1280x128xf32>
    %get3A_2 = arith.constant 0 : index
    %get3A_3 = arith.constant 0 : index
    %get3A_4 = vector.load %arg3[%get3A_2, %get3A_3] : memref<128x128xf32, #tpu.memory_space<vmem>>, vector<128x128xf32>
    %dot_general3A = arith.constant dense<0.000000e+00> : vector<1280x128xf32>
    %dot_general3A_5 = tpu.matmul %add3A, %get3A_4, %dot_general3A {dimension_numbers = #tpu.dot_dimension_numbers<[1], [0], [0], [1], [0, 0, 1, 1], [], []>, transpose_lhs_hint = false} : vector<1280x128xf32>, vector<128x128xf32>, vector<1280x128xf32> -> vector<1280x128xf32>
    %add3A_6 = arith.constant 1.000000e+00 : f32
    %add3A_7 = vector.broadcast %add3A_6 : f32 to vector<1280x128xf32>
    %add3A_8 = arith.addf %dot_general3A_5, %add3A_7 : vector<1280x128xf32>
    %rsqrt3A = math.rsqrt %add3A_8 : vector<1280x128xf32>
    %swap3A = arith.constant 0 : index
    %swap3A_9 = arith.constant 0 : index
    %swap3A_10 = vector.load %arg4[%swap3A, %swap3A_9] : memref<1280x128xf32, #tpu.memory_space<vmem>>, vector<1280x128xf32>
    tpu.vector_store %arg4[%swap3A, %swap3A_9], %rsqrt3A {strides = array<i32>} : memref<1280x128xf32, #tpu.memory_space<vmem>>, vector<1280x128xf32>,
    %get3A_11 = arith.constant 0 : index
    %get3A_12 = arith.constant 0 : index
    %get3A_13 = vector.load %arg0[%get3A_11, %get3A_12] : memref<1280x1024xf32, #tpu.memory_space<vmem>>, vector<1280x1024xf32>
    %get3A_14 = arith.constant 0 : index
    %get3A_15 = arith.constant 0 : index
    %get3A_16 = vector.load %arg1[%get3A_14, %get3A_15] : memref<1024x128xf32, #tpu.memory_space<vmem>>, vector<1024x128xf32>
    %dot_general3A_17 = arith.constant dense<0.000000e+00> : vector<1280x128xf32>
    %dot_general3A_18 = tpu.matmul %get3A_13, %get3A_16, %dot_general3A_17 {dimension_numbers = #tpu.dot_dimension_numbers<[1], [0], [0], [1], [0, 0, 1, 1], [], []>, transpose_lhs_hint = false} : vector<1280x1024xf32>, vector<1024x128xf32>, vector<1280x128xf32> -> vector<1280x128xf32>
    %mul3A = arith.mulf %dot_general3A_18, %rsqrt3A : vector<1280x128xf32>
    %reshape3A_19 = vector.shape_cast %mul3A : vector<1280x128xf32> to vector<163840xf32>
    %swap3A_20 = arith.constant 0 : index
    %swap3A_21 = vector.load %arg5[%swap3A_20] : memref<163840xf32, #tpu.memory_space<vmem>>, vector<163840xf32>
    tpu.vector_store %arg5[%swap3A_20], %reshape3A_19 {strides = array<i32>} : memref<163840xf32, #tpu.memory_space<vmem>>, vector<163840xf32>,
    return
  }
}

module attributes {stable_mosaic.version = 14 : i64} {
  func.func @_tc2_body(%arg0: memref<327680xf32, #tpu.memory_space<vmem>>, %arg1: memref<1280x128xf32, #tpu.memory_space<vmem>>, %arg2: memref<1x128xf32, #tpu.memory_space<vmem>>, %arg3: memref<128x128xf32, #tpu.memory_space<vmem>>, %arg4: memref<163840xf32, #tpu.memory_space<vmem>>) attributes {dimension_semantics = [], scalar_prefetch = 0 : i64, scratch_operands = 0 : i64, tpu.core_type = #tpu.core_type<tc>} {
    %get3A = arith.constant 0 : index
    %get3A_0 = arith.constant 0 : index
    %get3A_1 = vector.load %arg1[%get3A, %get3A_0] : memref<1280x128xf32, #tpu.memory_space<vmem>>, vector<1280x128xf32>
    %get3A_2 = arith.constant 0 : index
    %get3A_3 = vector.load %arg0[%get3A_2] : memref<327680xf32, #tpu.memory_space<vmem>>, vector<327680xf32>
    %reshape3A = vector.shape_cast %get3A_3 : vector<327680xf32> to vector<2560x128xf32>
    %slice3A = vector.extract_strided_slice %reshape3A {offsets = [0, 0], sizes = [1280, 128], strides = [1, 1]} : vector<2560x128xf32> to vector<1280x128xf32>
    %slice3A_4 = vector.extract_strided_slice %reshape3A {offsets = [1280, 0], sizes = [1280, 128], strides = [1, 1]} : vector<2560x128xf32> to vector<1280x128xf32>
    %add3A = arith.addf %slice3A, %slice3A_4 : vector<1280x128xf32>
    %mul3A = arith.mulf %get3A_1, %add3A : vector<1280x128xf32>
    %get3A_5 = arith.constant 0 : index
    %get3A_6 = arith.constant 0 : index
    %get3A_7 = vector.load %arg2[%get3A_5, %get3A_6] : memref<1x128xf32, #tpu.memory_space<vmem>>, vector<1x128xf32>
    %add3A_8 = vector.broadcast %get3A_7 : vector<1x128xf32> to vector<1280x128xf32>
    %add3A_9 = arith.addf %mul3A, %add3A_8 : vector<1280x128xf32>
    %max3A = arith.constant 0.000000e+00 : f32
    %max3A_10 = vector.broadcast %max3A : f32 to vector<1280x128xf32>
    %max3A_11 = arith.maximumf %add3A_9, %max3A_10 : vector<1280x128xf32>
    %get3A_12 = arith.constant 0 : index
    %get3A_13 = arith.constant 0 : index
    %get3A_14 = vector.load %arg3[%get3A_12, %get3A_13] : memref<128x128xf32, #tpu.memory_space<vmem>>, vector<128x128xf32>
    %dot_general3A = arith.constant dense<0.000000e+00> : vector<1280x128xf32>
    %dot_general3A_15 = tpu.matmul %max3A_11, %get3A_14, %dot_general3A {dimension_numbers = #tpu.dot_dimension_numbers<[1], [0], [0], [1], [0, 0, 1, 1], [], []>, transpose_lhs_hint = false} : vector<1280x128xf32>, vector<128x128xf32>, vector<1280x128xf32> -> vector<1280x128xf32>
    %mul3A_16 = arith.mulf %dot_general3A_15, %get3A_1 : vector<1280x128xf32>
    %reshape3A_17 = vector.shape_cast %mul3A_16 : vector<1280x128xf32> to vector<163840xf32>
    %swap3A = arith.constant 0 : index
    %swap3A_18 = vector.load %arg4[%swap3A] : memref<163840xf32, #tpu.memory_space<vmem>>, vector<163840xf32>
    tpu.vector_store %arg4[%swap3A], %reshape3A_17 {strides = array<i32>} : memref<163840xf32, #tpu.memory_space<vmem>>, vector<163840xf32>,
    return
  }
}

module attributes {stable_mosaic.version = 14 : i64} {
  func.func @_tc3_body(%arg0: memref<327680xf32, #tpu.memory_space<vmem>>, %arg1: memref<1280x128xf32, #tpu.memory_space<vmem>>, %arg2: memref<1x128xf32, #tpu.memory_space<vmem>>, %arg3: memref<163840xf32, #tpu.memory_space<vmem>>) attributes {dimension_semantics = [], scalar_prefetch = 0 : i64, scratch_operands = 0 : i64, tpu.core_type = #tpu.core_type<tc>} {
    %get3A = arith.constant 0 : index
    %get3A_0 = arith.constant 0 : index
    %get3A_1 = vector.load %arg1[%get3A, %get3A_0] : memref<1280x128xf32, #tpu.memory_space<vmem>>, vector<1280x128xf32>
    %get3A_2 = arith.constant 0 : index
    %get3A_3 = vector.load %arg0[%get3A_2] : memref<327680xf32, #tpu.memory_space<vmem>>, vector<327680xf32>
    %reshape3A = vector.shape_cast %get3A_3 : vector<327680xf32> to vector<2560x128xf32>
    %slice3A = vector.extract_strided_slice %reshape3A {offsets = [0, 0], sizes = [1280, 128], strides = [1, 1]} : vector<2560x128xf32> to vector<1280x128xf32>
    %slice3A_4 = vector.extract_strided_slice %reshape3A {offsets = [1280, 0], sizes = [1280, 128], strides = [1, 1]} : vector<2560x128xf32> to vector<1280x128xf32>
    %add3A = arith.addf %slice3A, %slice3A_4 : vector<1280x128xf32>
    %mul3A = arith.mulf %get3A_1, %add3A : vector<1280x128xf32>
    %get3A_5 = arith.constant 0 : index
    %get3A_6 = arith.constant 0 : index
    %get3A_7 = vector.load %arg2[%get3A_5, %get3A_6] : memref<1x128xf32, #tpu.memory_space<vmem>>, vector<1x128xf32>
    %add3A_8 = vector.broadcast %get3A_7 : vector<1x128xf32> to vector<1280x128xf32>
    %add3A_9 = arith.addf %mul3A, %add3A_8 : vector<1280x128xf32>
    %iota3A = tpu.iota {dimensions = array<i32: 1>} : vector<1280x128xi32>
    %jit3A = arith.constant 16 : i32
    %eq3A = arith.constant 0 : i32
    %eq3A_10 = arith.cmpi eq, %jit3A, %eq3A : i32
    %jit3A_11 = arith.constant 1 : i32
    %select_n3A = arith.select %eq3A_10, %jit3A_11, %jit3A : i32
    %rem3A = vector.broadcast %select_n3A : i32 to vector<1280x128xi32>
    %rem3A_12 = arith.remsi %iota3A, %rem3A : vector<1280x128xi32>
    %ne3A = arith.constant 0 : i32
    %ne3A_13 = vector.broadcast %ne3A : i32 to vector<1280x128xi32>
    %ne3A_14 = arith.cmpi ne, %rem3A_12, %ne3A_13 : vector<1280x128xi32>
    %lt3A = arith.constant 0 : i32
    %lt3A_15 = vector.broadcast %lt3A : i32 to vector<1280x128xi32>
    %lt3A_16 = arith.cmpi slt, %rem3A_12, %lt3A_15 : vector<1280x128xi32>
    %lt3A_17 = arith.constant 0 : i32
    %lt3A_18 = arith.cmpi slt, %select_n3A, %lt3A_17 : i32
    %ne3A_19 = vector.broadcast %lt3A_18 : i1 to vector<1280x128xi1>
    %ne3A_20 = vector.broadcast %ne3A_19 : vector<1280x128xi1> to vector<1280x128xi1>
    %ne3A_21 = arith.xori %lt3A_16, %ne3A_20 : vector<1280x128xi1>
    %and3A = arith.andi %ne3A_21, %ne3A_14 : vector<1280x128xi1>
    %add3A_22 = vector.broadcast %select_n3A : i32 to vector<1280x128xi32>
    %add3A_23 = arith.addi %rem3A_12, %add3A_22 : vector<1280x128xi32>
    %select_n3A_24 = arith.select %and3A, %add3A_23, %rem3A_12 : vector<1280x128xi1>, vector<1280x128xi32>
    %eq3A_25 = arith.constant 0 : i32
    %eq3A_26 = vector.broadcast %eq3A_25 : i32 to vector<1280x128xi32>
    %eq3A_27 = arith.cmpi eq, %select_n3A_24, %eq3A_26 : vector<1280x128xi32>
    %roll3A = arith.constant 127 : i32
    %roll3A_28 = tpu.dynamic_rotate %add3A_9 by %roll3A dim 1 : vector<1280x128xf32>, i32 -> vector<1280x128xf32>
    %max3A = arith.maximumf %add3A_9, %roll3A_28 : vector<1280x128xf32>
    %roll3A_29 = arith.constant 126 : i32
    %roll3A_30 = tpu.dynamic_rotate %add3A_9 by %roll3A_29 dim 1 : vector<1280x128xf32>, i32 -> vector<1280x128xf32>
    %max3A_31 = arith.maximumf %max3A, %roll3A_30 : vector<1280x128xf32>
    %jit3A_32 = arith.constant 0.000000e+00 : f32
    %broadcast_in_dim3A = vector.broadcast %jit3A_32 : f32 to vector<1280x128xf32>
    %select_n3A_33 = arith.select %eq3A_27, %max3A_31, %broadcast_in_dim3A : vector<1280x128xi1>, vector<1280x128xf32>
    %roll3A_34 = arith.constant 1 : i32
    %roll3A_35 = tpu.dynamic_rotate %select_n3A_33 by %roll3A_34 dim 1 : vector<1280x128xf32>, i32 -> vector<1280x128xf32>
    %add3A_36 = arith.addf %select_n3A_33, %roll3A_35 : vector<1280x128xf32>
    %roll3A_37 = arith.constant 2 : i32
    %roll3A_38 = tpu.dynamic_rotate %select_n3A_33 by %roll3A_37 dim 1 : vector<1280x128xf32>, i32 -> vector<1280x128xf32>
    %add3A_39 = arith.addf %add3A_36, %roll3A_38 : vector<1280x128xf32>
    %sub3A = arith.subf %add3A_9, %add3A_39 : vector<1280x128xf32>
    %exp3A = math.exp %sub3A : vector<1280x128xf32>
    %roll3A_40 = arith.constant 127 : i32
    %roll3A_41 = tpu.dynamic_rotate %exp3A by %roll3A_40 dim 1 : vector<1280x128xf32>, i32 -> vector<1280x128xf32>
    %add3A_42 = arith.addf %exp3A, %roll3A_41 : vector<1280x128xf32>
    %roll3A_43 = arith.constant 126 : i32
    %roll3A_44 = tpu.dynamic_rotate %exp3A by %roll3A_43 dim 1 : vector<1280x128xf32>, i32 -> vector<1280x128xf32>
    %add3A_45 = arith.addf %add3A_42, %roll3A_44 : vector<1280x128xf32>
    %log3A = math.log %add3A_45 : vector<1280x128xf32>
    %jit3A_46 = arith.constant 0.000000e+00 : f32
    %broadcast_in_dim3A_47 = vector.broadcast %jit3A_46 : f32 to vector<1280x128xf32>
    %select_n3A_48 = arith.select %eq3A_27, %log3A, %broadcast_in_dim3A_47 : vector<1280x128xi1>, vector<1280x128xf32>
    %roll3A_49 = arith.constant 1 : i32
    %roll3A_50 = tpu.dynamic_rotate %select_n3A_48 by %roll3A_49 dim 1 : vector<1280x128xf32>, i32 -> vector<1280x128xf32>
    %add3A_51 = arith.addf %select_n3A_48, %roll3A_50 : vector<1280x128xf32>
    %roll3A_52 = arith.constant 2 : i32
    %roll3A_53 = tpu.dynamic_rotate %select_n3A_48 by %roll3A_52 dim 1 : vector<1280x128xf32>, i32 -> vector<1280x128xf32>
    %add3A_54 = arith.addf %add3A_51, %roll3A_53 : vector<1280x128xf32>
    %sub3A_55 = arith.subf %add3A_9, %add3A_39 : vector<1280x128xf32>
    %sub3A_56 = arith.subf %sub3A_55, %add3A_54 : vector<1280x128xf32>
    %reshape3A_57 = vector.shape_cast %sub3A_56 : vector<1280x128xf32> to vector<163840xf32>
    %swap3A = arith.constant 0 : index
    %swap3A_58 = vector.load %arg3[%swap3A] : memref<163840xf32, #tpu.memory_space<vmem>>, vector<163840xf32>
    tpu.vector_store %arg3[%swap3A], %reshape3A_57 {strides = array<i32>} : memref<163840xf32, #tpu.memory_space<vmem>>, vector<163840xf32>,
    return
  }
}

</mosaic_0001>

<sc_bundles>
// kernel: kernel.11.cloned.1.call-start
scs
__scs_entry_jumppad:
0x0: {  	(pc) =	sbr.rel $0x88, $3  }
0x1: {  	(tag) =	ssettag $0x0;
	lr =	simm.s32 $0x1  }
0x2: {  	[smem:$0x3F9B] =	sst lr;
	_ =	strace $0xD0000000  }
0x3: {  	_ = 	snop  }
0x4: {  	_ = 	snop  }
0x5: {  	_ = 	snop  }
0x6: {  	_ = 	snop  }
0x7: {  	_ = 	snop  }
__scs_overlays_trampoline_lowered:
0x8: {  	[smem:$0x3FAA] =	sst s0  }
0x9: {  	[smem:$0x3FAB] =	sst s1  }
0xa: {  	[smem:$0x3FAC] =	sst s2  }
0xb: {  	[smem:$0x3FAD] =	sst s3  }
0xc: {  	[smem:$0x3FAE] =	sst s4  }
0xd: {  	[smem:$0x3FAF] =	sst s5  }
0xe: {  	[smem:$0x3FB0] =	sst s6  }
0xf: {  	[smem:$0x3FB1] =	sst s7  }
0x10: {  	[smem:$0x3FB2] =	sst s8  }
0x11: {  	[smem:$0x3FB3] =	sst s9;
	s0 =	simm.s32 @!p0 $0x0  }
0x12: {  	s1 =	sld [smem:$0x3F99];
	s0 =	simm.s32 @p0 $0x1  }
0x13: {  	[smem:$0x3FB4] =	sst s0;
	s0 =	simm.s32 @!p1 $0x0  }
0x14: {  	s2 =	sld [smem:$0x3F98];
	s0 =	simm.s32 @p1 $0x1  }
0x15: {  	[smem:$0x3FB5] =	sst s0;
	s0 =	simm.s32 @!p2 $0x0  }
0x16: {  	s3 =	sld [smem:$0x3FDB];
	s0 =	simm.s32 @p2 $0x1  }
0x17: {  	s4 =	simm.s32 $0x1BF5;
	[smem:$0x3FB7] =	sst s0  }
0x18: {  	s0 =	sld [smem:$0x3F9A];
	_ =	swait.ge [sflag:s4], $0x0  }
0x19: {  	s7 =	sld [smem:$0x3F9B]  }
0x1a: {  	s8 =	sadd.s32 $0xFFFFE003, lr  }
0x1b: {  	s9 =	sadd.s32 $0xFFFFFEF7, lr;
	s5 =	simm.s32 $0xFFFFFFFF;
	p2 =	slt.u32 s8, $0xFFFFF086  }
0x1c: {  	p1 =	slt.u32 s9, $0xF7A;
	s5 =	simm.s32 @!p2 $0x0  }
0x1d: {  	s5 =	simm.s32 @p1 $0x1;
	p0 =	seq.s32 s7, s2  }
0x1e: {  	s7 =	smul.u32 @!p0 $0xF7A, s2;
	p2 =	seq.s32 @!p0 s5, $0x0  }
0x1f: {  	s9 =	smul.u32 $0xF7A, s1;
	s8 =	simm.s32 @!p0 $0x1BF5;
	p2 =	por !p2, p0  }
0x20: {  	[sflag:s8] =	ssyncset.s32 @!p0 $0xFFFFF086;
	s6 =	sadd.s32 @!p0 s3, s7;
	s7 =	simm.s32 @!p0 $0x108  }
0x21: {  	s3 =	sadd.s32 s3, s9;
	s6 =	sadd.s32 @!p0 $0x88, s6;
	s7 =	simm.s32 @p2 $0x1082  }
0x22: {  	[simem:s7], [sflag:s8] =	dma.local @!p0 [hbm:s6], $0xF7A  }
0x23: {  	s9 =	sor.u32 $0xD0000000, s2;
	s6 =	simm.s32 $0x108;
	_ =	swait.ge @!p0 [sflag:s8], $0x0  }
0x24: {  	s3 =	sadd.s32 $0x88, s3;
	s6 =	simm.s32 @!p1 $0x1082;
	[sflag:s4] =	ssyncset.s32 $0xFFFFF086  }
0x25: {  	[simem:s6], [sflag:s4] =	dma.local [hbm:s3], $0xF7A  }
0x26: {  	[smem:$0x3F9B] =	sst s1;
	(tag) =	ssettag s2;
	_ =	strace s9  }
0x27: {  	s1 =	sld [smem:$0x3FAB]  }
0x28: {  	s2 =	sld [smem:$0x3FAC]  }
0x29: {  	s4 =	sld [smem:$0x3FAE]  }
0x2a: {  	p0 =	seq.s32 s5, $0x0;
	s5 =	sld [smem:$0x3FAF]  }
0x2b: {  	s6 =	sld [smem:$0x3FB0]  }
0x2c: {  	s7 =	sld [smem:$0x3FB1]  }
0x2d: {  	s3 =	simm.s32 $0x108;
	s8 =	sld [smem:$0x3FB2]  }
0x2e: {  	s3 =	simm.s32 @!p0 $0x1082;
	s9 =	sld [smem:$0x3FB3]  }
0x2f: {  	lr =	sadd.s32 s0, s3;
	s0 =	sld [smem:$0x3FAA]  }
0x30: {  	s3 =	sld [smem:$0x3FAD]  }
0x31: {  	[smem:$0x3FB6] =	sst s10  }
0x32: {  	s10 =	sld [smem:$0x3FB4];
	_ =	sdelay $0x3  }
0x33: {  	p0 =	seq.s32 s10, $0x1;
	s10 =	sld [smem:$0x3FB6];
	_ =	sdelay $0x3  }
0x34: {  	[smem:$0x3FB6] =	sst s10  }
0x35: {  	s10 =	sld [smem:$0x3FB5];
	_ =	sdelay $0x3  }
0x36: {  	p1 =	seq.s32 s10, $0x1;
	s10 =	sld [smem:$0x3FB6];
	_ =	sdelay $0x3  }
0x37: {  	[smem:$0x3FB6] =	sst s10  }
0x38: {  	s10 =	sld [smem:$0x3FB7]  }
0x39: {  	_ = 	snop;
	(pc) =	sbr.ind lr, $3  }
0x3a: {  	_ = 	snop  }
0x3b: {  	_ = 	snop  }
0x3c: {  	p2 =	seq.s32 s10, $0x1;
	s10 =	sld [smem:$0x3FB6]  }
0x3d: {  	_ =	shalt  }
0x3e: {  	_ =	shalt  }
0x3f: {  	_ =	shalt  }
0x40: {  	_ =	shalt  }
0x41: {  	_ =	shalt  }
0x42: {  	_ =	shalt  }
0x43: {  	_ =	shalt  }
0x44: {  	_ =	shalt  }
0x45: {  	_ =	shalt  }
0x46: {  	_ =	shalt  }
0x47: {  	_ =	shalt  }
0x48: {  	_ =	shalt  }
0x49: {  	_ =	shalt  }
0x4a: {  	_ =	shalt  }
0x4b: {  	_ =	shalt  }
0x4c: {  	_ =	shalt  }
0x4d: {  	_ =	shalt  }
0x4e: {  	_ =	shalt  }
0x4f: {  	_ =	shalt  }
0x50: {  	_ =	shalt  }
0x51: {  	_ =	shalt  }
0x52: {  	_ =	shalt  }
0x53: {  	_ =	shalt  }
0x54: {  	_ =	shalt  }
0x55: {  	_ =	shalt  }
0x56: {  	_ =	shalt  }
0x57: {  	_ =	shalt  }
0x58: {  	_ =	shalt  }
0x59: {  	_ =	shalt  }
0x5a: {  	_ =	shalt  }
0x5b: {  	_ =	shalt  }
0x5c: {  	_ =	shalt  }
0x5d: {  	_ =	shalt  }
0x5e: {  	_ =	shalt  }
0x5f: {  	_ =	shalt  }
0x60: {  	_ =	shalt  }
0x61: {  	_ =	shalt  }
0x62: {  	_ =	shalt  }
0x63: {  	_ =	shalt  }
0x64: {  	_ =	shalt  }
0x65: {  	_ =	shalt  }
0x66: {  	_ =	shalt  }
0x67: {  	_ =	shalt  }
0x68: {  	_ =	shalt  }
0x69: {  	_ =	shalt  }
0x6a: {  	_ =	shalt  }
0x6b: {  	_ =	shalt  }
0x6c: {  	_ =	shalt  }
0x6d: {  	_ =	shalt  }
0x6e: {  	_ =	shalt  }
0x6f: {  	_ =	shalt  }
0x70: {  	_ =	shalt  }
0x71: {  	_ =	shalt  }
0x72: {  	_ =	shalt  }
0x73: {  	_ =	shalt  }
0x74: {  	_ =	shalt  }
0x75: {  	_ =	shalt  }
0x76: {  	_ =	shalt  }
0x77: {  	_ =	shalt  }
0x78: {  	_ =	shalt  }
0x79: {  	_ =	shalt  }
0x7a: {  	_ =	shalt  }
0x7b: {  	_ =	shalt  }
0x7c: {  	_ =	shalt  }
0x7d: {  	_ =	shalt  }
0x7e: {  	_ =	shalt  }
0x7f: {  	_ =	shalt  }
0x80: {  	_ =	shalt  }
0x81: {  	_ =	shalt  }
0x82: {  	_ =	shalt  }
0x83: {  	_ =	shalt  }
0x84: {  	_ =	shalt  }
0x85: {  	_ =	shalt  }
0x86: {  	_ =	shalt  }
0x87: {  	_ =	shalt  }
.Lfunc_end0:
.L_simem_size_0:
called_computation.1_lowered:
.L_overlay_start_0:
0x88: {  	s2 =	sld [smem:$0x3FD9]  }
0x89: {  	s3 =	sld [smem:$0x3FFE];
	_ =	sdelay $0x1  }
0x8a: {  	s1 =	srdreg.scid  }
0x8b: {  	s0 =	sand.u32 $0x1, s1  }
0x8c: {  	s16 =	sshll.u32 s0, $0xA;
	s2 =	sadd.s32 s3, s2  }
0x8d: {  	s2 =	sadd.s32 s2, s16  }
0x8e: {  	[smem:$0x3FC2] =	sst s2  }
0x8f: {  	_ = 	snop  }
0x90: {  	(tm) =	ssettm $0x1  }
0x91: {  	s17 =	sld [smem:$0x3FFB];
	_ =	sdelay $0x3  }
0x92: {  	_ =	strace s17  }
0x93: {  	s2 =	sld [smem:$0x3FFC];
	_ =	sdelay $0x3  }
0x94: {  	_ =	strace s2  }
0x95: {  	s2 =	sld [smem:$0x3FFD];
	_ =	sdelay $0x3  }
0x96: {  	_ =	strace s2  }
0x97: {  	_ =	strace $0x8FFFFFFF  }
0x98: {  	s18 =	sld [smem:$0x3FDB];
	_ =	sdelay $0x1  }
0x99: {  	s19 =	simm.s32 $_scs_section_size  }
0x9a: {  	s4 =	simm.s32 $_size__tile_overlayer_lowered;
	s5 =	simm.s32 $_tile_overlayer_lowered  }
0x9b: {  	s22 =	simm.s32 $0x1BFF;
	s21 =	sshll.u32 s5, $0x1;
	s2 =	sadd.s32 s19, s18  }
0x9c: {  	s6 =	simm.s32 $0x0;
	s20 =	sshll.u32 s4, $0x1;
	s4 =	sadd.s32 s21, s2  }
0x9d: {  	[timem:s6], [sflag:s22] =	dma.local [hbm:s4], s20  }
0x9e: {  	_ =	swait.ge [sflag:s22], s20  }
0x9f: {  	s3 =	ssub.s32 $0x0, s20;
	[sflag:s22] =	ssyncset.done $0x0  }
0xa0: {  	[sflag:s22] =	ssyncadd.s32 s3;
	_ =	sdelay $0x1  }
0xa1: {  	s23 =	simm.s32 $0x1B8B  }
0xa2: {  	_ =	swait.ge [sflag:s23], $0x1  }
0xa3: {  	[sflag:s23] =	ssyncset.done $0x0  }
0xa4: {  	s25 =	simm.s32 $0x1B8E;
	s24 =	sld [smem:$0x3FFE];
	[sflag:s23] =	ssyncadd.s32 $0xFFFFFFFF  }
0xa5: {  	s26 =	simm.s32 $execute0_lowered;
	[smem:$0x3FD2] =	sst s25  }
0xa6: {  	s4 =	sshll.u32 s26, $0x1;
	_ =	strace $0x80000049;
	[dreg:$0x1] =	wrdreg $0xFFFFFFFF  }
0xa7: {  	s28 =	simm.s32 $_size_execute0_lowered;
	s2 =	sadd.s32 s2, s4;
	[dreg:$0x0] =	wrdreg $0x0  }
0xa8: {  	s4 =	sshll.u32 s28, $0x1;
	[dreg:$0x2] =	wrdreg s2  }
0xa9: {  	[dreg:$0x3] =	wrdreg s4  }
0xaa: {  	[dreg:$0x4] =	wrdreg $0xC0  }
0xab: {  	_ =	task [dreg:s6], $0x5FFFF  }
0xac: {  	[dreg:$0x1] =	wrdreg $0xFFFFFFFF  }
0xad: {  	[dreg:$0x0] =	wrdreg $0x60  }
0xae: {  	[dreg:$0x2] =	wrdreg s24  }
0xaf: {  	[dreg:$0x3] =	wrdreg $0xE0000  }
0xb0: {  	[dreg:$0x4] =	wrdreg $0xB8000  }
0xb1: {  	[dreg:$0x5] =	wrdreg $0x9  }
0xb2: {  	_ =	task.clear_ibuf [dreg:s6], $0x6FFFF;
	_ =	strace $0x90000049  }
0xb3: {  	s29 =	simm.s32 $0x9;
	_ =	strace $0x8000004B  }
0xb4: {  	_ =	swait.ge [sflag:s29], $0x1  }
0xb5: {  	[sflag:s29] =	ssyncadd.s32 $0xFFFFFFFF  }
0xb6: {  	_ =	strace $0x9000004B  }
0xb7: {  	_ =	sfence  }
0xb8: {  	s30 =	sld [smem:$0x0];
	_ =	sdelay $0x2  }
0xb9: {  	s31 =	sshll.u32 s1, $0xD;
	s1 =	sshrl.u32 s1, $0x2  }
0xba: {  	s3 =	sand.u32 $0x4000, s31;
	s1 =	sadd.s32 s1, s30  }
0xbb: {  	s0 =	sor.u32 s3, s0;
	s1 =	sshll.u32 s1, $0x11  }
0xbc: {  	s0 =	sor.u32 s1, s0  }
0xbd: {  	s0 =	sadd.s32 $0x8F2B, s0  }
0xbe: {  	[sflag:s0] =	ssyncadd.remote.s32 $0x1  }
0xbf: {  	_ =	sfence.sel $0xFFFF  }
0xc0: {  	[dreg:$0x0] =	wrdreg $0xFFFFFFFF;
	(pc) =	sbr.abs _section_cstart, $3  }
0xc1: {  	[dreg:$0x1] =	wrdreg $0xFFFFFFFF  }
0xc2: {  	_ =	task.clear_ibuf [dreg:s6], $0x2FFFF;
	_ =	strace $0x9FFFFFFF  }
0xc3: {  	(tm) =	ssettm $0x7FFFFFFF  }
tec
execute0_lowered:
.L_overlay_start_1:
0x0: {  	(tag) =	ssettag $0x1  }
0x1: {  	s0 =	srdreg.scid;
	s1 =	rddreg [dreg:$0x0]  }
0x2: {  	s10 =	stileid.u32;
	s2 =	rddreg [dreg:$0x1]  }
0x3: {  	s16 =	simm.s32 $0x9000;
	s17 =	simm.s32 $0x9;
	s19 =	simm.s32 $0x100  }
0x4: {  	s20 =	simm.s32 $0x5000;
	s21 =	simm.s32 $0x6000;
	s28 =	simm.s32 $0x2  }
0x5: {  	s29 =	simm.s32 $0x3;
	s30 =	simm.s32 $0x4;
	s31 =	simm.s32 $0x5  }
0x6: {  	s18 =	simm.s32 $0x8;
	s0 =	sand.u32 $0x1, s0;
	s7 =	smul.u32 $0x2800, s10  }
0x7: {  	s22 =	simm.s32 $0x4F00;
	s3 =	sshll.u32 s0, $0x4;
	s6 =	smul.u32 $0x28000, s0  }
0x8: {  	s9 =	ssub.s32 $0x2, s0;
	p0 =	sne.s32 s0, $0x0;
	s0 =	simm.s32 $0x7  }
0x9: {  	s4 =	sor.u32 s10, s3;
	s3 =	rddreg [dreg:$0x2];
	s10 =	smul.u32 $0xA000, s10  }
0xa: {  	s23 =	sshrl.u32 s7, $0x3;
	s11 =	sshrl.u32 s9, $0x1;
	s5 =	smul.u32 $0x2710, s4  }
0xb: {  	s4 =	simm.s32 $0x0;
	s6 =	sadd.s32 s7, s6;
	s9 =	ssub.s32 s9, s11  }
0xc: {  	s11 =	simm.s32 $0x0;
	[smem:$0x7FF] =	sst s4;
	s6 =	sshrl.u32 s6, $0x3  }
0xd: {  	s10 =	sshrl.u32 s10, $0x2;
	s15 =	smax.u32 s9, $0x1;
	s5 =	sshrl.u32 s5, $0x3  }
0xe: {  	_ =	strace $0x8000004A;
	s10 =	sadd.s32 s10, s3;
	s8 =	sadd.s32 s5, s1  }
0xf: {  	s5 =	sadd.s32 s23, s1;
	s1 =	sadd.s32 s6, s1;
	s24 =	sadd.s32 $0x800, s10  }
0x10: {  	s6 =	sadd.s32 s7, s2;
	s25 =	sadd.s32 $0x1000, s10;
	[dreg:$0x4] =	wrdreg s24  }
0x11: {  	s7 =	sadd.s32 s7, s3;
	s26 =	sadd.s32 $0x1800, s10;
	[dreg:$0x5] =	wrdreg s25  }
0x12: {  	s10 =	sadd.s32 $0x2000, s10;
	s23 =	simm.s32 $0x7000;
	[dreg:$0x6] =	wrdreg s26  }
0x13: {  	s5 =	sadd.s32 $0x16400, s5;
	[dreg:$0x7] =	wrdreg s10;
	s12 =	sadd.s32 $0x2A00, s8  }
0x14: {  	s13 =	sadd.s32 $0xC640, s8;
	s14 =	sadd.s32 $0x1B400, s1;
	s25 =	simm.s32 $0x8000  }
0x15: {  	v0 =	vimm.s32 $0x2710;
	v1 =	vimm.f32 $0.0e+00;
	s26 =	simm.s32 $0x1;
	s1 =	simm.s32 $0x6;
	s10 =	simm.s32 $0x4E00  }
.LBB2_1:
0x16: {  	[tilespmem:s16], [sflag:$0x9] =	stream.linear.gather [hbm4b:s5+s4], $0x2800, $0x38;
	[tilespmem:$0x10800] =	vst v63  }
0x17: {  	_ =	swait.ge [sflag:s17], $0x2800  }
0x18: {  	[sflag:s17] =	ssyncset.done $0x0  }
.Ltmp0:
0x19: {  	[sflag:s17] =	ssyncadd.s32 $0xFFFFD800;
	(pc) =	sbr.rel @p0 .LBB2_3-.Ltmp0, $4  }
0x1a: {  	[spmem:s6] =	stream.linear.scatter [tilespmem:s16], [sflag:$0x9], $0x2800, $0x38;
	[tilespmem:$0x10800] =	vst v63  }
0x1b: {  	_ =	swait.ge [sflag:s17], $0x2800  }
0x1c: {  	[sflag:s17] =	ssyncset.done $0x0  }
0x1d: {  	[sflag:s17] =	ssyncadd.s32 $0xFFFFD800  }
.Ltmp1:
0x1e: {  	(pc) =	sbr.rel .LBB2_4-.Ltmp1, $4  }
0x1f: {  	[spmem:s7] =	stream.linear.scatter [tilespmem:s16], [sflag:$0x9], $0x2800, $0x38;
	[tilespmem:$0x10800] =	vst v63  }
0x20: {  	_ =	swait.ge [sflag:s17], $0x2800  }
0x21: {  	[sflag:s17] =	ssyncset.done $0x0  }
0x22: {  	[sflag:s17] =	ssyncadd.s32 $0xFFFFD800  }
.LBB2_3:
0x23: {  	[tilespmem:$0x5000] =	vst v1  }
0x24: {  	[tilespmem:$0x5010] =	vst v1  }
0x25: {  	[tilespmem:$0x5020] =	vst v1  }
0x26: {  	[tilespmem:$0x5030] =	vst v1  }
0x27: {  	[tilespmem:$0x5040] =	vst v1  }
0x28: {  	[tilespmem:$0x5050] =	vst v1  }
0x29: {  	[tilespmem:$0x5060] =	vst v1  }
0x2a: {  	[tilespmem:$0x5070] =	vst v1  }
0x2b: {  	[tilespmem:$0x5080] =	vst v1  }
0x2c: {  	[tilespmem:$0x5090] =	vst v1  }
0x2d: {  	[tilespmem:$0x50A0] =	vst v1  }
0x2e: {  	[tilespmem:$0x50B0] =	vst v1  }
0x2f: {  	[tilespmem:$0x50C0] =	vst v1  }
0x30: {  	[tilespmem:$0x50D0] =	vst v1  }
0x31: {  	[tilespmem:$0x50E0] =	vst v1  }
0x32: {  	[tilespmem:$0x50F0] =	vst v1  }
0x33: {  	[tilespmem:$0x5100] =	vst v1  }
0x34: {  	[tilespmem:$0x5110] =	vst v1  }
0x35: {  	[tilespmem:$0x5120] =	vst v1  }
0x36: {  	[tilespmem:$0x5130] =	vst v1  }
0x37: {  	[tilespmem:$0x5140] =	vst v1  }
0x38: {  	[tilespmem:$0x5150] =	vst v1  }
0x39: {  	[tilespmem:$0x5160] =	vst v1  }
0x3a: {  	[tilespmem:$0x5170] =	vst v1  }
0x3b: {  	[tilespmem:$0x5180] =	vst v1  }
0x3c: {  	[tilespmem:$0x5190] =	vst v1  }
0x3d: {  	[tilespmem:$0x51A0] =	vst v1  }
0x3e: {  	[tilespmem:$0x51B0] =	vst v1  }
0x3f: {  	[tilespmem:$0x51C0] =	vst v1  }
0x40: {  	[tilespmem:$0x51D0] =	vst v1  }
0x41: {  	[tilespmem:$0x51E0] =	vst v1  }
0x42: {  	[tilespmem:$0x51F0] =	vst v1  }
0x43: {  	[tilespmem:$0x5200] =	vst v1  }
0x44: {  	[tilespmem:$0x5210] =	vst v1  }
0x45: {  	[tilespmem:$0x5220] =	vst v1  }
0x46: {  	[tilespmem:$0x5230] =	vst v1  }
0x47: {  	[tilespmem:$0x5240] =	vst v1  }
0x48: {  	[tilespmem:$0x5250] =	vst v1  }
0x49: {  	[tilespmem:$0x5260] =	vst v1  }
0x4a: {  	[tilespmem:$0x5270] =	vst v1  }
0x4b: {  	[tilespmem:$0x5280] =	vst v1  }
0x4c: {  	[tilespmem:$0x5290] =	vst v1  }
0x4d: {  	[tilespmem:$0x52A0] =	vst v1  }
0x4e: {  	[tilespmem:$0x52B0] =	vst v1  }
0x4f: {  	[tilespmem:$0x52C0] =	vst v1  }
0x50: {  	[tilespmem:$0x52D0] =	vst v1  }
0x51: {  	[tilespmem:$0x52E0] =	vst v1  }
0x52: {  	[tilespmem:$0x52F0] =	vst v1  }
0x53: {  	[tilespmem:$0x5300] =	vst v1  }
0x54: {  	[tilespmem:$0x5310] =	vst v1  }
0x55: {  	[tilespmem:$0x5320] =	vst v1  }
0x56: {  	[tilespmem:$0x5330] =	vst v1  }
0x57: {  	[tilespmem:$0x5340] =	vst v1  }
0x58: {  	[tilespmem:$0x5350] =	vst v1  }
0x59: {  	[tilespmem:$0x5360] =	vst v1  }
0x5a: {  	[tilespmem:$0x5370] =	vst v1  }
0x5b: {  	[tilespmem:$0x5380] =	vst v1  }
0x5c: {  	[tilespmem:$0x5390] =	vst v1  }
0x5d: {  	[tilespmem:$0x53A0] =	vst v1  }
0x5e: {  	[tilespmem:$0x53B0] =	vst v1  }
0x5f: {  	[tilespmem:$0x53C0] =	vst v1  }
0x60: {  	[tilespmem:$0x53D0] =	vst v1  }
0x61: {  	[tilespmem:$0x53E0] =	vst v1  }
0x62: {  	[tilespmem:$0x53F0] =	vst v1  }
0x63: {  	[tilespmem:$0x5400] =	vst v1  }
0x64: {  	[tilespmem:$0x5410] =	vst v1  }
0x65: {  	[tilespmem:$0x5420] =	vst v1  }
0x66: {  	[tilespmem:$0x5430] =	vst v1  }
0x67: {  	[tilespmem:$0x5440] =	vst v1  }
0x68: {  	[tilespmem:$0x5450] =	vst v1  }
0x69: {  	[tilespmem:$0x5460] =	vst v1  }
0x6a: {  	[tilespmem:$0x5470] =	vst v1  }
0x6b: {  	[tilespmem:$0x5480] =	vst v1  }
0x6c: {  	[tilespmem:$0x5490] =	vst v1  }
0x6d: {  	[tilespmem:$0x54A0] =	vst v1  }
0x6e: {  	[tilespmem:$0x54B0] =	vst v1  }
0x6f: {  	[tilespmem:$0x54C0] =	vst v1  }
0x70: {  	[tilespmem:$0x54D0] =	vst v1  }
0x71: {  	[tilespmem:$0x54E0] =	vst v1  }
0x72: {  	[tilespmem:$0x54F0] =	vst v1  }
0x73: {  	[tilespmem:$0x5500] =	vst v1  }
0x74: {  	[tilespmem:$0x5510] =	vst v1  }
0x75: {  	[tilespmem:$0x5520] =	vst v1  }
0x76: {  	[tilespmem:$0x5530] =	vst v1  }
0x77: {  	[tilespmem:$0x5540] =	vst v1  }
0x78: {  	[tilespmem:$0x5550] =	vst v1  }
0x79: {  	[tilespmem:$0x5560] =	vst v1  }
0x7a: {  	[tilespmem:$0x5570] =	vst v1  }
0x7b: {  	[tilespmem:$0x5580] =	vst v1  }
0x7c: {  	[tilespmem:$0x5590] =	vst v1  }
0x7d: {  	[tilespmem:$0x55A0] =	vst v1  }
0x7e: {  	[tilespmem:$0x55B0] =	vst v1  }
0x7f: {  	[tilespmem:$0x55C0] =	vst v1  }
0x80: {  	[tilespmem:$0x55D0] =	vst v1  }
0x81: {  	[tilespmem:$0x55E0] =	vst v1  }
0x82: {  	[tilespmem:$0x55F0] =	vst v1  }
0x83: {  	[tilespmem:$0x5600] =	vst v1  }
0x84: {  	[tilespmem:$0x5610] =	vst v1  }
0x85: {  	[tilespmem:$0x5620] =	vst v1  }
0x86: {  	[tilespmem:$0x5630] =	vst v1  }
0x87: {  	[tilespmem:$0x5640] =	vst v1  }
0x88: {  	[tilespmem:$0x5650] =	vst v1  }
0x89: {  	[tilespmem:$0x5660] =	vst v1  }
0x8a: {  	[tilespmem:$0x5670] =	vst v1  }
0x8b: {  	[tilespmem:$0x5680] =	vst v1  }
0x8c: {  	[tilespmem:$0x5690] =	vst v1  }
0x8d: {  	[tilespmem:$0x56A0] =	vst v1  }
0x8e: {  	[tilespmem:$0x56B0] =	vst v1  }
0x8f: {  	[tilespmem:$0x56C0] =	vst v1  }
0x90: {  	[tilespmem:$0x56D0] =	vst v1  }
0x91: {  	[tilespmem:$0x56E0] =	vst v1  }
0x92: {  	[tilespmem:$0x56F0] =	vst v1  }
0x93: {  	[tilespmem:$0x5700] =	vst v1  }
0x94: {  	[tilespmem:$0x5710] =	vst v1  }
0x95: {  	[tilespmem:$0x5720] =	vst v1  }
0x96: {  	[tilespmem:$0x5730] =	vst v1  }
0x97: {  	[tilespmem:$0x5740] =	vst v1  }
0x98: {  	[tilespmem:$0x5750] =	vst v1  }
0x99: {  	[tilespmem:$0x5760] =	vst v1  }
0x9a: {  	[tilespmem:$0x5770] =	vst v1  }
0x9b: {  	[tilespmem:$0x5780] =	vst v1  }
0x9c: {  	[tilespmem:$0x5790] =	vst v1  }
0x9d: {  	[tilespmem:$0x57A0] =	vst v1  }
0x9e: {  	[tilespmem:$0x57B0] =	vst v1  }
0x9f: {  	[tilespmem:$0x57C0] =	vst v1  }
0xa0: {  	[tilespmem:$0x57D0] =	vst v1  }
0xa1: {  	[tilespmem:$0x57E0] =	vst v1  }
0xa2: {  	[tilespmem:$0x57F0] =	vst v1  }
0xa3: {  	[spmem:s7] =	stream.linear.scatter [tilespmem:s20], [sflag:$0x9], $0x800, $0x38;
	[tilespmem:$0x10800] =	vst v63  }
0xa4: {  	_ =	swait.ge [sflag:s17], $0x800  }
0xa5: {  	[sflag:s17] =	ssyncset.done $0x0  }
0xa6: {  	s8 =	rddreg [dreg:$0x4];
	[sflag:s17] =	ssyncadd.s32 $0xFFFFF800  }
0xa7: {  	[spmem:s8] =	stream.linear.scatter [tilespmem:s20], [sflag:$0x9], $0x800, $0x38;
	[tilespmem:$0x10800] =	vst v63  }
0xa8: {  	_ =	swait.ge [sflag:s17], $0x800  }
0xa9: {  	[sflag:s17] =	ssyncset.done $0x0  }
0xaa: {  	s24 =	rddreg [dreg:$0x5];
	[sflag:s17] =	ssyncadd.s32 $0xFFFFF800  }
0xab: {  	[spmem:s24] =	stream.linear.scatter [tilespmem:s20], [sflag:$0x9], $0x800, $0x38;
	[tilespmem:$0x10800] =	vst v63  }
0xac: {  	_ =	swait.ge [sflag:s17], $0x800  }
0xad: {  	[sflag:s17] =	ssyncset.done $0x0  }
0xae: {  	s9 =	rddreg [dreg:$0x6];
	[sflag:s17] =	ssyncadd.s32 $0xFFFFF800  }
0xaf: {  	[spmem:s9] =	stream.linear.scatter [tilespmem:s20], [sflag:$0x9], $0x800, $0x38;
	[tilespmem:$0x10800] =	vst v63  }
0xb0: {  	_ =	swait.ge [sflag:s17], $0x800  }
0xb1: {  	[sflag:s17] =	ssyncset.done $0x0  }
0xb2: {  	s24 =	rddreg [dreg:$0x7];
	[sflag:s17] =	ssyncadd.s32 $0xFFFFF800  }
0xb3: {  	[spmem:s24] =	stream.linear.scatter [tilespmem:s20], [sflag:$0x9], $0x800, $0x38;
	[tilespmem:$0x10800] =	vst v63  }
0xb4: {  	_ =	swait.ge [sflag:s17], $0x800  }
0xb5: {  	[sflag:s17] =	ssyncset.done $0x0  }
0xb6: {  	[sflag:s17] =	ssyncadd.s32 $0xFFFFF800  }
.LBB2_4:
0xb7: {  	[bflag:$0x0] =	sbarrier.arrive $0xFFFF;
	s8 =	simm.s32 $0x0  }
0xb8: {  	[tilespmem:s8], [sflag:$0x9] =	stream.linear.gather [hbm4b:s12+s8], $0x2710, $0x38;
	[tilespmem:$0x10800] =	vst v63  }
0xb9: {  	_ =	swait.ge [sflag:s17], $0x2710  }
0xba: {  	[sflag:s17] =	ssyncset.done $0x0  }
0xbb: {  	s9 =	simm.s32 $0x2800;
	[sflag:s17] =	ssyncadd.s32 $0xFFFFD8F0  }
0xbc: {  	[tilespmem:s9], [sflag:$0x9] =	stream.linear.gather [hbm4b:s13+s8], $0x2710, $0x38;
	[tilespmem:$0x10800] =	vst v63  }
0xbd: {  	_ =	swait.ge [sflag:s17], $0x2710  }
0xbe: {  	[sflag:s17] =	ssyncset.done $0x0  }
0xbf: {  	[sflag:s17] =	ssyncadd.s32 $0xFFFFD8F0  }
0xc0: {  	[tilespmem:$0x2710] =	vst v0  }
0xc1: {  	[tilespmem:$0x4F10] =	vst v0  }
0xc2: {  	[tilespmem:$0x2720] =	vst v0  }
0xc3: {  	[tilespmem:$0x4F20] =	vst v0  }
0xc4: {  	[tilespmem:$0x2730] =	vst v0  }
0xc5: {  	[tilespmem:$0x4F30] =	vst v0  }
0xc6: {  	[tilespmem:$0x2740] =	vst v0  }
0xc7: {  	[tilespmem:$0x4F40] =	vst v0  }
0xc8: {  	[tilespmem:$0x2750] =	vst v0  }
0xc9: {  	[tilespmem:$0x4F50] =	vst v0  }
0xca: {  	[tilespmem:$0x2760] =	vst v0  }
0xcb: {  	[tilespmem:$0x4F60] =	vst v0  }
0xcc: {  	[tilespmem:$0x2770] =	vst v0  }
0xcd: {  	[tilespmem:$0x4F70] =	vst v0  }
0xce: {  	[tilespmem:$0x2780] =	vst v0  }
0xcf: {  	[tilespmem:$0x4F80] =	vst v0  }
0xd0: {  	[tilespmem:$0x2790] =	vst v0  }
0xd1: {  	[tilespmem:$0x4F90] =	vst v0  }
0xd2: {  	[tilespmem:$0x27A0] =	vst v0  }
0xd3: {  	[tilespmem:$0x4FA0] =	vst v0  }
0xd4: {  	[tilespmem:$0x27B0] =	vst v0  }
0xd5: {  	[tilespmem:$0x4FB0] =	vst v0  }
0xd6: {  	[tilespmem:$0x27C0] =	vst v0  }
0xd7: {  	[tilespmem:$0x4FC0] =	vst v0  }
0xd8: {  	[tilespmem:$0x27D0] =	vst v0  }
0xd9: {  	[tilespmem:$0x4FD0] =	vst v0  }
0xda: {  	[tilespmem:$0x27E0] =	vst v0  }
0xdb: {  	[tilespmem:$0x4FE0] =	vst v0  }
0xdc: {  	[tilespmem:$0x27F0] =	vst v0  }
0xdd: {  	[tilespmem:$0x4FF0] =	vst v0  }
0xde: {  	[tilespmem:s20], [sflag:$0x1] =	stream.indirect.gather [spmem:s2], $0x10, s8, s19, $0xb8;
	[tilespmem:$0x10800] =	vst v63  }
0xdf: {  	_ = 	snop  }
0xe0: {  	[tilespmem:s21], [sflag:$0x2] =	stream.indirect.gather [spmem:s2], $0x10, s19, s19, $0xb8;
	[tilespmem:$0x10800] =	vst v63  }
0xe1: {  	s24 =	simm.s32 $0x200  }
0xe2: {  	[tilespmem:s23], [sflag:$0x3] =	stream.indirect.gather [spmem:s2], $0x10, s24, s19, $0xb8;
	[tilespmem:$0x10800] =	vst v63  }
0xe3: {  	s9 =	simm.s32 $0x300  }
0xe4: {  	[tilespmem:s25], [sflag:$0x4] =	stream.indirect.gather [spmem:s2], $0x10, s9, s19, $0xb8;
	[tilespmem:$0x10800] =	vst v63  }
0xe5: {  	_ =	swait.ge [sflag:s26], $0x1000  }
0xe6: {  	[sflag:s26] =	ssyncset.done $0x0  }
0xe7: {  	s24 =	simm.s32 $0x2800;
	[sflag:s26] =	ssyncadd.s32 $0xFFFFF000  }
0xe8: {  	[spmem:s3] =	stream.indirect.scatter.add.f32 [tilespmem:s20], [sflag:$0x5], $0x10, s24, s19, $0xb8;
	[tilespmem:$0x10800] =	vst v63  }
0xe9: {  	_ =	swait.ge [sflag:s28], $0x1000  }
0xea: {  	[sflag:s28] =	ssyncset.done $0x0  }
0xeb: {  	s9 =	simm.s32 $0x2900;
	[sflag:s28] =	ssyncadd.s32 $0xFFFFF000  }
0xec: {  	[spmem:s3] =	stream.indirect.scatter.add.f32 [tilespmem:s21], [sflag:$0x6], $0x10, s9, s19, $0xb8;
	[tilespmem:$0x10800] =	vst v63  }
0xed: {  	_ =	swait.ge [sflag:s29], $0x1000  }
0xee: {  	[sflag:s29] =	ssyncset.done $0x0  }
0xef: {  	s24 =	simm.s32 $0x2A00;
	[sflag:s29] =	ssyncadd.s32 $0xFFFFF000  }
0xf0: {  	[spmem:s3] =	stream.indirect.scatter.add.f32 [tilespmem:s23], [sflag:$0x7], $0x10, s24, s19, $0xb8;
	[tilespmem:$0x10800] =	vst v63  }
0xf1: {  	_ =	swait.ge [sflag:s30], $0x1000  }
0xf2: {  	[sflag:s30] =	ssyncset.done $0x0  }
0xf3: {  	s9 =	simm.s32 $0x2B00;
	[sflag:s30] =	ssyncadd.s32 $0xFFFFF000  }
0xf4: {  	[spmem:s3] =	stream.indirect.scatter.add.f32 [tilespmem:s25], [sflag:$0x8], $0x10, s9, s19, $0xb8;
	[tilespmem:$0x10800] =	vst v63  }
0xf5: {  	_ =	swait.ge [sflag:s31], $0x1000  }
0xf6: {  	[sflag:s31] =	ssyncset.done $0x0  }
0xf7: {  	s24 =	simm.s32 $0x400;
	[sflag:s31] =	ssyncadd.s32 $0xFFFFF000  }
0xf8: {  	[tilespmem:s20], [sflag:$0x1] =	stream.indirect.gather [spmem:s2], $0x10, s24, s19, $0xb8;
	[tilespmem:$0x10800] =	vst v63  }
0xf9: {  	_ =	swait.ge [sflag:s1], $0x1000  }
0xfa: {  	[sflag:s1] =	ssyncset.done $0x0  }
0xfb: {  	s9 =	simm.s32 $0x500;
	[sflag:s1] =	ssyncadd.s32 $0xFFFFF000  }
0xfc: {  	[tilespmem:s21], [sflag:$0x2] =	stream.indirect.gather [spmem:s2], $0x10, s9, s19, $0xb8;
	[tilespmem:$0x10800] =	vst v63  }
0xfd: {  	_ =	swait.ge [sflag:s0], $0x1000  }
0xfe: {  	[sflag:s0] =	ssyncset.done $0x0  }
0xff: {  	s24 =	simm.s32 $0x600;
	[sflag:s0] =	ssyncadd.s32 $0xFFFFF000  }
0x100: {  	[tilespmem:s23], [sflag:$0x3] =	stream.indirect.gather [spmem:s2], $0x10, s24, s19, $0xb8;
	[tilespmem:$0x10800] =	vst v63  }
0x101: {  	_ =	swait.ge [sflag:s18], $0x1000  }
0x102: {  	[sflag:s18] =	ssyncset.done $0x0  }
0x103: {  	s8 =	simm.s32 $0x700;
	s24 =	simm.s32 $0x1000;
	[sflag:s18] =	ssyncadd.s32 $0xFFFFF000  }
.LBB2_5:
0x104: {  	[tilespmem:s25], [sflag:$0x4] =	stream.indirect.gather [spmem:s2], $0x10, s8, s19, $0xb8;
	[tilespmem:$0x10800] =	vst v63  }
0x105: {  	s8 =	smov.u32 s24  }
0x106: {  	p1 =	sne.s32 s24, $0x8000;
	s24 =	sadd.s32 $0x1000, s24;
	_ =	swait.ge [sflag:s26], $0x1000  }
0x107: {  	s8 =	sshra.s32 s8, $0x2;
	[sflag:s26] =	ssyncset.done $0x0  }
0x108: {  	s9 =	sadd.s32 $0x2800, s8;
	[sflag:s26] =	ssyncadd.s32 $0xFFFFF000  }
0x109: {  	[spmem:s3] =	stream.indirect.scatter.add.f32 [tilespmem:s20], [sflag:$0x5], $0x10, s9, s19, $0xb8;
	[tilespmem:$0x10800] =	vst v63  }
0x10a: {  	_ =	swait.ge [sflag:s28], $0x1000  }
0x10b: {  	[sflag:s28] =	ssyncset.done $0x0  }
0x10c: {  	s9 =	sadd.s32 $0x2900, s8;
	[sflag:s28] =	ssyncadd.s32 $0xFFFFF000  }
0x10d: {  	[spmem:s3] =	stream.indirect.scatter.add.f32 [tilespmem:s21], [sflag:$0x6], $0x10, s9, s19, $0xb8;
	[tilespmem:$0x10800] =	vst v63  }
0x10e: {  	_ =	swait.ge [sflag:s29], $0x1000  }
0x10f: {  	[sflag:s29] =	ssyncset.done $0x0  }
0x110: {  	s9 =	sadd.s32 $0x2A00, s8;
	[sflag:s29] =	ssyncadd.s32 $0xFFFFF000  }
0x111: {  	[spmem:s3] =	stream.indirect.scatter.add.f32 [tilespmem:s23], [sflag:$0x7], $0x10, s9, s19, $0xb8;
	[tilespmem:$0x10800] =	vst v63  }
0x112: {  	_ =	swait.ge [sflag:s30], $0x1000  }
0x113: {  	[sflag:s30] =	ssyncset.done $0x0  }
0x114: {  	s9 =	sadd.s32 $0x2B00, s8;
	[sflag:s30] =	ssyncadd.s32 $0xFFFFF000  }
0x115: {  	[spmem:s3] =	stream.indirect.scatter.add.f32 [tilespmem:s25], [sflag:$0x8], $0x10, s9, s19, $0xb8;
	[tilespmem:$0x10800] =	vst v63  }
0x116: {  	_ =	swait.ge [sflag:s31], $0x1000  }
0x117: {  	[sflag:s31] =	ssyncset.done $0x0  }
0x118: {  	s9 =	sadd.s32 $0x400, s8;
	[sflag:s31] =	ssyncadd.s32 $0xFFFFF000  }
0x119: {  	[tilespmem:s20], [sflag:$0x1] =	stream.indirect.gather [spmem:s2], $0x10, s9, s19, $0xb8;
	[tilespmem:$0x10800] =	vst v63  }
0x11a: {  	_ =	swait.ge [sflag:s1], $0x1000  }
0x11b: {  	[sflag:s1] =	ssyncset.done $0x0  }
0x11c: {  	s9 =	sadd.s32 $0x500, s8;
	[sflag:s1] =	ssyncadd.s32 $0xFFFFF000  }
0x11d: {  	[tilespmem:s21], [sflag:$0x2] =	stream.indirect.gather [spmem:s2], $0x10, s9, s19, $0xb8;
	[tilespmem:$0x10800] =	vst v63  }
0x11e: {  	_ =	swait.ge [sflag:s0], $0x1000  }
0x11f: {  	[sflag:s0] =	ssyncset.done $0x0  }
.Ltmp2:
0x120: {  	s9 =	sadd.s32 $0x600, s8;
	[sflag:s0] =	ssyncadd.s32 $0xFFFFF000;
	(pc) =	sbr.rel @p1 .LBB2_5-.Ltmp2, $4  }
0x121: {  	[tilespmem:s23], [sflag:$0x3] =	stream.indirect.gather [spmem:s2], $0x10, s9, s19, $0xb8;
	[tilespmem:$0x10800] =	vst v63  }
0x122: {  	_ =	swait.ge [sflag:s18], $0x1000  }
0x123: {  	[sflag:s18] =	ssyncset.done $0x0  }
0x124: {  	s8 =	sadd.s32 $0x700, s8;
	[sflag:s18] =	ssyncadd.s32 $0xFFFFF000  }
0x125: {  	[tilespmem:s25], [sflag:$0x4] =	stream.indirect.gather [spmem:s2], $0x10, s8, s19, $0xb8;
	[tilespmem:$0x10800] =	vst v63  }
0x126: {  	_ =	swait.ge [sflag:s26], $0x1000  }
0x127: {  	[sflag:s26] =	ssyncset.done $0x0  }
0x128: {  	s9 =	simm.s32 $0x4C00;
	[sflag:s26] =	ssyncadd.s32 $0xFFFFF000  }
0x129: {  	[spmem:s3] =	stream.indirect.scatter.add.f32 [tilespmem:s20], [sflag:$0x5], $0x10, s9, s19, $0xb8;
	[tilespmem:$0x10800] =	vst v63  }
0x12a: {  	_ =	swait.ge [sflag:s28], $0x1000  }
0x12b: {  	[sflag:s28] =	ssyncset.done $0x0  }
0x12c: {  	s24 =	simm.s32 $0x4D00;
	[sflag:s28] =	ssyncadd.s32 $0xFFFFF000  }
0x12d: {  	[spmem:s3] =	stream.indirect.scatter.add.f32 [tilespmem:s21], [sflag:$0x6], $0x10, s24, s19, $0xb8;
	[tilespmem:$0x10800] =	vst v63  }
0x12e: {  	_ =	swait.ge [sflag:s29], $0x1000  }
0x12f: {  	[sflag:s29] =	ssyncset.done $0x0  }
0x130: {  	[sflag:s29] =	ssyncadd.s32 $0xFFFFF000  }
0x131: {  	[spmem:s3] =	stream.indirect.scatter.add.f32 [tilespmem:s23], [sflag:$0x7], $0x10, s10, s19, $0xb8;
	[tilespmem:$0x10800] =	vst v63  }
0x132: {  	_ =	swait.ge [sflag:s30], $0x1000  }
0x133: {  	[sflag:s30] =	ssyncset.done $0x0  }
0x134: {  	[sflag:s30] =	ssyncadd.s32 $0xFFFFF000  }
0x135: {  	[spmem:s3] =	stream.indirect.scatter.add.f32 [tilespmem:s25], [sflag:$0x8], $0x10, s22, s19, $0xb8;
	[tilespmem:$0x10800] =	vst v63  }
0x136: {  	_ =	swait.ge [sflag:s31], $0x1000  }
0x137: {  	[sflag:s31] =	ssyncset.done $0x0  }
0x138: {  	[sflag:s31] =	ssyncadd.s32 $0xFFFFF000  }
0x139: {  	_ =	swait.ge [sflag:s1], $0x1000  }
0x13a: {  	[sflag:s1] =	ssyncset.done $0x0  }
0x13b: {  	[sflag:s1] =	ssyncadd.s32 $0xFFFFF000  }
0x13c: {  	_ =	swait.ge [sflag:s0], $0x1000  }
0x13d: {  	[sflag:s0] =	ssyncset.done $0x0  }
0x13e: {  	[sflag:s0] =	ssyncadd.s32 $0xFFFFF000  }
0x13f: {  	_ =	swait.ge [sflag:s18], $0x1000  }
0x140: {  	[sflag:s18] =	ssyncset.done $0x0  }
0x141: {  	[sflag:s18] =	ssyncadd.s32 $0xFFFFF000  }
0x142: {  	[bflag:$0x0] =	sbarrier.arrive $0xFFFF  }
0x143: {  	[tilespmem:s16], [sflag:$0x9] =	stream.linear.gather [spmem:s7], $0x2800, $0x38;
	[tilespmem:$0x10800] =	vst v63  }
0x144: {  	s11 =	sadd.s32 $0x1, s11;
	_ =	swait.ge [sflag:s17], $0x2800  }
0x145: {  	p1 =	sne.s32 s11, s15;
	[sflag:s17] =	ssyncset.done $0x0  }
.Ltmp3:
0x146: {  	[sflag:s17] =	ssyncadd.s32 $0xFFFFD800;
	(pc) =	sbr.rel @p1 .LBB2_1-.Ltmp3, $4  }
0x147: {  	[hbm4b:s14+s4] =	stream.linear.scatter [tilespmem:s16], [sflag:$0x9], $0x2800, $0x38;
	[tilespmem:$0x10800] =	vst v63  }
0x148: {  	_ =	swait.ge [sflag:s17], $0x2800  }
0x149: {  	[sflag:s17] =	ssyncset.done $0x0  }
0x14a: {  	[sflag:s17] =	ssyncadd.s32 $0xFFFFD800  }
0x14b: {  	_ =	sfence.sel $0x180000  }
0x14c: {  	[bflag:$0x0] =	sbarrier.arrive $0xFFFF  }
0x14d: {  	_ =	strace $0x9000004A  }
0x14e: {  	s0 =	stileid.u32;
	[bflag:$0x2] =	sbarrier.arrive $0xFFFF  }
0x14f: {  	p0 =	sne.s32 s0, $0x0;
	s0 =	rddreg [dreg:$0x3]  }
0x150: {  	s0 =	sadd.s32 @!p0 $0x100000, s0  }
0x151: {  	[sflag:s0] =	ssyncadd.tile.s32 @!p0 $0x1;
	_ =	shalt  }
.Lfunc_end2:
_tile_overlayer_lowered:
.L_overlay_start_2:
0x152: {  	(tag) =	ssettag $0x2  }
0x153: {  	s0 =	rddreg [dreg:$0x0];
	s2 =	stileid.u32  }
0x154: {  	s1 =	rddreg [dreg:$0x1];
	p0 =	sne.s32 s2, $0x0  }
0x155: {  	s3 =	rddreg [dreg:$0x2];
	[bflag:$0x3] =	sbarrier.arrive $0xFFFF;
	s2 =	simm.s32 @!p0 $0x1C09  }
0x156: {  	[timem:s3], [sflag:s2] =	dma.local @!p0 [hbm:s0], s1  }
0x157: {  	s0 =	simm.s32 @!p0 $0x9  }
0x158: {  	_ =	swait.ge @!p0 [sflag:s0], s1  }
0x159: {  	s1 =	ssub.s32 @!p0 $0x0, s1;
	[sflag:s0] =	ssyncset.done @!p0 $0x0  }
0x15a: {  	[sflag:s0] =	ssyncadd.s32 @!p0 s1  }
0x15b: {  	[bflag:$0x3] =	sbarrier.arrive $0xFFFF  }
0x15c: {  	_ =	shalt  }

// kernel: kernel.14.cloned.1.call-start
scs
__scs_entry_jumppad:
0x0: {  	(pc) =	sbr.rel $0x88, $3  }
0x1: {  	(tag) =	ssettag $0x0;
	lr =	simm.s32 $0x1  }
0x2: {  	[smem:$0x3F9B] =	sst lr;
	_ =	strace $0xD0000000  }
0x3: {  	_ = 	snop  }
0x4: {  	_ = 	snop  }
0x5: {  	_ = 	snop  }
0x6: {  	_ = 	snop  }
0x7: {  	_ = 	snop  }
__scs_overlays_trampoline_lowered:
0x8: {  	[smem:$0x3FAA] =	sst s0  }
0x9: {  	[smem:$0x3FAB] =	sst s1  }
0xa: {  	[smem:$0x3FAC] =	sst s2  }
0xb: {  	[smem:$0x3FAD] =	sst s3  }
0xc: {  	[smem:$0x3FAE] =	sst s4  }
0xd: {  	[smem:$0x3FAF] =	sst s5  }
0xe: {  	[smem:$0x3FB0] =	sst s6  }
0xf: {  	[smem:$0x3FB1] =	sst s7  }
0x10: {  	[smem:$0x3FB2] =	sst s8  }
0x11: {  	[smem:$0x3FB3] =	sst s9;
	s0 =	simm.s32 @!p0 $0x0  }
0x12: {  	s1 =	sld [smem:$0x3F99];
	s0 =	simm.s32 @p0 $0x1  }
0x13: {  	[smem:$0x3FB4] =	sst s0;
	s0 =	simm.s32 @!p1 $0x0  }
0x14: {  	s2 =	sld [smem:$0x3F98];
	s0 =	simm.s32 @p1 $0x1  }
0x15: {  	[smem:$0x3FB5] =	sst s0;
	s0 =	simm.s32 @!p2 $0x0  }
0x16: {  	s3 =	sld [smem:$0x3FDB];
	s0 =	simm.s32 @p2 $0x1  }
0x17: {  	s4 =	simm.s32 $0x1BF5;
	[smem:$0x3FB7] =	sst s0  }
0x18: {  	s0 =	sld [smem:$0x3F9A];
	_ =	swait.ge [sflag:s4], $0x0  }
0x19: {  	s7 =	sld [smem:$0x3F9B]  }
0x1a: {  	s8 =	sadd.s32 $0xFFFFE003, lr  }
0x1b: {  	s9 =	sadd.s32 $0xFFFFFEF7, lr;
	s5 =	simm.s32 $0xFFFFFFFF;
	p2 =	slt.u32 s8, $0xFFFFF086  }
0x1c: {  	p1 =	slt.u32 s9, $0xF7A;
	s5 =	simm.s32 @!p2 $0x0  }
0x1d: {  	s5 =	simm.s32 @p1 $0x1;
	p0 =	seq.s32 s7, s2  }
0x1e: {  	s7 =	smul.u32 @!p0 $0xF7A, s2;
	p2 =	seq.s32 @!p0 s5, $0x0  }
0x1f: {  	s9 =	smul.u32 $0xF7A, s1;
	s8 =	simm.s32 @!p0 $0x1BF5;
	p2 =	por !p2, p0  }
0x20: {  	[sflag:s8] =	ssyncset.s32 @!p0 $0xFFFFF086;
	s6 =	sadd.s32 @!p0 s3, s7;
	s7 =	simm.s32 @!p0 $0x108  }
0x21: {  	s3 =	sadd.s32 s3, s9;
	s6 =	sadd.s32 @!p0 $0x88, s6;
	s7 =	simm.s32 @p2 $0x1082  }
0x22: {  	[simem:s7], [sflag:s8] =	dma.local @!p0 [hbm:s6], $0xF7A  }
0x23: {  	s9 =	sor.u32 $0xD0000000, s2;
	s6 =	simm.s32 $0x108;
	_ =	swait.ge @!p0 [sflag:s8], $0x0  }
0x24: {  	s3 =	sadd.s32 $0x88, s3;
	s6 =	simm.s32 @!p1 $0x1082;
	[sflag:s4] =	ssyncset.s32 $0xFFFFF086  }
0x25: {  	[simem:s6], [sflag:s4] =	dma.local [hbm:s3], $0xF7A  }
0x26: {  	[smem:$0x3F9B] =	sst s1;
	(tag) =	ssettag s2;
	_ =	strace s9  }
0x27: {  	s1 =	sld [smem:$0x3FAB]  }
0x28: {  	s2 =	sld [smem:$0x3FAC]  }
0x29: {  	s4 =	sld [smem:$0x3FAE]  }
0x2a: {  	p0 =	seq.s32 s5, $0x0;
	s5 =	sld [smem:$0x3FAF]  }
0x2b: {  	s6 =	sld [smem:$0x3FB0]  }
0x2c: {  	s7 =	sld [smem:$0x3FB1]  }
0x2d: {  	s3 =	simm.s32 $0x108;
	s8 =	sld [smem:$0x3FB2]  }
0x2e: {  	s3 =	simm.s32 @!p0 $0x1082;
	s9 =	sld [smem:$0x3FB3]  }
0x2f: {  	lr =	sadd.s32 s0, s3;
	s0 =	sld [smem:$0x3FAA]  }
0x30: {  	s3 =	sld [smem:$0x3FAD]  }
0x31: {  	[smem:$0x3FB6] =	sst s10  }
0x32: {  	s10 =	sld [smem:$0x3FB4];
	_ =	sdelay $0x3  }
0x33: {  	p0 =	seq.s32 s10, $0x1;
	s10 =	sld [smem:$0x3FB6];
	_ =	sdelay $0x3  }
0x34: {  	[smem:$0x3FB6] =	sst s10  }
0x35: {  	s10 =	sld [smem:$0x3FB5];
	_ =	sdelay $0x3  }
0x36: {  	p1 =	seq.s32 s10, $0x1;
	s10 =	sld [smem:$0x3FB6];
	_ =	sdelay $0x3  }
0x37: {  	[smem:$0x3FB6] =	sst s10  }
0x38: {  	s10 =	sld [smem:$0x3FB7]  }
0x39: {  	_ = 	snop;
	(pc) =	sbr.ind lr, $3  }
0x3a: {  	_ = 	snop  }
0x3b: {  	_ = 	snop  }
0x3c: {  	p2 =	seq.s32 s10, $0x1;
	s10 =	sld [smem:$0x3FB6]  }
0x3d: {  	_ =	shalt  }
0x3e: {  	_ =	shalt  }
0x3f: {  	_ =	shalt  }
0x40: {  	_ =	shalt  }
0x41: {  	_ =	shalt  }
0x42: {  	_ =	shalt  }
0x43: {  	_ =	shalt  }
0x44: {  	_ =	shalt  }
0x45: {  	_ =	shalt  }
0x46: {  	_ =	shalt  }
0x47: {  	_ =	shalt  }
0x48: {  	_ =	shalt  }
0x49: {  	_ =	shalt  }
0x4a: {  	_ =	shalt  }
0x4b: {  	_ =	shalt  }
0x4c: {  	_ =	shalt  }
0x4d: {  	_ =	shalt  }
0x4e: {  	_ =	shalt  }
0x4f: {  	_ =	shalt  }
0x50: {  	_ =	shalt  }
0x51: {  	_ =	shalt  }
0x52: {  	_ =	shalt  }
0x53: {  	_ =	shalt  }
0x54: {  	_ =	shalt  }
0x55: {  	_ =	shalt  }
0x56: {  	_ =	shalt  }
0x57: {  	_ =	shalt  }
0x58: {  	_ =	shalt  }
0x59: {  	_ =	shalt  }
0x5a: {  	_ =	shalt  }
0x5b: {  	_ =	shalt  }
0x5c: {  	_ =	shalt  }
0x5d: {  	_ =	shalt  }
0x5e: {  	_ =	shalt  }
0x5f: {  	_ =	shalt  }
0x60: {  	_ =	shalt  }
0x61: {  	_ =	shalt  }
0x62: {  	_ =	shalt  }
0x63: {  	_ =	shalt  }
0x64: {  	_ =	shalt  }
0x65: {  	_ =	shalt  }
0x66: {  	_ =	shalt  }
0x67: {  	_ =	shalt  }
0x68: {  	_ =	shalt  }
0x69: {  	_ =	shalt  }
0x6a: {  	_ =	shalt  }
0x6b: {  	_ =	shalt  }
0x6c: {  	_ =	shalt  }
0x6d: {  	_ =	shalt  }
0x6e: {  	_ =	shalt  }
0x6f: {  	_ =	shalt  }
0x70: {  	_ =	shalt  }
0x71: {  	_ =	shalt  }
0x72: {  	_ =	shalt  }
0x73: {  	_ =	shalt  }
0x74: {  	_ =	shalt  }
0x75: {  	_ =	shalt  }
0x76: {  	_ =	shalt  }
0x77: {  	_ =	shalt  }
0x78: {  	_ =	shalt  }
0x79: {  	_ =	shalt  }
0x7a: {  	_ =	shalt  }
0x7b: {  	_ =	shalt  }
0x7c: {  	_ =	shalt  }
0x7d: {  	_ =	shalt  }
0x7e: {  	_ =	shalt  }
0x7f: {  	_ =	shalt  }
0x80: {  	_ =	shalt  }
0x81: {  	_ =	shalt  }
0x82: {  	_ =	shalt  }
0x83: {  	_ =	shalt  }
0x84: {  	_ =	shalt  }
0x85: {  	_ =	shalt  }
0x86: {  	_ =	shalt  }
0x87: {  	_ =	shalt  }
.Lfunc_end0:
.L_simem_size_0:
called_computation.2_lowered:
.L_overlay_start_0:
0x88: {  	s2 =	sld [smem:$0x3FD9]  }
0x89: {  	s3 =	sld [smem:$0x3FFE];
	_ =	sdelay $0x1  }
0x8a: {  	s1 =	srdreg.scid  }
0x8b: {  	s0 =	sand.u32 $0x1, s1  }
0x8c: {  	s16 =	sshll.u32 s0, $0xA;
	s2 =	sadd.s32 s3, s2  }
0x8d: {  	s2 =	sadd.s32 s2, s16  }
0x8e: {  	[smem:$0x3FC2] =	sst s2  }
0x8f: {  	_ = 	snop  }
0x90: {  	(tm) =	ssettm $0x1  }
0x91: {  	s17 =	sld [smem:$0x3FFB];
	_ =	sdelay $0x3  }
0x92: {  	_ =	strace s17  }
0x93: {  	s2 =	sld [smem:$0x3FFC];
	_ =	sdelay $0x3  }
0x94: {  	_ =	strace s2  }
0x95: {  	s2 =	sld [smem:$0x3FFD];
	_ =	sdelay $0x3  }
0x96: {  	_ =	strace s2  }
0x97: {  	_ =	strace $0x8FFFFFFF  }
0x98: {  	s18 =	sld [smem:$0x3FDB];
	_ =	sdelay $0x1  }
0x99: {  	s19 =	simm.s32 $_scs_section_size  }
0x9a: {  	s4 =	simm.s32 $_size__tile_overlayer_lowered;
	s5 =	simm.s32 $_tile_overlayer_lowered  }
0x9b: {  	s22 =	simm.s32 $0x1BFF;
	s21 =	sshll.u32 s5, $0x1;
	s2 =	sadd.s32 s19, s18  }
0x9c: {  	s6 =	simm.s32 $0x0;
	s20 =	sshll.u32 s4, $0x1;
	s4 =	sadd.s32 s21, s2  }
0x9d: {  	[timem:s6], [sflag:s22] =	dma.local [hbm:s4], s20  }
0x9e: {  	_ =	swait.ge [sflag:s22], s20  }
0x9f: {  	s3 =	ssub.s32 $0x0, s20;
	[sflag:s22] =	ssyncset.done $0x0  }
0xa0: {  	[sflag:s22] =	ssyncadd.s32 s3;
	_ =	sdelay $0x1  }
0xa1: {  	s23 =	simm.s32 $0x1B8B  }
0xa2: {  	_ =	swait.ge [sflag:s23], $0x1  }
0xa3: {  	[sflag:s23] =	ssyncset.done $0x0  }
0xa4: {  	s25 =	simm.s32 $0x1B8E;
	s24 =	sld [smem:$0x3FFE];
	[sflag:s23] =	ssyncadd.s32 $0xFFFFFFFF  }
0xa5: {  	s26 =	simm.s32 $execute0_lowered;
	[smem:$0x3FD2] =	sst s25  }
0xa6: {  	s4 =	sshll.u32 s26, $0x1;
	_ =	strace $0x8000004C;
	[dreg:$0x1] =	wrdreg $0xFFFFFFFF  }
0xa7: {  	s28 =	simm.s32 $_size_execute0_lowered;
	s2 =	sadd.s32 s2, s4;
	[dreg:$0x0] =	wrdreg $0x0  }
0xa8: {  	s4 =	sshll.u32 s28, $0x1;
	[dreg:$0x2] =	wrdreg s2  }
0xa9: {  	[dreg:$0x3] =	wrdreg s4  }
0xaa: {  	[dreg:$0x4] =	wrdreg $0xC0  }
0xab: {  	_ =	task [dreg:s6], $0x5FFFF  }
0xac: {  	[dreg:$0x1] =	wrdreg $0xFFFFFFFF  }
0xad: {  	[dreg:$0x0] =	wrdreg $0x60  }
0xae: {  	[dreg:$0x2] =	wrdreg s24  }
0xaf: {  	[dreg:$0x3] =	wrdreg $0xE0000  }
0xb0: {  	[dreg:$0x4] =	wrdreg $0xB8000  }
0xb1: {  	[dreg:$0x5] =	wrdreg $0x9  }
0xb2: {  	_ =	task.clear_ibuf [dreg:s6], $0x6FFFF;
	_ =	strace $0x9000004C  }
0xb3: {  	s29 =	simm.s32 $0x9;
	_ =	strace $0x8000004E  }
0xb4: {  	_ =	swait.ge [sflag:s29], $0x1  }
0xb5: {  	[sflag:s29] =	ssyncadd.s32 $0xFFFFFFFF  }
0xb6: {  	_ =	strace $0x9000004E  }
0xb7: {  	_ =	sfence  }
0xb8: {  	s30 =	sld [smem:$0x0];
	_ =	sdelay $0x2  }
0xb9: {  	s31 =	sshll.u32 s1, $0xD;
	s1 =	sshrl.u32 s1, $0x2  }
0xba: {  	s3 =	sand.u32 $0x4000, s31;
	s1 =	sadd.s32 s1, s30  }
0xbb: {  	s0 =	sor.u32 s3, s0;
	s1 =	sshll.u32 s1, $0x11  }
0xbc: {  	s0 =	sor.u32 s1, s0  }
0xbd: {  	s0 =	sadd.s32 $0x8F2B, s0  }
0xbe: {  	[sflag:s0] =	ssyncadd.remote.s32 $0x1  }
0xbf: {  	_ =	sfence.sel $0xFFFF  }
0xc0: {  	[dreg:$0x0] =	wrdreg $0xFFFFFFFF;
	(pc) =	sbr.abs _section_cstart, $3  }
0xc1: {  	[dreg:$0x1] =	wrdreg $0xFFFFFFFF  }
0xc2: {  	_ =	task.clear_ibuf [dreg:s6], $0x2FFFF;
	_ =	strace $0x9FFFFFFF  }
0xc3: {  	(tm) =	ssettm $0x7FFFFFFF  }
tec
execute0_lowered:
.L_overlay_start_1:
0x0: {  	(tag) =	ssettag $0x1  }
0x1: {  	s0 =	srdreg.scid;
	s1 =	rddreg [dreg:$0x0]  }
0x2: {  	s10 =	stileid.u32;
	s2 =	rddreg [dreg:$0x1]  }
0x3: {  	s16 =	simm.s32 $0x9000;
	s17 =	simm.s32 $0x9;
	s19 =	simm.s32 $0x100  }
0x4: {  	s20 =	simm.s32 $0x5000;
	s21 =	simm.s32 $0x6000;
	s28 =	simm.s32 $0x2  }
0x5: {  	s29 =	simm.s32 $0x3;
	s30 =	simm.s32 $0x4;
	s31 =	simm.s32 $0x5  }
0x6: {  	s18 =	simm.s32 $0x8;
	s0 =	sand.u32 $0x1, s0;
	s7 =	smul.u32 $0x2800, s10  }
0x7: {  	s22 =	simm.s32 $0x4F00;
	s3 =	sshll.u32 s0, $0x4;
	s6 =	smul.u32 $0x28000, s0  }
0x8: {  	s9 =	ssub.s32 $0x2, s0;
	p0 =	sne.s32 s0, $0x0;
	s0 =	simm.s32 $0x7  }
0x9: {  	s4 =	sor.u32 s10, s3;
	s3 =	rddreg [dreg:$0x2];
	s10 =	smul.u32 $0xA000, s10  }
0xa: {  	s23 =	sshrl.u32 s7, $0x3;
	s11 =	sshrl.u32 s9, $0x1;
	s5 =	smul.u32 $0x2710, s4  }
0xb: {  	s4 =	simm.s32 $0x0;
	s6 =	sadd.s32 s7, s6;
	s9 =	ssub.s32 s9, s11  }
0xc: {  	s11 =	simm.s32 $0x0;
	[smem:$0x7FF] =	sst s4;
	s6 =	sshrl.u32 s6, $0x3  }
0xd: {  	s10 =	sshrl.u32 s10, $0x2;
	s15 =	smax.u32 s9, $0x1;
	s5 =	sshrl.u32 s5, $0x3  }
0xe: {  	_ =	strace $0x8000004D;
	s10 =	sadd.s32 s10, s3;
	s8 =	sadd.s32 s5, s1  }
0xf: {  	s5 =	sadd.s32 s23, s1;
	s1 =	sadd.s32 s6, s1;
	s24 =	sadd.s32 $0x800, s10  }
0x10: {  	s6 =	sadd.s32 s7, s2;
	s25 =	sadd.s32 $0x1000, s10;
	[dreg:$0x4] =	wrdreg s24  }
0x11: {  	s7 =	sadd.s32 s7, s3;
	s26 =	sadd.s32 $0x1800, s10;
	[dreg:$0x5] =	wrdreg s25  }
0x12: {  	s10 =	sadd.s32 $0x2000, s10;
	s23 =	simm.s32 $0x7000;
	[dreg:$0x6] =	wrdreg s26  }
0x13: {  	s5 =	sadd.s32 $0x16400, s5;
	[dreg:$0x7] =	wrdreg s10;
	s12 =	sadd.s32 $0x2A00, s8  }
0x14: {  	s13 =	sadd.s32 $0xC640, s8;
	s14 =	sadd.s32 $0x1B400, s1;
	s25 =	simm.s32 $0x8000  }
0x15: {  	v0 =	vimm.s32 $0x2710;
	v1 =	vimm.f32 $0.0e+00;
	s26 =	simm.s32 $0x1;
	s1 =	simm.s32 $0x6;
	s10 =	simm.s32 $0x4E00  }
.LBB2_1:
0x16: {  	[tilespmem:s16], [sflag:$0x9] =	stream.linear.gather [hbm4b:s5+s4], $0x2800, $0x38;
	[tilespmem:$0x10800] =	vst v63  }
0x17: {  	_ =	swait.ge [sflag:s17], $0x2800  }
0x18: {  	[sflag:s17] =	ssyncset.done $0x0  }
.Ltmp0:
0x19: {  	[sflag:s17] =	ssyncadd.s32 $0xFFFFD800;
	(pc) =	sbr.rel @p0 .LBB2_3-.Ltmp0, $4  }
0x1a: {  	[spmem:s6] =	stream.linear.scatter [tilespmem:s16], [sflag:$0x9], $0x2800, $0x38;
	[tilespmem:$0x10800] =	vst v63  }
0x1b: {  	_ =	swait.ge [sflag:s17], $0x2800  }
0x1c: {  	[sflag:s17] =	ssyncset.done $0x0  }
0x1d: {  	[sflag:s17] =	ssyncadd.s32 $0xFFFFD800  }
.Ltmp1:
0x1e: {  	(pc) =	sbr.rel .LBB2_4-.Ltmp1, $4  }
0x1f: {  	[spmem:s7] =	stream.linear.scatter [tilespmem:s16], [sflag:$0x9], $0x2800, $0x38;
	[tilespmem:$0x10800] =	vst v63  }
0x20: {  	_ =	swait.ge [sflag:s17], $0x2800  }
0x21: {  	[sflag:s17] =	ssyncset.done $0x0  }
0x22: {  	[sflag:s17] =	ssyncadd.s32 $0xFFFFD800  }
.LBB2_3:
0x23: {  	[tilespmem:$0x5000] =	vst v1  }
0x24: {  	[tilespmem:$0x5010] =	vst v1  }
0x25: {  	[tilespmem:$0x5020] =	vst v1  }
0x26: {  	[tilespmem:$0x5030] =	vst v1  }
0x27: {  	[tilespmem:$0x5040] =	vst v1  }
0x28: {  	[tilespmem:$0x5050] =	vst v1  }
0x29: {  	[tilespmem:$0x5060] =	vst v1  }
0x2a: {  	[tilespmem:$0x5070] =	vst v1  }
0x2b: {  	[tilespmem:$0x5080] =	vst v1  }
0x2c: {  	[tilespmem:$0x5090] =	vst v1  }
0x2d: {  	[tilespmem:$0x50A0] =	vst v1  }
0x2e: {  	[tilespmem:$0x50B0] =	vst v1  }
0x2f: {  	[tilespmem:$0x50C0] =	vst v1  }
0x30: {  	[tilespmem:$0x50D0] =	vst v1  }
0x31: {  	[tilespmem:$0x50E0] =	vst v1  }
0x32: {  	[tilespmem:$0x50F0] =	vst v1  }
0x33: {  	[tilespmem:$0x5100] =	vst v1  }
0x34: {  	[tilespmem:$0x5110] =	vst v1  }
0x35: {  	[tilespmem:$0x5120] =	vst v1  }
0x36: {  	[tilespmem:$0x5130] =	vst v1  }
0x37: {  	[tilespmem:$0x5140] =	vst v1  }
0x38: {  	[tilespmem:$0x5150] =	vst v1  }
0x39: {  	[tilespmem:$0x5160] =	vst v1  }
0x3a: {  	[tilespmem:$0x5170] =	vst v1  }
0x3b: {  	[tilespmem:$0x5180] =	vst v1  }
0x3c: {  	[tilespmem:$0x5190] =	vst v1  }
0x3d: {  	[tilespmem:$0x51A0] =	vst v1  }
0x3e: {  	[tilespmem:$0x51B0] =	vst v1  }
0x3f: {  	[tilespmem:$0x51C0] =	vst v1  }
0x40: {  	[tilespmem:$0x51D0] =	vst v1  }
0x41: {  	[tilespmem:$0x51E0] =	vst v1  }
0x42: {  	[tilespmem:$0x51F0] =	vst v1  }
0x43: {  	[tilespmem:$0x5200] =	vst v1  }
0x44: {  	[tilespmem:$0x5210] =	vst v1  }
0x45: {  	[tilespmem:$0x5220] =	vst v1  }
0x46: {  	[tilespmem:$0x5230] =	vst v1  }
0x47: {  	[tilespmem:$0x5240] =	vst v1  }
0x48: {  	[tilespmem:$0x5250] =	vst v1  }
0x49: {  	[tilespmem:$0x5260] =	vst v1  }
0x4a: {  	[tilespmem:$0x5270] =	vst v1  }
0x4b: {  	[tilespmem:$0x5280] =	vst v1  }
0x4c: {  	[tilespmem:$0x5290] =	vst v1  }
0x4d: {  	[tilespmem:$0x52A0] =	vst v1  }
0x4e: {  	[tilespmem:$0x52B0] =	vst v1  }
0x4f: {  	[tilespmem:$0x52C0] =	vst v1  }
0x50: {  	[tilespmem:$0x52D0] =	vst v1  }
0x51: {  	[tilespmem:$0x52E0] =	vst v1  }
0x52: {  	[tilespmem:$0x52F0] =	vst v1  }
0x53: {  	[tilespmem:$0x5300] =	vst v1  }
0x54: {  	[tilespmem:$0x5310] =	vst v1  }
0x55: {  	[tilespmem:$0x5320] =	vst v1  }
0x56: {  	[tilespmem:$0x5330] =	vst v1  }
0x57: {  	[tilespmem:$0x5340] =	vst v1  }
0x58: {  	[tilespmem:$0x5350] =	vst v1  }
0x59: {  	[tilespmem:$0x5360] =	vst v1  }
0x5a: {  	[tilespmem:$0x5370] =	vst v1  }
0x5b: {  	[tilespmem:$0x5380] =	vst v1  }
0x5c: {  	[tilespmem:$0x5390] =	vst v1  }
0x5d: {  	[tilespmem:$0x53A0] =	vst v1  }
0x5e: {  	[tilespmem:$0x53B0] =	vst v1  }
0x5f: {  	[tilespmem:$0x53C0] =	vst v1  }
0x60: {  	[tilespmem:$0x53D0] =	vst v1  }
0x61: {  	[tilespmem:$0x53E0] =	vst v1  }
0x62: {  	[tilespmem:$0x53F0] =	vst v1  }
0x63: {  	[tilespmem:$0x5400] =	vst v1  }
0x64: {  	[tilespmem:$0x5410] =	vst v1  }
0x65: {  	[tilespmem:$0x5420] =	vst v1  }
0x66: {  	[tilespmem:$0x5430] =	vst v1  }
0x67: {  	[tilespmem:$0x5440] =	vst v1  }
0x68: {  	[tilespmem:$0x5450] =	vst v1  }
0x69: {  	[tilespmem:$0x5460] =	vst v1  }
0x6a: {  	[tilespmem:$0x5470] =	vst v1  }
0x6b: {  	[tilespmem:$0x5480] =	vst v1  }
0x6c: {  	[tilespmem:$0x5490] =	vst v1  }
0x6d: {  	[tilespmem:$0x54A0] =	vst v1  }
0x6e: {  	[tilespmem:$0x54B0] =	vst v1  }
0x6f: {  	[tilespmem:$0x54C0] =	vst v1  }
0x70: {  	[tilespmem:$0x54D0] =	vst v1  }
0x71: {  	[tilespmem:$0x54E0] =	vst v1  }
0x72: {  	[tilespmem:$0x54F0] =	vst v1  }
0x73: {  	[tilespmem:$0x5500] =	vst v1  }
0x74: {  	[tilespmem:$0x5510] =	vst v1  }
0x75: {  	[tilespmem:$0x5520] =	vst v1  }
0x76: {  	[tilespmem:$0x5530] =	vst v1  }
0x77: {  	[tilespmem:$0x5540] =	vst v1  }
0x78: {  	[tilespmem:$0x5550] =	vst v1  }
0x79: {  	[tilespmem:$0x5560] =	vst v1  }
0x7a: {  	[tilespmem:$0x5570] =	vst v1  }
0x7b: {  	[tilespmem:$0x5580] =	vst v1  }
0x7c: {  	[tilespmem:$0x5590] =	vst v1  }
0x7d: {  	[tilespmem:$0x55A0] =	vst v1  }
0x7e: {  	[tilespmem:$0x55B0] =	vst v1  }
0x7f: {  	[tilespmem:$0x55C0] =	vst v1  }
0x80: {  	[tilespmem:$0x55D0] =	vst v1  }
0x81: {  	[tilespmem:$0x55E0] =	vst v1  }
0x82: {  	[tilespmem:$0x55F0] =	vst v1  }
0x83: {  	[tilespmem:$0x5600] =	vst v1  }
0x84: {  	[tilespmem:$0x5610] =	vst v1  }
0x85: {  	[tilespmem:$0x5620] =	vst v1  }
0x86: {  	[tilespmem:$0x5630] =	vst v1  }
0x87: {  	[tilespmem:$0x5640] =	vst v1  }
0x88: {  	[tilespmem:$0x5650] =	vst v1  }
0x89: {  	[tilespmem:$0x5660] =	vst v1  }
0x8a: {  	[tilespmem:$0x5670] =	vst v1  }
0x8b: {  	[tilespmem:$0x5680] =	vst v1  }
0x8c: {  	[tilespmem:$0x5690] =	vst v1  }
0x8d: {  	[tilespmem:$0x56A0] =	vst v1  }
0x8e: {  	[tilespmem:$0x56B0] =	vst v1  }
0x8f: {  	[tilespmem:$0x56C0] =	vst v1  }
0x90: {  	[tilespmem:$0x56D0] =	vst v1  }
0x91: {  	[tilespmem:$0x56E0] =	vst v1  }
0x92: {  	[tilespmem:$0x56F0] =	vst v1  }
0x93: {  	[tilespmem:$0x5700] =	vst v1  }
0x94: {  	[tilespmem:$0x5710] =	vst v1  }
0x95: {  	[tilespmem:$0x5720] =	vst v1  }
0x96: {  	[tilespmem:$0x5730] =	vst v1  }
0x97: {  	[tilespmem:$0x5740] =	vst v1  }
0x98: {  	[tilespmem:$0x5750] =	vst v1  }
0x99: {  	[tilespmem:$0x5760] =	vst v1  }
0x9a: {  	[tilespmem:$0x5770] =	vst v1  }
0x9b: {  	[tilespmem:$0x5780] =	vst v1  }
0x9c: {  	[tilespmem:$0x5790] =	vst v1  }
0x9d: {  	[tilespmem:$0x57A0] =	vst v1  }
0x9e: {  	[tilespmem:$0x57B0] =	vst v1  }
0x9f: {  	[tilespmem:$0x57C0] =	vst v1  }
0xa0: {  	[tilespmem:$0x57D0] =	vst v1  }
0xa1: {  	[tilespmem:$0x57E0] =	vst v1  }
0xa2: {  	[tilespmem:$0x57F0] =	vst v1  }
0xa3: {  	[spmem:s7] =	stream.linear.scatter [tilespmem:s20], [sflag:$0x9], $0x800, $0x38;
	[tilespmem:$0x10800] =	vst v63  }
0xa4: {  	_ =	swait.ge [sflag:s17], $0x800  }
0xa5: {  	[sflag:s17] =	ssyncset.done $0x0  }
0xa6: {  	s8 =	rddreg [dreg:$0x4];
	[sflag:s17] =	ssyncadd.s32 $0xFFFFF800  }
0xa7: {  	[spmem:s8] =	stream.linear.scatter [tilespmem:s20], [sflag:$0x9], $0x800, $0x38;
	[tilespmem:$0x10800] =	vst v63  }
0xa8: {  	_ =	swait.ge [sflag:s17], $0x800  }
0xa9: {  	[sflag:s17] =	ssyncset.done $0x0  }
0xaa: {  	s24 =	rddreg [dreg:$0x5];
	[sflag:s17] =	ssyncadd.s32 $0xFFFFF800  }
0xab: {  	[spmem:s24] =	stream.linear.scatter [tilespmem:s20], [sflag:$0x9], $0x800, $0x38;
	[tilespmem:$0x10800] =	vst v63  }
0xac: {  	_ =	swait.ge [sflag:s17], $0x800  }
0xad: {  	[sflag:s17] =	ssyncset.done $0x0  }
0xae: {  	s9 =	rddreg [dreg:$0x6];
	[sflag:s17] =	ssyncadd.s32 $0xFFFFF800  }
0xaf: {  	[spmem:s9] =	stream.linear.scatter [tilespmem:s20], [sflag:$0x9], $0x800, $0x38;
	[tilespmem:$0x10800] =	vst v63  }
0xb0: {  	_ =	swait.ge [sflag:s17], $0x800  }
0xb1: {  	[sflag:s17] =	ssyncset.done $0x0  }
0xb2: {  	s24 =	rddreg [dreg:$0x7];
	[sflag:s17] =	ssyncadd.s32 $0xFFFFF800  }
0xb3: {  	[spmem:s24] =	stream.linear.scatter [tilespmem:s20], [sflag:$0x9], $0x800, $0x38;
	[tilespmem:$0x10800] =	vst v63  }
0xb4: {  	_ =	swait.ge [sflag:s17], $0x800  }
0xb5: {  	[sflag:s17] =	ssyncset.done $0x0  }
0xb6: {  	[sflag:s17] =	ssyncadd.s32 $0xFFFFF800  }
.LBB2_4:
0xb7: {  	[bflag:$0x0] =	sbarrier.arrive $0xFFFF;
	s8 =	simm.s32 $0x0  }
0xb8: {  	[tilespmem:s8], [sflag:$0x9] =	stream.linear.gather [hbm4b:s12+s8], $0x2710, $0x38;
	[tilespmem:$0x10800] =	vst v63  }
0xb9: {  	_ =	swait.ge [sflag:s17], $0x2710  }
0xba: {  	[sflag:s17] =	ssyncset.done $0x0  }
0xbb: {  	s9 =	simm.s32 $0x2800;
	[sflag:s17] =	ssyncadd.s32 $0xFFFFD8F0  }
0xbc: {  	[tilespmem:s9], [sflag:$0x9] =	stream.linear.gather [hbm4b:s13+s8], $0x2710, $0x38;
	[tilespmem:$0x10800] =	vst v63  }
0xbd: {  	_ =	swait.ge [sflag:s17], $0x2710  }
0xbe: {  	[sflag:s17] =	ssyncset.done $0x0  }
0xbf: {  	[sflag:s17] =	ssyncadd.s32 $0xFFFFD8F0  }
0xc0: {  	[tilespmem:$0x2710] =	vst v0  }
0xc1: {  	[tilespmem:$0x4F10] =	vst v0  }
0xc2: {  	[tilespmem:$0x2720] =	vst v0  }
0xc3: {  	[tilespmem:$0x4F20] =	vst v0  }
0xc4: {  	[tilespmem:$0x2730] =	vst v0  }
0xc5: {  	[tilespmem:$0x4F30] =	vst v0  }
0xc6: {  	[tilespmem:$0x2740] =	vst v0  }
0xc7: {  	[tilespmem:$0x4F40] =	vst v0  }
0xc8: {  	[tilespmem:$0x2750] =	vst v0  }
0xc9: {  	[tilespmem:$0x4F50] =	vst v0  }
0xca: {  	[tilespmem:$0x2760] =	vst v0  }
0xcb: {  	[tilespmem:$0x4F60] =	vst v0  }
0xcc: {  	[tilespmem:$0x2770] =	vst v0  }
0xcd: {  	[tilespmem:$0x4F70] =	vst v0  }
0xce: {  	[tilespmem:$0x2780] =	vst v0  }
0xcf: {  	[tilespmem:$0x4F80] =	vst v0  }
0xd0: {  	[tilespmem:$0x2790] =	vst v0  }
0xd1: {  	[tilespmem:$0x4F90] =	vst v0  }
0xd2: {  	[tilespmem:$0x27A0] =	vst v0  }
0xd3: {  	[tilespmem:$0x4FA0] =	vst v0  }
0xd4: {  	[tilespmem:$0x27B0] =	vst v0  }
0xd5: {  	[tilespmem:$0x4FB0] =	vst v0  }
0xd6: {  	[tilespmem:$0x27C0] =	vst v0  }
0xd7: {  	[tilespmem:$0x4FC0] =	vst v0  }
0xd8: {  	[tilespmem:$0x27D0] =	vst v0  }
0xd9: {  	[tilespmem:$0x4FD0] =	vst v0  }
0xda: {  	[tilespmem:$0x27E0] =	vst v0  }
0xdb: {  	[tilespmem:$0x4FE0] =	vst v0  }
0xdc: {  	[tilespmem:$0x27F0] =	vst v0  }
0xdd: {  	[tilespmem:$0x4FF0] =	vst v0  }
0xde: {  	[tilespmem:s20], [sflag:$0x1] =	stream.indirect.gather [spmem:s2], $0x10, s8, s19, $0xb8;
	[tilespmem:$0x10800] =	vst v63  }
0xdf: {  	_ = 	snop  }
0xe0: {  	[tilespmem:s21], [sflag:$0x2] =	stream.indirect.gather [spmem:s2], $0x10, s19, s19, $0xb8;
	[tilespmem:$0x10800] =	vst v63  }
0xe1: {  	s24 =	simm.s32 $0x200  }
0xe2: {  	[tilespmem:s23], [sflag:$0x3] =	stream.indirect.gather [spmem:s2], $0x10, s24, s19, $0xb8;
	[tilespmem:$0x10800] =	vst v63  }
0xe3: {  	s9 =	simm.s32 $0x300  }
0xe4: {  	[tilespmem:s25], [sflag:$0x4] =	stream.indirect.gather [spmem:s2], $0x10, s9, s19, $0xb8;
	[tilespmem:$0x10800] =	vst v63  }
0xe5: {  	_ =	swait.ge [sflag:s26], $0x1000  }
0xe6: {  	[sflag:s26] =	ssyncset.done $0x0  }
0xe7: {  	s24 =	simm.s32 $0x2800;
	[sflag:s26] =	ssyncadd.s32 $0xFFFFF000  }
0xe8: {  	[spmem:s3] =	stream.indirect.scatter.add.f32 [tilespmem:s20], [sflag:$0x5], $0x10, s24, s19, $0xb8;
	[tilespmem:$0x10800] =	vst v63  }
0xe9: {  	_ =	swait.ge [sflag:s28], $0x1000  }
0xea: {  	[sflag:s28] =	ssyncset.done $0x0  }
0xeb: {  	s9 =	simm.s32 $0x2900;
	[sflag:s28] =	ssyncadd.s32 $0xFFFFF000  }
0xec: {  	[spmem:s3] =	stream.indirect.scatter.add.f32 [tilespmem:s21], [sflag:$0x6], $0x10, s9, s19, $0xb8;
	[tilespmem:$0x10800] =	vst v63  }
0xed: {  	_ =	swait.ge [sflag:s29], $0x1000  }
0xee: {  	[sflag:s29] =	ssyncset.done $0x0  }
0xef: {  	s24 =	simm.s32 $0x2A00;
	[sflag:s29] =	ssyncadd.s32 $0xFFFFF000  }
0xf0: {  	[spmem:s3] =	stream.indirect.scatter.add.f32 [tilespmem:s23], [sflag:$0x7], $0x10, s24, s19, $0xb8;
	[tilespmem:$0x10800] =	vst v63  }
0xf1: {  	_ =	swait.ge [sflag:s30], $0x1000  }
0xf2: {  	[sflag:s30] =	ssyncset.done $0x0  }
0xf3: {  	s9 =	simm.s32 $0x2B00;
	[sflag:s30] =	ssyncadd.s32 $0xFFFFF000  }
0xf4: {  	[spmem:s3] =	stream.indirect.scatter.add.f32 [tilespmem:s25], [sflag:$0x8], $0x10, s9, s19, $0xb8;
	[tilespmem:$0x10800] =	vst v63  }
0xf5: {  	_ =	swait.ge [sflag:s31], $0x1000  }
0xf6: {  	[sflag:s31] =	ssyncset.done $0x0  }
0xf7: {  	s24 =	simm.s32 $0x400;
	[sflag:s31] =	ssyncadd.s32 $0xFFFFF000  }
0xf8: {  	[tilespmem:s20], [sflag:$0x1] =	stream.indirect.gather [spmem:s2], $0x10, s24, s19, $0xb8;
	[tilespmem:$0x10800] =	vst v63  }
0xf9: {  	_ =	swait.ge [sflag:s1], $0x1000  }
0xfa: {  	[sflag:s1] =	ssyncset.done $0x0  }
0xfb: {  	s9 =	simm.s32 $0x500;
	[sflag:s1] =	ssyncadd.s32 $0xFFFFF000  }
0xfc: {  	[tilespmem:s21], [sflag:$0x2] =	stream.indirect.gather [spmem:s2], $0x10, s9, s19, $0xb8;
	[tilespmem:$0x10800] =	vst v63  }
0xfd: {  	_ =	swait.ge [sflag:s0], $0x1000  }
0xfe: {  	[sflag:s0] =	ssyncset.done $0x0  }
0xff: {  	s24 =	simm.s32 $0x600;
	[sflag:s0] =	ssyncadd.s32 $0xFFFFF000  }
0x100: {  	[tilespmem:s23], [sflag:$0x3] =	stream.indirect.gather [spmem:s2], $0x10, s24, s19, $0xb8;
	[tilespmem:$0x10800] =	vst v63  }
0x101: {  	_ =	swait.ge [sflag:s18], $0x1000  }
0x102: {  	[sflag:s18] =	ssyncset.done $0x0  }
0x103: {  	s8 =	simm.s32 $0x700;
	s24 =	simm.s32 $0x1000;
	[sflag:s18] =	ssyncadd.s32 $0xFFFFF000  }
.LBB2_5:
0x104: {  	[tilespmem:s25], [sflag:$0x4] =	stream.indirect.gather [spmem:s2], $0x10, s8, s19, $0xb8;
	[tilespmem:$0x10800] =	vst v63  }
0x105: {  	s8 =	smov.u32 s24  }
0x106: {  	p1 =	sne.s32 s24, $0x8000;
	s24 =	sadd.s32 $0x1000, s24;
	_ =	swait.ge [sflag:s26], $0x1000  }
0x107: {  	s8 =	sshra.s32 s8, $0x2;
	[sflag:s26] =	ssyncset.done $0x0  }
0x108: {  	s9 =	sadd.s32 $0x2800, s8;
	[sflag:s26] =	ssyncadd.s32 $0xFFFFF000  }
0x109: {  	[spmem:s3] =	stream.indirect.scatter.add.f32 [tilespmem:s20], [sflag:$0x5], $0x10, s9, s19, $0xb8;
	[tilespmem:$0x10800] =	vst v63  }
0x10a: {  	_ =	swait.ge [sflag:s28], $0x1000  }
0x10b: {  	[sflag:s28] =	ssyncset.done $0x0  }
0x10c: {  	s9 =	sadd.s32 $0x2900, s8;
	[sflag:s28] =	ssyncadd.s32 $0xFFFFF000  }
0x10d: {  	[spmem:s3] =	stream.indirect.scatter.add.f32 [tilespmem:s21], [sflag:$0x6], $0x10, s9, s19, $0xb8;
	[tilespmem:$0x10800] =	vst v63  }
0x10e: {  	_ =	swait.ge [sflag:s29], $0x1000  }
0x10f: {  	[sflag:s29] =	ssyncset.done $0x0  }
0x110: {  	s9 =	sadd.s32 $0x2A00, s8;
	[sflag:s29] =	ssyncadd.s32 $0xFFFFF000  }
0x111: {  	[spmem:s3] =	stream.indirect.scatter.add.f32 [tilespmem:s23], [sflag:$0x7], $0x10, s9, s19, $0xb8;
	[tilespmem:$0x10800] =	vst v63  }
0x112: {  	_ =	swait.ge [sflag:s30], $0x1000  }
0x113: {  	[sflag:s30] =	ssyncset.done $0x0  }
0x114: {  	s9 =	sadd.s32 $0x2B00, s8;
	[sflag:s30] =	ssyncadd.s32 $0xFFFFF000  }
0x115: {  	[spmem:s3] =	stream.indirect.scatter.add.f32 [tilespmem:s25], [sflag:$0x8], $0x10, s9, s19, $0xb8;
	[tilespmem:$0x10800] =	vst v63  }
0x116: {  	_ =	swait.ge [sflag:s31], $0x1000  }
0x117: {  	[sflag:s31] =	ssyncset.done $0x0  }
0x118: {  	s9 =	sadd.s32 $0x400, s8;
	[sflag:s31] =	ssyncadd.s32 $0xFFFFF000  }
0x119: {  	[tilespmem:s20], [sflag:$0x1] =	stream.indirect.gather [spmem:s2], $0x10, s9, s19, $0xb8;
	[tilespmem:$0x10800] =	vst v63  }
0x11a: {  	_ =	swait.ge [sflag:s1], $0x1000  }
0x11b: {  	[sflag:s1] =	ssyncset.done $0x0  }
0x11c: {  	s9 =	sadd.s32 $0x500, s8;
	[sflag:s1] =	ssyncadd.s32 $0xFFFFF000  }
0x11d: {  	[tilespmem:s21], [sflag:$0x2] =	stream.indirect.gather [spmem:s2], $0x10, s9, s19, $0xb8;
	[tilespmem:$0x10800] =	vst v63  }
0x11e: {  	_ =	swait.ge [sflag:s0], $0x1000  }
0x11f: {  	[sflag:s0] =	ssyncset.done $0x0  }
.Ltmp2:
0x120: {  	s9 =	sadd.s32 $0x600, s8;
	[sflag:s0] =	ssyncadd.s32 $0xFFFFF000;
	(pc) =	sbr.rel @p1 .LBB2_5-.Ltmp2, $4  }
0x121: {  	[tilespmem:s23], [sflag:$0x3] =	stream.indirect.gather [spmem:s2], $0x10, s9, s19, $0xb8;
	[tilespmem:$0x10800] =	vst v63  }
0x122: {  	_ =	swait.ge [sflag:s18], $0x1000  }
0x123: {  	[sflag:s18] =	ssyncset.done $0x0  }
0x124: {  	s8 =	sadd.s32 $0x700, s8;
	[sflag:s18] =	ssyncadd.s32 $0xFFFFF000  }
0x125: {  	[tilespmem:s25], [sflag:$0x4] =	stream.indirect.gather [spmem:s2], $0x10, s8, s19, $0xb8;
	[tilespmem:$0x10800] =	vst v63  }
0x126: {  	_ =	swait.ge [sflag:s26], $0x1000  }
0x127: {  	[sflag:s26] =	ssyncset.done $0x0  }
0x128: {  	s9 =	simm.s32 $0x4C00;
	[sflag:s26] =	ssyncadd.s32 $0xFFFFF000  }
0x129: {  	[spmem:s3] =	stream.indirect.scatter.add.f32 [tilespmem:s20], [sflag:$0x5], $0x10, s9, s19, $0xb8;
	[tilespmem:$0x10800] =	vst v63  }
0x12a: {  	_ =	swait.ge [sflag:s28], $0x1000  }
0x12b: {  	[sflag:s28] =	ssyncset.done $0x0  }
0x12c: {  	s24 =	simm.s32 $0x4D00;
	[sflag:s28] =	ssyncadd.s32 $0xFFFFF000  }
0x12d: {  	[spmem:s3] =	stream.indirect.scatter.add.f32 [tilespmem:s21], [sflag:$0x6], $0x10, s24, s19, $0xb8;
	[tilespmem:$0x10800] =	vst v63  }
0x12e: {  	_ =	swait.ge [sflag:s29], $0x1000  }
0x12f: {  	[sflag:s29] =	ssyncset.done $0x0  }
0x130: {  	[sflag:s29] =	ssyncadd.s32 $0xFFFFF000  }
0x131: {  	[spmem:s3] =	stream.indirect.scatter.add.f32 [tilespmem:s23], [sflag:$0x7], $0x10, s10, s19, $0xb8;
	[tilespmem:$0x10800] =	vst v63  }
0x132: {  	_ =	swait.ge [sflag:s30], $0x1000  }
0x133: {  	[sflag:s30] =	ssyncset.done $0x0  }
0x134: {  	[sflag:s30] =	ssyncadd.s32 $0xFFFFF000  }
0x135: {  	[spmem:s3] =	stream.indirect.scatter.add.f32 [tilespmem:s25], [sflag:$0x8], $0x10, s22, s19, $0xb8;
	[tilespmem:$0x10800] =	vst v63  }
0x136: {  	_ =	swait.ge [sflag:s31], $0x1000  }
0x137: {  	[sflag:s31] =	ssyncset.done $0x0  }
0x138: {  	[sflag:s31] =	ssyncadd.s32 $0xFFFFF000  }
0x139: {  	_ =	swait.ge [sflag:s1], $0x1000  }
0x13a: {  	[sflag:s1] =	ssyncset.done $0x0  }
0x13b: {  	[sflag:s1] =	ssyncadd.s32 $0xFFFFF000  }
0x13c: {  	_ =	swait.ge [sflag:s0], $0x1000  }
0x13d: {  	[sflag:s0] =	ssyncset.done $0x0  }
0x13e: {  	[sflag:s0] =	ssyncadd.s32 $0xFFFFF000  }
0x13f: {  	_ =	swait.ge [sflag:s18], $0x1000  }
0x140: {  	[sflag:s18] =	ssyncset.done $0x0  }
0x141: {  	[sflag:s18] =	ssyncadd.s32 $0xFFFFF000  }
0x142: {  	[bflag:$0x0] =	sbarrier.arrive $0xFFFF  }
0x143: {  	[tilespmem:s16], [sflag:$0x9] =	stream.linear.gather [spmem:s7], $0x2800, $0x38;
	[tilespmem:$0x10800] =	vst v63  }
0x144: {  	s11 =	sadd.s32 $0x1, s11;
	_ =	swait.ge [sflag:s17], $0x2800  }
0x145: {  	p1 =	sne.s32 s11, s15;
	[sflag:s17] =	ssyncset.done $0x0  }
.Ltmp3:
0x146: {  	[sflag:s17] =	ssyncadd.s32 $0xFFFFD800;
	(pc) =	sbr.rel @p1 .LBB2_1-.Ltmp3, $4  }
0x147: {  	[hbm4b:s14+s4] =	stream.linear.scatter [tilespmem:s16], [sflag:$0x9], $0x2800, $0x38;
	[tilespmem:$0x10800] =	vst v63  }
0x148: {  	_ =	swait.ge [sflag:s17], $0x2800  }
0x149: {  	[sflag:s17] =	ssyncset.done $0x0  }
0x14a: {  	[sflag:s17] =	ssyncadd.s32 $0xFFFFD800  }
0x14b: {  	_ =	sfence.sel $0x180000  }
0x14c: {  	[bflag:$0x0] =	sbarrier.arrive $0xFFFF  }
0x14d: {  	_ =	strace $0x9000004D  }
0x14e: {  	s0 =	stileid.u32;
	[bflag:$0x2] =	sbarrier.arrive $0xFFFF  }
0x14f: {  	p0 =	sne.s32 s0, $0x0;
	s0 =	rddreg [dreg:$0x3]  }
0x150: {  	s0 =	sadd.s32 @!p0 $0x100000, s0  }
0x151: {  	[sflag:s0] =	ssyncadd.tile.s32 @!p0 $0x1;
	_ =	shalt  }
.Lfunc_end2:
_tile_overlayer_lowered:
.L_overlay_start_2:
0x152: {  	(tag) =	ssettag $0x2  }
0x153: {  	s0 =	rddreg [dreg:$0x0];
	s2 =	stileid.u32  }
0x154: {  	s1 =	rddreg [dreg:$0x1];
	p0 =	sne.s32 s2, $0x0  }
0x155: {  	s3 =	rddreg [dreg:$0x2];
	[bflag:$0x3] =	sbarrier.arrive $0xFFFF;
	s2 =	simm.s32 @!p0 $0x1C09  }
0x156: {  	[timem:s3], [sflag:s2] =	dma.local @!p0 [hbm:s0], s1  }
0x157: {  	s0 =	simm.s32 @!p0 $0x9  }
0x158: {  	_ =	swait.ge @!p0 [sflag:s0], s1  }
0x159: {  	s1 =	ssub.s32 @!p0 $0x0, s1;
	[sflag:s0] =	ssyncset.done @!p0 $0x0  }
0x15a: {  	[sflag:s0] =	ssyncadd.s32 @!p0 s1  }
0x15b: {  	[bflag:$0x3] =	sbarrier.arrive $0xFFFF  }
0x15c: {  	_ =	shalt  }

// kernel: kernel.8.cloned.1.call-start
scs
__scs_entry_jumppad:
0x0: {  	(pc) =	sbr.rel $0x88, $3  }
0x1: {  	(tag) =	ssettag $0x0;
	lr =	simm.s32 $0x1  }
0x2: {  	[smem:$0x3F9B] =	sst lr;
	_ =	strace $0xD0000000  }
0x3: {  	_ = 	snop  }
0x4: {  	_ = 	snop  }
0x5: {  	_ = 	snop  }
0x6: {  	_ = 	snop  }
0x7: {  	_ = 	snop  }
__scs_overlays_trampoline_lowered:
0x8: {  	[smem:$0x3FAA] =	sst s0  }
0x9: {  	[smem:$0x3FAB] =	sst s1  }
0xa: {  	[smem:$0x3FAC] =	sst s2  }
0xb: {  	[smem:$0x3FAD] =	sst s3  }
0xc: {  	[smem:$0x3FAE] =	sst s4  }
0xd: {  	[smem:$0x3FAF] =	sst s5  }
0xe: {  	[smem:$0x3FB0] =	sst s6  }
0xf: {  	[smem:$0x3FB1] =	sst s7  }
0x10: {  	[smem:$0x3FB2] =	sst s8  }
0x11: {  	[smem:$0x3FB3] =	sst s9;
	s0 =	simm.s32 @!p0 $0x0  }
0x12: {  	s1 =	sld [smem:$0x3F99];
	s0 =	simm.s32 @p0 $0x1  }
0x13: {  	[smem:$0x3FB4] =	sst s0;
	s0 =	simm.s32 @!p1 $0x0  }
0x14: {  	s2 =	sld [smem:$0x3F98];
	s0 =	simm.s32 @p1 $0x1  }
0x15: {  	[smem:$0x3FB5] =	sst s0;
	s0 =	simm.s32 @!p2 $0x0  }
0x16: {  	s3 =	sld [smem:$0x3FDB];
	s0 =	simm.s32 @p2 $0x1  }
0x17: {  	s4 =	simm.s32 $0x1BF5;
	[smem:$0x3FB7] =	sst s0  }
0x18: {  	s0 =	sld [smem:$0x3F9A];
	_ =	swait.ge [sflag:s4], $0x0  }
0x19: {  	s7 =	sld [smem:$0x3F9B]  }
0x1a: {  	s8 =	sadd.s32 $0xFFFFE003, lr  }
0x1b: {  	s9 =	sadd.s32 $0xFFFFFEF7, lr;
	s5 =	simm.s32 $0xFFFFFFFF;
	p2 =	slt.u32 s8, $0xFFFFF086  }
0x1c: {  	p1 =	slt.u32 s9, $0xF7A;
	s5 =	simm.s32 @!p2 $0x0  }
0x1d: {  	s5 =	simm.s32 @p1 $0x1;
	p0 =	seq.s32 s7, s2  }
0x1e: {  	s7 =	smul.u32 @!p0 $0xF7A, s2;
	p2 =	seq.s32 @!p0 s5, $0x0  }
0x1f: {  	s9 =	smul.u32 $0xF7A, s1;
	s8 =	simm.s32 @!p0 $0x1BF5;
	p2 =	por !p2, p0  }
0x20: {  	[sflag:s8] =	ssyncset.s32 @!p0 $0xFFFFF086;
	s6 =	sadd.s32 @!p0 s3, s7;
	s7 =	simm.s32 @!p0 $0x108  }
0x21: {  	s3 =	sadd.s32 s3, s9;
	s6 =	sadd.s32 @!p0 $0x88, s6;
	s7 =	simm.s32 @p2 $0x1082  }
0x22: {  	[simem:s7], [sflag:s8] =	dma.local @!p0 [hbm:s6], $0xF7A  }
0x23: {  	s9 =	sor.u32 $0xD0000000, s2;
	s6 =	simm.s32 $0x108;
	_ =	swait.ge @!p0 [sflag:s8], $0x0  }
0x24: {  	s3 =	sadd.s32 $0x88, s3;
	s6 =	simm.s32 @!p1 $0x1082;
	[sflag:s4] =	ssyncset.s32 $0xFFFFF086  }
0x25: {  	[simem:s6], [sflag:s4] =	dma.local [hbm:s3], $0xF7A  }
0x26: {  	[smem:$0x3F9B] =	sst s1;
	(tag) =	ssettag s2;
	_ =	strace s9  }
0x27: {  	s1 =	sld [smem:$0x3FAB]  }
0x28: {  	s2 =	sld [smem:$0x3FAC]  }
0x29: {  	s4 =	sld [smem:$0x3FAE]  }
0x2a: {  	p0 =	seq.s32 s5, $0x0;
	s5 =	sld [smem:$0x3FAF]  }
0x2b: {  	s6 =	sld [smem:$0x3FB0]  }
0x2c: {  	s7 =	sld [smem:$0x3FB1]  }
0x2d: {  	s3 =	simm.s32 $0x108;
	s8 =	sld [smem:$0x3FB2]  }
0x2e: {  	s3 =	simm.s32 @!p0 $0x1082;
	s9 =	sld [smem:$0x3FB3]  }
0x2f: {  	lr =	sadd.s32 s0, s3;
	s0 =	sld [smem:$0x3FAA]  }
0x30: {  	s3 =	sld [smem:$0x3FAD]  }
0x31: {  	[smem:$0x3FB6] =	sst s10  }
0x32: {  	s10 =	sld [smem:$0x3FB4];
	_ =	sdelay $0x3  }
0x33: {  	p0 =	seq.s32 s10, $0x1;
	s10 =	sld [smem:$0x3FB6];
	_ =	sdelay $0x3  }
0x34: {  	[smem:$0x3FB6] =	sst s10  }
0x35: {  	s10 =	sld [smem:$0x3FB5];
	_ =	sdelay $0x3  }
0x36: {  	p1 =	seq.s32 s10, $0x1;
	s10 =	sld [smem:$0x3FB6];
	_ =	sdelay $0x3  }
0x37: {  	[smem:$0x3FB6] =	sst s10  }
0x38: {  	s10 =	sld [smem:$0x3FB7]  }
0x39: {  	_ = 	snop;
	(pc) =	sbr.ind lr, $3  }
0x3a: {  	_ = 	snop  }
0x3b: {  	_ = 	snop  }
0x3c: {  	p2 =	seq.s32 s10, $0x1;
	s10 =	sld [smem:$0x3FB6]  }
0x3d: {  	_ =	shalt  }
0x3e: {  	_ =	shalt  }
0x3f: {  	_ =	shalt  }
0x40: {  	_ =	shalt  }
0x41: {  	_ =	shalt  }
0x42: {  	_ =	shalt  }
0x43: {  	_ =	shalt  }
0x44: {  	_ =	shalt  }
0x45: {  	_ =	shalt  }
0x46: {  	_ =	shalt  }
0x47: {  	_ =	shalt  }
0x48: {  	_ =	shalt  }
0x49: {  	_ =	shalt  }
0x4a: {  	_ =	shalt  }
0x4b: {  	_ =	shalt  }
0x4c: {  	_ =	shalt  }
0x4d: {  	_ =	shalt  }
0x4e: {  	_ =	shalt  }
0x4f: {  	_ =	shalt  }
0x50: {  	_ =	shalt  }
0x51: {  	_ =	shalt  }
0x52: {  	_ =	shalt  }
0x53: {  	_ =	shalt  }
0x54: {  	_ =	shalt  }
0x55: {  	_ =	shalt  }
0x56: {  	_ =	shalt  }
0x57: {  	_ =	shalt  }
0x58: {  	_ =	shalt  }
0x59: {  	_ =	shalt  }
0x5a: {  	_ =	shalt  }
0x5b: {  	_ =	shalt  }
0x5c: {  	_ =	shalt  }
0x5d: {  	_ =	shalt  }
0x5e: {  	_ =	shalt  }
0x5f: {  	_ =	shalt  }
0x60: {  	_ =	shalt  }
0x61: {  	_ =	shalt  }
0x62: {  	_ =	shalt  }
0x63: {  	_ =	shalt  }
0x64: {  	_ =	shalt  }
0x65: {  	_ =	shalt  }
0x66: {  	_ =	shalt  }
0x67: {  	_ =	shalt  }
0x68: {  	_ =	shalt  }
0x69: {  	_ =	shalt  }
0x6a: {  	_ =	shalt  }
0x6b: {  	_ =	shalt  }
0x6c: {  	_ =	shalt  }
0x6d: {  	_ =	shalt  }
0x6e: {  	_ =	shalt  }
0x6f: {  	_ =	shalt  }
0x70: {  	_ =	shalt  }
0x71: {  	_ =	shalt  }
0x72: {  	_ =	shalt  }
0x73: {  	_ =	shalt  }
0x74: {  	_ =	shalt  }
0x75: {  	_ =	shalt  }
0x76: {  	_ =	shalt  }
0x77: {  	_ =	shalt  }
0x78: {  	_ =	shalt  }
0x79: {  	_ =	shalt  }
0x7a: {  	_ =	shalt  }
0x7b: {  	_ =	shalt  }
0x7c: {  	_ =	shalt  }
0x7d: {  	_ =	shalt  }
0x7e: {  	_ =	shalt  }
0x7f: {  	_ =	shalt  }
0x80: {  	_ =	shalt  }
0x81: {  	_ =	shalt  }
0x82: {  	_ =	shalt  }
0x83: {  	_ =	shalt  }
0x84: {  	_ =	shalt  }
0x85: {  	_ =	shalt  }
0x86: {  	_ =	shalt  }
0x87: {  	_ =	shalt  }
.Lfunc_end0:
.L_simem_size_0:
called_computation_lowered:
.L_overlay_start_0:
0x88: {  	s2 =	sld [smem:$0x3FD9]  }
0x89: {  	s3 =	sld [smem:$0x3FFE];
	_ =	sdelay $0x1  }
0x8a: {  	s1 =	srdreg.scid  }
0x8b: {  	s0 =	sand.u32 $0x1, s1  }
0x8c: {  	s16 =	sshll.u32 s0, $0xA;
	s2 =	sadd.s32 s3, s2  }
0x8d: {  	s2 =	sadd.s32 s2, s16  }
0x8e: {  	[smem:$0x3FC2] =	sst s2  }
0x8f: {  	_ = 	snop  }
0x90: {  	(tm) =	ssettm $0x1  }
0x91: {  	s17 =	sld [smem:$0x3FFB];
	_ =	sdelay $0x3  }
0x92: {  	_ =	strace s17  }
0x93: {  	s2 =	sld [smem:$0x3FFC];
	_ =	sdelay $0x3  }
0x94: {  	_ =	strace s2  }
0x95: {  	s2 =	sld [smem:$0x3FFD];
	_ =	sdelay $0x3  }
0x96: {  	_ =	strace s2  }
0x97: {  	_ =	strace $0x8FFFFFFF  }
0x98: {  	s18 =	sld [smem:$0x3FDB];
	_ =	sdelay $0x1  }
0x99: {  	s19 =	simm.s32 $_scs_section_size  }
0x9a: {  	s4 =	simm.s32 $_size__tile_overlayer_lowered;
	s5 =	simm.s32 $_tile_overlayer_lowered  }
0x9b: {  	s22 =	simm.s32 $0x1BFF;
	s21 =	sshll.u32 s5, $0x1;
	s2 =	sadd.s32 s19, s18  }
0x9c: {  	s6 =	simm.s32 $0x0;
	s20 =	sshll.u32 s4, $0x1;
	s4 =	sadd.s32 s21, s2  }
0x9d: {  	[timem:s6], [sflag:s22] =	dma.local [hbm:s4], s20  }
0x9e: {  	_ =	swait.ge [sflag:s22], s20  }
0x9f: {  	s3 =	ssub.s32 $0x0, s20;
	[sflag:s22] =	ssyncset.done $0x0  }
0xa0: {  	[sflag:s22] =	ssyncadd.s32 s3;
	_ =	sdelay $0x1  }
0xa1: {  	s23 =	simm.s32 $0x1B8B  }
0xa2: {  	_ =	swait.ge [sflag:s23], $0x1  }
0xa3: {  	[sflag:s23] =	ssyncset.done $0x0  }
0xa4: {  	s25 =	simm.s32 $0x1B8E;
	s24 =	sld [smem:$0x3FFE];
	[sflag:s23] =	ssyncadd.s32 $0xFFFFFFFF  }
0xa5: {  	s26 =	simm.s32 $execute0_lowered;
	[smem:$0x3FD2] =	sst s25  }
0xa6: {  	s4 =	sshll.u32 s26, $0x1;
	_ =	strace $0x80000046;
	[dreg:$0x1] =	wrdreg $0xFFFFFFFF  }
0xa7: {  	s28 =	simm.s32 $_size_execute0_lowered;
	s2 =	sadd.s32 s2, s4;
	[dreg:$0x0] =	wrdreg $0x0  }
0xa8: {  	s4 =	sshll.u32 s28, $0x1;
	[dreg:$0x2] =	wrdreg s2  }
0xa9: {  	[dreg:$0x3] =	wrdreg s4  }
0xaa: {  	[dreg:$0x4] =	wrdreg $0xC0  }
0xab: {  	_ =	task [dreg:s6], $0x5FFFF  }
0xac: {  	[dreg:$0x1] =	wrdreg $0xFFFFFFFF  }
0xad: {  	[dreg:$0x0] =	wrdreg $0x60  }
0xae: {  	[dreg:$0x2] =	wrdreg s24  }
0xaf: {  	[dreg:$0x3] =	wrdreg $0x79000  }
0xb0: {  	[dreg:$0x4] =	wrdreg $0x9  }
0xb1: {  	_ =	task.clear_ibuf [dreg:s6], $0x5FFFF;
	_ =	strace $0x90000046  }
0xb2: {  	s29 =	simm.s32 $0x9;
	_ =	strace $0x80000048  }
0xb3: {  	_ =	swait.ge [sflag:s29], $0x1  }
0xb4: {  	[sflag:s29] =	ssyncadd.s32 $0xFFFFFFFF  }
0xb5: {  	_ =	strace $0x90000048  }
0xb6: {  	_ =	sfence  }
0xb7: {  	s30 =	sld [smem:$0x0];
	_ =	sdelay $0x2  }
0xb8: {  	s31 =	sshll.u32 s1, $0xD;
	s1 =	sshrl.u32 s1, $0x2  }
0xb9: {  	s3 =	sand.u32 $0x4000, s31;
	s1 =	sadd.s32 s1, s30  }
0xba: {  	s0 =	sor.u32 s3, s0;
	s1 =	sshll.u32 s1, $0x11  }
0xbb: {  	s0 =	sor.u32 s1, s0  }
0xbc: {  	s0 =	sadd.s32 $0x8F2B, s0  }
0xbd: {  	[sflag:s0] =	ssyncadd.remote.s32 $0x1  }
0xbe: {  	_ =	sfence.sel $0xFFFF  }
0xbf: {  	[dreg:$0x0] =	wrdreg $0xFFFFFFFF;
	(pc) =	sbr.abs _section_cstart, $3  }
0xc0: {  	[dreg:$0x1] =	wrdreg $0xFFFFFFFF  }
0xc1: {  	_ =	task.clear_ibuf [dreg:s6], $0x2FFFF;
	_ =	strace $0x9FFFFFFF  }
0xc2: {  	(tm) =	ssettm $0x7FFFFFFF  }
0xc3: {  	_ =	shalt  }
tec
execute0_lowered:
.L_overlay_start_1:
0x0: {  	(tag) =	ssettag $0x1  }
0x1: {  	s4 =	rddreg [dreg:$0x0];
	s0 =	srdreg.scid  }
0x2: {  	s2 =	rddreg [dreg:$0x1];
	s1 =	stileid.u32  }
0x3: {  	s3 =	simm.s32 $0x0;
	s10 =	simm.s32 $0x100;
	s5 =	sand.u32 $0x1, s0  }
0x4: {  	s11 =	simm.s32 $0x5000;
	s6 =	smul.u32 $0x2800, s1;
	s7 =	sshll.u32 s5, $0x4  }
0x5: {  	s0 =	rddreg [dreg:$0x2];
	s8 =	smul.u32 $0x28000, s5;
	s7 =	sor.u32 s1, s7  }
0x6: {  	s12 =	simm.s32 $0x0;
	[smem:$0x7FF] =	sst s3;
	s7 =	smul.u32 $0x2710, s7  }
0x7: {  	_ =	strace $0x80000047;
	s5 =	ssub.s32 $0x2, s5;
	s8 =	sadd.s32 s6, s8  }
0x8: {  	s9 =	sshrl.u32 s5, $0x1;
	s8 =	sshrl.u32 s8, $0x3;
	s7 =	sshrl.u32 s7, $0x3  }
0x9: {  	s9 =	ssub.s32 s5, s9;
	s8 =	sadd.s32 s8, s4;
	s31 =	sadd.s32 s4, s7  }
0xa: {  	s4 =	sadd.s32 s6, s2;
	s6 =	sadd.s32 $0x16400, s8;
	s7 =	smax.u32 s9, $0x1  }
0xb: {  	v0 =	vimm.f32 $1.000000000e+00;
	v1 =	vimm.f32 $0.0e+00;
	v2 =	vimm.s32 $0x27100;
	s8 =	simm.s32 $0x5100;
	s9 =	simm.s32 $0x1;
	s5 =	sadd.s32 $0xC640, s31  }
.LBB2_1:
0xc: {  	[tilespmem:$0x5000] =	vst v0  }
0xd: {  	[tilespmem:$0x5010] =	vst v0  }
0xe: {  	[tilespmem:$0x5020] =	vst v0  }
0xf: {  	[tilespmem:$0x5030] =	vst v0  }
0x10: {  	[tilespmem:$0x5040] =	vst v0  }
0x11: {  	[tilespmem:$0x5050] =	vst v0  }
0x12: {  	[tilespmem:$0x5060] =	vst v0  }
0x13: {  	[tilespmem:$0x5070] =	vst v0  }
0x14: {  	[tilespmem:$0x5080] =	vst v0  }
0x15: {  	[tilespmem:$0x5090] =	vst v0  }
0x16: {  	[tilespmem:$0x50A0] =	vst v0  }
0x17: {  	[tilespmem:$0x50B0] =	vst v0  }
0x18: {  	[tilespmem:$0x50C0] =	vst v0  }
0x19: {  	[tilespmem:$0x50D0] =	vst v0  }
0x1a: {  	[tilespmem:$0x50E0] =	vst v0  }
0x1b: {  	[tilespmem:$0x50F0] =	vst v0;
	s13 =	simm.s32 $0x40;
	s14 =	simm.s32 $0x0  }
.LBB2_2:
0x1c: {  	p0 =	sne.s32 s13, $0x9FC0;
	[tilespmem:s14+$0x5100] =	vst v1;
	s14 =	smov.u32 s13;
	s13 =	sadd.s32 $0x40, s13  }
.Ltmp0:
0x1d: {  	(pc) =	sbr.rel @p0 .LBB2_2-.Ltmp0, $2  }
0x1e: {  	_ =	sdelay $0x2  }
0x1f: {  	s14 =	sshra.s32 s14, $0x2  }
0x20: {  	[tilespmem:s14+$0x5100] =	vst v1  }
0x21: {  	[spmem:s4] =	stream.linear.scatter [tilespmem:s8], [sflag:$0x1], $0x2800, $0x38;
	[tilespmem:$0xA100] =	vst v63  }
0x22: {  	_ =	swait.ge [sflag:s9], $0x2800  }
0x23: {  	[sflag:s9] =	ssyncset.done $0x0  }
0x24: {  	s13 =	simm.s32 $0x0;
	[sflag:s9] =	ssyncadd.s32 $0xFFFFD800  }
0x25: {  	[tilespmem:s13], [sflag:$0x1] =	stream.linear.gather [hbm4b:s5+s13], $0x2710, $0x38;
	[tilespmem:$0xA100] =	vst v63  }
0x26: {  	_ =	swait.ge [sflag:s9], $0x2710  }
0x27: {  	[sflag:s9] =	ssyncset.done $0x0  }
0x28: {  	s13 =	simm.s32 $0x0;
	[sflag:s9] =	ssyncadd.s32 $0xFFFFD8F0  }
0x29: {  	v3 =	vld [tilespmem:s13+$0xF0]  }
0x2a: {  	v4 =	vld [tilespmem:s13+$0x0]  }
0x2b: {  	v5 =	vld [tilespmem:s13+$0x10]  }
0x2c: {  	v6 =	vld [tilespmem:s13+$0x20]  }
0x2d: {  	v7 =	vld [tilespmem:s13+$0x30]  }
0x2e: {  	v8 =	vld [tilespmem:s13+$0x40];
	v3 =	vshll.u32 v3, $0x4  }
0x2f: {  	v9 =	vld [tilespmem:s13+$0x50];
	v4 =	vshll.u32 v4, $0x4;
	[tilespmem:s13+$0x28F0] =	vst v3  }
0x30: {  	[tilespmem:s13+$0x2800] =	vst v4;
	v3 =	vshll.u32 v5, $0x4;
	v4 =	vld [tilespmem:s13+$0x60]  }
0x31: {  	v5 =	vld [tilespmem:s13+$0x70];
	[tilespmem:s13+$0x2810] =	vst v3;
	v3 =	vshll.u32 v6, $0x4  }
0x32: {  	v6 =	vld [tilespmem:s13+$0x80];
	[tilespmem:s13+$0x2820] =	vst v3;
	v3 =	vshll.u32 v7, $0x4  }
0x33: {  	v7 =	vld [tilespmem:s13+$0x90];
	[tilespmem:s13+$0x2830] =	vst v3;
	v3 =	vshll.u32 v8, $0x4  }
0x34: {  	v8 =	vshll.u32 v9, $0x4;
	[tilespmem:s13+$0x2840] =	vst v3;
	v3 =	vld [tilespmem:s13+$0xA0]  }
0x35: {  	[tilespmem:s13+$0x2850] =	vst v8;
	v8 =	vshll.u32 v4, $0x4;
	v4 =	vld [tilespmem:s13+$0xB0]  }
0x36: {  	[tilespmem:s13+$0x2860] =	vst v8;
	v8 =	vshll.u32 v5, $0x4;
	v5 =	vld [tilespmem:s13+$0xC0]  }
0x37: {  	[tilespmem:s13+$0x2870] =	vst v8;
	v8 =	vshll.u32 v6, $0x4;
	v6 =	vld [tilespmem:s13+$0xD0]  }
0x38: {  	s14 =	simm.s32 $0x100;
	s15 =	simm.s32 $0x800;
	[tilespmem:s13+$0x2880] =	vst v8;
	v8 =	vshll.u32 v7, $0x4;
	v7 =	vld [tilespmem:s13+$0xE0]  }
.LBB2_4:
0x39: {  	p0 =	sne.s32 s15, $0x9800;
	v9 =	vld [tilespmem:s14+$0xF0];
	[tilespmem:s13+$0x2890] =	vst v8;
	v3 =	vshll.u32 v3, $0x4  }
0x3a: {  	v8 =	vld [tilespmem:s14+$0x0];
	[tilespmem:s13+$0x28A0] =	vst v3;
	v3 =	vshll.u32 v4, $0x4  }
0x3b: {  	v4 =	vld [tilespmem:s14+$0x10];
	[tilespmem:s13+$0x28B0] =	vst v3;
	v3 =	vshll.u32 v5, $0x4  }
0x3c: {  	v5 =	vld [tilespmem:s14+$0x20];
	[tilespmem:s13+$0x28C0] =	vst v3;
	v3 =	vshll.u32 v6, $0x4  }
0x3d: {  	v6 =	vld [tilespmem:s14+$0x30];
	[tilespmem:s13+$0x28D0] =	vst v3;
	v3 =	vshll.u32 v7, $0x4  }
0x3e: {  	v7 =	vld [tilespmem:s14+$0x40];
	v9 =	vshll.u32 v9, $0x4;
	[tilespmem:s13+$0x28E0] =	vst v3;
	s13 =	smov.u32 s14  }
0x3f: {  	v3 =	vshll.u32 v8, $0x4;
	v8 =	vld [tilespmem:s13+$0x50];
	[tilespmem:s13+$0x28F0] =	vst v9  }
0x40: {  	[tilespmem:s13+$0x2800] =	vst v3;
	v3 =	vshll.u32 v4, $0x4;
	v4 =	vld [tilespmem:s13+$0x60]  }
0x41: {  	[tilespmem:s13+$0x2810] =	vst v3;
	v3 =	vshll.u32 v5, $0x4;
	v5 =	vld [tilespmem:s13+$0x70]  }
0x42: {  	[tilespmem:s13+$0x2820] =	vst v3;
	v3 =	vshll.u32 v6, $0x4;
	v6 =	vld [tilespmem:s13+$0x80]  }
0x43: {  	[tilespmem:s13+$0x2830] =	vst v3;
	v3 =	vshll.u32 v7, $0x4;
	v7 =	vld [tilespmem:s13+$0x90]  }
.Ltmp1:
0x44: {  	[tilespmem:s13+$0x2840] =	vst v3;
	v8 =	vshll.u32 v8, $0x4;
	v3 =	vld [tilespmem:s13+$0xA0];
	(pc) =	sbr.rel @p0 .LBB2_4-.Ltmp1, $4  }
0x45: {  	[tilespmem:s13+$0x2850] =	vst v8;
	v8 =	vshll.u32 v4, $0x4;
	v4 =	vld [tilespmem:s13+$0xB0]  }
0x46: {  	[tilespmem:s13+$0x2860] =	vst v8;
	v8 =	vshll.u32 v5, $0x4;
	v5 =	vld [tilespmem:s13+$0xC0]  }
0x47: {  	[tilespmem:s13+$0x2870] =	vst v8;
	v8 =	vshll.u32 v6, $0x4;
	v6 =	vld [tilespmem:s13+$0xD0]  }
0x48: {  	s14 =	sshra.s32 s15, $0x2;
	s15 =	sadd.s32 $0x400, s15;
	[tilespmem:s13+$0x2880] =	vst v8;
	v8 =	vshll.u32 v7, $0x4;
	v7 =	vld [tilespmem:s13+$0xE0]  }
0x49: {  	v9 =	vld [tilespmem:s14+$0xF0];
	[tilespmem:s13+$0x2890] =	vst v8;
	v3 =	vshll.u32 v3, $0x4  }
0x4a: {  	v8 =	vld [tilespmem:s14+$0x0];
	[tilespmem:s13+$0x28A0] =	vst v3;
	v3 =	vshll.u32 v4, $0x4  }
0x4b: {  	v50 =	vld [tilespmem:s14+$0x10];
	[tilespmem:s13+$0x28B0] =	vst v3;
	v3 =	vshll.u32 v5, $0x4  }
0x4c: {  	v51 =	vld [tilespmem:s14+$0x20];
	[tilespmem:s13+$0x28C0] =	vst v3;
	v3 =	vshll.u32 v6, $0x4  }
0x4d: {  	v52 =	vld [tilespmem:s14+$0x30];
	[tilespmem:s13+$0x28D0] =	vst v3;
	v3 =	vshll.u32 v7, $0x4  }
0x4e: {  	v53 =	vld [tilespmem:s14+$0x40];
	[tilespmem:s13+$0x28E0] =	vst v3;
	v3 =	vshll.u32 v9, $0x4  }
0x4f: {  	v54 =	vld [tilespmem:s14+$0x50];
	v8 =	vshll.u32 v8, $0x4;
	[tilespmem:s14+$0x28F0] =	vst v3  }
0x50: {  	v55 =	vld [tilespmem:s14+$0x60];
	[tilespmem:s14+$0x2800] =	vst v8;
	v3 =	vshll.u32 v50, $0x4  }
0x51: {  	v56 =	vld [tilespmem:s14+$0x70];
	[tilespmem:s14+$0x2810] =	vst v3;
	v3 =	vshll.u32 v51, $0x4  }
0x52: {  	v57 =	vld [tilespmem:s14+$0x80];
	[tilespmem:s14+$0x2820] =	vst v3;
	v3 =	vshll.u32 v52, $0x4  }
0x53: {  	v58 =	vld [tilespmem:s14+$0x90];
	[tilespmem:s14+$0x2830] =	vst v3;
	v3 =	vshll.u32 v53, $0x4  }
0x54: {  	v59 =	vld [tilespmem:s14+$0xA0];
	[tilespmem:s14+$0x2840] =	vst v3;
	v3 =	vshll.u32 v54, $0x4  }
0x55: {  	v60 =	vld [tilespmem:s14+$0xB0];
	[tilespmem:s14+$0x2850] =	vst v3;
	v3 =	vshll.u32 v55, $0x4  }
0x56: {  	v61 =	vld [tilespmem:s14+$0xC0];
	[tilespmem:s14+$0x2860] =	vst v3;
	v3 =	vshll.u32 v56, $0x4  }
0x57: {  	v62 =	vld [tilespmem:s14+$0xD0];
	[tilespmem:s14+$0x2870] =	vst v3;
	v3 =	vshll.u32 v57, $0x4  }
0x58: {  	v63 =	vld [tilespmem:s14+$0xE0];
	[tilespmem:s14+$0x2880] =	vst v3;
	v3 =	vshll.u32 v58, $0x4  }
0x59: {  	[tilespmem:s14+$0x2890] =	vst v3;
	v3 =	vshll.u32 v59, $0x4  }
0x5a: {  	[tilespmem:s14+$0x28A0] =	vst v3;
	v3 =	vshll.u32 v60, $0x4  }
0x5b: {  	[tilespmem:s14+$0x28B0] =	vst v3;
	v3 =	vshll.u32 v61, $0x4  }
0x5c: {  	[tilespmem:s14+$0x28C0] =	vst v3;
	v3 =	vshll.u32 v62, $0x4  }
0x5d: {  	[tilespmem:s14+$0x28D0] =	vst v3;
	v3 =	vshll.u32 v63, $0x4  }
0x5e: {  	[tilespmem:s14+$0x28E0] =	vst v3  }
0x5f: {  	[tilespmem:$0x4F10] =	vst v2  }
0x60: {  	[tilespmem:$0x4F20] =	vst v2  }
0x61: {  	[tilespmem:$0x4F30] =	vst v2  }
0x62: {  	[tilespmem:$0x4F40] =	vst v2  }
0x63: {  	[tilespmem:$0x4F50] =	vst v2  }
0x64: {  	[tilespmem:$0x4F60] =	vst v2  }
0x65: {  	[tilespmem:$0x4F70] =	vst v2  }
0x66: {  	[tilespmem:$0x4F80] =	vst v2  }
0x67: {  	[tilespmem:$0x4F90] =	vst v2  }
0x68: {  	v3 =	vld [tilespmem:$0x2700];
	[tilespmem:$0x4FA0] =	vst v2  }
0x69: {  	[tilespmem:$0x4FB0] =	vst v2  }
0x6a: {  	[tilespmem:$0x4FC0] =	vst v2  }
0x6b: {  	[tilespmem:$0x4FD0] =	vst v2  }
0x6c: {  	[tilespmem:$0x4FE0] =	vst v2  }
0x6d: {  	[tilespmem:$0x4FF0] =	vst v2;
	v3 =	vshll.u32 v3, $0x4  }
0x6e: {  	[tilespmem:$0x4F00] =	vst v3  }
0x6f: {  	s31 =	simm.s32 $0x2800;
	[bflag:$0x0] =	sbarrier.arrive $0xFFFF  }
0x70: {  	[spmem:s2] =	stream.indirect.scatter.add.f32 [tilespmem:s11], [sflag:$0x1], $0x1, s31, s10, $0xb8;
	[tilespmem:$0xA100] =	vst v63  }
0x71: {  	s13 =	simm.s32 $0x400;
	_ =	swait.ge [sflag:s9], $0x100  }
.LBB2_6:
0x72: {  	s14 =	sshra.s32 s13, $0x2;
	[sflag:s9] =	ssyncset.done $0x0;
	p0 =	sne.s32 s13, $0x9C00  }
.Ltmp2:
0x73: {  	s14 =	sadd.s32 $0x2800, s14;
	[sflag:s9] =	ssyncadd.s32 $0xFFFFFF00;
	(pc) =	sbr.rel @p0 .LBB2_6-.Ltmp2, $3  }
0x74: {  	[spmem:s2] =	stream.indirect.scatter.add.f32 [tilespmem:s11], [sflag:$0x1], $0x1, s14, s10, $0xb8;
	[tilespmem:$0xA100] =	vst v63  }
0x75: {  	s13 =	sadd.s32 $0x400, s13;
	_ =	sdelay $0x1  }
0x76: {  	_ =	swait.ge [sflag:s9], $0x100  }
0x77: {  	[sflag:s9] =	ssyncset.done $0x0  }
0x78: {  	[sflag:s9] =	ssyncadd.s32 $0xFFFFFF00  }
0x79: {  	[bflag:$0x0] =	sbarrier.arrive $0xFFFF  }
0x7a: {  	[tilespmem:s8], [sflag:$0x1] =	stream.linear.gather [spmem:s4], $0x2800, $0x38;
	[tilespmem:$0xA100] =	vst v63  }
0x7b: {  	s12 =	sadd.s32 $0x1, s12;
	_ =	swait.ge [sflag:s9], $0x2800  }
0x7c: {  	p0 =	sne.s32 s12, s7;
	[sflag:s9] =	ssyncset.done $0x0  }
.Ltmp3:
0x7d: {  	[sflag:s9] =	ssyncadd.s32 $0xFFFFD800;
	(pc) =	sbr.rel @p0 .LBB2_1-.Ltmp3, $4  }
0x7e: {  	[hbm4b:s6+s3] =	stream.linear.scatter [tilespmem:s8], [sflag:$0x1], $0x2800, $0x38;
	[tilespmem:$0xA100] =	vst v63  }
0x7f: {  	_ =	swait.ge [sflag:s9], $0x2800  }
0x80: {  	[sflag:s9] =	ssyncset.done $0x0  }
0x81: {  	[sflag:s9] =	ssyncadd.s32 $0xFFFFD800  }
0x82: {  	_ =	sfence.sel $0x180000  }
0x83: {  	[bflag:$0x0] =	sbarrier.arrive $0xFFFF  }
0x84: {  	p0 =	sne.s32 s1, $0x0;
	_ =	strace $0x90000047  }
0x85: {  	s0 =	sadd.s32 @!p0 $0x100000, s0;
	[bflag:$0x2] =	sbarrier.arrive $0xFFFF  }
0x86: {  	[sflag:s0] =	ssyncadd.tile.s32 @!p0 $0x1;
	_ =	shalt  }
.Lfunc_end2:
_tile_overlayer_lowered:
.L_overlay_start_2:
0x87: {  	(tag) =	ssettag $0x2  }
0x88: {  	s0 =	rddreg [dreg:$0x0];
	s2 =	stileid.u32  }
0x89: {  	s1 =	rddreg [dreg:$0x1];
	p0 =	sne.s32 s2, $0x0  }
0x8a: {  	s3 =	rddreg [dreg:$0x2];
	[bflag:$0x3] =	sbarrier.arrive $0xFFFF;
	s2 =	simm.s32 @!p0 $0x1C01  }
0x8b: {  	[timem:s3], [sflag:s2] =	dma.local @!p0 [hbm:s0], s1  }
0x8c: {  	s0 =	simm.s32 @!p0 $0x1  }
0x8d: {  	_ =	swait.ge @!p0 [sflag:s0], s1  }
0x8e: {  	s1 =	ssub.s32 @!p0 $0x0, s1;
	[sflag:s0] =	ssyncset.done @!p0 $0x0  }
0x8f: {  	[sflag:s0] =	ssyncadd.s32 @!p0 s1  }
0x90: {  	[bflag:$0x3] =	sbarrier.arrive $0xFFFF  }
0x91: {  	_ =	shalt  }

</sc_bundles>
